<compile_context>
chip_gen: v7x
topology: tpu7x:2x2x1
jax: 0.10.2.dev20260603
libtpu: 0.0.44.dev20260713+nightly
codegen_flags: <defaults>
</compile_context>

<pallas_src>
import functools

import jax
import jax.numpy as jnp
from jax import lax
from jax.experimental import pallas as pl
from jax.experimental.pallas import tpu as pltpu
import jax.experimental.pallas.tpu_sc as plsc

N = 10000
NP = 10240
E = 160000
EPAD = 163840
EN = 170000
ENP = 172032
IN_DIM = 256
HID = 96
HEADS = 4
GATC = 16
F64 = HEADS * GATC
FP = 128
B = 50
L = 200

f32 = jnp.float32
i32 = jnp.int32

_MESH = plsc.VectorSubcoreMesh(core_axis_name="c", subcore_axis_name="s")


def _iota16():
    return lax.iota(i32, 16)


def _leaky(x):
    return jnp.where(x >= 0, x, 0.2 * x)


@functools.partial(
    pl.kernel,
    out_type=jax.ShapeDtypeStruct((NP, IN_DIM), f32),
    mesh=_MESH,
    scratch_types=[
        pltpu.VMEM((4, 80), i32),
        pltpu.VMEM((320, IN_DIM), f32),
        pltpu.SemaphoreType.DMA,
    ],
)
def _k1_embed(table_hbm, idx_hbm, out_hbm, idx_v, rows_v, sem):
    wid = lax.axis_index("s") * 2 + lax.axis_index("c")
    base = pl.multiple_of(wid * 320, 320)
    for t in range(4):
        pltpu.sync_copy(idx_hbm.at[pl.ds(base + t * 80, 80)], idx_v.at[t])
    for t in range(4):
        pltpu.async_copy(table_hbm.at[idx_v.at[t]],
                         rows_v.at[pl.ds(t * 80, 80)], sem).wait()
    pltpu.sync_copy(rows_v, out_hbm.at[pl.ds(base, 320)])


def _k2_body(x_ref, w_ref, b_ref, o_ref):
    acc = jnp.dot(x_ref[...], w_ref[...], preferred_element_type=f32)
    o_ref[...] = jnp.tanh(acc + b_ref[...])


def _k2_encode(x0, w, b):
    return pl.pallas_call(
        _k2_body,
        grid=(NP // 512,),
        in_specs=[
            pl.BlockSpec((512, IN_DIM), lambda i: (i, 0)),
            pl.BlockSpec((IN_DIM, FP), lambda i: (0, 0)),
            pl.BlockSpec((1, FP), lambda i: (0, 0)),
        ],
        out_specs=pl.BlockSpec((512, FP), lambda i: (i, 0)),
        out_shape=jax.ShapeDtypeStruct((NP, FP), f32),
    )(x0, w, b)


@functools.partial(
    pl.kernel,
    out_type=jax.ShapeDtypeStruct((2, NP, FP), f32),
    mesh=_MESH,
    scratch_types=[
        pltpu.VMEM((128,), i32),
        pltpu.VMEM((128,), i32),
        pltpu.VMEM((144,), f32),
        pltpu.VMEM((128, FP), f32),
        pltpu.VMEM((128, FP), f32),
        pltpu.VMEM_SHARED((NP, FP), f32),
        pltpu.SemaphoreType.DMA,
    ],
)
def _k3_message(x1_hbm, src_hbm, dst_hbm, attr_hbm, z128_hbm, out_hbm,
                es_v, ed_v, at_v, rows_v, sc_v, acc, sem):
    cid = lax.axis_index("c")
    sid = lax.axis_index("s")
    wid = sid * 2 + cid
    pltpu.sync_copy(z128_hbm, acc.at[pl.ds(pl.multiple_of(sid * 640, 640), 640)])
    plsc.subcore_barrier()

    def chunk(ci, _):
        e0 = pl.multiple_of(wid * 5120 + ci * 128, 128)
        pltpu.sync_copy(src_hbm.at[pl.ds(e0, 128)], es_v)
        pltpu.sync_copy(dst_hbm.at[pl.ds(e0, 128)], ed_v)
        pltpu.sync_copy(attr_hbm.at[pl.ds(e0, 128)], at_v.at[pl.ds(0, 128)])
        pltpu.async_copy(x1_hbm.at[es_v], rows_v, sem).wait()

        def edge(j, _):
            aj = at_v[pl.ds(j, 16)][0]
            bc = jnp.full((16,), aj, f32)
            for c in range(8):
                sc_v[j, pl.ds(c * 16, 16)] = rows_v[j, pl.ds(c * 16, 16)] * bc
            return 0

        lax.fori_loop(0, 128, edge, 0)
        pltpu.sync_copy(sc_v, acc.at[ed_v], add=True)
        return 0

    lax.fori_loop(0, 40, chunk, 0)
    plsc.subcore_barrier()
    r0 = pl.multiple_of(sid * 640, 640)
    pltpu.sync_copy(acc.at[pl.ds(r0, 640)], out_hbm.at[cid, pl.ds(r0, 640)])


def _k4a_body(p_ref, w_ref, bd_ref, x2_ref, hw_ref, av8_ref, mx_ref):
    x2 = p_ref[0] + p_ref[1]
    x2_ref[...] = x2
    hw = jnp.dot(x2, w_ref[...], preferred_element_type=f32)
    hw_ref[...] = hw
    av8 = lax.dot_general(bd_ref[...], hw, (((0,), (1,)), ((), ())),
                          preferred_element_type=f32)
    av8_ref[...] = av8
    cur = jnp.max(av8, axis=1, keepdims=True)

    @pl.when(pl.program_id(0) == 0)
    def _():
        mx_ref[...] = cur

    @pl.when(pl.program_id(0) != 0)
    def _():
        mx_ref[...] = jnp.maximum(mx_ref[...], cur)


def _k4a_gat1_lin(msgp, w1, bd):
    return pl.pallas_call(
        _k4a_body,
        grid=(NP // 512,),
        in_specs=[
            pl.BlockSpec((2, 512, FP), lambda i: (0, i, 0)),
            pl.BlockSpec((FP, FP), lambda i: (0, 0)),
            pl.BlockSpec((FP, 2 * HEADS), lambda i: (0, 0)),
        ],
        out_specs=[
            pl.BlockSpec((512, FP), lambda i: (i, 0)),
            pl.BlockSpec((512, FP), lambda i: (i, 0)),
            pl.BlockSpec((2 * HEADS, 512), lambda i: (0, i)),
            pl.BlockSpec((2 * HEADS, 1), lambda i: (0, 0)),
        ],
        out_shape=[
            jax.ShapeDtypeStruct((NP, FP), f32),
            jax.ShapeDtypeStruct((NP, FP), f32),
            jax.ShapeDtypeStruct((2 * HEADS, NP), f32),
            jax.ShapeDtypeStruct((2 * HEADS, 1), f32),
        ],
    )(msgp, w1, bd)


_SC4A = (
    [pltpu.VMEM((64,), f32)]
    + [pltpu.VMEM((256,), i32)] * 2
    + [pltpu.VMEM((2048,), i32)]
    + [pltpu.VMEM((2048,), f32)]
    + [pltpu.VMEM((1024,), i32)]
    + [pltpu.VMEM((1024,), f32)]
    + [pltpu.VMEM_SHARED((8 * NP,), f32)]
    + [pltpu.VMEM_SHARED((4 * NP,), f32)]
    + [pltpu.SemaphoreType.DMA]
)


@functools.partial(
    pl.kernel,
    out_type=jax.ShapeDtypeStruct((2, 4 * NP), f32),
    mesh=_MESH,
    scratch_types=_SC4A,
)
def _k4b_gat1_dacc(a0_hbm, a1_hbm, a2_hbm, a3_hbm, a4_hbm, a5_hbm, a6_hbm,
                   a7_hbm, es_hbm, ed_hbm, c1_hbm, z1_hbm, out_hbm,
                   gv_v, esa_v, eda_v, gidx_v, gbuf_v, didx_v, exb_v,
                   tblA, daccA, sem):
    cid = lax.axis_index("c")
    sid = lax.axis_index("s")

    av_in = [a0_hbm, a1_hbm, a2_hbm, a3_hbm, a4_hbm, a5_hbm, a6_hbm, a7_hbm]
    pltpu.sync_copy(c1_hbm, gv_v)
    for h in range(8):
        @pl.when(sid == h)
        def _(h=h):
            pltpu.sync_copy(av_in[h], tblA.at[pl.ds(h * NP, NP)])
    for q in range(4):
        pltpu.sync_copy(z1_hbm, daccA.at[pl.ds(sid * 2560 + q * 640, 640)])
    plsc.subcore_barrier()

    def chunk_a(ci, _):
        e0 = pl.multiple_of((sid * 2 + cid) * 5376 + ci * 256, 256)
        pltpu.sync_copy(es_hbm.at[pl.ds(e0, 256)], esa_v)
        pltpu.sync_copy(ed_hbm.at[pl.ds(e0, 256)], eda_v)

        def bld(g, _):
            s16 = esa_v[pl.ds(g * 16, 16)]
            d16 = eda_v[pl.ds(g * 16, 16)]
            for h in range(4):
                gidx_v[pl.ds(h * 256 + g * 16, 16)] = h * NP + s16
                gidx_v[pl.ds((4 + h) * 256 + g * 16, 16)] = (4 + h) * NP + d16
                didx_v[pl.ds(h * 256 + g * 16, 16)] = h * NP + d16
            return 0

        lax.fori_loop(0, 16, bld, 0)
        pltpu.async_copy(tblA.at[gidx_v], gbuf_v, sem).wait()

        def group(g, _):
            for h in range(4):
                al = (gbuf_v[pl.ds(h * 256 + g * 16, 16)]
                      + gbuf_v[pl.ds((4 + h) * 256 + g * 16, 16)])
                exb_v[pl.ds(h * 256 + g * 16, 16)] = jnp.exp(
                    _leaky(al) - gv_v[pl.ds(h * 16, 16)])
            return 0

        lax.fori_loop(0, 16, group, 0)
        pltpu.async_copy(exb_v, daccA.at[didx_v], sem, add=True).wait()
        return 0

    lax.fori_loop(0, 21, chunk_a, 0)
    plsc.subcore_barrier()
    pltpu.sync_copy(daccA.at[pl.ds(sid * 2560, 2560)],
                    out_hbm.at[cid, pl.ds(sid * 2560, 2560)])


_SC4B = (
    [pltpu.VMEM((64,), f32)]
    + [pltpu.VMEM((128,), i32)] * 2
    + [pltpu.VMEM((2048,), i32)]
    + [pltpu.VMEM((2048,), f32)]
    + [pltpu.VMEM((1024,), i32)]
    + [pltpu.VMEM((1024,), f32)]
    + [pltpu.VMEM((512,), f32)] * 2
    + [pltpu.VMEM((144,), f32)] * 4
    + [pltpu.VMEM((128, FP), f32)] * 2
    + [pltpu.VMEM_SHARED((8 * NP,), f32)]
    + [pltpu.VMEM_SHARED((4 * NP,), f32)]
    + [pltpu.VMEM_SHARED((NP, FP), f32)]
    + [pltpu.SemaphoreType.DMA]
)


@functools.partial(
    pl.kernel,
    out_type=jax.ShapeDtypeStruct((2, NP, FP), f32),
    mesh=_MESH,
    scratch_types=_SC4B,
)
def _k4b_gat1_edges(a0_hbm, a1_hbm, a2_hbm, a3_hbm, a4_hbm, a5_hbm, a6_hbm,
                    a7_hbm, hw_hbm, es_hbm, ed_hbm, c1_hbm, dacc_hbm, z128_hbm,
                    out_hbm, gv_v, esc_v, edc_v, gidx_v, gbuf_v,
                    didx_v, exb_v, tmp0_v, tmp1_v, cf0, cf1, cf2, cf3,
                    hwr_v, sc_v, tblA, daccA, oacc, sem):
    cid = lax.axis_index("c")
    sid = lax.axis_index("s")
    cf = [cf0, cf1, cf2, cf3]

    av_in = [a0_hbm, a1_hbm, a2_hbm, a3_hbm, a4_hbm, a5_hbm, a6_hbm, a7_hbm]
    pltpu.sync_copy(c1_hbm, gv_v)
    for h in range(8):
        @pl.when(sid == h)
        def _(h=h):
            pltpu.sync_copy(av_in[h], tblA.at[pl.ds(h * NP, NP)])
    r0 = pl.multiple_of(sid * 640, 640)
    pltpu.sync_copy(z128_hbm, oacc.at[pl.ds(r0, 640)])

    for q in range(5):
        d0 = pl.multiple_of(sid * 2560 + q * 512, 512)
        pltpu.sync_copy(dacc_hbm.at[0, pl.ds(d0, 512)], tmp0_v)
        pltpu.sync_copy(dacc_hbm.at[1, pl.ds(d0, 512)], tmp1_v)

        def mrg(g, _):
            sl = pl.ds(g * 16, 16)
            tmp0_v[sl] = tmp0_v[sl] + tmp1_v[sl]
            return 0

        lax.fori_loop(0, 32, mrg, 0)
        pltpu.sync_copy(tmp0_v, daccA.at[pl.ds(d0, 512)])

    def zrow(j, _):
        for c in range(4):
            sc_v[j, pl.ds(F64 + c * 16, 16)] = jnp.zeros((16,), f32)
        return 0

    lax.fori_loop(0, 128, zrow, 0)
    plsc.subcore_barrier()

    def chunk_c(ci, _):
        e0 = pl.multiple_of((sid * 2 + cid) * 5376 + ci * 128, 128)
        pltpu.sync_copy(es_hbm.at[pl.ds(e0, 128)], esc_v)
        pltpu.sync_copy(ed_hbm.at[pl.ds(e0, 128)], edc_v)
        pltpu.async_copy(hw_hbm.at[esc_v], hwr_v, sem).wait()

        def bld(g, _):
            s16 = esc_v[pl.ds(g * 16, 16)]
            d16 = edc_v[pl.ds(g * 16, 16)]
            for h in range(4):
                gidx_v[pl.ds(h * 128 + g * 16, 16)] = h * NP + s16
                gidx_v[pl.ds((4 + h) * 128 + g * 16, 16)] = (4 + h) * NP + d16
                didx_v[pl.ds(h * 128 + g * 16, 16)] = h * NP + d16
            return 0

        lax.fori_loop(0, 8, bld, 0)
        pltpu.async_copy(tblA.at[gidx_v], gbuf_v, sem).wait()
        pltpu.async_copy(daccA.at[didx_v], exb_v, sem).wait()

        def group(g, _):
            for h in range(4):
                al = (gbuf_v[pl.ds(h * 128 + g * 16, 16)]
                      + gbuf_v[pl.ds((4 + h) * 128 + g * 16, 16)])
                ex = jnp.exp(_leaky(al) - gv_v[pl.ds(h * 16, 16)])
                den = exb_v[pl.ds(h * 128 + g * 16, 16)]
                cf[h][pl.ds(g * 16, 16)] = ex / (den + 1e-16)
            return 0

        lax.fori_loop(0, 8, group, 0)

        def edge(j, _):
            for h in range(4):
                cj = cf[h][pl.ds(j, 16)][0]
                bc = jnp.full((16,), cj, f32)
                sc_v[j, pl.ds(h * 16, 16)] = hwr_v[j, pl.ds(h * 16, 16)] * bc
            return 0

        lax.fori_loop(0, 128, edge, 0)
        pltpu.sync_copy(sc_v, oacc.at[edc_v], add=True)
        return 0

    lax.fori_loop(0, 42, chunk_c, 0)
    plsc.subcore_barrier()
    r1 = pl.multiple_of(sid * 640, 640)
    pltpu.sync_copy(oacc.at[pl.ds(r1, 640)], out_hbm.at[cid, pl.ds(r1, 640)])


def _k4c_body(o1_ref, b1_ref, w2_ref, s2_ref, d2_ref, a2_ref, hw2_ref, mx_ref):
    h1 = jnp.maximum(o1_ref[0] + o1_ref[1] + b1_ref[...], 0.0)
    hw2t = lax.dot_general(w2_ref[...], h1, (((0,), (1,)), ((), ())),
                           preferred_element_type=f32)
    hw2_ref[...] = hw2t
    a2 = jnp.concatenate([hw2t * s2_ref[0, 0], hw2t * d2_ref[0, 0]], axis=0)
    a2_ref[...] = a2
    cur = jnp.max(a2, axis=1, keepdims=True)

    @pl.when(pl.program_id(0) == 0)
    def _():
        mx_ref[...] = cur

    @pl.when(pl.program_id(0) != 0)
    def _():
        mx_ref[...] = jnp.maximum(mx_ref[...], cur)


def _k4c_gat2_lin(o1p, b1, w2, s2, d2):
    return pl.pallas_call(
        _k4c_body,
        grid=(NP // 512,),
        in_specs=[
            pl.BlockSpec((2, 512, FP), lambda i: (0, i, 0)),
            pl.BlockSpec((1, FP), lambda i: (0, 0)),
            pl.BlockSpec((FP, 1), lambda i: (0, 0)),
            pl.BlockSpec((1, 1), lambda i: (0, 0)),
            pl.BlockSpec((1, 1), lambda i: (0, 0)),
        ],
        out_specs=[
            pl.BlockSpec((2, 512), lambda i: (0, i)),
            pl.BlockSpec((1, 512), lambda i: (0, i)),
            pl.BlockSpec((2, 1), lambda i: (0, 0)),
        ],
        out_shape=[
            jax.ShapeDtypeStruct((2, NP), f32),
            jax.ShapeDtypeStruct((1, NP), f32),
            jax.ShapeDtypeStruct((2, 1), f32),
        ],
    )(o1p, b1, w2, s2, d2)


_SC5B = (
    [pltpu.VMEM((16,), f32)]
    + [pltpu.VMEM((256,), i32)] * 2
    + [pltpu.VMEM((512,), i32)]
    + [pltpu.VMEM((512,), f32)]
    + [pltpu.VMEM((256,), f32)] * 3
    + [pltpu.VMEM_SHARED((2 * NP,), f32)]
    + [pltpu.VMEM_SHARED((NP,), f32)] * 3
    + [pltpu.SemaphoreType.DMA]
)


@functools.partial(
    pl.kernel,
    out_type=jax.ShapeDtypeStruct((2 * NP,), f32),
    mesh=_MESH,
    scratch_types=_SC5B,
)
def _k5b_gat2_edges(a2s_hbm, a2d_hbm, hw2_hbm, es_hbm, ed_hbm, c2_hbm, z1_hbm,
                    out_hbm, gv_v, es_v, ed_v, gidx_v, gbuf_v, exb_v, dnc_v,
                    vb_v, tblS, hw2S, dacc, oacc, sem):
    cid = lax.axis_index("c")
    sid = lax.axis_index("s")

    pltpu.sync_copy(c2_hbm, gv_v)

    @pl.when(sid == 0)
    def _():
        pltpu.sync_copy(a2s_hbm, tblS.at[pl.ds(0, NP)])

    @pl.when(sid == 1)
    def _():
        pltpu.sync_copy(a2d_hbm, tblS.at[pl.ds(NP, NP)])

    @pl.when(sid == 2)
    def _():
        pltpu.sync_copy(hw2_hbm, hw2S)

    r0 = pl.multiple_of(sid * 640, 640)
    pltpu.sync_copy(z1_hbm, dacc.at[pl.ds(r0, 640)])
    pltpu.sync_copy(z1_hbm, oacc.at[pl.ds(r0, 640)])
    plsc.subcore_barrier()

    def chunk_a(ci, _):
        e0 = pl.multiple_of(sid * 10752 + ci * 256, 256)
        pltpu.sync_copy(es_hbm.at[pl.ds(e0, 256)], es_v)
        pltpu.sync_copy(ed_hbm.at[pl.ds(e0, 256)], ed_v)

        def bld(g, _):
            sl = pl.ds(g * 16, 16)
            gidx_v[sl] = es_v[sl]
            gidx_v[pl.ds(256 + g * 16, 16)] = NP + ed_v[sl]
            return 0

        lax.fori_loop(0, 16, bld, 0)
        pltpu.async_copy(tblS.at[gidx_v], gbuf_v, sem).wait()

        def group(g, _):
            al = gbuf_v[pl.ds(g * 16, 16)] + gbuf_v[pl.ds(256 + g * 16, 16)]
            exb_v[pl.ds(g * 16, 16)] = jnp.exp(_leaky(al) - gv_v[...])
            return 0

        lax.fori_loop(0, 16, group, 0)
        pltpu.sync_copy(exb_v, dacc.at[ed_v], add=True)
        return 0

    lax.fori_loop(0, 42, chunk_a, 0)
    plsc.subcore_barrier()

    def chunk_c(ci, _):
        e0 = pl.multiple_of((sid * 2 + cid) * 5376 + ci * 256, 256)
        pltpu.sync_copy(es_hbm.at[pl.ds(e0, 256)], es_v)
        pltpu.sync_copy(ed_hbm.at[pl.ds(e0, 256)], ed_v)

        def bld(g, _):
            sl = pl.ds(g * 16, 16)
            gidx_v[sl] = es_v[sl]
            gidx_v[pl.ds(256 + g * 16, 16)] = NP + ed_v[sl]
            return 0

        lax.fori_loop(0, 16, bld, 0)
        pltpu.async_copy(tblS.at[gidx_v], gbuf_v, sem).wait()
        pltpu.async_copy(dacc.at[ed_v], dnc_v, sem).wait()
        pltpu.async_copy(hw2S.at[es_v], vb_v, sem).wait()

        def group(g, _):
            sl = pl.ds(g * 16, 16)
            al = gbuf_v[sl] + gbuf_v[pl.ds(256 + g * 16, 16)]
            ex = jnp.exp(_leaky(al) - gv_v[...])
            vb_v[sl] = vb_v[sl] * ex / (dnc_v[sl] + 1e-16)
            return 0

        lax.fori_loop(0, 16, group, 0)
        pltpu.sync_copy(vb_v, oacc.at[ed_v], add=True)
        return 0

    lax.fori_loop(0, 21, chunk_c, 0)
    plsc.subcore_barrier()
    r1 = pl.multiple_of(sid * 640, 640)
    o1 = pl.multiple_of(cid * NP + sid * 640, 128)
    pltpu.sync_copy(oacc.at[pl.ds(r1, 640)], out_hbm.at[pl.ds(o1, 640)])


def _k6_body(x2_ref, o2_ref, b2_ref, we_ref, be_ref, z_ref, xo_ref):
    att = jax.nn.sigmoid(o2_ref[0] + o2_ref[1] + b2_ref[0, 0])
    emb = jnp.tanh(jnp.dot(x2_ref[...], we_ref[...], preferred_element_type=f32)
                   + be_ref[...])
    z = att * emb
    z_ref[...] = z
    xo_ref[0, ...] = (jnp.max(z, axis=0, keepdims=True)
                      + jnp.sum(z, axis=0, keepdims=True) * (1.0 / L))


def _k6_readout(x2, o2p, b2, wemb, bemb):
    return pl.pallas_call(
        _k6_body,
        grid=(B,),
        in_specs=[
            pl.BlockSpec((L, FP), lambda i: (i, 0)),
            pl.BlockSpec((2, L, 1), lambda i: (0, i, 0)),
            pl.BlockSpec((1, 1), lambda i: (0, 0)),
            pl.BlockSpec((FP, HID), lambda i: (0, 0)),
            pl.BlockSpec((1, HID), lambda i: (0, 0)),
        ],
        out_specs=[
            pl.BlockSpec((L, HID), lambda i: (i, 0)),
            pl.BlockSpec((1, 1, HID), lambda i: (i, 0, 0)),
        ],
        out_shape=[
            jax.ShapeDtypeStruct((N, HID), f32),
            jax.ShapeDtypeStruct((B, 1, HID), f32),
        ],
    )(x2, o2p, b2, wemb, bemb)


def _k7_body(a_ref, b_ref, o_ref):
    acc = lax.dot_general(a_ref[...], b_ref[...],
                          (((1,), (1,)), ((), ())),
                          preferred_element_type=f32)
    o_ref[...] = jax.nn.sigmoid(acc)


def _k7_decode(z):
    return pl.pallas_call(
        _k7_body,
        grid=(10, 10),
        in_specs=[
            pl.BlockSpec((1024, HID), lambda i, j: (i, 0)),
            pl.BlockSpec((1024, HID), lambda i, j: (j, 0)),
        ],
        out_specs=pl.BlockSpec((1024, 1024), lambda i, j: (i, j)),
        out_shape=jax.ShapeDtypeStruct((N, N), f32),
    )(z, z)


_RB = 128
_NBLK = 79
_ACC = _RB * N + 256


@functools.partial(
    pl.kernel,
    out_type=jax.ShapeDtypeStruct((N * N,), f32),
    mesh=_MESH,
    scratch_types=[
        pltpu.VMEM((10240,), i32),
        pltpu.VMEM((10240,), f32),
        pltpu.VMEM((10240,), i32),
        pltpu.VMEM((10240,), f32),
        pltpu.VMEM_SHARED((_ACC,), f32),
        pltpu.SemaphoreType.DMA,
    ],
)
def _k8_adjacency(src_hbm, dst_hbm, attr_hbm, zbig_hbm, out_hbm,
                  fv, av, idxb, valb, acc, sem):
    cid = lax.axis_index("c")
    sid = lax.axis_index("s")
    s0 = pl.multiple_of(sid * 10240, 10240)
    pltpu.sync_copy(src_hbm.at[pl.ds(s0, 10240)], idxb)
    pltpu.sync_copy(dst_hbm.at[pl.ds(s0, 10240)], fv)
    pltpu.sync_copy(attr_hbm.at[pl.ds(s0, 10240)], av)
    z0 = pl.multiple_of(sid * 80000, 128)
    pltpu.sync_copy(zbig_hbm.at[pl.ds(z0, 80000)], acc.at[pl.ds(z0, 80000)])

    def pre(g, _):
        sl = pl.ds(g * 16, 16)
        fv[sl] = idxb[sl] * N + fv[sl]
        return 0

    lax.fori_loop(0, 640, pre, 0)
    plsc.subcore_barrier()

    def build(base):
        def group(g, _):
            sl = pl.ds(g * 16, 16)
            f16 = fv[sl]
            m = (f16 >= base * N) & (f16 < (base + _RB) * N)
            dummy = _RB * N + ((g * 16 + _iota16()) & 255)
            idxb[sl] = jnp.where(m, f16 - base * N, dummy)
            valb[sl] = jnp.where(m, av[sl], 0.0)
            return 0

        lax.fori_loop(0, 640, group, 0)

    def transition(base_a, base_b):
        def group(g, _):
            sl = pl.ds(g * 16, 16)
            f16 = fv[sl]
            ma = (f16 >= base_a * N) & (f16 < (base_a + _RB) * N)
            mb = (f16 >= base_b * N) & (f16 < (base_b + _RB) * N)
            dummy = _RB * N + ((g * 16 + _iota16()) & 255)
            idxb[sl] = jnp.where(mb, f16 - base_b * N,
                                 jnp.where(ma, f16 - base_a * N, dummy))
            valb[sl] = jnp.where(mb, av[sl], jnp.where(ma, -av[sl], 0.0))
            return 0

        lax.fori_loop(0, 640, group, 0)

    build(cid * _RB)
    pltpu.sync_copy(valb, acc.at[idxb], add=True)

    def blk(bi, _):
        b = 2 * bi + cid
        base = b * _RB
        ok = b < _NBLK
        plsc.subcore_barrier()

        @pl.when(ok)
        def _():
            row0 = base + sid * 8

            @pl.when(row0 + 8 <= N)
            def _():
                a0 = pl.multiple_of(sid * (8 * N), 128)
                o0 = pl.multiple_of(row0 * N, 128)
                pltpu.sync_copy(acc.at[pl.ds(a0, 8 * N)],
                                out_hbm.at[pl.ds(o0, 8 * N)])

        plsc.subcore_barrier()

        @pl.when(b + 2 < _NBLK)
        def _():
            transition(base, (b + 2) * _RB)
            pltpu.sync_copy(valb, acc.at[idxb], add=True)

        return 0

    lax.fori_loop(0, 40, blk, 0)


def kernel(x_idx, edge_index, edge_attr, length, embed_table, W_enc, b_enc,
           W_gat1, att_src1, att_dst1, b_gat1, W_gat2, att_src2, att_dst2,
           b_gat2, W_emb, b_emb):
    src = edge_index[0].astype(i32)
    dst = edge_index[1].astype(i32)

    idxp = jnp.concatenate([x_idx.astype(i32), jnp.zeros((NP - N,), i32)])
    efill = jnp.arange(EPAD - E, dtype=i32) % N
    srcp = jnp.concatenate([src, efill])
    dstp = jnp.concatenate([dst, efill])
    attrp = jnp.concatenate([edge_attr.astype(f32), jnp.zeros((EPAD - E,), f32)])
    loops = jnp.arange(N, dtype=i32)
    gfill = jnp.arange(ENP - EN, dtype=i32)
    esg = jnp.concatenate([src, loops, gfill % N])
    edg = jnp.concatenate([dst, loops, N + (gfill % (NP - N))])

    z1 = jnp.zeros((640,), f32)
    z128 = jnp.zeros((640, FP), f32)
    zbig = jnp.zeros((16 * 80000,), f32)

    wencp = jnp.concatenate([W_enc, jnp.zeros((IN_DIM, FP - HID), f32)], axis=1)
    bencp = jnp.concatenate([b_enc, jnp.zeros((FP - HID,), f32)]).reshape(1, FP)
    w1p = jnp.zeros((FP, FP), f32).at[:HID, :F64].set(W_gat1)
    heads_of_col = jnp.arange(FP, dtype=i32) // GATC
    maskh = (heads_of_col[:, None] == jnp.arange(HEADS, dtype=i32)[None, :])
    attcat = jnp.concatenate(
        [jnp.concatenate([att_src1.reshape(-1), jnp.zeros((FP - F64,), f32)])[:, None],
         jnp.concatenate([att_dst1.reshape(-1), jnp.zeros((FP - F64,), f32)])[:, None]],
        axis=1)
    bd = jnp.concatenate([maskh.astype(f32) * attcat[:, :1],
                          maskh.astype(f32) * attcat[:, 1:]], axis=1)
    b1p = jnp.concatenate([b_gat1, jnp.zeros((FP - F64,), f32)]).reshape(1, FP)
    w2p = jnp.concatenate([W_gat2, jnp.zeros((FP - F64, 1), f32)], axis=0)
    wembp = jnp.concatenate([W_emb, jnp.zeros((FP - HID, HID), f32)], axis=0)

    x0 = _k1_embed(embed_table, idxp)
    x1 = _k2_encode(x0, wencp, bencp)
    msgp = _k3_message(x1, srcp, dstp, attrp, z128)
    x2, hw1, av8, mx1 = _k4a_gat1_lin(msgp, w1p, bd)

    m1 = mx1.reshape(8)
    c1 = _leaky(m1[:HEADS] + m1[HEADS:])
    c1b = jnp.broadcast_to(c1[:, None], (HEADS, 16)).reshape(64)
    daccp = _k4b_gat1_dacc(av8[0], av8[1], av8[2], av8[3], av8[4], av8[5],
                           av8[6], av8[7], esg, edg, c1b, z1)
    o1p = _k4b_gat1_edges(av8[0], av8[1], av8[2], av8[3], av8[4], av8[5],
                          av8[6], av8[7], hw1, esg, edg, c1b, daccp, z128)

    a2t, hw2t, mx2 = _k4c_gat2_lin(o1p, b1p, w2p,
                                   att_src2.reshape(1, 1), att_dst2.reshape(1, 1))
    c2 = _leaky(mx2[0, 0] + mx2[1, 0])
    c2b = jnp.full((16,), c2, f32)
    o2p = _k5b_gat2_edges(a2t[0], a2t[1], hw2t[0], esg, edg, c2b, z1)

    a_ori = _k8_adjacency(srcp, dstp, attrp, zbig)

    z, xout = _k6_readout(x2, o2p.reshape(2, NP, 1), b_gat2.reshape(1, 1),
                          wembp, b_emb.reshape(1, HID))
    a_pred = _k7_decode(z)

    return (a_pred, xout.reshape(B, HID), a_ori.reshape(N, N))

# --- scband reference (transcript-rebuilt; emitter-appended) ---
"""Pipeline reference for scband-model-51238959841812 (READ-ONLY COPY).

The authoritative reference and input builder live on the scoring server;
editing this copy changes nothing except your own understanding.
"""

import jax, jax.numpy as jnp
import numpy as np

N = 10000
E = 160000
B = 50
L = 200
IN_DIM = 256
HID = 96
HEADS = 4
GATC = 16
NUM_WORDS = 50000


def _xavier(k, fan_in, fan_out):
    limit = np.sqrt(6.0 / (fan_in + fan_out))
    return jax.random.uniform(k, (fan_in, fan_out), jnp.float32, -limit, limit)


def setup_inputs(seed: int = 0):
    key = jax.random.key(seed)
    ks = jax.random.split(key, 16)
    inp = {}
    inp["x_idx"] = jax.random.randint(ks[0], (N,), 0, NUM_WORDS)
    inp["edge_index"] = jax.random.randint(ks[1], (2, E), 0, N)
    inp["edge_attr"] = jax.random.uniform(ks[2], (E,), dtype=jnp.float32)
    inp["length"] = jnp.full((B,), L, dtype=jnp.int32)
    inp["embed_table"] = jax.random.normal(ks[3], (NUM_WORDS + 1, IN_DIM), jnp.float32) * 0.02
    inp["W_enc"] = _xavier(ks[4], IN_DIM, HID)
    inp["b_enc"] = jnp.zeros((HID,), jnp.float32)
    inp["W_gat1"] = _xavier(ks[5], HID, HEADS * GATC)
    inp["att_src1"] = jax.random.normal(ks[6], (HEADS, GATC), jnp.float32) * 0.1
    inp["att_dst1"] = jax.random.normal(ks[7], (HEADS, GATC), jnp.float32) * 0.1
    inp["b_gat1"] = jnp.zeros((HEADS * GATC,), jnp.float32)
    inp["W_gat2"] = _xavier(ks[8], HEADS * GATC, 1)
    inp["att_src2"] = jax.random.normal(ks[9], (1, 1), jnp.float32) * 0.1
    inp["att_dst2"] = jax.random.normal(ks[10], (1, 1), jnp.float32) * 0.1
    inp["b_gat2"] = jnp.zeros((1,), jnp.float32)
    inp["W_emb"] = _xavier(ks[11], HID, HID)
    inp["b_emb"] = jnp.zeros((HID,), jnp.float32)
    return inp


def _gat_layer(h, W, a_src, a_dst, b, heads, outc, es, ed):
    # PyG GATConv: linear -> per-edge attention -> leaky_relu -> segment softmax over dst -> weighted scatter-add
    hW = (h @ W).reshape(N, heads, outc)
    asrc = (hW * a_src[None, :, :]).sum(-1)
    adst = (hW * a_dst[None, :, :]).sum(-1)
    alpha = asrc[es] + adst[ed]
    alpha = jax.nn.leaky_relu(alpha, 0.2)
    amax = jax.ops.segment_max(alpha, ed, num_segments=N)
    amax = jnp.where(jnp.isfinite(amax), amax, 0.0)
    ex = jnp.exp(alpha - amax[ed])
    denom = jax.ops.segment_sum(ex, ed, num_segments=N)
    coef = ex / (denom[ed] + 1e-16)
    out = jax.ops.segment_sum(hW[es] * coef[:, :, None], ed, num_segments=N)
    return out.reshape(N, heads * outc) + b


def reference(x_idx, edge_index, edge_attr, length, embed_table, W_enc, b_enc,
              W_gat1, att_src1, att_dst1, b_gat1, W_gat2, att_src2, att_dst2, b_gat2,
              W_emb, b_emb):
    src = edge_index[0]
    dst = edge_index[1]
    # embedding lookup
    x = jnp.take(embed_table, x_idx, axis=0)
    # GraphLayer: encode (dropout=identity in eval) + tanh, then propagate with aggr='add'
    x = jnp.tanh(x @ W_enc + b_enc)
    msg = x[src] * edge_attr[:, None]
    x = jax.ops.segment_sum(msg, dst, num_segments=N)
    # GAT_NET with self-loops (PyG default add_self_loops=True)
    loops = jnp.arange(N)
    es = jnp.concatenate([src, loops])
    ed = jnp.concatenate([dst, loops])
    h1 = jax.nn.relu(_gat_layer(x, W_gat1, att_src1, att_dst1, b_gat1, HEADS, GATC, es, ed))
    att_ = jax.nn.sigmoid(_gat_layer(h1, W_gat2, att_src2, att_dst2, b_gat2, 1, 1, es, ed))
    # ReadoutLayer
    emb_ = jnp.tanh(x @ W_emb + b_emb)
    att = att_.reshape(B, L, 1)  # graph2batch: all graphs have length L
    emb = emb_.reshape(B, L, HID)
    xb = att * emb
    z = att_ * emb_
    mask = jnp.ones((B, L, 1), jnp.float32)
    xmax = (xb + (mask - 1.0) * 1e9).max(axis=1)
    xmean = (xb * mask).sum(axis=1) / mask.sum(axis=1)
    xout = xmax + xmean
    # dot product decode
    A_pred = jax.nn.sigmoid(z @ z.T)
    # sparse_coo_tensor(...).to_dense() sums duplicate coordinates -> scatter-add
    A_ori = jnp.zeros((N, N), jnp.float32).at[edge_index[0], edge_index[1]].add(edge_attr)
    return (A_pred, xout, A_ori)

if __name__ == "__main__":
    import jax
    _d = setup_inputs()
    print(jax.jit(kernel)(*tuple(_d.values())))

</pallas_src>

<mosaic_0001>
#map = affine_map<(d0, d1) -> (0, 0)>
#map1 = affine_map<(d0, d1) -> (0)>
#map2 = affine_map<(d0, d1) -> (0, 0, 0)>
module attributes {stable_mosaic.version = 14 : i64} {
  func.func @_k3_message(%arg0: i32, %arg1: i32, %arg2: memref<10240x128xf32, #tpu.memory_space<hbm>>, %arg3: memref<163840xi32, #tpu.memory_space<hbm>>, %arg4: memref<163840xi32, #tpu.memory_space<hbm>>, %arg5: memref<163840xf32, #tpu.memory_space<hbm>>, %arg6: memref<640x128xf32, #tpu.memory_space<hbm>>, %arg7: memref<2x10240x128xf32, #tpu.memory_space<hbm>>, %arg8: memref<128xi32, #tpu.memory_space<vmem>>, %arg9: memref<128xi32, #tpu.memory_space<vmem>>, %arg10: memref<144xf32, #tpu.memory_space<vmem>>, %arg11: memref<128x128xf32, #tpu.memory_space<vmem>>, %arg12: memref<128x128xf32, #tpu.memory_space<vmem>>, %arg13: memref<10240x128xf32, #tpu.memory_space<vmem_shared>>, %arg14: memref<!tpu.dma_semaphore, #tpu.memory_space<semaphore_mem>>) attributes {dimension_semantics = [#tpu.dimension_semantics<core_parallel>, #tpu.dimension_semantics<subcore_parallel>], iteration_bounds = array<i64: 2, 16>, scalar_prefetch = 0 : i64, scratch_operands = 7 : i64, tpu.core_type = #tpu.core_type<sc_vector_subcore>, window_params = [{transform_indices = #map}, {transform_indices = #map1}, {transform_indices = #map1}, {transform_indices = #map1}, {transform_indices = #map}, {transform_indices = #map2}]} {
    %mul3A = arith.constant 2 : i32
    %mul3A_0 = arith.muli %arg1, %mul3A : i32
    %add3A = arith.addi %mul3A_0, %arg0 : i32
    %mul3A_1 = arith.constant 640 : i32
    %mul3A_2 = arith.muli %arg1, %mul3A_1 : i32
    %multiple_of3A = tpu.assume_multiple %mul3A_2, 640 : i32
    "tpu.region"() ({
      %run_scoped3A = tpu.sem_alloc : memref<!tpu.dma_semaphore, #tpu.memory_space<semaphore_mem>>
      %dma_start3A = arith.constant 0 : i32
      %dma_start3A_13 = tpu.memref_slice %arg13[%multiple_of3A, %dma_start3A] : memref<10240x128xf32, #tpu.memory_space<vmem_shared>> -> memref<640x128xf32, #tpu.memory_space<vmem_shared>>
      tpu.enqueue_dma source(%arg6 : memref<640x128xf32, #tpu.memory_space<hbm>>) target(%dma_start3A_13 : memref<640x128xf32, #tpu.memory_space<vmem_shared>>) target_semaphore(%run_scoped3A : memref<!tpu.dma_semaphore, #tpu.memory_space<semaphore_mem>>)
      %dma_wait3A = arith.constant 0 : i32
      %dma_wait3A_14 = tpu.memref_slice %arg13[%multiple_of3A, %dma_wait3A] : memref<10240x128xf32, #tpu.memory_space<vmem_shared>> -> memref<640x128xf32, #tpu.memory_space<vmem_shared>>
      tpu.wait_dma2 semaphore(%run_scoped3A : memref<!tpu.dma_semaphore, #tpu.memory_space<semaphore_mem>>) src(%arg6 : memref<640x128xf32, #tpu.memory_space<hbm>>) dst(%dma_wait3A_14 : memref<640x128xf32, #tpu.memory_space<vmem_shared>>)
      tpu.yield
    }) : () -> ()
    %barrier3A = arith.constant 0 : index
    tpu.barrier barrier_id(%barrier3A)
    %scan3A = arith.constant 0 : i32
    %scan3A_3 = arith.constant 0 : i32
    %scan3A_4 = arith.constant 40 : i32
    %scan3A_5 = arith.addi %scan3A_3, %scan3A_4 : i32
    %scan3A_6 = arith.constant 1 : i32
    %scan3A_7 = scf.for %scan3A_13 = %scan3A_3 to %scan3A_5 step %scan3A_6 iter_args(%scan3A_14 = %scan3A) -> (i32)  : i32 {
      %mul3A_15 = arith.constant 5120 : i32
      %mul3A_16 = arith.muli %add3A, %mul3A_15 : i32
      %mul3A_17 = arith.constant 128 : i32
      %mul3A_18 = arith.muli %scan3A_13, %mul3A_17 : i32
      %add3A_19 = arith.addi %mul3A_16, %mul3A_18 : i32
      %multiple_of3A_20 = tpu.assume_multiple %add3A_19, 128 : i32
      "tpu.region"() ({
        %run_scoped3A = tpu.sem_alloc : memref<!tpu.dma_semaphore, #tpu.memory_space<semaphore_mem>>
        %dma_start3A_33 = tpu.memref_slice %arg3[%multiple_of3A_20] : memref<163840xi32, #tpu.memory_space<hbm>> -> memref<128xi32, #tpu.memory_space<hbm>>
        %dma_start3A_34 = tpu.memref_slice %arg3[%multiple_of3A_20] : memref<163840xi32, #tpu.memory_space<hbm>> -> memref<128xi32, #tpu.memory_space<hbm>>
        tpu.enqueue_dma source(%dma_start3A_34 : memref<128xi32, #tpu.memory_space<hbm>>) target(%arg8 : memref<128xi32, #tpu.memory_space<vmem>>) target_semaphore(%run_scoped3A : memref<!tpu.dma_semaphore, #tpu.memory_space<semaphore_mem>>)
        %dma_wait3A_35 = tpu.memref_slice %arg3[%multiple_of3A_20] : memref<163840xi32, #tpu.memory_space<hbm>> -> memref<128xi32, #tpu.memory_space<hbm>>
        %dma_wait3A_36 = tpu.memref_slice %arg3[%multiple_of3A_20] : memref<163840xi32, #tpu.memory_space<hbm>> -> memref<128xi32, #tpu.memory_space<hbm>>
        tpu.wait_dma2 semaphore(%run_scoped3A : memref<!tpu.dma_semaphore, #tpu.memory_space<semaphore_mem>>) src(%dma_wait3A_36 : memref<128xi32, #tpu.memory_space<hbm>>) dst(%arg8 : memref<128xi32, #tpu.memory_space<vmem>>)
        tpu.yield
      }) : () -> ()
      "tpu.region"() ({
        %run_scoped3A = tpu.sem_alloc : memref<!tpu.dma_semaphore, #tpu.memory_space<semaphore_mem>>
        %dma_start3A_33 = tpu.memref_slice %arg4[%multiple_of3A_20] : memref<163840xi32, #tpu.memory_space<hbm>> -> memref<128xi32, #tpu.memory_space<hbm>>
        %dma_start3A_34 = tpu.memref_slice %arg4[%multiple_of3A_20] : memref<163840xi32, #tpu.memory_space<hbm>> -> memref<128xi32, #tpu.memory_space<hbm>>
        tpu.enqueue_dma source(%dma_start3A_34 : memref<128xi32, #tpu.memory_space<hbm>>) target(%arg9 : memref<128xi32, #tpu.memory_space<vmem>>) target_semaphore(%run_scoped3A : memref<!tpu.dma_semaphore, #tpu.memory_space<semaphore_mem>>)
        %dma_wait3A_35 = tpu.memref_slice %arg4[%multiple_of3A_20] : memref<163840xi32, #tpu.memory_space<hbm>> -> memref<128xi32, #tpu.memory_space<hbm>>
        %dma_wait3A_36 = tpu.memref_slice %arg4[%multiple_of3A_20] : memref<163840xi32, #tpu.memory_space<hbm>> -> memref<128xi32, #tpu.memory_space<hbm>>
        tpu.wait_dma2 semaphore(%run_scoped3A : memref<!tpu.dma_semaphore, #tpu.memory_space<semaphore_mem>>) src(%dma_wait3A_36 : memref<128xi32, #tpu.memory_space<hbm>>) dst(%arg9 : memref<128xi32, #tpu.memory_space<vmem>>)
        tpu.yield
      }) : () -> ()
      "tpu.region"() ({
        %run_scoped3A = tpu.sem_alloc : memref<!tpu.dma_semaphore, #tpu.memory_space<semaphore_mem>>
        %dma_start3A_33 = arith.constant 0 : i32
        %dma_start3A_34 = tpu.memref_slice %arg10[%dma_start3A_33] : memref<144xf32, #tpu.memory_space<vmem>> -> memref<128xf32, #tpu.memory_space<vmem>>
        %dma_start3A_35 = tpu.memref_slice %arg5[%multiple_of3A_20] : memref<163840xf32, #tpu.memory_space<hbm>> -> memref<128xf32, #tpu.memory_space<hbm>>
        %dma_start3A_36 = arith.constant 0 : i32
        %dma_start3A_37 = tpu.memref_slice %arg10[%dma_start3A_36] : memref<144xf32, #tpu.memory_space<vmem>> -> memref<128xf32, #tpu.memory_space<vmem>>
        %dma_start3A_38 = tpu.memref_slice %arg5[%multiple_of3A_20] : memref<163840xf32, #tpu.memory_space<hbm>> -> memref<128xf32, #tpu.memory_space<hbm>>
        tpu.enqueue_dma source(%dma_start3A_38 : memref<128xf32, #tpu.memory_space<hbm>>) target(%dma_start3A_37 : memref<128xf32, #tpu.memory_space<vmem>>) target_semaphore(%run_scoped3A : memref<!tpu.dma_semaphore, #tpu.memory_space<semaphore_mem>>)
        %dma_wait3A_39 = arith.constant 0 : i32
        %dma_wait3A_40 = tpu.memref_slice %arg10[%dma_wait3A_39] : memref<144xf32, #tpu.memory_space<vmem>> -> memref<128xf32, #tpu.memory_space<vmem>>
        %dma_wait3A_41 = tpu.memref_slice %arg5[%multiple_of3A_20] : memref<163840xf32, #tpu.memory_space<hbm>> -> memref<128xf32, #tpu.memory_space<hbm>>
        %dma_wait3A_42 = arith.constant 0 : i32
        %dma_wait3A_43 = tpu.memref_slice %arg10[%dma_wait3A_42] : memref<144xf32, #tpu.memory_space<vmem>> -> memref<128xf32, #tpu.memory_space<vmem>>
        %dma_wait3A_44 = tpu.memref_slice %arg5[%multiple_of3A_20] : memref<163840xf32, #tpu.memory_space<hbm>> -> memref<128xf32, #tpu.memory_space<hbm>>
        tpu.wait_dma2 semaphore(%run_scoped3A : memref<!tpu.dma_semaphore, #tpu.memory_space<semaphore_mem>>) src(%dma_wait3A_44 : memref<128xf32, #tpu.memory_space<hbm>>) dst(%dma_wait3A_43 : memref<128xf32, #tpu.memory_space<vmem>>)
        tpu.yield
      }) : () -> ()
      %dma_start3A = arith.constant 0 : i32
      %dma_start3A_21 = arith.constant 0 : i32
      %dma_start3A_22 = tpu.memref_slice %arg2[%dma_start3A, %dma_start3A_21] : memref<10240x128xf32, #tpu.memory_space<hbm>> -> memref<10240x128xf32, #tpu.memory_space<hbm>>
      tpu.enqueue_indirect_dma source(%dma_start3A_22 : memref<10240x128xf32, #tpu.memory_space<hbm>>) target(%arg11 : memref<128x128xf32, #tpu.memory_space<vmem>>) offsets(%arg8 : memref<128xi32, #tpu.memory_space<vmem>>) semaphore(%arg14 : memref<!tpu.dma_semaphore, #tpu.memory_space<semaphore_mem>>)
      %dma_wait3A = arith.constant 0 : i32
      %dma_wait3A_23 = arith.constant 0 : i32
      %dma_wait3A_24 = tpu.memref_slice %arg2[%dma_wait3A, %dma_wait3A_23] : memref<10240x128xf32, #tpu.memory_space<hbm>> -> memref<10240x128xf32, #tpu.memory_space<hbm>>
      tpu.wait_indirect_dma semaphore(%arg14 : memref<!tpu.dma_semaphore, #tpu.memory_space<semaphore_mem>>) src(%dma_wait3A_24 : memref<10240x128xf32, #tpu.memory_space<hbm>>) dst(%arg11 : memref<128x128xf32, #tpu.memory_space<vmem>>)
      %scan3A_25 = arith.constant 0 : i32
      %scan3A_26 = arith.constant 0 : i32
      %scan3A_27 = arith.constant 128 : i32
      %scan3A_28 = arith.addi %scan3A_26, %scan3A_27 : i32
      %scan3A_29 = arith.constant 1 : i32
      %scan3A_30 = scf.for %scan3A_33 = %scan3A_26 to %scan3A_28 step %scan3A_29 iter_args(%scan3A_34 = %scan3A_25) -> (i32)  : i32 {
        %get3A = arith.index_cast %scan3A_33 : i32 to index
        %get3A_35 = tpu.vector_load %arg10[%get3A] {strides = array<i32>} : memref<144xf32, #tpu.memory_space<vmem>>, vector<16xf32>,
        %get3A_36 = vector.shape_cast %get3A_35 : vector<16xf32> to vector<16xf32>
        %slice3A = vector.extract_strided_slice %get3A_36 {offsets = [0], sizes = [1], strides = [1]} : vector<16xf32> to vector<1xf32>
        %squeeze3A = vector.extract %slice3A[0] : f32 from vector<1xf32>
        %broadcast_in_dim3A = vector.broadcast %squeeze3A : f32 to vector<16xf32>
        %get3A_37 = arith.index_cast %scan3A_33 : i32 to index
        %get3A_38 = arith.constant 0 : index
        %get3A_39 = tpu.vector_load %arg11[%get3A_37, %get3A_38] {strides = array<i32>} : memref<128x128xf32, #tpu.memory_space<vmem>>, vector<1x16xf32>,
        %get3A_40 = vector.shape_cast %get3A_39 : vector<1x16xf32> to vector<16xf32>
        %mul3A_41 = arith.mulf %get3A_40, %broadcast_in_dim3A : vector<16xf32>
        %swap3A = arith.index_cast %scan3A_33 : i32 to index
        %swap3A_42 = arith.constant 0 : index
        %swap3A_43 = tpu.vector_load %arg12[%swap3A, %swap3A_42] {strides = array<i32>} : memref<128x128xf32, #tpu.memory_space<vmem>>, vector<1x16xf32>,
        %swap3A_44 = vector.shape_cast %swap3A_43 : vector<1x16xf32> to vector<16xf32>
        %swap3A_45 = vector.shape_cast %mul3A_41 : vector<16xf32> to vector<1x16xf32>
        tpu.vector_store %arg12[%swap3A, %swap3A_42], %swap3A_45 {strides = array<i32>} : memref<128x128xf32, #tpu.memory_space<vmem>>, vector<1x16xf32>,
        %get3A_46 = arith.index_cast %scan3A_33 : i32 to index
        %get3A_47 = arith.constant 16 : index
        %get3A_48 = tpu.vector_load %arg11[%get3A_46, %get3A_47] {strides = array<i32>} : memref<128x128xf32, #tpu.memory_space<vmem>>, vector<1x16xf32>,
        %get3A_49 = vector.shape_cast %get3A_48 : vector<1x16xf32> to vector<16xf32>
        %mul3A_50 = arith.mulf %get3A_49, %broadcast_in_dim3A : vector<16xf32>
        %swap3A_51 = arith.index_cast %scan3A_33 : i32 to index
        %swap3A_52 = arith.constant 16 : index
        %swap3A_53 = tpu.vector_load %arg12[%swap3A_51, %swap3A_52] {strides = array<i32>} : memref<128x128xf32, #tpu.memory_space<vmem>>, vector<1x16xf32>,
        %swap3A_54 = vector.shape_cast %swap3A_53 : vector<1x16xf32> to vector<16xf32>
        %swap3A_55 = vector.shape_cast %mul3A_50 : vector<16xf32> to vector<1x16xf32>
        tpu.vector_store %arg12[%swap3A_51, %swap3A_52], %swap3A_55 {strides = array<i32>} : memref<128x128xf32, #tpu.memory_space<vmem>>, vector<1x16xf32>,
        %get3A_56 = arith.index_cast %scan3A_33 : i32 to index
        %get3A_57 = arith.constant 32 : index
        %get3A_58 = tpu.vector_load %arg11[%get3A_56, %get3A_57] {strides = array<i32>} : memref<128x128xf32, #tpu.memory_space<vmem>>, vector<1x16xf32>,
        %get3A_59 = vector.shape_cast %get3A_58 : vector<1x16xf32> to vector<16xf32>
        %mul3A_60 = arith.mulf %get3A_59, %broadcast_in_dim3A : vector<16xf32>
        %swap3A_61 = arith.index_cast %scan3A_33 : i32 to index
        %swap3A_62 = arith.constant 32 : index
        %swap3A_63 = tpu.vector_load %arg12[%swap3A_61, %swap3A_62] {strides = array<i32>} : memref<128x128xf32, #tpu.memory_space<vmem>>, vector<1x16xf32>,
        %swap3A_64 = vector.shape_cast %swap3A_63 : vector<1x16xf32> to vector<16xf32>
        %swap3A_65 = vector.shape_cast %mul3A_60 : vector<16xf32> to vector<1x16xf32>
        tpu.vector_store %arg12[%swap3A_61, %swap3A_62], %swap3A_65 {strides = array<i32>} : memref<128x128xf32, #tpu.memory_space<vmem>>, vector<1x16xf32>,
        %get3A_66 = arith.index_cast %scan3A_33 : i32 to index
        %get3A_67 = arith.constant 48 : index
        %get3A_68 = tpu.vector_load %arg11[%get3A_66, %get3A_67] {strides = array<i32>} : memref<128x128xf32, #tpu.memory_space<vmem>>, vector<1x16xf32>,
        %get3A_69 = vector.shape_cast %get3A_68 : vector<1x16xf32> to vector<16xf32>
        %mul3A_70 = arith.mulf %get3A_69, %broadcast_in_dim3A : vector<16xf32>
        %swap3A_71 = arith.index_cast %scan3A_33 : i32 to index
        %swap3A_72 = arith.constant 48 : index
        %swap3A_73 = tpu.vector_load %arg12[%swap3A_71, %swap3A_72] {strides = array<i32>} : memref<128x128xf32, #tpu.memory_space<vmem>>, vector<1x16xf32>,
        %swap3A_74 = vector.shape_cast %swap3A_73 : vector<1x16xf32> to vector<16xf32>
        %swap3A_75 = vector.shape_cast %mul3A_70 : vector<16xf32> to vector<1x16xf32>
        tpu.vector_store %arg12[%swap3A_71, %swap3A_72], %swap3A_75 {strides = array<i32>} : memref<128x128xf32, #tpu.memory_space<vmem>>, vector<1x16xf32>,
        %get3A_76 = arith.index_cast %scan3A_33 : i32 to index
        %get3A_77 = arith.constant 64 : index
        %get3A_78 = tpu.vector_load %arg11[%get3A_76, %get3A_77] {strides = array<i32>} : memref<128x128xf32, #tpu.memory_space<vmem>>, vector<1x16xf32>,
        %get3A_79 = vector.shape_cast %get3A_78 : vector<1x16xf32> to vector<16xf32>
        %mul3A_80 = arith.mulf %get3A_79, %broadcast_in_dim3A : vector<16xf32>
        %swap3A_81 = arith.index_cast %scan3A_33 : i32 to index
        %swap3A_82 = arith.constant 64 : index
        %swap3A_83 = tpu.vector_load %arg12[%swap3A_81, %swap3A_82] {strides = array<i32>} : memref<128x128xf32, #tpu.memory_space<vmem>>, vector<1x16xf32>,
        %swap3A_84 = vector.shape_cast %swap3A_83 : vector<1x16xf32> to vector<16xf32>
        %swap3A_85 = vector.shape_cast %mul3A_80 : vector<16xf32> to vector<1x16xf32>
        tpu.vector_store %arg12[%swap3A_81, %swap3A_82], %swap3A_85 {strides = array<i32>} : memref<128x128xf32, #tpu.memory_space<vmem>>, vector<1x16xf32>,
        %get3A_86 = arith.index_cast %scan3A_33 : i32 to index
        %get3A_87 = arith.constant 80 : index
        %get3A_88 = tpu.vector_load %arg11[%get3A_86, %get3A_87] {strides = array<i32>} : memref<128x128xf32, #tpu.memory_space<vmem>>, vector<1x16xf32>,
        %get3A_89 = vector.shape_cast %get3A_88 : vector<1x16xf32> to vector<16xf32>
        %mul3A_90 = arith.mulf %get3A_89, %broadcast_in_dim3A : vector<16xf32>
        %swap3A_91 = arith.index_cast %scan3A_33 : i32 to index
        %swap3A_92 = arith.constant 80 : index
        %swap3A_93 = tpu.vector_load %arg12[%swap3A_91, %swap3A_92] {strides = array<i32>} : memref<128x128xf32, #tpu.memory_space<vmem>>, vector<1x16xf32>,
        %swap3A_94 = vector.shape_cast %swap3A_93 : vector<1x16xf32> to vector<16xf32>
        %swap3A_95 = vector.shape_cast %mul3A_90 : vector<16xf32> to vector<1x16xf32>
        tpu.vector_store %arg12[%swap3A_91, %swap3A_92], %swap3A_95 {strides = array<i32>} : memref<128x128xf32, #tpu.memory_space<vmem>>, vector<1x16xf32>,
        %get3A_96 = arith.index_cast %scan3A_33 : i32 to index
        %get3A_97 = arith.constant 96 : index
        %get3A_98 = tpu.vector_load %arg11[%get3A_96, %get3A_97] {strides = array<i32>} : memref<128x128xf32, #tpu.memory_space<vmem>>, vector<1x16xf32>,
        %get3A_99 = vector.shape_cast %get3A_98 : vector<1x16xf32> to vector<16xf32>
        %mul3A_100 = arith.mulf %get3A_99, %broadcast_in_dim3A : vector<16xf32>
        %swap3A_101 = arith.index_cast %scan3A_33 : i32 to index
        %swap3A_102 = arith.constant 96 : index
        %swap3A_103 = tpu.vector_load %arg12[%swap3A_101, %swap3A_102] {strides = array<i32>} : memref<128x128xf32, #tpu.memory_space<vmem>>, vector<1x16xf32>,
        %swap3A_104 = vector.shape_cast %swap3A_103 : vector<1x16xf32> to vector<16xf32>
        %swap3A_105 = vector.shape_cast %mul3A_100 : vector<16xf32> to vector<1x16xf32>
        tpu.vector_store %arg12[%swap3A_101, %swap3A_102], %swap3A_105 {strides = array<i32>} : memref<128x128xf32, #tpu.memory_space<vmem>>, vector<1x16xf32>,
        %get3A_106 = arith.index_cast %scan3A_33 : i32 to index
        %get3A_107 = arith.constant 112 : index
        %get3A_108 = tpu.vector_load %arg11[%get3A_106, %get3A_107] {strides = array<i32>} : memref<128x128xf32, #tpu.memory_space<vmem>>, vector<1x16xf32>,
        %get3A_109 = vector.shape_cast %get3A_108 : vector<1x16xf32> to vector<16xf32>
        %mul3A_110 = arith.mulf %get3A_109, %broadcast_in_dim3A : vector<16xf32>
        %swap3A_111 = arith.index_cast %scan3A_33 : i32 to index
        %swap3A_112 = arith.constant 112 : index
        %swap3A_113 = tpu.vector_load %arg12[%swap3A_111, %swap3A_112] {strides = array<i32>} : memref<128x128xf32, #tpu.memory_space<vmem>>, vector<1x16xf32>,
        %swap3A_114 = vector.shape_cast %swap3A_113 : vector<1x16xf32> to vector<16xf32>
        %swap3A_115 = vector.shape_cast %mul3A_110 : vector<16xf32> to vector<1x16xf32>
        tpu.vector_store %arg12[%swap3A_111, %swap3A_112], %swap3A_115 {strides = array<i32>} : memref<128x128xf32, #tpu.memory_space<vmem>>, vector<1x16xf32>,
        %scan3A_116 = arith.constant 0 : i32
        scf.yield %scan3A_116 : i32
      }
      %scan3A_31 = arith.constant 128 : i32
      "tpu.region"() ({
        %run_scoped3A = tpu.sem_alloc : memref<!tpu.dma_semaphore, #tpu.memory_space<semaphore_mem>>
        %dma_start3A_33 = arith.constant 0 : i32
        %dma_start3A_34 = arith.constant 0 : i32
        %dma_start3A_35 = tpu.memref_slice %arg13[%dma_start3A_33, %dma_start3A_34] : memref<10240x128xf32, #tpu.memory_space<vmem_shared>> -> memref<10240x128xf32, #tpu.memory_space<vmem_shared>>
        tpu.enqueue_indirect_dma source(%arg12 : memref<128x128xf32, #tpu.memory_space<vmem>>) target(%dma_start3A_35 : memref<10240x128xf32, #tpu.memory_space<vmem_shared>>) offsets(%arg9 : memref<128xi32, #tpu.memory_space<vmem>>) semaphore(%run_scoped3A : memref<!tpu.dma_semaphore, #tpu.memory_space<semaphore_mem>>) {add = true}
        %dma_wait3A_36 = arith.constant 0 : i32
        %dma_wait3A_37 = arith.constant 0 : i32
        %dma_wait3A_38 = tpu.memref_slice %arg13[%dma_wait3A_36, %dma_wait3A_37] : memref<10240x128xf32, #tpu.memory_space<vmem_shared>> -> memref<10240x128xf32, #tpu.memory_space<vmem_shared>>
        tpu.wait_indirect_dma semaphore(%run_scoped3A : memref<!tpu.dma_semaphore, #tpu.memory_space<semaphore_mem>>) src(%arg12 : memref<128x128xf32, #tpu.memory_space<vmem>>) dst(%dma_wait3A_38 : memref<10240x128xf32, #tpu.memory_space<vmem_shared>>)
        tpu.yield
      }) : () -> ()
      %scan3A_32 = arith.constant 0 : i32
      scf.yield %scan3A_32 : i32
    }
    %scan3A_8 = arith.constant 40 : i32
    %barrier3A_9 = arith.constant 0 : index
    tpu.barrier barrier_id(%barrier3A_9)
    %mul3A_10 = arith.constant 640 : i32
    %mul3A_11 = arith.muli %arg1, %mul3A_10 : i32
    %multiple_of3A_12 = tpu.assume_multiple %mul3A_11, 640 : i32
    "tpu.region"() ({
      %run_scoped3A = tpu.sem_alloc : memref<!tpu.dma_semaphore, #tpu.memory_space<semaphore_mem>>
      %dma_start3A = arith.constant 0 : i32
      %dma_start3A_13 = tpu.memref_slice %arg7[%arg0, %multiple_of3A_12, %dma_start3A] : memref<2x10240x128xf32, #tpu.memory_space<hbm>> -> memref<1x640x128xf32, #tpu.memory_space<hbm>>
      %dma_start3A_14 = tpu.memref_squeeze %dma_start3A_13 : memref<1x640x128xf32, #tpu.memory_space<hbm>> -> memref<640x128xf32, #tpu.memory_space<hbm>>
      %dma_start3A_15 = arith.constant 0 : i32
      %dma_start3A_16 = tpu.memref_slice %arg13[%multiple_of3A_12, %dma_start3A_15] : memref<10240x128xf32, #tpu.memory_space<vmem_shared>> -> memref<640x128xf32, #tpu.memory_space<vmem_shared>>
      tpu.enqueue_dma source(%dma_start3A_16 : memref<640x128xf32, #tpu.memory_space<vmem_shared>>) target(%dma_start3A_14 : memref<640x128xf32, #tpu.memory_space<hbm>>) target_semaphore(%run_scoped3A : memref<!tpu.dma_semaphore, #tpu.memory_space<semaphore_mem>>)
      %dma_wait3A = arith.constant 0 : i32
      %dma_wait3A_17 = tpu.memref_slice %arg7[%arg0, %multiple_of3A_12, %dma_wait3A] : memref<2x10240x128xf32, #tpu.memory_space<hbm>> -> memref<1x640x128xf32, #tpu.memory_space<hbm>>
      %dma_wait3A_18 = tpu.memref_squeeze %dma_wait3A_17 : memref<1x640x128xf32, #tpu.memory_space<hbm>> -> memref<640x128xf32, #tpu.memory_space<hbm>>
      %dma_wait3A_19 = arith.constant 0 : i32
      %dma_wait3A_20 = tpu.memref_slice %arg13[%multiple_of3A_12, %dma_wait3A_19] : memref<10240x128xf32, #tpu.memory_space<vmem_shared>> -> memref<640x128xf32, #tpu.memory_space<vmem_shared>>
      tpu.wait_dma2 semaphore(%run_scoped3A : memref<!tpu.dma_semaphore, #tpu.memory_space<semaphore_mem>>) src(%dma_wait3A_20 : memref<640x128xf32, #tpu.memory_space<vmem_shared>>) dst(%dma_wait3A_18 : memref<640x128xf32, #tpu.memory_space<hbm>>)
      tpu.yield
    }) : () -> ()
    return
  }
}

#map = affine_map<(d0, d1) -> (0)>
#map1 = affine_map<(d0, d1) -> (0, 0)>
module attributes {stable_mosaic.version = 14 : i64} {
  func.func @_k4b_gat1_dacc(%arg0: i32, %arg1: i32, %arg2: memref<10240xf32, #tpu.memory_space<hbm>>, %arg3: memref<10240xf32, #tpu.memory_space<hbm>>, %arg4: memref<10240xf32, #tpu.memory_space<hbm>>, %arg5: memref<10240xf32, #tpu.memory_space<hbm>>, %arg6: memref<10240xf32, #tpu.memory_space<hbm>>, %arg7: memref<10240xf32, #tpu.memory_space<hbm>>, %arg8: memref<10240xf32, #tpu.memory_space<hbm>>, %arg9: memref<10240xf32, #tpu.memory_space<hbm>>, %arg10: memref<172032xi32, #tpu.memory_space<hbm>>, %arg11: memref<172032xi32, #tpu.memory_space<hbm>>, %arg12: memref<64xf32, #tpu.memory_space<hbm>>, %arg13: memref<640xf32, #tpu.memory_space<hbm>>, %arg14: memref<2x40960xf32, #tpu.memory_space<hbm>>, %arg15: memref<64xf32, #tpu.memory_space<vmem>>, %arg16: memref<256xi32, #tpu.memory_space<vmem>>, %arg17: memref<256xi32, #tpu.memory_space<vmem>>, %arg18: memref<2048xi32, #tpu.memory_space<vmem>>, %arg19: memref<2048xf32, #tpu.memory_space<vmem>>, %arg20: memref<1024xi32, #tpu.memory_space<vmem>>, %arg21: memref<1024xf32, #tpu.memory_space<vmem>>, %arg22: memref<81920xf32, #tpu.memory_space<vmem_shared>>, %arg23: memref<40960xf32, #tpu.memory_space<vmem_shared>>, %arg24: memref<!tpu.dma_semaphore, #tpu.memory_space<semaphore_mem>>) attributes {dimension_semantics = [#tpu.dimension_semantics<core_parallel>, #tpu.dimension_semantics<subcore_parallel>], iteration_bounds = array<i64: 2, 16>, scalar_prefetch = 0 : i64, scratch_operands = 10 : i64, tpu.core_type = #tpu.core_type<sc_vector_subcore>, window_params = [{transform_indices = #map}, {transform_indices = #map}, {transform_indices = #map}, {transform_indices = #map}, {transform_indices = #map}, {transform_indices = #map}, {transform_indices = #map}, {transform_indices = #map}, {transform_indices = #map}, {transform_indices = #map}, {transform_indices = #map}, {transform_indices = #map}, {transform_indices = #map1}]} {
    "tpu.region"() ({
      %run_scoped3A = tpu.sem_alloc : memref<!tpu.dma_semaphore, #tpu.memory_space<semaphore_mem>>
      tpu.enqueue_dma source(%arg12 : memref<64xf32, #tpu.memory_space<hbm>>) target(%arg15 : memref<64xf32, #tpu.memory_space<vmem>>) target_semaphore(%run_scoped3A : memref<!tpu.dma_semaphore, #tpu.memory_space<semaphore_mem>>)
      tpu.wait_dma2 semaphore(%run_scoped3A : memref<!tpu.dma_semaphore, #tpu.memory_space<semaphore_mem>>) src(%arg12 : memref<64xf32, #tpu.memory_space<hbm>>) dst(%arg15 : memref<64xf32, #tpu.memory_space<vmem>>)
      tpu.yield
    }) : () -> ()
    %eq3A = arith.constant 0 : i32
    %eq3A_0 = arith.cmpi eq, %arg1, %eq3A : i32
    %convert_element_type3A = arith.extui %eq3A_0 : i1 to i32
    %cond3A = arith.constant 0 : i32
    %cond3A_1 = arith.cmpi ne, %convert_element_type3A, %cond3A : i32
    scf.if %cond3A_1 {
      "tpu.region"() ({
        %run_scoped3A = tpu.sem_alloc : memref<!tpu.dma_semaphore, #tpu.memory_space<semaphore_mem>>
        %dma_start3A = arith.constant 0 : i32
        %dma_start3A_62 = tpu.memref_slice %arg22[%dma_start3A] : memref<81920xf32, #tpu.memory_space<vmem_shared>> -> memref<10240xf32, #tpu.memory_space<vmem_shared>>
        tpu.enqueue_dma source(%arg2 : memref<10240xf32, #tpu.memory_space<hbm>>) target(%dma_start3A_62 : memref<10240xf32, #tpu.memory_space<vmem_shared>>) target_semaphore(%run_scoped3A : memref<!tpu.dma_semaphore, #tpu.memory_space<semaphore_mem>>)
        %dma_wait3A = arith.constant 0 : i32
        %dma_wait3A_63 = tpu.memref_slice %arg22[%dma_wait3A] : memref<81920xf32, #tpu.memory_space<vmem_shared>> -> memref<10240xf32, #tpu.memory_space<vmem_shared>>
        tpu.wait_dma2 semaphore(%run_scoped3A : memref<!tpu.dma_semaphore, #tpu.memory_space<semaphore_mem>>) src(%arg2 : memref<10240xf32, #tpu.memory_space<hbm>>) dst(%dma_wait3A_63 : memref<10240xf32, #tpu.memory_space<vmem_shared>>)
        tpu.yield
      }) : () -> ()
    } else {
    }
    %eq3A_2 = arith.constant 1 : i32
    %eq3A_3 = arith.cmpi eq, %arg1, %eq3A_2 : i32
    %convert_element_type3A_4 = arith.extui %eq3A_3 : i1 to i32
    %cond3A_5 = arith.constant 0 : i32
    %cond3A_6 = arith.cmpi ne, %convert_element_type3A_4, %cond3A_5 : i32
    scf.if %cond3A_6 {
      "tpu.region"() ({
        %run_scoped3A = tpu.sem_alloc : memref<!tpu.dma_semaphore, #tpu.memory_space<semaphore_mem>>
        %dma_start3A = arith.constant 10240 : i32
        %dma_start3A_62 = tpu.memref_slice %arg22[%dma_start3A] : memref<81920xf32, #tpu.memory_space<vmem_shared>> -> memref<10240xf32, #tpu.memory_space<vmem_shared>>
        tpu.enqueue_dma source(%arg3 : memref<10240xf32, #tpu.memory_space<hbm>>) target(%dma_start3A_62 : memref<10240xf32, #tpu.memory_space<vmem_shared>>) target_semaphore(%run_scoped3A : memref<!tpu.dma_semaphore, #tpu.memory_space<semaphore_mem>>)
        %dma_wait3A = arith.constant 10240 : i32
        %dma_wait3A_63 = tpu.memref_slice %arg22[%dma_wait3A] : memref<81920xf32, #tpu.memory_space<vmem_shared>> -> memref<10240xf32, #tpu.memory_space<vmem_shared>>
        tpu.wait_dma2 semaphore(%run_scoped3A : memref<!tpu.dma_semaphore, #tpu.memory_space<semaphore_mem>>) src(%arg3 : memref<10240xf32, #tpu.memory_space<hbm>>) dst(%dma_wait3A_63 : memref<10240xf32, #tpu.memory_space<vmem_shared>>)
        tpu.yield
      }) : () -> ()
    } else {
    }
    %eq3A_7 = arith.constant 2 : i32
    %eq3A_8 = arith.cmpi eq, %arg1, %eq3A_7 : i32
    %convert_element_type3A_9 = arith.extui %eq3A_8 : i1 to i32
    %cond3A_10 = arith.constant 0 : i32
    %cond3A_11 = arith.cmpi ne, %convert_element_type3A_9, %cond3A_10 : i32
    scf.if %cond3A_11 {
      "tpu.region"() ({
        %run_scoped3A = tpu.sem_alloc : memref<!tpu.dma_semaphore, #tpu.memory_space<semaphore_mem>>
        %dma_start3A = arith.constant 20480 : i32
        %dma_start3A_62 = tpu.memref_slice %arg22[%dma_start3A] : memref<81920xf32, #tpu.memory_space<vmem_shared>> -> memref<10240xf32, #tpu.memory_space<vmem_shared>>
        tpu.enqueue_dma source(%arg4 : memref<10240xf32, #tpu.memory_space<hbm>>) target(%dma_start3A_62 : memref<10240xf32, #tpu.memory_space<vmem_shared>>) target_semaphore(%run_scoped3A : memref<!tpu.dma_semaphore, #tpu.memory_space<semaphore_mem>>)
        %dma_wait3A = arith.constant 20480 : i32
        %dma_wait3A_63 = tpu.memref_slice %arg22[%dma_wait3A] : memref<81920xf32, #tpu.memory_space<vmem_shared>> -> memref<10240xf32, #tpu.memory_space<vmem_shared>>
        tpu.wait_dma2 semaphore(%run_scoped3A : memref<!tpu.dma_semaphore, #tpu.memory_space<semaphore_mem>>) src(%arg4 : memref<10240xf32, #tpu.memory_space<hbm>>) dst(%dma_wait3A_63 : memref<10240xf32, #tpu.memory_space<vmem_shared>>)
        tpu.yield
      }) : () -> ()
    } else {
    }
    %eq3A_12 = arith.constant 3 : i32
    %eq3A_13 = arith.cmpi eq, %arg1, %eq3A_12 : i32
    %convert_element_type3A_14 = arith.extui %eq3A_13 : i1 to i32
    %cond3A_15 = arith.constant 0 : i32
    %cond3A_16 = arith.cmpi ne, %convert_element_type3A_14, %cond3A_15 : i32
    scf.if %cond3A_16 {
      "tpu.region"() ({
        %run_scoped3A = tpu.sem_alloc : memref<!tpu.dma_semaphore, #tpu.memory_space<semaphore_mem>>
        %dma_start3A = arith.constant 30720 : i32
        %dma_start3A_62 = tpu.memref_slice %arg22[%dma_start3A] : memref<81920xf32, #tpu.memory_space<vmem_shared>> -> memref<10240xf32, #tpu.memory_space<vmem_shared>>
        tpu.enqueue_dma source(%arg5 : memref<10240xf32, #tpu.memory_space<hbm>>) target(%dma_start3A_62 : memref<10240xf32, #tpu.memory_space<vmem_shared>>) target_semaphore(%run_scoped3A : memref<!tpu.dma_semaphore, #tpu.memory_space<semaphore_mem>>)
        %dma_wait3A = arith.constant 30720 : i32
        %dma_wait3A_63 = tpu.memref_slice %arg22[%dma_wait3A] : memref<81920xf32, #tpu.memory_space<vmem_shared>> -> memref<10240xf32, #tpu.memory_space<vmem_shared>>
        tpu.wait_dma2 semaphore(%run_scoped3A : memref<!tpu.dma_semaphore, #tpu.memory_space<semaphore_mem>>) src(%arg5 : memref<10240xf32, #tpu.memory_space<hbm>>) dst(%dma_wait3A_63 : memref<10240xf32, #tpu.memory_space<vmem_shared>>)
        tpu.yield
      }) : () -> ()
    } else {
    }
    %eq3A_17 = arith.constant 4 : i32
    %eq3A_18 = arith.cmpi eq, %arg1, %eq3A_17 : i32
    %convert_element_type3A_19 = arith.extui %eq3A_18 : i1 to i32
    %cond3A_20 = arith.constant 0 : i32
    %cond3A_21 = arith.cmpi ne, %convert_element_type3A_19, %cond3A_20 : i32
    scf.if %cond3A_21 {
      "tpu.region"() ({
        %run_scoped3A = tpu.sem_alloc : memref<!tpu.dma_semaphore, #tpu.memory_space<semaphore_mem>>
        %dma_start3A = arith.constant 40960 : i32
        %dma_start3A_62 = tpu.memref_slice %arg22[%dma_start3A] : memref<81920xf32, #tpu.memory_space<vmem_shared>> -> memref<10240xf32, #tpu.memory_space<vmem_shared>>
        tpu.enqueue_dma source(%arg6 : memref<10240xf32, #tpu.memory_space<hbm>>) target(%dma_start3A_62 : memref<10240xf32, #tpu.memory_space<vmem_shared>>) target_semaphore(%run_scoped3A : memref<!tpu.dma_semaphore, #tpu.memory_space<semaphore_mem>>)
        %dma_wait3A = arith.constant 40960 : i32
        %dma_wait3A_63 = tpu.memref_slice %arg22[%dma_wait3A] : memref<81920xf32, #tpu.memory_space<vmem_shared>> -> memref<10240xf32, #tpu.memory_space<vmem_shared>>
        tpu.wait_dma2 semaphore(%run_scoped3A : memref<!tpu.dma_semaphore, #tpu.memory_space<semaphore_mem>>) src(%arg6 : memref<10240xf32, #tpu.memory_space<hbm>>) dst(%dma_wait3A_63 : memref<10240xf32, #tpu.memory_space<vmem_shared>>)
        tpu.yield
      }) : () -> ()
    } else {
    }
    %eq3A_22 = arith.constant 5 : i32
    %eq3A_23 = arith.cmpi eq, %arg1, %eq3A_22 : i32
    %convert_element_type3A_24 = arith.extui %eq3A_23 : i1 to i32
    %cond3A_25 = arith.constant 0 : i32
    %cond3A_26 = arith.cmpi ne, %convert_element_type3A_24, %cond3A_25 : i32
    scf.if %cond3A_26 {
      "tpu.region"() ({
        %run_scoped3A = tpu.sem_alloc : memref<!tpu.dma_semaphore, #tpu.memory_space<semaphore_mem>>
        %dma_start3A = arith.constant 51200 : i32
        %dma_start3A_62 = tpu.memref_slice %arg22[%dma_start3A] : memref<81920xf32, #tpu.memory_space<vmem_shared>> -> memref<10240xf32, #tpu.memory_space<vmem_shared>>
        tpu.enqueue_dma source(%arg7 : memref<10240xf32, #tpu.memory_space<hbm>>) target(%dma_start3A_62 : memref<10240xf32, #tpu.memory_space<vmem_shared>>) target_semaphore(%run_scoped3A : memref<!tpu.dma_semaphore, #tpu.memory_space<semaphore_mem>>)
        %dma_wait3A = arith.constant 51200 : i32
        %dma_wait3A_63 = tpu.memref_slice %arg22[%dma_wait3A] : memref<81920xf32, #tpu.memory_space<vmem_shared>> -> memref<10240xf32, #tpu.memory_space<vmem_shared>>
        tpu.wait_dma2 semaphore(%run_scoped3A : memref<!tpu.dma_semaphore, #tpu.memory_space<semaphore_mem>>) src(%arg7 : memref<10240xf32, #tpu.memory_space<hbm>>) dst(%dma_wait3A_63 : memref<10240xf32, #tpu.memory_space<vmem_shared>>)
        tpu.yield
      }) : () -> ()
    } else {
    }
    %eq3A_27 = arith.constant 6 : i32
    %eq3A_28 = arith.cmpi eq, %arg1, %eq3A_27 : i32
    %convert_element_type3A_29 = arith.extui %eq3A_28 : i1 to i32
    %cond3A_30 = arith.constant 0 : i32
    %cond3A_31 = arith.cmpi ne, %convert_element_type3A_29, %cond3A_30 : i32
    scf.if %cond3A_31 {
      "tpu.region"() ({
        %run_scoped3A = tpu.sem_alloc : memref<!tpu.dma_semaphore, #tpu.memory_space<semaphore_mem>>
        %dma_start3A = arith.constant 61440 : i32
        %dma_start3A_62 = tpu.memref_slice %arg22[%dma_start3A] : memref<81920xf32, #tpu.memory_space<vmem_shared>> -> memref<10240xf32, #tpu.memory_space<vmem_shared>>
        tpu.enqueue_dma source(%arg8 : memref<10240xf32, #tpu.memory_space<hbm>>) target(%dma_start3A_62 : memref<10240xf32, #tpu.memory_space<vmem_shared>>) target_semaphore(%run_scoped3A : memref<!tpu.dma_semaphore, #tpu.memory_space<semaphore_mem>>)
        %dma_wait3A = arith.constant 61440 : i32
        %dma_wait3A_63 = tpu.memref_slice %arg22[%dma_wait3A] : memref<81920xf32, #tpu.memory_space<vmem_shared>> -> memref<10240xf32, #tpu.memory_space<vmem_shared>>
        tpu.wait_dma2 semaphore(%run_scoped3A : memref<!tpu.dma_semaphore, #tpu.memory_space<semaphore_mem>>) src(%arg8 : memref<10240xf32, #tpu.memory_space<hbm>>) dst(%dma_wait3A_63 : memref<10240xf32, #tpu.memory_space<vmem_shared>>)
        tpu.yield
      }) : () -> ()
    } else {
    }
    %eq3A_32 = arith.constant 7 : i32
    %eq3A_33 = arith.cmpi eq, %arg1, %eq3A_32 : i32
    %convert_element_type3A_34 = arith.extui %eq3A_33 : i1 to i32
    %cond3A_35 = arith.constant 0 : i32
    %cond3A_36 = arith.cmpi ne, %convert_element_type3A_34, %cond3A_35 : i32
    scf.if %cond3A_36 {
      "tpu.region"() ({
        %run_scoped3A = tpu.sem_alloc : memref<!tpu.dma_semaphore, #tpu.memory_space<semaphore_mem>>
        %dma_start3A = arith.constant 71680 : i32
        %dma_start3A_62 = tpu.memref_slice %arg22[%dma_start3A] : memref<81920xf32, #tpu.memory_space<vmem_shared>> -> memref<10240xf32, #tpu.memory_space<vmem_shared>>
        tpu.enqueue_dma source(%arg9 : memref<10240xf32, #tpu.memory_space<hbm>>) target(%dma_start3A_62 : memref<10240xf32, #tpu.memory_space<vmem_shared>>) target_semaphore(%run_scoped3A : memref<!tpu.dma_semaphore, #tpu.memory_space<semaphore_mem>>)
        %dma_wait3A = arith.constant 71680 : i32
        %dma_wait3A_63 = tpu.memref_slice %arg22[%dma_wait3A] : memref<81920xf32, #tpu.memory_space<vmem_shared>> -> memref<10240xf32, #tpu.memory_space<vmem_shared>>
        tpu.wait_dma2 semaphore(%run_scoped3A : memref<!tpu.dma_semaphore, #tpu.memory_space<semaphore_mem>>) src(%arg9 : memref<10240xf32, #tpu.memory_space<hbm>>) dst(%dma_wait3A_63 : memref<10240xf32, #tpu.memory_space<vmem_shared>>)
        tpu.yield
      }) : () -> ()
    } else {
    }
    %mul3A = arith.constant 2560 : i32
    %mul3A_37 = arith.muli %arg1, %mul3A : i32
    %add3A = arith.constant 0 : i32
    %add3A_38 = arith.addi %mul3A_37, %add3A : i32
    "tpu.region"() ({
      %run_scoped3A = tpu.sem_alloc : memref<!tpu.dma_semaphore, #tpu.memory_space<semaphore_mem>>
      %dma_start3A = tpu.memref_slice %arg23[%add3A_38] : memref<40960xf32, #tpu.memory_space<vmem_shared>> -> memref<640xf32, #tpu.memory_space<vmem_shared>>
      tpu.enqueue_dma source(%arg13 : memref<640xf32, #tpu.memory_space<hbm>>) target(%dma_start3A : memref<640xf32, #tpu.memory_space<vmem_shared>>) target_semaphore(%run_scoped3A : memref<!tpu.dma_semaphore, #tpu.memory_space<semaphore_mem>>)
      %dma_wait3A = tpu.memref_slice %arg23[%add3A_38] : memref<40960xf32, #tpu.memory_space<vmem_shared>> -> memref<640xf32, #tpu.memory_space<vmem_shared>>
      tpu.wait_dma2 semaphore(%run_scoped3A : memref<!tpu.dma_semaphore, #tpu.memory_space<semaphore_mem>>) src(%arg13 : memref<640xf32, #tpu.memory_space<hbm>>) dst(%dma_wait3A : memref<640xf32, #tpu.memory_space<vmem_shared>>)
      tpu.yield
    }) : () -> ()
    %mul3A_39 = arith.constant 2560 : i32
    %mul3A_40 = arith.muli %arg1, %mul3A_39 : i32
    %add3A_41 = arith.constant 640 : i32
    %add3A_42 = arith.addi %mul3A_40, %add3A_41 : i32
    "tpu.region"() ({
      %run_scoped3A = tpu.sem_alloc : memref<!tpu.dma_semaphore, #tpu.memory_space<semaphore_mem>>
      %dma_start3A = tpu.memref_slice %arg23[%add3A_42] : memref<40960xf32, #tpu.memory_space<vmem_shared>> -> memref<640xf32, #tpu.memory_space<vmem_shared>>
      tpu.enqueue_dma source(%arg13 : memref<640xf32, #tpu.memory_space<hbm>>) target(%dma_start3A : memref<640xf32, #tpu.memory_space<vmem_shared>>) target_semaphore(%run_scoped3A : memref<!tpu.dma_semaphore, #tpu.memory_space<semaphore_mem>>)
      %dma_wait3A = tpu.memref_slice %arg23[%add3A_42] : memref<40960xf32, #tpu.memory_space<vmem_shared>> -> memref<640xf32, #tpu.memory_space<vmem_shared>>
      tpu.wait_dma2 semaphore(%run_scoped3A : memref<!tpu.dma_semaphore, #tpu.memory_space<semaphore_mem>>) src(%arg13 : memref<640xf32, #tpu.memory_space<hbm>>) dst(%dma_wait3A : memref<640xf32, #tpu.memory_space<vmem_shared>>)
      tpu.yield
    }) : () -> ()
    %mul3A_43 = arith.constant 2560 : i32
    %mul3A_44 = arith.muli %arg1, %mul3A_43 : i32
    %add3A_45 = arith.constant 1280 : i32
    %add3A_46 = arith.addi %mul3A_44, %add3A_45 : i32
    "tpu.region"() ({
      %run_scoped3A = tpu.sem_alloc : memref<!tpu.dma_semaphore, #tpu.memory_space<semaphore_mem>>
      %dma_start3A = tpu.memref_slice %arg23[%add3A_46] : memref<40960xf32, #tpu.memory_space<vmem_shared>> -> memref<640xf32, #tpu.memory_space<vmem_shared>>
      tpu.enqueue_dma source(%arg13 : memref<640xf32, #tpu.memory_space<hbm>>) target(%dma_start3A : memref<640xf32, #tpu.memory_space<vmem_shared>>) target_semaphore(%run_scoped3A : memref<!tpu.dma_semaphore, #tpu.memory_space<semaphore_mem>>)
      %dma_wait3A = tpu.memref_slice %arg23[%add3A_46] : memref<40960xf32, #tpu.memory_space<vmem_shared>> -> memref<640xf32, #tpu.memory_space<vmem_shared>>
      tpu.wait_dma2 semaphore(%run_scoped3A : memref<!tpu.dma_semaphore, #tpu.memory_space<semaphore_mem>>) src(%arg13 : memref<640xf32, #tpu.memory_space<hbm>>) dst(%dma_wait3A : memref<640xf32, #tpu.memory_space<vmem_shared>>)
      tpu.yield
    }) : () -> ()
    %mul3A_47 = arith.constant 2560 : i32
    %mul3A_48 = arith.muli %arg1, %mul3A_47 : i32
    %add3A_49 = arith.constant 1920 : i32
    %add3A_50 = arith.addi %mul3A_48, %add3A_49 : i32
    "tpu.region"() ({
      %run_scoped3A = tpu.sem_alloc : memref<!tpu.dma_semaphore, #tpu.memory_space<semaphore_mem>>
      %dma_start3A = tpu.memref_slice %arg23[%add3A_50] : memref<40960xf32, #tpu.memory_space<vmem_shared>> -> memref<640xf32, #tpu.memory_space<vmem_shared>>
      tpu.enqueue_dma source(%arg13 : memref<640xf32, #tpu.memory_space<hbm>>) target(%dma_start3A : memref<640xf32, #tpu.memory_space<vmem_shared>>) target_semaphore(%run_scoped3A : memref<!tpu.dma_semaphore, #tpu.memory_space<semaphore_mem>>)
      %dma_wait3A = tpu.memref_slice %arg23[%add3A_50] : memref<40960xf32, #tpu.memory_space<vmem_shared>> -> memref<640xf32, #tpu.memory_space<vmem_shared>>
      tpu.wait_dma2 semaphore(%run_scoped3A : memref<!tpu.dma_semaphore, #tpu.memory_space<semaphore_mem>>) src(%arg13 : memref<640xf32, #tpu.memory_space<hbm>>) dst(%dma_wait3A : memref<640xf32, #tpu.memory_space<vmem_shared>>)
      tpu.yield
    }) : () -> ()
    %barrier3A = arith.constant 0 : index
    tpu.barrier barrier_id(%barrier3A)
    %scan3A = arith.constant 0 : i32
    %scan3A_51 = arith.constant 0 : i32
    %scan3A_52 = arith.constant 21 : i32
    %scan3A_53 = arith.addi %scan3A_51, %scan3A_52 : i32
    %scan3A_54 = arith.constant 1 : i32
    %scan3A_55 = scf.for %scan3A_62 = %scan3A_51 to %scan3A_53 step %scan3A_54 iter_args(%scan3A_63 = %scan3A) -> (i32)  : i32 {
      %mul3A_64 = arith.constant 2 : i32
      %mul3A_65 = arith.muli %arg1, %mul3A_64 : i32
      %add3A_66 = arith.addi %mul3A_65, %arg0 : i32
      %mul3A_67 = arith.constant 5376 : i32
      %mul3A_68 = arith.muli %add3A_66, %mul3A_67 : i32
      %mul3A_69 = arith.constant 256 : i32
      %mul3A_70 = arith.muli %scan3A_62, %mul3A_69 : i32
      %add3A_71 = arith.addi %mul3A_68, %mul3A_70 : i32
      %multiple_of3A = tpu.assume_multiple %add3A_71, 256 : i32
      "tpu.region"() ({
        %run_scoped3A = tpu.sem_alloc : memref<!tpu.dma_semaphore, #tpu.memory_space<semaphore_mem>>
        %dma_start3A_93 = tpu.memref_slice %arg10[%multiple_of3A] : memref<172032xi32, #tpu.memory_space<hbm>> -> memref<256xi32, #tpu.memory_space<hbm>>
        %dma_start3A_94 = tpu.memref_slice %arg10[%multiple_of3A] : memref<172032xi32, #tpu.memory_space<hbm>> -> memref<256xi32, #tpu.memory_space<hbm>>
        tpu.enqueue_dma source(%dma_start3A_94 : memref<256xi32, #tpu.memory_space<hbm>>) target(%arg16 : memref<256xi32, #tpu.memory_space<vmem>>) target_semaphore(%run_scoped3A : memref<!tpu.dma_semaphore, #tpu.memory_space<semaphore_mem>>)
        %dma_wait3A_95 = tpu.memref_slice %arg10[%multiple_of3A] : memref<172032xi32, #tpu.memory_space<hbm>> -> memref<256xi32, #tpu.memory_space<hbm>>
        %dma_wait3A_96 = tpu.memref_slice %arg10[%multiple_of3A] : memref<172032xi32, #tpu.memory_space<hbm>> -> memref<256xi32, #tpu.memory_space<hbm>>
        tpu.wait_dma2 semaphore(%run_scoped3A : memref<!tpu.dma_semaphore, #tpu.memory_space<semaphore_mem>>) src(%dma_wait3A_96 : memref<256xi32, #tpu.memory_space<hbm>>) dst(%arg16 : memref<256xi32, #tpu.memory_space<vmem>>)
        tpu.yield
      }) : () -> ()
      "tpu.region"() ({
        %run_scoped3A = tpu.sem_alloc : memref<!tpu.dma_semaphore, #tpu.memory_space<semaphore_mem>>
        %dma_start3A_93 = tpu.memref_slice %arg11[%multiple_of3A] : memref<172032xi32, #tpu.memory_space<hbm>> -> memref<256xi32, #tpu.memory_space<hbm>>
        %dma_start3A_94 = tpu.memref_slice %arg11[%multiple_of3A] : memref<172032xi32, #tpu.memory_space<hbm>> -> memref<256xi32, #tpu.memory_space<hbm>>
        tpu.enqueue_dma source(%dma_start3A_94 : memref<256xi32, #tpu.memory_space<hbm>>) target(%arg17 : memref<256xi32, #tpu.memory_space<vmem>>) target_semaphore(%run_scoped3A : memref<!tpu.dma_semaphore, #tpu.memory_space<semaphore_mem>>)
        %dma_wait3A_95 = tpu.memref_slice %arg11[%multiple_of3A] : memref<172032xi32, #tpu.memory_space<hbm>> -> memref<256xi32, #tpu.memory_space<hbm>>
        %dma_wait3A_96 = tpu.memref_slice %arg11[%multiple_of3A] : memref<172032xi32, #tpu.memory_space<hbm>> -> memref<256xi32, #tpu.memory_space<hbm>>
        tpu.wait_dma2 semaphore(%run_scoped3A : memref<!tpu.dma_semaphore, #tpu.memory_space<semaphore_mem>>) src(%dma_wait3A_96 : memref<256xi32, #tpu.memory_space<hbm>>) dst(%arg17 : memref<256xi32, #tpu.memory_space<vmem>>)
        tpu.yield
      }) : () -> ()
      %scan3A_72 = arith.constant 0 : i32
      %scan3A_73 = arith.constant 0 : i32
      %scan3A_74 = arith.constant 16 : i32
      %scan3A_75 = arith.addi %scan3A_73, %scan3A_74 : i32
      %scan3A_76 = arith.constant 1 : i32
      %scan3A_77 = scf.for %scan3A_93 = %scan3A_73 to %scan3A_75 step %scan3A_76 iter_args(%scan3A_94 = %scan3A_72) -> (i32)  : i32 {
        %mul3A_95 = arith.constant 16 : i32
        %mul3A_96 = arith.muli %scan3A_93, %mul3A_95 : i32
        %get3A = arith.index_cast %mul3A_96 : i32 to index
        %get3A_97 = tpu.vector_load %arg16[%get3A] {strides = array<i32>} : memref<256xi32, #tpu.memory_space<vmem>>, vector<16xi32>,
        %get3A_98 = vector.shape_cast %get3A_97 : vector<16xi32> to vector<16xi32>
        %mul3A_99 = arith.constant 16 : i32
        %mul3A_100 = arith.muli %scan3A_93, %mul3A_99 : i32
        %get3A_101 = arith.index_cast %mul3A_100 : i32 to index
        %get3A_102 = tpu.vector_load %arg17[%get3A_101] {strides = array<i32>} : memref<256xi32, #tpu.memory_space<vmem>>, vector<16xi32>,
        %get3A_103 = vector.shape_cast %get3A_102 : vector<16xi32> to vector<16xi32>
        %add3A_104 = arith.constant 0 : i32
        %add3A_105 = vector.broadcast %add3A_104 : i32 to vector<16xi32>
        %add3A_106 = arith.addi %add3A_105, %get3A_98 : vector<16xi32>
        %mul3A_107 = arith.constant 16 : i32
        %mul3A_108 = arith.muli %scan3A_93, %mul3A_107 : i32
        %add3A_109 = arith.constant 0 : i32
        %add3A_110 = arith.addi %add3A_109, %mul3A_108 : i32
        %swap3A = arith.index_cast %add3A_110 : i32 to index
        %swap3A_111 = tpu.vector_load %arg18[%swap3A] {strides = array<i32>} : memref<2048xi32, #tpu.memory_space<vmem>>, vector<16xi32>,
        %swap3A_112 = vector.shape_cast %swap3A_111 : vector<16xi32> to vector<16xi32>
        %swap3A_113 = vector.shape_cast %add3A_106 : vector<16xi32> to vector<16xi32>
        tpu.vector_store %arg18[%swap3A], %swap3A_113 {strides = array<i32>} : memref<2048xi32, #tpu.memory_space<vmem>>, vector<16xi32>,
        %add3A_114 = arith.constant 40960 : i32
        %add3A_115 = vector.broadcast %add3A_114 : i32 to vector<16xi32>
        %add3A_116 = arith.addi %add3A_115, %get3A_103 : vector<16xi32>
        %mul3A_117 = arith.constant 16 : i32
        %mul3A_118 = arith.muli %scan3A_93, %mul3A_117 : i32
        %add3A_119 = arith.constant 1024 : i32
        %add3A_120 = arith.addi %add3A_119, %mul3A_118 : i32
        %swap3A_121 = arith.index_cast %add3A_120 : i32 to index
        %swap3A_122 = tpu.vector_load %arg18[%swap3A_121] {strides = array<i32>} : memref<2048xi32, #tpu.memory_space<vmem>>, vector<16xi32>,
        %swap3A_123 = vector.shape_cast %swap3A_122 : vector<16xi32> to vector<16xi32>
        %swap3A_124 = vector.shape_cast %add3A_116 : vector<16xi32> to vector<16xi32>
        tpu.vector_store %arg18[%swap3A_121], %swap3A_124 {strides = array<i32>} : memref<2048xi32, #tpu.memory_space<vmem>>, vector<16xi32>,
        %add3A_125 = arith.constant 0 : i32
        %add3A_126 = vector.broadcast %add3A_125 : i32 to vector<16xi32>
        %add3A_127 = arith.addi %add3A_126, %get3A_103 : vector<16xi32>
        %mul3A_128 = arith.constant 16 : i32
        %mul3A_129 = arith.muli %scan3A_93, %mul3A_128 : i32
        %add3A_130 = arith.constant 0 : i32
        %add3A_131 = arith.addi %add3A_130, %mul3A_129 : i32
        %swap3A_132 = arith.index_cast %add3A_131 : i32 to index
        %swap3A_133 = tpu.vector_load %arg20[%swap3A_132] {strides = array<i32>} : memref<1024xi32, #tpu.memory_space<vmem>>, vector<16xi32>,
        %swap3A_134 = vector.shape_cast %swap3A_133 : vector<16xi32> to vector<16xi32>
        %swap3A_135 = vector.shape_cast %add3A_127 : vector<16xi32> to vector<16xi32>
        tpu.vector_store %arg20[%swap3A_132], %swap3A_135 {strides = array<i32>} : memref<1024xi32, #tpu.memory_space<vmem>>, vector<16xi32>,
        %add3A_136 = arith.constant 10240 : i32
        %add3A_137 = vector.broadcast %add3A_136 : i32 to vector<16xi32>
        %add3A_138 = arith.addi %add3A_137, %get3A_98 : vector<16xi32>
        %mul3A_139 = arith.constant 16 : i32
        %mul3A_140 = arith.muli %scan3A_93, %mul3A_139 : i32
        %add3A_141 = arith.constant 256 : i32
        %add3A_142 = arith.addi %add3A_141, %mul3A_140 : i32
        %swap3A_143 = arith.index_cast %add3A_142 : i32 to index
        %swap3A_144 = tpu.vector_load %arg18[%swap3A_143] {strides = array<i32>} : memref<2048xi32, #tpu.memory_space<vmem>>, vector<16xi32>,
        %swap3A_145 = vector.shape_cast %swap3A_144 : vector<16xi32> to vector<16xi32>
        %swap3A_146 = vector.shape_cast %add3A_138 : vector<16xi32> to vector<16xi32>
        tpu.vector_store %arg18[%swap3A_143], %swap3A_146 {strides = array<i32>} : memref<2048xi32, #tpu.memory_space<vmem>>, vector<16xi32>,
        %add3A_147 = arith.constant 51200 : i32
        %add3A_148 = vector.broadcast %add3A_147 : i32 to vector<16xi32>
        %add3A_149 = arith.addi %add3A_148, %get3A_103 : vector<16xi32>
        %mul3A_150 = arith.constant 16 : i32
        %mul3A_151 = arith.muli %scan3A_93, %mul3A_150 : i32
        %add3A_152 = arith.constant 1280 : i32
        %add3A_153 = arith.addi %add3A_152, %mul3A_151 : i32
        %swap3A_154 = arith.index_cast %add3A_153 : i32 to index
        %swap3A_155 = tpu.vector_load %arg18[%swap3A_154] {strides = array<i32>} : memref<2048xi32, #tpu.memory_space<vmem>>, vector<16xi32>,
        %swap3A_156 = vector.shape_cast %swap3A_155 : vector<16xi32> to vector<16xi32>
        %swap3A_157 = vector.shape_cast %add3A_149 : vector<16xi32> to vector<16xi32>
        tpu.vector_store %arg18[%swap3A_154], %swap3A_157 {strides = array<i32>} : memref<2048xi32, #tpu.memory_space<vmem>>, vector<16xi32>,
        %add3A_158 = arith.constant 10240 : i32
        %add3A_159 = vector.broadcast %add3A_158 : i32 to vector<16xi32>
        %add3A_160 = arith.addi %add3A_159, %get3A_103 : vector<16xi32>
        %mul3A_161 = arith.constant 16 : i32
        %mul3A_162 = arith.muli %scan3A_93, %mul3A_161 : i32
        %add3A_163 = arith.constant 256 : i32
        %add3A_164 = arith.addi %add3A_163, %mul3A_162 : i32
        %swap3A_165 = arith.index_cast %add3A_164 : i32 to index
        %swap3A_166 = tpu.vector_load %arg20[%swap3A_165] {strides = array<i32>} : memref<1024xi32, #tpu.memory_space<vmem>>, vector<16xi32>,
        %swap3A_167 = vector.shape_cast %swap3A_166 : vector<16xi32> to vector<16xi32>
        %swap3A_168 = vector.shape_cast %add3A_160 : vector<16xi32> to vector<16xi32>
        tpu.vector_store %arg20[%swap3A_165], %swap3A_168 {strides = array<i32>} : memref<1024xi32, #tpu.memory_space<vmem>>, vector<16xi32>,
        %add3A_169 = arith.constant 20480 : i32
        %add3A_170 = vector.broadcast %add3A_169 : i32 to vector<16xi32>
        %add3A_171 = arith.addi %add3A_170, %get3A_98 : vector<16xi32>
        %mul3A_172 = arith.constant 16 : i32
        %mul3A_173 = arith.muli %scan3A_93, %mul3A_172 : i32
        %add3A_174 = arith.constant 512 : i32
        %add3A_175 = arith.addi %add3A_174, %mul3A_173 : i32
        %swap3A_176 = arith.index_cast %add3A_175 : i32 to index
        %swap3A_177 = tpu.vector_load %arg18[%swap3A_176] {strides = array<i32>} : memref<2048xi32, #tpu.memory_space<vmem>>, vector<16xi32>,
        %swap3A_178 = vector.shape_cast %swap3A_177 : vector<16xi32> to vector<16xi32>
        %swap3A_179 = vector.shape_cast %add3A_171 : vector<16xi32> to vector<16xi32>
        tpu.vector_store %arg18[%swap3A_176], %swap3A_179 {strides = array<i32>} : memref<2048xi32, #tpu.memory_space<vmem>>, vector<16xi32>,
        %add3A_180 = arith.constant 61440 : i32
        %add3A_181 = vector.broadcast %add3A_180 : i32 to vector<16xi32>
        %add3A_182 = arith.addi %add3A_181, %get3A_103 : vector<16xi32>
        %mul3A_183 = arith.constant 16 : i32
        %mul3A_184 = arith.muli %scan3A_93, %mul3A_183 : i32
        %add3A_185 = arith.constant 1536 : i32
        %add3A_186 = arith.addi %add3A_185, %mul3A_184 : i32
        %swap3A_187 = arith.index_cast %add3A_186 : i32 to index
        %swap3A_188 = tpu.vector_load %arg18[%swap3A_187] {strides = array<i32>} : memref<2048xi32, #tpu.memory_space<vmem>>, vector<16xi32>,
        %swap3A_189 = vector.shape_cast %swap3A_188 : vector<16xi32> to vector<16xi32>
        %swap3A_190 = vector.shape_cast %add3A_182 : vector<16xi32> to vector<16xi32>
        tpu.vector_store %arg18[%swap3A_187], %swap3A_190 {strides = array<i32>} : memref<2048xi32, #tpu.memory_space<vmem>>, vector<16xi32>,
        %add3A_191 = arith.constant 20480 : i32
        %add3A_192 = vector.broadcast %add3A_191 : i32 to vector<16xi32>
        %add3A_193 = arith.addi %add3A_192, %get3A_103 : vector<16xi32>
        %mul3A_194 = arith.constant 16 : i32
        %mul3A_195 = arith.muli %scan3A_93, %mul3A_194 : i32
        %add3A_196 = arith.constant 512 : i32
        %add3A_197 = arith.addi %add3A_196, %mul3A_195 : i32
        %swap3A_198 = arith.index_cast %add3A_197 : i32 to index
        %swap3A_199 = tpu.vector_load %arg20[%swap3A_198] {strides = array<i32>} : memref<1024xi32, #tpu.memory_space<vmem>>, vector<16xi32>,
        %swap3A_200 = vector.shape_cast %swap3A_199 : vector<16xi32> to vector<16xi32>
        %swap3A_201 = vector.shape_cast %add3A_193 : vector<16xi32> to vector<16xi32>
        tpu.vector_store %arg20[%swap3A_198], %swap3A_201 {strides = array<i32>} : memref<1024xi32, #tpu.memory_space<vmem>>, vector<16xi32>,
        %add3A_202 = arith.constant 30720 : i32
        %add3A_203 = vector.broadcast %add3A_202 : i32 to vector<16xi32>
        %add3A_204 = arith.addi %add3A_203, %get3A_98 : vector<16xi32>
        %mul3A_205 = arith.constant 16 : i32
        %mul3A_206 = arith.muli %scan3A_93, %mul3A_205 : i32
        %add3A_207 = arith.constant 768 : i32
        %add3A_208 = arith.addi %add3A_207, %mul3A_206 : i32
        %swap3A_209 = arith.index_cast %add3A_208 : i32 to index
        %swap3A_210 = tpu.vector_load %arg18[%swap3A_209] {strides = array<i32>} : memref<2048xi32, #tpu.memory_space<vmem>>, vector<16xi32>,
        %swap3A_211 = vector.shape_cast %swap3A_210 : vector<16xi32> to vector<16xi32>
        %swap3A_212 = vector.shape_cast %add3A_204 : vector<16xi32> to vector<16xi32>
        tpu.vector_store %arg18[%swap3A_209], %swap3A_212 {strides = array<i32>} : memref<2048xi32, #tpu.memory_space<vmem>>, vector<16xi32>,
        %add3A_213 = arith.constant 71680 : i32
        %add3A_214 = vector.broadcast %add3A_213 : i32 to vector<16xi32>
        %add3A_215 = arith.addi %add3A_214, %get3A_103 : vector<16xi32>
        %mul3A_216 = arith.constant 16 : i32
        %mul3A_217 = arith.muli %scan3A_93, %mul3A_216 : i32
        %add3A_218 = arith.constant 1792 : i32
        %add3A_219 = arith.addi %add3A_218, %mul3A_217 : i32
        %swap3A_220 = arith.index_cast %add3A_219 : i32 to index
        %swap3A_221 = tpu.vector_load %arg18[%swap3A_220] {strides = array<i32>} : memref<2048xi32, #tpu.memory_space<vmem>>, vector<16xi32>,
        %swap3A_222 = vector.shape_cast %swap3A_221 : vector<16xi32> to vector<16xi32>
        %swap3A_223 = vector.shape_cast %add3A_215 : vector<16xi32> to vector<16xi32>
        tpu.vector_store %arg18[%swap3A_220], %swap3A_223 {strides = array<i32>} : memref<2048xi32, #tpu.memory_space<vmem>>, vector<16xi32>,
        %add3A_224 = arith.constant 30720 : i32
        %add3A_225 = vector.broadcast %add3A_224 : i32 to vector<16xi32>
        %add3A_226 = arith.addi %add3A_225, %get3A_103 : vector<16xi32>
        %mul3A_227 = arith.constant 16 : i32
        %mul3A_228 = arith.muli %scan3A_93, %mul3A_227 : i32
        %add3A_229 = arith.constant 768 : i32
        %add3A_230 = arith.addi %add3A_229, %mul3A_228 : i32
        %swap3A_231 = arith.index_cast %add3A_230 : i32 to index
        %swap3A_232 = tpu.vector_load %arg20[%swap3A_231] {strides = array<i32>} : memref<1024xi32, #tpu.memory_space<vmem>>, vector<16xi32>,
        %swap3A_233 = vector.shape_cast %swap3A_232 : vector<16xi32> to vector<16xi32>
        %swap3A_234 = vector.shape_cast %add3A_226 : vector<16xi32> to vector<16xi32>
        tpu.vector_store %arg20[%swap3A_231], %swap3A_234 {strides = array<i32>} : memref<1024xi32, #tpu.memory_space<vmem>>, vector<16xi32>,
        %scan3A_235 = arith.constant 0 : i32
        scf.yield %scan3A_235 : i32
      }
      %scan3A_78 = arith.constant 16 : i32
      %dma_start3A = arith.constant 0 : i32
      %dma_start3A_79 = tpu.memref_slice %arg22[%dma_start3A] : memref<81920xf32, #tpu.memory_space<vmem_shared>> -> memref<81920xf32, #tpu.memory_space<vmem_shared>>
      tpu.enqueue_indirect_dma source(%dma_start3A_79 : memref<81920xf32, #tpu.memory_space<vmem_shared>>) target(%arg19 : memref<2048xf32, #tpu.memory_space<vmem>>) offsets(%arg18 : memref<2048xi32, #tpu.memory_space<vmem>>) semaphore(%arg24 : memref<!tpu.dma_semaphore, #tpu.memory_space<semaphore_mem>>)
      %dma_wait3A = arith.constant 0 : i32
      %dma_wait3A_80 = tpu.memref_slice %arg22[%dma_wait3A] : memref<81920xf32, #tpu.memory_space<vmem_shared>> -> memref<81920xf32, #tpu.memory_space<vmem_shared>>
      tpu.wait_indirect_dma semaphore(%arg24 : memref<!tpu.dma_semaphore, #tpu.memory_space<semaphore_mem>>) src(%dma_wait3A_80 : memref<81920xf32, #tpu.memory_space<vmem_shared>>) dst(%arg19 : memref<2048xf32, #tpu.memory_space<vmem>>)
      %scan3A_81 = arith.constant 0 : i32
      %scan3A_82 = arith.constant 0 : i32
      %scan3A_83 = arith.constant 16 : i32
      %scan3A_84 = arith.addi %scan3A_82, %scan3A_83 : i32
      %scan3A_85 = arith.constant 1 : i32
      %scan3A_86 = scf.for %scan3A_93 = %scan3A_82 to %scan3A_84 step %scan3A_85 iter_args(%scan3A_94 = %scan3A_81) -> (i32)  : i32 {
        %mul3A_95 = arith.constant 16 : i32
        %mul3A_96 = arith.muli %scan3A_93, %mul3A_95 : i32
        %add3A_97 = arith.constant 0 : i32
        %add3A_98 = arith.addi %add3A_97, %mul3A_96 : i32
        %get3A = arith.index_cast %add3A_98 : i32 to index
        %get3A_99 = tpu.vector_load %arg19[%get3A] {strides = array<i32>} : memref<2048xf32, #tpu.memory_space<vmem>>, vector<16xf32>,
        %get3A_100 = vector.shape_cast %get3A_99 : vector<16xf32> to vector<16xf32>
        %mul3A_101 = arith.constant 16 : i32
        %mul3A_102 = arith.muli %scan3A_93, %mul3A_101 : i32
        %add3A_103 = arith.constant 1024 : i32
        %add3A_104 = arith.addi %add3A_103, %mul3A_102 : i32
        %get3A_105 = arith.index_cast %add3A_104 : i32 to index
        %get3A_106 = tpu.vector_load %arg19[%get3A_105] {strides = array<i32>} : memref<2048xf32, #tpu.memory_space<vmem>>, vector<16xf32>,
        %get3A_107 = vector.shape_cast %get3A_106 : vector<16xf32> to vector<16xf32>
        %add3A_108 = arith.addf %get3A_100, %get3A_107 : vector<16xf32>
        %ge3A = arith.constant 0.000000e+00 : f32
        %ge3A_109 = vector.broadcast %ge3A : f32 to vector<16xf32>
        %ge3A_110 = arith.cmpf oge, %add3A_108, %ge3A_109 : vector<16xf32>
        %mul3A_111 = arith.constant 2.000000e-01 : f32
        %mul3A_112 = vector.broadcast %mul3A_111 : f32 to vector<16xf32>
        %mul3A_113 = arith.mulf %mul3A_112, %add3A_108 : vector<16xf32>
        %select_n3A = arith.select %ge3A_110, %add3A_108, %mul3A_113 : vector<16xi1>, vector<16xf32>
        %get3A_114 = arith.constant 0 : index
        %get3A_115 = tpu.vector_load %arg15[%get3A_114] {strides = array<i32>} : memref<64xf32, #tpu.memory_space<vmem>>, vector<16xf32>,
        %get3A_116 = vector.shape_cast %get3A_115 : vector<16xf32> to vector<16xf32>
        %sub3A = arith.subf %select_n3A, %get3A_116 : vector<16xf32>
        %exp3A = math.exp %sub3A : vector<16xf32>
        %mul3A_117 = arith.constant 16 : i32
        %mul3A_118 = arith.muli %scan3A_93, %mul3A_117 : i32
        %add3A_119 = arith.constant 0 : i32
        %add3A_120 = arith.addi %add3A_119, %mul3A_118 : i32
        %swap3A = arith.index_cast %add3A_120 : i32 to index
        %swap3A_121 = tpu.vector_load %arg21[%swap3A] {strides = array<i32>} : memref<1024xf32, #tpu.memory_space<vmem>>, vector<16xf32>,
        %swap3A_122 = vector.shape_cast %swap3A_121 : vector<16xf32> to vector<16xf32>
        %swap3A_123 = vector.shape_cast %exp3A : vector<16xf32> to vector<16xf32>
        tpu.vector_store %arg21[%swap3A], %swap3A_123 {strides = array<i32>} : memref<1024xf32, #tpu.memory_space<vmem>>, vector<16xf32>,
        %mul3A_124 = arith.constant 16 : i32
        %mul3A_125 = arith.muli %scan3A_93, %mul3A_124 : i32
        %add3A_126 = arith.constant 256 : i32
        %add3A_127 = arith.addi %add3A_126, %mul3A_125 : i32
        %get3A_128 = arith.index_cast %add3A_127 : i32 to index
        %get3A_129 = tpu.vector_load %arg19[%get3A_128] {strides = array<i32>} : memref<2048xf32, #tpu.memory_space<vmem>>, vector<16xf32>,
        %get3A_130 = vector.shape_cast %get3A_129 : vector<16xf32> to vector<16xf32>
        %mul3A_131 = arith.constant 16 : i32
        %mul3A_132 = arith.muli %scan3A_93, %mul3A_131 : i32
        %add3A_133 = arith.constant 1280 : i32
        %add3A_134 = arith.addi %add3A_133, %mul3A_132 : i32
        %get3A_135 = arith.index_cast %add3A_134 : i32 to index
        %get3A_136 = tpu.vector_load %arg19[%get3A_135] {strides = array<i32>} : memref<2048xf32, #tpu.memory_space<vmem>>, vector<16xf32>,
        %get3A_137 = vector.shape_cast %get3A_136 : vector<16xf32> to vector<16xf32>
        %add3A_138 = arith.addf %get3A_130, %get3A_137 : vector<16xf32>
        %ge3A_139 = arith.constant 0.000000e+00 : f32
        %ge3A_140 = vector.broadcast %ge3A_139 : f32 to vector<16xf32>
        %ge3A_141 = arith.cmpf oge, %add3A_138, %ge3A_140 : vector<16xf32>
        %mul3A_142 = arith.constant 2.000000e-01 : f32
        %mul3A_143 = vector.broadcast %mul3A_142 : f32 to vector<16xf32>
        %mul3A_144 = arith.mulf %mul3A_143, %add3A_138 : vector<16xf32>
        %select_n3A_145 = arith.select %ge3A_141, %add3A_138, %mul3A_144 : vector<16xi1>, vector<16xf32>
        %get3A_146 = arith.constant 16 : index
        %get3A_147 = tpu.vector_load %arg15[%get3A_146] {strides = array<i32>} : memref<64xf32, #tpu.memory_space<vmem>>, vector<16xf32>,
        %get3A_148 = vector.shape_cast %get3A_147 : vector<16xf32> to vector<16xf32>
        %sub3A_149 = arith.subf %select_n3A_145, %get3A_148 : vector<16xf32>
        %exp3A_150 = math.exp %sub3A_149 : vector<16xf32>
        %mul3A_151 = arith.constant 16 : i32
        %mul3A_152 = arith.muli %scan3A_93, %mul3A_151 : i32
        %add3A_153 = arith.constant 256 : i32
        %add3A_154 = arith.addi %add3A_153, %mul3A_152 : i32
        %swap3A_155 = arith.index_cast %add3A_154 : i32 to index
        %swap3A_156 = tpu.vector_load %arg21[%swap3A_155] {strides = array<i32>} : memref<1024xf32, #tpu.memory_space<vmem>>, vector<16xf32>,
        %swap3A_157 = vector.shape_cast %swap3A_156 : vector<16xf32> to vector<16xf32>
        %swap3A_158 = vector.shape_cast %exp3A_150 : vector<16xf32> to vector<16xf32>
        tpu.vector_store %arg21[%swap3A_155], %swap3A_158 {strides = array<i32>} : memref<1024xf32, #tpu.memory_space<vmem>>, vector<16xf32>,
        %mul3A_159 = arith.constant 16 : i32
        %mul3A_160 = arith.muli %scan3A_93, %mul3A_159 : i32
        %add3A_161 = arith.constant 512 : i32
        %add3A_162 = arith.addi %add3A_161, %mul3A_160 : i32
        %get3A_163 = arith.index_cast %add3A_162 : i32 to index
        %get3A_164 = tpu.vector_load %arg19[%get3A_163] {strides = array<i32>} : memref<2048xf32, #tpu.memory_space<vmem>>, vector<16xf32>,
        %get3A_165 = vector.shape_cast %get3A_164 : vector<16xf32> to vector<16xf32>
        %mul3A_166 = arith.constant 16 : i32
        %mul3A_167 = arith.muli %scan3A_93, %mul3A_166 : i32
        %add3A_168 = arith.constant 1536 : i32
        %add3A_169 = arith.addi %add3A_168, %mul3A_167 : i32
        %get3A_170 = arith.index_cast %add3A_169 : i32 to index
        %get3A_171 = tpu.vector_load %arg19[%get3A_170] {strides = array<i32>} : memref<2048xf32, #tpu.memory_space<vmem>>, vector<16xf32>,
        %get3A_172 = vector.shape_cast %get3A_171 : vector<16xf32> to vector<16xf32>
        %add3A_173 = arith.addf %get3A_165, %get3A_172 : vector<16xf32>
        %ge3A_174 = arith.constant 0.000000e+00 : f32
        %ge3A_175 = vector.broadcast %ge3A_174 : f32 to vector<16xf32>
        %ge3A_176 = arith.cmpf oge, %add3A_173, %ge3A_175 : vector<16xf32>
        %mul3A_177 = arith.constant 2.000000e-01 : f32
        %mul3A_178 = vector.broadcast %mul3A_177 : f32 to vector<16xf32>
        %mul3A_179 = arith.mulf %mul3A_178, %add3A_173 : vector<16xf32>
        %select_n3A_180 = arith.select %ge3A_176, %add3A_173, %mul3A_179 : vector<16xi1>, vector<16xf32>
        %get3A_181 = arith.constant 32 : index
        %get3A_182 = tpu.vector_load %arg15[%get3A_181] {strides = array<i32>} : memref<64xf32, #tpu.memory_space<vmem>>, vector<16xf32>,
        %get3A_183 = vector.shape_cast %get3A_182 : vector<16xf32> to vector<16xf32>
        %sub3A_184 = arith.subf %select_n3A_180, %get3A_183 : vector<16xf32>
        %exp3A_185 = math.exp %sub3A_184 : vector<16xf32>
        %mul3A_186 = arith.constant 16 : i32
        %mul3A_187 = arith.muli %scan3A_93, %mul3A_186 : i32
        %add3A_188 = arith.constant 512 : i32
        %add3A_189 = arith.addi %add3A_188, %mul3A_187 : i32
        %swap3A_190 = arith.index_cast %add3A_189 : i32 to index
        %swap3A_191 = tpu.vector_load %arg21[%swap3A_190] {strides = array<i32>} : memref<1024xf32, #tpu.memory_space<vmem>>, vector<16xf32>,
        %swap3A_192 = vector.shape_cast %swap3A_191 : vector<16xf32> to vector<16xf32>
        %swap3A_193 = vector.shape_cast %exp3A_185 : vector<16xf32> to vector<16xf32>
        tpu.vector_store %arg21[%swap3A_190], %swap3A_193 {strides = array<i32>} : memref<1024xf32, #tpu.memory_space<vmem>>, vector<16xf32>,
        %mul3A_194 = arith.constant 16 : i32
        %mul3A_195 = arith.muli %scan3A_93, %mul3A_194 : i32
        %add3A_196 = arith.constant 768 : i32
        %add3A_197 = arith.addi %add3A_196, %mul3A_195 : i32
        %get3A_198 = arith.index_cast %add3A_197 : i32 to index
        %get3A_199 = tpu.vector_load %arg19[%get3A_198] {strides = array<i32>} : memref<2048xf32, #tpu.memory_space<vmem>>, vector<16xf32>,
        %get3A_200 = vector.shape_cast %get3A_199 : vector<16xf32> to vector<16xf32>
        %mul3A_201 = arith.constant 16 : i32
        %mul3A_202 = arith.muli %scan3A_93, %mul3A_201 : i32
        %add3A_203 = arith.constant 1792 : i32
        %add3A_204 = arith.addi %add3A_203, %mul3A_202 : i32
        %get3A_205 = arith.index_cast %add3A_204 : i32 to index
        %get3A_206 = tpu.vector_load %arg19[%get3A_205] {strides = array<i32>} : memref<2048xf32, #tpu.memory_space<vmem>>, vector<16xf32>,
        %get3A_207 = vector.shape_cast %get3A_206 : vector<16xf32> to vector<16xf32>
        %add3A_208 = arith.addf %get3A_200, %get3A_207 : vector<16xf32>
        %ge3A_209 = arith.constant 0.000000e+00 : f32
        %ge3A_210 = vector.broadcast %ge3A_209 : f32 to vector<16xf32>
        %ge3A_211 = arith.cmpf oge, %add3A_208, %ge3A_210 : vector<16xf32>
        %mul3A_212 = arith.constant 2.000000e-01 : f32
        %mul3A_213 = vector.broadcast %mul3A_212 : f32 to vector<16xf32>
        %mul3A_214 = arith.mulf %mul3A_213, %add3A_208 : vector<16xf32>
        %select_n3A_215 = arith.select %ge3A_211, %add3A_208, %mul3A_214 : vector<16xi1>, vector<16xf32>
        %get3A_216 = arith.constant 48 : index
        %get3A_217 = tpu.vector_load %arg15[%get3A_216] {strides = array<i32>} : memref<64xf32, #tpu.memory_space<vmem>>, vector<16xf32>,
        %get3A_218 = vector.shape_cast %get3A_217 : vector<16xf32> to vector<16xf32>
        %sub3A_219 = arith.subf %select_n3A_215, %get3A_218 : vector<16xf32>
        %exp3A_220 = math.exp %sub3A_219 : vector<16xf32>
        %mul3A_221 = arith.constant 16 : i32
        %mul3A_222 = arith.muli %scan3A_93, %mul3A_221 : i32
        %add3A_223 = arith.constant 768 : i32
        %add3A_224 = arith.addi %add3A_223, %mul3A_222 : i32
        %swap3A_225 = arith.index_cast %add3A_224 : i32 to index
        %swap3A_226 = tpu.vector_load %arg21[%swap3A_225] {strides = array<i32>} : memref<1024xf32, #tpu.memory_space<vmem>>, vector<16xf32>,
        %swap3A_227 = vector.shape_cast %swap3A_226 : vector<16xf32> to vector<16xf32>
        %swap3A_228 = vector.shape_cast %exp3A_220 : vector<16xf32> to vector<16xf32>
        tpu.vector_store %arg21[%swap3A_225], %swap3A_228 {strides = array<i32>} : memref<1024xf32, #tpu.memory_space<vmem>>, vector<16xf32>,
        %scan3A_229 = arith.constant 0 : i32
        scf.yield %scan3A_229 : i32
      }
      %scan3A_87 = arith.constant 16 : i32
      %dma_start3A_88 = arith.constant 0 : i32
      %dma_start3A_89 = tpu.memref_slice %arg23[%dma_start3A_88] : memref<40960xf32, #tpu.memory_space<vmem_shared>> -> memref<40960xf32, #tpu.memory_space<vmem_shared>>
      tpu.enqueue_indirect_dma source(%arg21 : memref<1024xf32, #tpu.memory_space<vmem>>) target(%dma_start3A_89 : memref<40960xf32, #tpu.memory_space<vmem_shared>>) offsets(%arg20 : memref<1024xi32, #tpu.memory_space<vmem>>) semaphore(%arg24 : memref<!tpu.dma_semaphore, #tpu.memory_space<semaphore_mem>>) {add = true}
      %dma_wait3A_90 = arith.constant 0 : i32
      %dma_wait3A_91 = tpu.memref_slice %arg23[%dma_wait3A_90] : memref<40960xf32, #tpu.memory_space<vmem_shared>> -> memref<40960xf32, #tpu.memory_space<vmem_shared>>
      tpu.wait_indirect_dma semaphore(%arg24 : memref<!tpu.dma_semaphore, #tpu.memory_space<semaphore_mem>>) src(%arg21 : memref<1024xf32, #tpu.memory_space<vmem>>) dst(%dma_wait3A_91 : memref<40960xf32, #tpu.memory_space<vmem_shared>>)
      %scan3A_92 = arith.constant 0 : i32
      scf.yield %scan3A_92 : i32
    }
    %scan3A_56 = arith.constant 21 : i32
    %barrier3A_57 = arith.constant 0 : index
    tpu.barrier barrier_id(%barrier3A_57)
    %mul3A_58 = arith.constant 2560 : i32
    %mul3A_59 = arith.muli %arg1, %mul3A_58 : i32
    %mul3A_60 = arith.constant 2560 : i32
    %mul3A_61 = arith.muli %arg1, %mul3A_60 : i32
    "tpu.region"() ({
      %run_scoped3A = tpu.sem_alloc : memref<!tpu.dma_semaphore, #tpu.memory_space<semaphore_mem>>
      %dma_start3A = tpu.memref_slice %arg14[%arg0, %mul3A_61] : memref<2x40960xf32, #tpu.memory_space<hbm>> -> memref<1x2560xf32, #tpu.memory_space<hbm>>
      %dma_start3A_62 = tpu.memref_squeeze %dma_start3A : memref<1x2560xf32, #tpu.memory_space<hbm>> -> memref<2560xf32, #tpu.memory_space<hbm>>
      %dma_start3A_63 = tpu.memref_slice %arg23[%mul3A_59] : memref<40960xf32, #tpu.memory_space<vmem_shared>> -> memref<2560xf32, #tpu.memory_space<vmem_shared>>
      tpu.enqueue_dma source(%dma_start3A_63 : memref<2560xf32, #tpu.memory_space<vmem_shared>>) target(%dma_start3A_62 : memref<2560xf32, #tpu.memory_space<hbm>>) target_semaphore(%run_scoped3A : memref<!tpu.dma_semaphore, #tpu.memory_space<semaphore_mem>>)
      %dma_wait3A = tpu.memref_slice %arg14[%arg0, %mul3A_61] : memref<2x40960xf32, #tpu.memory_space<hbm>> -> memref<1x2560xf32, #tpu.memory_space<hbm>>
      %dma_wait3A_64 = tpu.memref_squeeze %dma_wait3A : memref<1x2560xf32, #tpu.memory_space<hbm>> -> memref<2560xf32, #tpu.memory_space<hbm>>
      %dma_wait3A_65 = tpu.memref_slice %arg23[%mul3A_59] : memref<40960xf32, #tpu.memory_space<vmem_shared>> -> memref<2560xf32, #tpu.memory_space<vmem_shared>>
      tpu.wait_dma2 semaphore(%run_scoped3A : memref<!tpu.dma_semaphore, #tpu.memory_space<semaphore_mem>>) src(%dma_wait3A_65 : memref<2560xf32, #tpu.memory_space<vmem_shared>>) dst(%dma_wait3A_64 : memref<2560xf32, #tpu.memory_space<hbm>>)
      tpu.yield
    }) : () -> ()
    return
  }
}

#map = affine_map<(d0, d1) -> (0)>
#map1 = affine_map<(d0, d1) -> (0, 0)>
#map2 = affine_map<(d0, d1) -> (0, 0, 0)>
module attributes {stable_mosaic.version = 14 : i64} {
  func.func @_k4b_gat1_edges(%arg0: i32, %arg1: i32, %arg2: memref<10240xf32, #tpu.memory_space<hbm>>, %arg3: memref<10240xf32, #tpu.memory_space<hbm>>, %arg4: memref<10240xf32, #tpu.memory_space<hbm>>, %arg5: memref<10240xf32, #tpu.memory_space<hbm>>, %arg6: memref<10240xf32, #tpu.memory_space<hbm>>, %arg7: memref<10240xf32, #tpu.memory_space<hbm>>, %arg8: memref<10240xf32, #tpu.memory_space<hbm>>, %arg9: memref<10240xf32, #tpu.memory_space<hbm>>, %arg10: memref<10240x128xf32, #tpu.memory_space<hbm>>, %arg11: memref<172032xi32, #tpu.memory_space<hbm>>, %arg12: memref<172032xi32, #tpu.memory_space<hbm>>, %arg13: memref<64xf32, #tpu.memory_space<hbm>>, %arg14: memref<2x40960xf32, #tpu.memory_space<hbm>>, %arg15: memref<640x128xf32, #tpu.memory_space<hbm>>, %arg16: memref<2x10240x128xf32, #tpu.memory_space<hbm>>, %arg17: memref<64xf32, #tpu.memory_space<vmem>>, %arg18: memref<128xi32, #tpu.memory_space<vmem>>, %arg19: memref<128xi32, #tpu.memory_space<vmem>>, %arg20: memref<2048xi32, #tpu.memory_space<vmem>>, %arg21: memref<2048xf32, #tpu.memory_space<vmem>>, %arg22: memref<1024xi32, #tpu.memory_space<vmem>>, %arg23: memref<1024xf32, #tpu.memory_space<vmem>>, %arg24: memref<512xf32, #tpu.memory_space<vmem>>, %arg25: memref<512xf32, #tpu.memory_space<vmem>>, %arg26: memref<144xf32, #tpu.memory_space<vmem>>, %arg27: memref<144xf32, #tpu.memory_space<vmem>>, %arg28: memref<144xf32, #tpu.memory_space<vmem>>, %arg29: memref<144xf32, #tpu.memory_space<vmem>>, %arg30: memref<128x128xf32, #tpu.memory_space<vmem>>, %arg31: memref<128x128xf32, #tpu.memory_space<vmem>>, %arg32: memref<81920xf32, #tpu.memory_space<vmem_shared>>, %arg33: memref<40960xf32, #tpu.memory_space<vmem_shared>>, %arg34: memref<10240x128xf32, #tpu.memory_space<vmem_shared>>, %arg35: memref<!tpu.dma_semaphore, #tpu.memory_space<semaphore_mem>>) attributes {dimension_semantics = [#tpu.dimension_semantics<core_parallel>, #tpu.dimension_semantics<subcore_parallel>], iteration_bounds = array<i64: 2, 16>, scalar_prefetch = 0 : i64, scratch_operands = 19 : i64, tpu.core_type = #tpu.core_type<sc_vector_subcore>, window_params = [{transform_indices = #map}, {transform_indices = #map}, {transform_indices = #map}, {transform_indices = #map}, {transform_indices = #map}, {transform_indices = #map}, {transform_indices = #map}, {transform_indices = #map}, {transform_indices = #map1}, {transform_indices = #map}, {transform_indices = #map}, {transform_indices = #map}, {transform_indices = #map1}, {transform_indices = #map1}, {transform_indices = #map2}]} {
    "tpu.region"() ({
      %run_scoped3A_123 = tpu.sem_alloc : memref<!tpu.dma_semaphore, #tpu.memory_space<semaphore_mem>>
      tpu.enqueue_dma source(%arg13 : memref<64xf32, #tpu.memory_space<hbm>>) target(%arg17 : memref<64xf32, #tpu.memory_space<vmem>>) target_semaphore(%run_scoped3A_123 : memref<!tpu.dma_semaphore, #tpu.memory_space<semaphore_mem>>)
      tpu.wait_dma2 semaphore(%run_scoped3A_123 : memref<!tpu.dma_semaphore, #tpu.memory_space<semaphore_mem>>) src(%arg13 : memref<64xf32, #tpu.memory_space<hbm>>) dst(%arg17 : memref<64xf32, #tpu.memory_space<vmem>>)
      tpu.yield
    }) : () -> ()
    %eq3A = arith.constant 0 : i32
    %eq3A_0 = arith.cmpi eq, %arg1, %eq3A : i32
    %convert_element_type3A = arith.extui %eq3A_0 : i1 to i32
    %cond3A = arith.constant 0 : i32
    %cond3A_1 = arith.cmpi ne, %convert_element_type3A, %cond3A : i32
    scf.if %cond3A_1 {
      "tpu.region"() ({
        %run_scoped3A_123 = tpu.sem_alloc : memref<!tpu.dma_semaphore, #tpu.memory_space<semaphore_mem>>
        %dma_start3A = arith.constant 0 : i32
        %dma_start3A_124 = tpu.memref_slice %arg32[%dma_start3A] : memref<81920xf32, #tpu.memory_space<vmem_shared>> -> memref<10240xf32, #tpu.memory_space<vmem_shared>>
        tpu.enqueue_dma source(%arg2 : memref<10240xf32, #tpu.memory_space<hbm>>) target(%dma_start3A_124 : memref<10240xf32, #tpu.memory_space<vmem_shared>>) target_semaphore(%run_scoped3A_123 : memref<!tpu.dma_semaphore, #tpu.memory_space<semaphore_mem>>)
        %dma_wait3A = arith.constant 0 : i32
        %dma_wait3A_125 = tpu.memref_slice %arg32[%dma_wait3A] : memref<81920xf32, #tpu.memory_space<vmem_shared>> -> memref<10240xf32, #tpu.memory_space<vmem_shared>>
        tpu.wait_dma2 semaphore(%run_scoped3A_123 : memref<!tpu.dma_semaphore, #tpu.memory_space<semaphore_mem>>) src(%arg2 : memref<10240xf32, #tpu.memory_space<hbm>>) dst(%dma_wait3A_125 : memref<10240xf32, #tpu.memory_space<vmem_shared>>)
        tpu.yield
      }) : () -> ()
    } else {
    }
    %eq3A_2 = arith.constant 1 : i32
    %eq3A_3 = arith.cmpi eq, %arg1, %eq3A_2 : i32
    %convert_element_type3A_4 = arith.extui %eq3A_3 : i1 to i32
    %cond3A_5 = arith.constant 0 : i32
    %cond3A_6 = arith.cmpi ne, %convert_element_type3A_4, %cond3A_5 : i32
    scf.if %cond3A_6 {
      "tpu.region"() ({
        %run_scoped3A_123 = tpu.sem_alloc : memref<!tpu.dma_semaphore, #tpu.memory_space<semaphore_mem>>
        %dma_start3A = arith.constant 10240 : i32
        %dma_start3A_124 = tpu.memref_slice %arg32[%dma_start3A] : memref<81920xf32, #tpu.memory_space<vmem_shared>> -> memref<10240xf32, #tpu.memory_space<vmem_shared>>
        tpu.enqueue_dma source(%arg3 : memref<10240xf32, #tpu.memory_space<hbm>>) target(%dma_start3A_124 : memref<10240xf32, #tpu.memory_space<vmem_shared>>) target_semaphore(%run_scoped3A_123 : memref<!tpu.dma_semaphore, #tpu.memory_space<semaphore_mem>>)
        %dma_wait3A = arith.constant 10240 : i32
        %dma_wait3A_125 = tpu.memref_slice %arg32[%dma_wait3A] : memref<81920xf32, #tpu.memory_space<vmem_shared>> -> memref<10240xf32, #tpu.memory_space<vmem_shared>>
        tpu.wait_dma2 semaphore(%run_scoped3A_123 : memref<!tpu.dma_semaphore, #tpu.memory_space<semaphore_mem>>) src(%arg3 : memref<10240xf32, #tpu.memory_space<hbm>>) dst(%dma_wait3A_125 : memref<10240xf32, #tpu.memory_space<vmem_shared>>)
        tpu.yield
      }) : () -> ()
    } else {
    }
    %eq3A_7 = arith.constant 2 : i32
    %eq3A_8 = arith.cmpi eq, %arg1, %eq3A_7 : i32
    %convert_element_type3A_9 = arith.extui %eq3A_8 : i1 to i32
    %cond3A_10 = arith.constant 0 : i32
    %cond3A_11 = arith.cmpi ne, %convert_element_type3A_9, %cond3A_10 : i32
    scf.if %cond3A_11 {
      "tpu.region"() ({
        %run_scoped3A_123 = tpu.sem_alloc : memref<!tpu.dma_semaphore, #tpu.memory_space<semaphore_mem>>
        %dma_start3A = arith.constant 20480 : i32
        %dma_start3A_124 = tpu.memref_slice %arg32[%dma_start3A] : memref<81920xf32, #tpu.memory_space<vmem_shared>> -> memref<10240xf32, #tpu.memory_space<vmem_shared>>
        tpu.enqueue_dma source(%arg4 : memref<10240xf32, #tpu.memory_space<hbm>>) target(%dma_start3A_124 : memref<10240xf32, #tpu.memory_space<vmem_shared>>) target_semaphore(%run_scoped3A_123 : memref<!tpu.dma_semaphore, #tpu.memory_space<semaphore_mem>>)
        %dma_wait3A = arith.constant 20480 : i32
        %dma_wait3A_125 = tpu.memref_slice %arg32[%dma_wait3A] : memref<81920xf32, #tpu.memory_space<vmem_shared>> -> memref<10240xf32, #tpu.memory_space<vmem_shared>>
        tpu.wait_dma2 semaphore(%run_scoped3A_123 : memref<!tpu.dma_semaphore, #tpu.memory_space<semaphore_mem>>) src(%arg4 : memref<10240xf32, #tpu.memory_space<hbm>>) dst(%dma_wait3A_125 : memref<10240xf32, #tpu.memory_space<vmem_shared>>)
        tpu.yield
      }) : () -> ()
    } else {
    }
    %eq3A_12 = arith.constant 3 : i32
    %eq3A_13 = arith.cmpi eq, %arg1, %eq3A_12 : i32
    %convert_element_type3A_14 = arith.extui %eq3A_13 : i1 to i32
    %cond3A_15 = arith.constant 0 : i32
    %cond3A_16 = arith.cmpi ne, %convert_element_type3A_14, %cond3A_15 : i32
    scf.if %cond3A_16 {
      "tpu.region"() ({
        %run_scoped3A_123 = tpu.sem_alloc : memref<!tpu.dma_semaphore, #tpu.memory_space<semaphore_mem>>
        %dma_start3A = arith.constant 30720 : i32
        %dma_start3A_124 = tpu.memref_slice %arg32[%dma_start3A] : memref<81920xf32, #tpu.memory_space<vmem_shared>> -> memref<10240xf32, #tpu.memory_space<vmem_shared>>
        tpu.enqueue_dma source(%arg5 : memref<10240xf32, #tpu.memory_space<hbm>>) target(%dma_start3A_124 : memref<10240xf32, #tpu.memory_space<vmem_shared>>) target_semaphore(%run_scoped3A_123 : memref<!tpu.dma_semaphore, #tpu.memory_space<semaphore_mem>>)
        %dma_wait3A = arith.constant 30720 : i32
        %dma_wait3A_125 = tpu.memref_slice %arg32[%dma_wait3A] : memref<81920xf32, #tpu.memory_space<vmem_shared>> -> memref<10240xf32, #tpu.memory_space<vmem_shared>>
        tpu.wait_dma2 semaphore(%run_scoped3A_123 : memref<!tpu.dma_semaphore, #tpu.memory_space<semaphore_mem>>) src(%arg5 : memref<10240xf32, #tpu.memory_space<hbm>>) dst(%dma_wait3A_125 : memref<10240xf32, #tpu.memory_space<vmem_shared>>)
        tpu.yield
      }) : () -> ()
    } else {
    }
    %eq3A_17 = arith.constant 4 : i32
    %eq3A_18 = arith.cmpi eq, %arg1, %eq3A_17 : i32
    %convert_element_type3A_19 = arith.extui %eq3A_18 : i1 to i32
    %cond3A_20 = arith.constant 0 : i32
    %cond3A_21 = arith.cmpi ne, %convert_element_type3A_19, %cond3A_20 : i32
    scf.if %cond3A_21 {
      "tpu.region"() ({
        %run_scoped3A_123 = tpu.sem_alloc : memref<!tpu.dma_semaphore, #tpu.memory_space<semaphore_mem>>
        %dma_start3A = arith.constant 40960 : i32
        %dma_start3A_124 = tpu.memref_slice %arg32[%dma_start3A] : memref<81920xf32, #tpu.memory_space<vmem_shared>> -> memref<10240xf32, #tpu.memory_space<vmem_shared>>
        tpu.enqueue_dma source(%arg6 : memref<10240xf32, #tpu.memory_space<hbm>>) target(%dma_start3A_124 : memref<10240xf32, #tpu.memory_space<vmem_shared>>) target_semaphore(%run_scoped3A_123 : memref<!tpu.dma_semaphore, #tpu.memory_space<semaphore_mem>>)
        %dma_wait3A = arith.constant 40960 : i32
        %dma_wait3A_125 = tpu.memref_slice %arg32[%dma_wait3A] : memref<81920xf32, #tpu.memory_space<vmem_shared>> -> memref<10240xf32, #tpu.memory_space<vmem_shared>>
        tpu.wait_dma2 semaphore(%run_scoped3A_123 : memref<!tpu.dma_semaphore, #tpu.memory_space<semaphore_mem>>) src(%arg6 : memref<10240xf32, #tpu.memory_space<hbm>>) dst(%dma_wait3A_125 : memref<10240xf32, #tpu.memory_space<vmem_shared>>)
        tpu.yield
      }) : () -> ()
    } else {
    }
    %eq3A_22 = arith.constant 5 : i32
    %eq3A_23 = arith.cmpi eq, %arg1, %eq3A_22 : i32
    %convert_element_type3A_24 = arith.extui %eq3A_23 : i1 to i32
    %cond3A_25 = arith.constant 0 : i32
    %cond3A_26 = arith.cmpi ne, %convert_element_type3A_24, %cond3A_25 : i32
    scf.if %cond3A_26 {
      "tpu.region"() ({
        %run_scoped3A_123 = tpu.sem_alloc : memref<!tpu.dma_semaphore, #tpu.memory_space<semaphore_mem>>
        %dma_start3A = arith.constant 51200 : i32
        %dma_start3A_124 = tpu.memref_slice %arg32[%dma_start3A] : memref<81920xf32, #tpu.memory_space<vmem_shared>> -> memref<10240xf32, #tpu.memory_space<vmem_shared>>
        tpu.enqueue_dma source(%arg7 : memref<10240xf32, #tpu.memory_space<hbm>>) target(%dma_start3A_124 : memref<10240xf32, #tpu.memory_space<vmem_shared>>) target_semaphore(%run_scoped3A_123 : memref<!tpu.dma_semaphore, #tpu.memory_space<semaphore_mem>>)
        %dma_wait3A = arith.constant 51200 : i32
        %dma_wait3A_125 = tpu.memref_slice %arg32[%dma_wait3A] : memref<81920xf32, #tpu.memory_space<vmem_shared>> -> memref<10240xf32, #tpu.memory_space<vmem_shared>>
        tpu.wait_dma2 semaphore(%run_scoped3A_123 : memref<!tpu.dma_semaphore, #tpu.memory_space<semaphore_mem>>) src(%arg7 : memref<10240xf32, #tpu.memory_space<hbm>>) dst(%dma_wait3A_125 : memref<10240xf32, #tpu.memory_space<vmem_shared>>)
        tpu.yield
      }) : () -> ()
    } else {
    }
    %eq3A_27 = arith.constant 6 : i32
    %eq3A_28 = arith.cmpi eq, %arg1, %eq3A_27 : i32
    %convert_element_type3A_29 = arith.extui %eq3A_28 : i1 to i32
    %cond3A_30 = arith.constant 0 : i32
    %cond3A_31 = arith.cmpi ne, %convert_element_type3A_29, %cond3A_30 : i32
    scf.if %cond3A_31 {
      "tpu.region"() ({
        %run_scoped3A_123 = tpu.sem_alloc : memref<!tpu.dma_semaphore, #tpu.memory_space<semaphore_mem>>
        %dma_start3A = arith.constant 61440 : i32
        %dma_start3A_124 = tpu.memref_slice %arg32[%dma_start3A] : memref<81920xf32, #tpu.memory_space<vmem_shared>> -> memref<10240xf32, #tpu.memory_space<vmem_shared>>
        tpu.enqueue_dma source(%arg8 : memref<10240xf32, #tpu.memory_space<hbm>>) target(%dma_start3A_124 : memref<10240xf32, #tpu.memory_space<vmem_shared>>) target_semaphore(%run_scoped3A_123 : memref<!tpu.dma_semaphore, #tpu.memory_space<semaphore_mem>>)
        %dma_wait3A = arith.constant 61440 : i32
        %dma_wait3A_125 = tpu.memref_slice %arg32[%dma_wait3A] : memref<81920xf32, #tpu.memory_space<vmem_shared>> -> memref<10240xf32, #tpu.memory_space<vmem_shared>>
        tpu.wait_dma2 semaphore(%run_scoped3A_123 : memref<!tpu.dma_semaphore, #tpu.memory_space<semaphore_mem>>) src(%arg8 : memref<10240xf32, #tpu.memory_space<hbm>>) dst(%dma_wait3A_125 : memref<10240xf32, #tpu.memory_space<vmem_shared>>)
        tpu.yield
      }) : () -> ()
    } else {
    }
    %eq3A_32 = arith.constant 7 : i32
    %eq3A_33 = arith.cmpi eq, %arg1, %eq3A_32 : i32
    %convert_element_type3A_34 = arith.extui %eq3A_33 : i1 to i32
    %cond3A_35 = arith.constant 0 : i32
    %cond3A_36 = arith.cmpi ne, %convert_element_type3A_34, %cond3A_35 : i32
    scf.if %cond3A_36 {
      "tpu.region"() ({
        %run_scoped3A_123 = tpu.sem_alloc : memref<!tpu.dma_semaphore, #tpu.memory_space<semaphore_mem>>
        %dma_start3A = arith.constant 71680 : i32
        %dma_start3A_124 = tpu.memref_slice %arg32[%dma_start3A] : memref<81920xf32, #tpu.memory_space<vmem_shared>> -> memref<10240xf32, #tpu.memory_space<vmem_shared>>
        tpu.enqueue_dma source(%arg9 : memref<10240xf32, #tpu.memory_space<hbm>>) target(%dma_start3A_124 : memref<10240xf32, #tpu.memory_space<vmem_shared>>) target_semaphore(%run_scoped3A_123 : memref<!tpu.dma_semaphore, #tpu.memory_space<semaphore_mem>>)
        %dma_wait3A = arith.constant 71680 : i32
        %dma_wait3A_125 = tpu.memref_slice %arg32[%dma_wait3A] : memref<81920xf32, #tpu.memory_space<vmem_shared>> -> memref<10240xf32, #tpu.memory_space<vmem_shared>>
        tpu.wait_dma2 semaphore(%run_scoped3A_123 : memref<!tpu.dma_semaphore, #tpu.memory_space<semaphore_mem>>) src(%arg9 : memref<10240xf32, #tpu.memory_space<hbm>>) dst(%dma_wait3A_125 : memref<10240xf32, #tpu.memory_space<vmem_shared>>)
        tpu.yield
      }) : () -> ()
    } else {
    }
    %mul3A = arith.constant 640 : i32
    %mul3A_37 = arith.muli %arg1, %mul3A : i32
    %multiple_of3A = tpu.assume_multiple %mul3A_37, 640 : i32
    "tpu.region"() ({
      %run_scoped3A_123 = tpu.sem_alloc : memref<!tpu.dma_semaphore, #tpu.memory_space<semaphore_mem>>
      %dma_start3A = arith.constant 0 : i32
      %dma_start3A_124 = tpu.memref_slice %arg34[%multiple_of3A, %dma_start3A] : memref<10240x128xf32, #tpu.memory_space<vmem_shared>> -> memref<640x128xf32, #tpu.memory_space<vmem_shared>>
      tpu.enqueue_dma source(%arg15 : memref<640x128xf32, #tpu.memory_space<hbm>>) target(%dma_start3A_124 : memref<640x128xf32, #tpu.memory_space<vmem_shared>>) target_semaphore(%run_scoped3A_123 : memref<!tpu.dma_semaphore, #tpu.memory_space<semaphore_mem>>)
      %dma_wait3A = arith.constant 0 : i32
      %dma_wait3A_125 = tpu.memref_slice %arg34[%multiple_of3A, %dma_wait3A] : memref<10240x128xf32, #tpu.memory_space<vmem_shared>> -> memref<640x128xf32, #tpu.memory_space<vmem_shared>>
      tpu.wait_dma2 semaphore(%run_scoped3A_123 : memref<!tpu.dma_semaphore, #tpu.memory_space<semaphore_mem>>) src(%arg15 : memref<640x128xf32, #tpu.memory_space<hbm>>) dst(%dma_wait3A_125 : memref<640x128xf32, #tpu.memory_space<vmem_shared>>)
      tpu.yield
    }) : () -> ()
    %mul3A_38 = arith.constant 2560 : i32
    %mul3A_39 = arith.muli %arg1, %mul3A_38 : i32
    %add3A = arith.constant 0 : i32
    %add3A_40 = arith.addi %mul3A_39, %add3A : i32
    %multiple_of3A_41 = tpu.assume_multiple %add3A_40, 512 : i32
    %run_scoped3A = arith.constant 0 : i32
    "tpu.region"() ({
      %run_scoped3A_123 = tpu.sem_alloc : memref<!tpu.dma_semaphore, #tpu.memory_space<semaphore_mem>>
      %dma_start3A = tpu.memref_slice %arg14[%run_scoped3A, %multiple_of3A_41] : memref<2x40960xf32, #tpu.memory_space<hbm>> -> memref<1x512xf32, #tpu.memory_space<hbm>>
      %dma_start3A_124 = tpu.memref_squeeze %dma_start3A : memref<1x512xf32, #tpu.memory_space<hbm>> -> memref<512xf32, #tpu.memory_space<hbm>>
      %dma_start3A_125 = tpu.memref_slice %arg14[%run_scoped3A, %multiple_of3A_41] : memref<2x40960xf32, #tpu.memory_space<hbm>> -> memref<1x512xf32, #tpu.memory_space<hbm>>
      %dma_start3A_126 = tpu.memref_squeeze %dma_start3A_125 : memref<1x512xf32, #tpu.memory_space<hbm>> -> memref<512xf32, #tpu.memory_space<hbm>>
      tpu.enqueue_dma source(%dma_start3A_126 : memref<512xf32, #tpu.memory_space<hbm>>) target(%arg24 : memref<512xf32, #tpu.memory_space<vmem>>) target_semaphore(%run_scoped3A_123 : memref<!tpu.dma_semaphore, #tpu.memory_space<semaphore_mem>>)
      %dma_wait3A = tpu.memref_slice %arg14[%run_scoped3A, %multiple_of3A_41] : memref<2x40960xf32, #tpu.memory_space<hbm>> -> memref<1x512xf32, #tpu.memory_space<hbm>>
      %dma_wait3A_127 = tpu.memref_squeeze %dma_wait3A : memref<1x512xf32, #tpu.memory_space<hbm>> -> memref<512xf32, #tpu.memory_space<hbm>>
      %dma_wait3A_128 = tpu.memref_slice %arg14[%run_scoped3A, %multiple_of3A_41] : memref<2x40960xf32, #tpu.memory_space<hbm>> -> memref<1x512xf32, #tpu.memory_space<hbm>>
      %dma_wait3A_129 = tpu.memref_squeeze %dma_wait3A_128 : memref<1x512xf32, #tpu.memory_space<hbm>> -> memref<512xf32, #tpu.memory_space<hbm>>
      tpu.wait_dma2 semaphore(%run_scoped3A_123 : memref<!tpu.dma_semaphore, #tpu.memory_space<semaphore_mem>>) src(%dma_wait3A_129 : memref<512xf32, #tpu.memory_space<hbm>>) dst(%arg24 : memref<512xf32, #tpu.memory_space<vmem>>)
      tpu.yield
    }) : () -> ()
    %run_scoped3A_42 = arith.constant 1 : i32
    "tpu.region"() ({
      %run_scoped3A_123 = tpu.sem_alloc : memref<!tpu.dma_semaphore, #tpu.memory_space<semaphore_mem>>
      %dma_start3A = tpu.memref_slice %arg14[%run_scoped3A_42, %multiple_of3A_41] : memref<2x40960xf32, #tpu.memory_space<hbm>> -> memref<1x512xf32, #tpu.memory_space<hbm>>
      %dma_start3A_124 = tpu.memref_squeeze %dma_start3A : memref<1x512xf32, #tpu.memory_space<hbm>> -> memref<512xf32, #tpu.memory_space<hbm>>
      %dma_start3A_125 = tpu.memref_slice %arg14[%run_scoped3A_42, %multiple_of3A_41] : memref<2x40960xf32, #tpu.memory_space<hbm>> -> memref<1x512xf32, #tpu.memory_space<hbm>>
      %dma_start3A_126 = tpu.memref_squeeze %dma_start3A_125 : memref<1x512xf32, #tpu.memory_space<hbm>> -> memref<512xf32, #tpu.memory_space<hbm>>
      tpu.enqueue_dma source(%dma_start3A_126 : memref<512xf32, #tpu.memory_space<hbm>>) target(%arg25 : memref<512xf32, #tpu.memory_space<vmem>>) target_semaphore(%run_scoped3A_123 : memref<!tpu.dma_semaphore, #tpu.memory_space<semaphore_mem>>)
      %dma_wait3A = tpu.memref_slice %arg14[%run_scoped3A_42, %multiple_of3A_41] : memref<2x40960xf32, #tpu.memory_space<hbm>> -> memref<1x512xf32, #tpu.memory_space<hbm>>
      %dma_wait3A_127 = tpu.memref_squeeze %dma_wait3A : memref<1x512xf32, #tpu.memory_space<hbm>> -> memref<512xf32, #tpu.memory_space<hbm>>
      %dma_wait3A_128 = tpu.memref_slice %arg14[%run_scoped3A_42, %multiple_of3A_41] : memref<2x40960xf32, #tpu.memory_space<hbm>> -> memref<1x512xf32, #tpu.memory_space<hbm>>
      %dma_wait3A_129 = tpu.memref_squeeze %dma_wait3A_128 : memref<1x512xf32, #tpu.memory_space<hbm>> -> memref<512xf32, #tpu.memory_space<hbm>>
      tpu.wait_dma2 semaphore(%run_scoped3A_123 : memref<!tpu.dma_semaphore, #tpu.memory_space<semaphore_mem>>) src(%dma_wait3A_129 : memref<512xf32, #tpu.memory_space<hbm>>) dst(%arg25 : memref<512xf32, #tpu.memory_space<vmem>>)
      tpu.yield
    }) : () -> ()
    %scan3A = arith.constant 0 : i32
    %scan3A_43 = arith.constant 0 : i32
    %scan3A_44 = arith.constant 32 : i32
    %scan3A_45 = arith.addi %scan3A_43, %scan3A_44 : i32
    %scan3A_46 = arith.constant 1 : i32
    %scan3A_47 = scf.for %scan3A_123 = %scan3A_43 to %scan3A_45 step %scan3A_46 iter_args(%scan3A_124 = %scan3A) -> (i32)  : i32 {
      %mul3A_125 = arith.constant 16 : i32
      %mul3A_126 = arith.muli %scan3A_123, %mul3A_125 : i32
      %get3A = arith.index_cast %mul3A_126 : i32 to index
      %get3A_127 = tpu.vector_load %arg24[%get3A] {strides = array<i32>} : memref<512xf32, #tpu.memory_space<vmem>>, vector<16xf32>,
      %get3A_128 = vector.shape_cast %get3A_127 : vector<16xf32> to vector<16xf32>
      %get3A_129 = arith.index_cast %mul3A_126 : i32 to index
      %get3A_130 = tpu.vector_load %arg25[%get3A_129] {strides = array<i32>} : memref<512xf32, #tpu.memory_space<vmem>>, vector<16xf32>,
      %get3A_131 = vector.shape_cast %get3A_130 : vector<16xf32> to vector<16xf32>
      %add3A_132 = arith.addf %get3A_128, %get3A_131 : vector<16xf32>
      %swap3A = arith.index_cast %mul3A_126 : i32 to index
      %swap3A_133 = tpu.vector_load %arg24[%swap3A] {strides = array<i32>} : memref<512xf32, #tpu.memory_space<vmem>>, vector<16xf32>,
      %swap3A_134 = vector.shape_cast %swap3A_133 : vector<16xf32> to vector<16xf32>
      %swap3A_135 = vector.shape_cast %add3A_132 : vector<16xf32> to vector<16xf32>
      tpu.vector_store %arg24[%swap3A], %swap3A_135 {strides = array<i32>} : memref<512xf32, #tpu.memory_space<vmem>>, vector<16xf32>,
      %scan3A_136 = arith.constant 0 : i32
      scf.yield %scan3A_136 : i32
    }
    %scan3A_48 = arith.constant 32 : i32
    "tpu.region"() ({
      %run_scoped3A_123 = tpu.sem_alloc : memref<!tpu.dma_semaphore, #tpu.memory_space<semaphore_mem>>
      %dma_start3A = tpu.memref_slice %arg33[%multiple_of3A_41] : memref<40960xf32, #tpu.memory_space<vmem_shared>> -> memref<512xf32, #tpu.memory_space<vmem_shared>>
      %dma_start3A_124 = tpu.memref_slice %arg33[%multiple_of3A_41] : memref<40960xf32, #tpu.memory_space<vmem_shared>> -> memref<512xf32, #tpu.memory_space<vmem_shared>>
      tpu.enqueue_dma source(%arg24 : memref<512xf32, #tpu.memory_space<vmem>>) target(%dma_start3A_124 : memref<512xf32, #tpu.memory_space<vmem_shared>>) target_semaphore(%run_scoped3A_123 : memref<!tpu.dma_semaphore, #tpu.memory_space<semaphore_mem>>)
      %dma_wait3A = tpu.memref_slice %arg33[%multiple_of3A_41] : memref<40960xf32, #tpu.memory_space<vmem_shared>> -> memref<512xf32, #tpu.memory_space<vmem_shared>>
      %dma_wait3A_125 = tpu.memref_slice %arg33[%multiple_of3A_41] : memref<40960xf32, #tpu.memory_space<vmem_shared>> -> memref<512xf32, #tpu.memory_space<vmem_shared>>
      tpu.wait_dma2 semaphore(%run_scoped3A_123 : memref<!tpu.dma_semaphore, #tpu.memory_space<semaphore_mem>>) src(%arg24 : memref<512xf32, #tpu.memory_space<vmem>>) dst(%dma_wait3A_125 : memref<512xf32, #tpu.memory_space<vmem_shared>>)
      tpu.yield
    }) : () -> ()
    %mul3A_49 = arith.constant 2560 : i32
    %mul3A_50 = arith.muli %arg1, %mul3A_49 : i32
    %add3A_51 = arith.constant 512 : i32
    %add3A_52 = arith.addi %mul3A_50, %add3A_51 : i32
    %multiple_of3A_53 = tpu.assume_multiple %add3A_52, 512 : i32
    %run_scoped3A_54 = arith.constant 0 : i32
    "tpu.region"() ({
      %run_scoped3A_123 = tpu.sem_alloc : memref<!tpu.dma_semaphore, #tpu.memory_space<semaphore_mem>>
      %dma_start3A = tpu.memref_slice %arg14[%run_scoped3A_54, %multiple_of3A_53] : memref<2x40960xf32, #tpu.memory_space<hbm>> -> memref<1x512xf32, #tpu.memory_space<hbm>>
      %dma_start3A_124 = tpu.memref_squeeze %dma_start3A : memref<1x512xf32, #tpu.memory_space<hbm>> -> memref<512xf32, #tpu.memory_space<hbm>>
      %dma_start3A_125 = tpu.memref_slice %arg14[%run_scoped3A_54, %multiple_of3A_53] : memref<2x40960xf32, #tpu.memory_space<hbm>> -> memref<1x512xf32, #tpu.memory_space<hbm>>
      %dma_start3A_126 = tpu.memref_squeeze %dma_start3A_125 : memref<1x512xf32, #tpu.memory_space<hbm>> -> memref<512xf32, #tpu.memory_space<hbm>>
      tpu.enqueue_dma source(%dma_start3A_126 : memref<512xf32, #tpu.memory_space<hbm>>) target(%arg24 : memref<512xf32, #tpu.memory_space<vmem>>) target_semaphore(%run_scoped3A_123 : memref<!tpu.dma_semaphore, #tpu.memory_space<semaphore_mem>>)
      %dma_wait3A = tpu.memref_slice %arg14[%run_scoped3A_54, %multiple_of3A_53] : memref<2x40960xf32, #tpu.memory_space<hbm>> -> memref<1x512xf32, #tpu.memory_space<hbm>>
      %dma_wait3A_127 = tpu.memref_squeeze %dma_wait3A : memref<1x512xf32, #tpu.memory_space<hbm>> -> memref<512xf32, #tpu.memory_space<hbm>>
      %dma_wait3A_128 = tpu.memref_slice %arg14[%run_scoped3A_54, %multiple_of3A_53] : memref<2x40960xf32, #tpu.memory_space<hbm>> -> memref<1x512xf32, #tpu.memory_space<hbm>>
      %dma_wait3A_129 = tpu.memref_squeeze %dma_wait3A_128 : memref<1x512xf32, #tpu.memory_space<hbm>> -> memref<512xf32, #tpu.memory_space<hbm>>
      tpu.wait_dma2 semaphore(%run_scoped3A_123 : memref<!tpu.dma_semaphore, #tpu.memory_space<semaphore_mem>>) src(%dma_wait3A_129 : memref<512xf32, #tpu.memory_space<hbm>>) dst(%arg24 : memref<512xf32, #tpu.memory_space<vmem>>)
      tpu.yield
    }) : () -> ()
    %run_scoped3A_55 = arith.constant 1 : i32
    "tpu.region"() ({
      %run_scoped3A_123 = tpu.sem_alloc : memref<!tpu.dma_semaphore, #tpu.memory_space<semaphore_mem>>
      %dma_start3A = tpu.memref_slice %arg14[%run_scoped3A_55, %multiple_of3A_53] : memref<2x40960xf32, #tpu.memory_space<hbm>> -> memref<1x512xf32, #tpu.memory_space<hbm>>
      %dma_start3A_124 = tpu.memref_squeeze %dma_start3A : memref<1x512xf32, #tpu.memory_space<hbm>> -> memref<512xf32, #tpu.memory_space<hbm>>
      %dma_start3A_125 = tpu.memref_slice %arg14[%run_scoped3A_55, %multiple_of3A_53] : memref<2x40960xf32, #tpu.memory_space<hbm>> -> memref<1x512xf32, #tpu.memory_space<hbm>>
      %dma_start3A_126 = tpu.memref_squeeze %dma_start3A_125 : memref<1x512xf32, #tpu.memory_space<hbm>> -> memref<512xf32, #tpu.memory_space<hbm>>
      tpu.enqueue_dma source(%dma_start3A_126 : memref<512xf32, #tpu.memory_space<hbm>>) target(%arg25 : memref<512xf32, #tpu.memory_space<vmem>>) target_semaphore(%run_scoped3A_123 : memref<!tpu.dma_semaphore, #tpu.memory_space<semaphore_mem>>)
      %dma_wait3A = tpu.memref_slice %arg14[%run_scoped3A_55, %multiple_of3A_53] : memref<2x40960xf32, #tpu.memory_space<hbm>> -> memref<1x512xf32, #tpu.memory_space<hbm>>
      %dma_wait3A_127 = tpu.memref_squeeze %dma_wait3A : memref<1x512xf32, #tpu.memory_space<hbm>> -> memref<512xf32, #tpu.memory_space<hbm>>
      %dma_wait3A_128 = tpu.memref_slice %arg14[%run_scoped3A_55, %multiple_of3A_53] : memref<2x40960xf32, #tpu.memory_space<hbm>> -> memref<1x512xf32, #tpu.memory_space<hbm>>
      %dma_wait3A_129 = tpu.memref_squeeze %dma_wait3A_128 : memref<1x512xf32, #tpu.memory_space<hbm>> -> memref<512xf32, #tpu.memory_space<hbm>>
      tpu.wait_dma2 semaphore(%run_scoped3A_123 : memref<!tpu.dma_semaphore, #tpu.memory_space<semaphore_mem>>) src(%dma_wait3A_129 : memref<512xf32, #tpu.memory_space<hbm>>) dst(%arg25 : memref<512xf32, #tpu.memory_space<vmem>>)
      tpu.yield
    }) : () -> ()
    %scan3A_56 = arith.constant 0 : i32
    %scan3A_57 = arith.constant 0 : i32
    %scan3A_58 = arith.constant 32 : i32
    %scan3A_59 = arith.addi %scan3A_57, %scan3A_58 : i32
    %scan3A_60 = arith.constant 1 : i32
    %scan3A_61 = scf.for %scan3A_123 = %scan3A_57 to %scan3A_59 step %scan3A_60 iter_args(%scan3A_124 = %scan3A_56) -> (i32)  : i32 {
      %mul3A_125 = arith.constant 16 : i32
      %mul3A_126 = arith.muli %scan3A_123, %mul3A_125 : i32
      %get3A = arith.index_cast %mul3A_126 : i32 to index
      %get3A_127 = tpu.vector_load %arg24[%get3A] {strides = array<i32>} : memref<512xf32, #tpu.memory_space<vmem>>, vector<16xf32>,
      %get3A_128 = vector.shape_cast %get3A_127 : vector<16xf32> to vector<16xf32>
      %get3A_129 = arith.index_cast %mul3A_126 : i32 to index
      %get3A_130 = tpu.vector_load %arg25[%get3A_129] {strides = array<i32>} : memref<512xf32, #tpu.memory_space<vmem>>, vector<16xf32>,
      %get3A_131 = vector.shape_cast %get3A_130 : vector<16xf32> to vector<16xf32>
      %add3A_132 = arith.addf %get3A_128, %get3A_131 : vector<16xf32>
      %swap3A = arith.index_cast %mul3A_126 : i32 to index
      %swap3A_133 = tpu.vector_load %arg24[%swap3A] {strides = array<i32>} : memref<512xf32, #tpu.memory_space<vmem>>, vector<16xf32>,
      %swap3A_134 = vector.shape_cast %swap3A_133 : vector<16xf32> to vector<16xf32>
      %swap3A_135 = vector.shape_cast %add3A_132 : vector<16xf32> to vector<16xf32>
      tpu.vector_store %arg24[%swap3A], %swap3A_135 {strides = array<i32>} : memref<512xf32, #tpu.memory_space<vmem>>, vector<16xf32>,
      %scan3A_136 = arith.constant 0 : i32
      scf.yield %scan3A_136 : i32
    }
    %scan3A_62 = arith.constant 32 : i32
    "tpu.region"() ({
      %run_scoped3A_123 = tpu.sem_alloc : memref<!tpu.dma_semaphore, #tpu.memory_space<semaphore_mem>>
      %dma_start3A = tpu.memref_slice %arg33[%multiple_of3A_53] : memref<40960xf32, #tpu.memory_space<vmem_shared>> -> memref<512xf32, #tpu.memory_space<vmem_shared>>
      %dma_start3A_124 = tpu.memref_slice %arg33[%multiple_of3A_53] : memref<40960xf32, #tpu.memory_space<vmem_shared>> -> memref<512xf32, #tpu.memory_space<vmem_shared>>
      tpu.enqueue_dma source(%arg24 : memref<512xf32, #tpu.memory_space<vmem>>) target(%dma_start3A_124 : memref<512xf32, #tpu.memory_space<vmem_shared>>) target_semaphore(%run_scoped3A_123 : memref<!tpu.dma_semaphore, #tpu.memory_space<semaphore_mem>>)
      %dma_wait3A = tpu.memref_slice %arg33[%multiple_of3A_53] : memref<40960xf32, #tpu.memory_space<vmem_shared>> -> memref<512xf32, #tpu.memory_space<vmem_shared>>
      %dma_wait3A_125 = tpu.memref_slice %arg33[%multiple_of3A_53] : memref<40960xf32, #tpu.memory_space<vmem_shared>> -> memref<512xf32, #tpu.memory_space<vmem_shared>>
      tpu.wait_dma2 semaphore(%run_scoped3A_123 : memref<!tpu.dma_semaphore, #tpu.memory_space<semaphore_mem>>) src(%arg24 : memref<512xf32, #tpu.memory_space<vmem>>) dst(%dma_wait3A_125 : memref<512xf32, #tpu.memory_space<vmem_shared>>)
      tpu.yield
    }) : () -> ()
    %mul3A_63 = arith.constant 2560 : i32
    %mul3A_64 = arith.muli %arg1, %mul3A_63 : i32
    %add3A_65 = arith.constant 1024 : i32
    %add3A_66 = arith.addi %mul3A_64, %add3A_65 : i32
    %multiple_of3A_67 = tpu.assume_multiple %add3A_66, 512 : i32
    %run_scoped3A_68 = arith.constant 0 : i32
    "tpu.region"() ({
      %run_scoped3A_123 = tpu.sem_alloc : memref<!tpu.dma_semaphore, #tpu.memory_space<semaphore_mem>>
      %dma_start3A = tpu.memref_slice %arg14[%run_scoped3A_68, %multiple_of3A_67] : memref<2x40960xf32, #tpu.memory_space<hbm>> -> memref<1x512xf32, #tpu.memory_space<hbm>>
      %dma_start3A_124 = tpu.memref_squeeze %dma_start3A : memref<1x512xf32, #tpu.memory_space<hbm>> -> memref<512xf32, #tpu.memory_space<hbm>>
      %dma_start3A_125 = tpu.memref_slice %arg14[%run_scoped3A_68, %multiple_of3A_67] : memref<2x40960xf32, #tpu.memory_space<hbm>> -> memref<1x512xf32, #tpu.memory_space<hbm>>
      %dma_start3A_126 = tpu.memref_squeeze %dma_start3A_125 : memref<1x512xf32, #tpu.memory_space<hbm>> -> memref<512xf32, #tpu.memory_space<hbm>>
      tpu.enqueue_dma source(%dma_start3A_126 : memref<512xf32, #tpu.memory_space<hbm>>) target(%arg24 : memref<512xf32, #tpu.memory_space<vmem>>) target_semaphore(%run_scoped3A_123 : memref<!tpu.dma_semaphore, #tpu.memory_space<semaphore_mem>>)
      %dma_wait3A = tpu.memref_slice %arg14[%run_scoped3A_68, %multiple_of3A_67] : memref<2x40960xf32, #tpu.memory_space<hbm>> -> memref<1x512xf32, #tpu.memory_space<hbm>>
      %dma_wait3A_127 = tpu.memref_squeeze %dma_wait3A : memref<1x512xf32, #tpu.memory_space<hbm>> -> memref<512xf32, #tpu.memory_space<hbm>>
      %dma_wait3A_128 = tpu.memref_slice %arg14[%run_scoped3A_68, %multiple_of3A_67] : memref<2x40960xf32, #tpu.memory_space<hbm>> -> memref<1x512xf32, #tpu.memory_space<hbm>>
      %dma_wait3A_129 = tpu.memref_squeeze %dma_wait3A_128 : memref<1x512xf32, #tpu.memory_space<hbm>> -> memref<512xf32, #tpu.memory_space<hbm>>
      tpu.wait_dma2 semaphore(%run_scoped3A_123 : memref<!tpu.dma_semaphore, #tpu.memory_space<semaphore_mem>>) src(%dma_wait3A_129 : memref<512xf32, #tpu.memory_space<hbm>>) dst(%arg24 : memref<512xf32, #tpu.memory_space<vmem>>)
      tpu.yield
    }) : () -> ()
    %run_scoped3A_69 = arith.constant 1 : i32
    "tpu.region"() ({
      %run_scoped3A_123 = tpu.sem_alloc : memref<!tpu.dma_semaphore, #tpu.memory_space<semaphore_mem>>
      %dma_start3A = tpu.memref_slice %arg14[%run_scoped3A_69, %multiple_of3A_67] : memref<2x40960xf32, #tpu.memory_space<hbm>> -> memref<1x512xf32, #tpu.memory_space<hbm>>
      %dma_start3A_124 = tpu.memref_squeeze %dma_start3A : memref<1x512xf32, #tpu.memory_space<hbm>> -> memref<512xf32, #tpu.memory_space<hbm>>
      %dma_start3A_125 = tpu.memref_slice %arg14[%run_scoped3A_69, %multiple_of3A_67] : memref<2x40960xf32, #tpu.memory_space<hbm>> -> memref<1x512xf32, #tpu.memory_space<hbm>>
      %dma_start3A_126 = tpu.memref_squeeze %dma_start3A_125 : memref<1x512xf32, #tpu.memory_space<hbm>> -> memref<512xf32, #tpu.memory_space<hbm>>
      tpu.enqueue_dma source(%dma_start3A_126 : memref<512xf32, #tpu.memory_space<hbm>>) target(%arg25 : memref<512xf32, #tpu.memory_space<vmem>>) target_semaphore(%run_scoped3A_123 : memref<!tpu.dma_semaphore, #tpu.memory_space<semaphore_mem>>)
      %dma_wait3A = tpu.memref_slice %arg14[%run_scoped3A_69, %multiple_of3A_67] : memref<2x40960xf32, #tpu.memory_space<hbm>> -> memref<1x512xf32, #tpu.memory_space<hbm>>
      %dma_wait3A_127 = tpu.memref_squeeze %dma_wait3A : memref<1x512xf32, #tpu.memory_space<hbm>> -> memref<512xf32, #tpu.memory_space<hbm>>
      %dma_wait3A_128 = tpu.memref_slice %arg14[%run_scoped3A_69, %multiple_of3A_67] : memref<2x40960xf32, #tpu.memory_space<hbm>> -> memref<1x512xf32, #tpu.memory_space<hbm>>
      %dma_wait3A_129 = tpu.memref_squeeze %dma_wait3A_128 : memref<1x512xf32, #tpu.memory_space<hbm>> -> memref<512xf32, #tpu.memory_space<hbm>>
      tpu.wait_dma2 semaphore(%run_scoped3A_123 : memref<!tpu.dma_semaphore, #tpu.memory_space<semaphore_mem>>) src(%dma_wait3A_129 : memref<512xf32, #tpu.memory_space<hbm>>) dst(%arg25 : memref<512xf32, #tpu.memory_space<vmem>>)
      tpu.yield
    }) : () -> ()
    %scan3A_70 = arith.constant 0 : i32
    %scan3A_71 = arith.constant 0 : i32
    %scan3A_72 = arith.constant 32 : i32
    %scan3A_73 = arith.addi %scan3A_71, %scan3A_72 : i32
    %scan3A_74 = arith.constant 1 : i32
    %scan3A_75 = scf.for %scan3A_123 = %scan3A_71 to %scan3A_73 step %scan3A_74 iter_args(%scan3A_124 = %scan3A_70) -> (i32)  : i32 {
      %mul3A_125 = arith.constant 16 : i32
      %mul3A_126 = arith.muli %scan3A_123, %mul3A_125 : i32
      %get3A = arith.index_cast %mul3A_126 : i32 to index
      %get3A_127 = tpu.vector_load %arg24[%get3A] {strides = array<i32>} : memref<512xf32, #tpu.memory_space<vmem>>, vector<16xf32>,
      %get3A_128 = vector.shape_cast %get3A_127 : vector<16xf32> to vector<16xf32>
      %get3A_129 = arith.index_cast %mul3A_126 : i32 to index
      %get3A_130 = tpu.vector_load %arg25[%get3A_129] {strides = array<i32>} : memref<512xf32, #tpu.memory_space<vmem>>, vector<16xf32>,
      %get3A_131 = vector.shape_cast %get3A_130 : vector<16xf32> to vector<16xf32>
      %add3A_132 = arith.addf %get3A_128, %get3A_131 : vector<16xf32>
      %swap3A = arith.index_cast %mul3A_126 : i32 to index
      %swap3A_133 = tpu.vector_load %arg24[%swap3A] {strides = array<i32>} : memref<512xf32, #tpu.memory_space<vmem>>, vector<16xf32>,
      %swap3A_134 = vector.shape_cast %swap3A_133 : vector<16xf32> to vector<16xf32>
      %swap3A_135 = vector.shape_cast %add3A_132 : vector<16xf32> to vector<16xf32>
      tpu.vector_store %arg24[%swap3A], %swap3A_135 {strides = array<i32>} : memref<512xf32, #tpu.memory_space<vmem>>, vector<16xf32>,
      %scan3A_136 = arith.constant 0 : i32
      scf.yield %scan3A_136 : i32
    }
    %scan3A_76 = arith.constant 32 : i32
    "tpu.region"() ({
      %run_scoped3A_123 = tpu.sem_alloc : memref<!tpu.dma_semaphore, #tpu.memory_space<semaphore_mem>>
      %dma_start3A = tpu.memref_slice %arg33[%multiple_of3A_67] : memref<40960xf32, #tpu.memory_space<vmem_shared>> -> memref<512xf32, #tpu.memory_space<vmem_shared>>
      %dma_start3A_124 = tpu.memref_slice %arg33[%multiple_of3A_67] : memref<40960xf32, #tpu.memory_space<vmem_shared>> -> memref<512xf32, #tpu.memory_space<vmem_shared>>
      tpu.enqueue_dma source(%arg24 : memref<512xf32, #tpu.memory_space<vmem>>) target(%dma_start3A_124 : memref<512xf32, #tpu.memory_space<vmem_shared>>) target_semaphore(%run_scoped3A_123 : memref<!tpu.dma_semaphore, #tpu.memory_space<semaphore_mem>>)
      %dma_wait3A = tpu.memref_slice %arg33[%multiple_of3A_67] : memref<40960xf32, #tpu.memory_space<vmem_shared>> -> memref<512xf32, #tpu.memory_space<vmem_shared>>
      %dma_wait3A_125 = tpu.memref_slice %arg33[%multiple_of3A_67] : memref<40960xf32, #tpu.memory_space<vmem_shared>> -> memref<512xf32, #tpu.memory_space<vmem_shared>>
      tpu.wait_dma2 semaphore(%run_scoped3A_123 : memref<!tpu.dma_semaphore, #tpu.memory_space<semaphore_mem>>) src(%arg24 : memref<512xf32, #tpu.memory_space<vmem>>) dst(%dma_wait3A_125 : memref<512xf32, #tpu.memory_space<vmem_shared>>)
      tpu.yield
    }) : () -> ()
    %mul3A_77 = arith.constant 2560 : i32
    %mul3A_78 = arith.muli %arg1, %mul3A_77 : i32
    %add3A_79 = arith.constant 1536 : i32
    %add3A_80 = arith.addi %mul3A_78, %add3A_79 : i32
    %multiple_of3A_81 = tpu.assume_multiple %add3A_80, 512 : i32
    %run_scoped3A_82 = arith.constant 0 : i32
    "tpu.region"() ({
      %run_scoped3A_123 = tpu.sem_alloc : memref<!tpu.dma_semaphore, #tpu.memory_space<semaphore_mem>>
      %dma_start3A = tpu.memref_slice %arg14[%run_scoped3A_82, %multiple_of3A_81] : memref<2x40960xf32, #tpu.memory_space<hbm>> -> memref<1x512xf32, #tpu.memory_space<hbm>>
      %dma_start3A_124 = tpu.memref_squeeze %dma_start3A : memref<1x512xf32, #tpu.memory_space<hbm>> -> memref<512xf32, #tpu.memory_space<hbm>>
      %dma_start3A_125 = tpu.memref_slice %arg14[%run_scoped3A_82, %multiple_of3A_81] : memref<2x40960xf32, #tpu.memory_space<hbm>> -> memref<1x512xf32, #tpu.memory_space<hbm>>
      %dma_start3A_126 = tpu.memref_squeeze %dma_start3A_125 : memref<1x512xf32, #tpu.memory_space<hbm>> -> memref<512xf32, #tpu.memory_space<hbm>>
      tpu.enqueue_dma source(%dma_start3A_126 : memref<512xf32, #tpu.memory_space<hbm>>) target(%arg24 : memref<512xf32, #tpu.memory_space<vmem>>) target_semaphore(%run_scoped3A_123 : memref<!tpu.dma_semaphore, #tpu.memory_space<semaphore_mem>>)
      %dma_wait3A = tpu.memref_slice %arg14[%run_scoped3A_82, %multiple_of3A_81] : memref<2x40960xf32, #tpu.memory_space<hbm>> -> memref<1x512xf32, #tpu.memory_space<hbm>>
      %dma_wait3A_127 = tpu.memref_squeeze %dma_wait3A : memref<1x512xf32, #tpu.memory_space<hbm>> -> memref<512xf32, #tpu.memory_space<hbm>>
      %dma_wait3A_128 = tpu.memref_slice %arg14[%run_scoped3A_82, %multiple_of3A_81] : memref<2x40960xf32, #tpu.memory_space<hbm>> -> memref<1x512xf32, #tpu.memory_space<hbm>>
      %dma_wait3A_129 = tpu.memref_squeeze %dma_wait3A_128 : memref<1x512xf32, #tpu.memory_space<hbm>> -> memref<512xf32, #tpu.memory_space<hbm>>
      tpu.wait_dma2 semaphore(%run_scoped3A_123 : memref<!tpu.dma_semaphore, #tpu.memory_space<semaphore_mem>>) src(%dma_wait3A_129 : memref<512xf32, #tpu.memory_space<hbm>>) dst(%arg24 : memref<512xf32, #tpu.memory_space<vmem>>)
      tpu.yield
    }) : () -> ()
    %run_scoped3A_83 = arith.constant 1 : i32
    "tpu.region"() ({
      %run_scoped3A_123 = tpu.sem_alloc : memref<!tpu.dma_semaphore, #tpu.memory_space<semaphore_mem>>
      %dma_start3A = tpu.memref_slice %arg14[%run_scoped3A_83, %multiple_of3A_81] : memref<2x40960xf32, #tpu.memory_space<hbm>> -> memref<1x512xf32, #tpu.memory_space<hbm>>
      %dma_start3A_124 = tpu.memref_squeeze %dma_start3A : memref<1x512xf32, #tpu.memory_space<hbm>> -> memref<512xf32, #tpu.memory_space<hbm>>
      %dma_start3A_125 = tpu.memref_slice %arg14[%run_scoped3A_83, %multiple_of3A_81] : memref<2x40960xf32, #tpu.memory_space<hbm>> -> memref<1x512xf32, #tpu.memory_space<hbm>>
      %dma_start3A_126 = tpu.memref_squeeze %dma_start3A_125 : memref<1x512xf32, #tpu.memory_space<hbm>> -> memref<512xf32, #tpu.memory_space<hbm>>
      tpu.enqueue_dma source(%dma_start3A_126 : memref<512xf32, #tpu.memory_space<hbm>>) target(%arg25 : memref<512xf32, #tpu.memory_space<vmem>>) target_semaphore(%run_scoped3A_123 : memref<!tpu.dma_semaphore, #tpu.memory_space<semaphore_mem>>)
      %dma_wait3A = tpu.memref_slice %arg14[%run_scoped3A_83, %multiple_of3A_81] : memref<2x40960xf32, #tpu.memory_space<hbm>> -> memref<1x512xf32, #tpu.memory_space<hbm>>
      %dma_wait3A_127 = tpu.memref_squeeze %dma_wait3A : memref<1x512xf32, #tpu.memory_space<hbm>> -> memref<512xf32, #tpu.memory_space<hbm>>
      %dma_wait3A_128 = tpu.memref_slice %arg14[%run_scoped3A_83, %multiple_of3A_81] : memref<2x40960xf32, #tpu.memory_space<hbm>> -> memref<1x512xf32, #tpu.memory_space<hbm>>
      %dma_wait3A_129 = tpu.memref_squeeze %dma_wait3A_128 : memref<1x512xf32, #tpu.memory_space<hbm>> -> memref<512xf32, #tpu.memory_space<hbm>>
      tpu.wait_dma2 semaphore(%run_scoped3A_123 : memref<!tpu.dma_semaphore, #tpu.memory_space<semaphore_mem>>) src(%dma_wait3A_129 : memref<512xf32, #tpu.memory_space<hbm>>) dst(%arg25 : memref<512xf32, #tpu.memory_space<vmem>>)
      tpu.yield
    }) : () -> ()
    %scan3A_84 = arith.constant 0 : i32
    %scan3A_85 = arith.constant 0 : i32
    %scan3A_86 = arith.constant 32 : i32
    %scan3A_87 = arith.addi %scan3A_85, %scan3A_86 : i32
    %scan3A_88 = arith.constant 1 : i32
    %scan3A_89 = scf.for %scan3A_123 = %scan3A_85 to %scan3A_87 step %scan3A_88 iter_args(%scan3A_124 = %scan3A_84) -> (i32)  : i32 {
      %mul3A_125 = arith.constant 16 : i32
      %mul3A_126 = arith.muli %scan3A_123, %mul3A_125 : i32
      %get3A = arith.index_cast %mul3A_126 : i32 to index
      %get3A_127 = tpu.vector_load %arg24[%get3A] {strides = array<i32>} : memref<512xf32, #tpu.memory_space<vmem>>, vector<16xf32>,
      %get3A_128 = vector.shape_cast %get3A_127 : vector<16xf32> to vector<16xf32>
      %get3A_129 = arith.index_cast %mul3A_126 : i32 to index
      %get3A_130 = tpu.vector_load %arg25[%get3A_129] {strides = array<i32>} : memref<512xf32, #tpu.memory_space<vmem>>, vector<16xf32>,
      %get3A_131 = vector.shape_cast %get3A_130 : vector<16xf32> to vector<16xf32>
      %add3A_132 = arith.addf %get3A_128, %get3A_131 : vector<16xf32>
      %swap3A = arith.index_cast %mul3A_126 : i32 to index
      %swap3A_133 = tpu.vector_load %arg24[%swap3A] {strides = array<i32>} : memref<512xf32, #tpu.memory_space<vmem>>, vector<16xf32>,
      %swap3A_134 = vector.shape_cast %swap3A_133 : vector<16xf32> to vector<16xf32>
      %swap3A_135 = vector.shape_cast %add3A_132 : vector<16xf32> to vector<16xf32>
      tpu.vector_store %arg24[%swap3A], %swap3A_135 {strides = array<i32>} : memref<512xf32, #tpu.memory_space<vmem>>, vector<16xf32>,
      %scan3A_136 = arith.constant 0 : i32
      scf.yield %scan3A_136 : i32
    }
    %scan3A_90 = arith.constant 32 : i32
    "tpu.region"() ({
      %run_scoped3A_123 = tpu.sem_alloc : memref<!tpu.dma_semaphore, #tpu.memory_space<semaphore_mem>>
      %dma_start3A = tpu.memref_slice %arg33[%multiple_of3A_81] : memref<40960xf32, #tpu.memory_space<vmem_shared>> -> memref<512xf32, #tpu.memory_space<vmem_shared>>
      %dma_start3A_124 = tpu.memref_slice %arg33[%multiple_of3A_81] : memref<40960xf32, #tpu.memory_space<vmem_shared>> -> memref<512xf32, #tpu.memory_space<vmem_shared>>
      tpu.enqueue_dma source(%arg24 : memref<512xf32, #tpu.memory_space<vmem>>) target(%dma_start3A_124 : memref<512xf32, #tpu.memory_space<vmem_shared>>) target_semaphore(%run_scoped3A_123 : memref<!tpu.dma_semaphore, #tpu.memory_space<semaphore_mem>>)
      %dma_wait3A = tpu.memref_slice %arg33[%multiple_of3A_81] : memref<40960xf32, #tpu.memory_space<vmem_shared>> -> memref<512xf32, #tpu.memory_space<vmem_shared>>
      %dma_wait3A_125 = tpu.memref_slice %arg33[%multiple_of3A_81] : memref<40960xf32, #tpu.memory_space<vmem_shared>> -> memref<512xf32, #tpu.memory_space<vmem_shared>>
      tpu.wait_dma2 semaphore(%run_scoped3A_123 : memref<!tpu.dma_semaphore, #tpu.memory_space<semaphore_mem>>) src(%arg24 : memref<512xf32, #tpu.memory_space<vmem>>) dst(%dma_wait3A_125 : memref<512xf32, #tpu.memory_space<vmem_shared>>)
      tpu.yield
    }) : () -> ()
    %mul3A_91 = arith.constant 2560 : i32
    %mul3A_92 = arith.muli %arg1, %mul3A_91 : i32
    %add3A_93 = arith.constant 2048 : i32
    %add3A_94 = arith.addi %mul3A_92, %add3A_93 : i32
    %multiple_of3A_95 = tpu.assume_multiple %add3A_94, 512 : i32
    %run_scoped3A_96 = arith.constant 0 : i32
    "tpu.region"() ({
      %run_scoped3A_123 = tpu.sem_alloc : memref<!tpu.dma_semaphore, #tpu.memory_space<semaphore_mem>>
      %dma_start3A = tpu.memref_slice %arg14[%run_scoped3A_96, %multiple_of3A_95] : memref<2x40960xf32, #tpu.memory_space<hbm>> -> memref<1x512xf32, #tpu.memory_space<hbm>>
      %dma_start3A_124 = tpu.memref_squeeze %dma_start3A : memref<1x512xf32, #tpu.memory_space<hbm>> -> memref<512xf32, #tpu.memory_space<hbm>>
      %dma_start3A_125 = tpu.memref_slice %arg14[%run_scoped3A_96, %multiple_of3A_95] : memref<2x40960xf32, #tpu.memory_space<hbm>> -> memref<1x512xf32, #tpu.memory_space<hbm>>
      %dma_start3A_126 = tpu.memref_squeeze %dma_start3A_125 : memref<1x512xf32, #tpu.memory_space<hbm>> -> memref<512xf32, #tpu.memory_space<hbm>>
      tpu.enqueue_dma source(%dma_start3A_126 : memref<512xf32, #tpu.memory_space<hbm>>) target(%arg24 : memref<512xf32, #tpu.memory_space<vmem>>) target_semaphore(%run_scoped3A_123 : memref<!tpu.dma_semaphore, #tpu.memory_space<semaphore_mem>>)
      %dma_wait3A = tpu.memref_slice %arg14[%run_scoped3A_96, %multiple_of3A_95] : memref<2x40960xf32, #tpu.memory_space<hbm>> -> memref<1x512xf32, #tpu.memory_space<hbm>>
      %dma_wait3A_127 = tpu.memref_squeeze %dma_wait3A : memref<1x512xf32, #tpu.memory_space<hbm>> -> memref<512xf32, #tpu.memory_space<hbm>>
      %dma_wait3A_128 = tpu.memref_slice %arg14[%run_scoped3A_96, %multiple_of3A_95] : memref<2x40960xf32, #tpu.memory_space<hbm>> -> memref<1x512xf32, #tpu.memory_space<hbm>>
      %dma_wait3A_129 = tpu.memref_squeeze %dma_wait3A_128 : memref<1x512xf32, #tpu.memory_space<hbm>> -> memref<512xf32, #tpu.memory_space<hbm>>
      tpu.wait_dma2 semaphore(%run_scoped3A_123 : memref<!tpu.dma_semaphore, #tpu.memory_space<semaphore_mem>>) src(%dma_wait3A_129 : memref<512xf32, #tpu.memory_space<hbm>>) dst(%arg24 : memref<512xf32, #tpu.memory_space<vmem>>)
      tpu.yield
    }) : () -> ()
    %run_scoped3A_97 = arith.constant 1 : i32
    "tpu.region"() ({
      %run_scoped3A_123 = tpu.sem_alloc : memref<!tpu.dma_semaphore, #tpu.memory_space<semaphore_mem>>
      %dma_start3A = tpu.memref_slice %arg14[%run_scoped3A_97, %multiple_of3A_95] : memref<2x40960xf32, #tpu.memory_space<hbm>> -> memref<1x512xf32, #tpu.memory_space<hbm>>
      %dma_start3A_124 = tpu.memref_squeeze %dma_start3A : memref<1x512xf32, #tpu.memory_space<hbm>> -> memref<512xf32, #tpu.memory_space<hbm>>
      %dma_start3A_125 = tpu.memref_slice %arg14[%run_scoped3A_97, %multiple_of3A_95] : memref<2x40960xf32, #tpu.memory_space<hbm>> -> memref<1x512xf32, #tpu.memory_space<hbm>>
      %dma_start3A_126 = tpu.memref_squeeze %dma_start3A_125 : memref<1x512xf32, #tpu.memory_space<hbm>> -> memref<512xf32, #tpu.memory_space<hbm>>
      tpu.enqueue_dma source(%dma_start3A_126 : memref<512xf32, #tpu.memory_space<hbm>>) target(%arg25 : memref<512xf32, #tpu.memory_space<vmem>>) target_semaphore(%run_scoped3A_123 : memref<!tpu.dma_semaphore, #tpu.memory_space<semaphore_mem>>)
      %dma_wait3A = tpu.memref_slice %arg14[%run_scoped3A_97, %multiple_of3A_95] : memref<2x40960xf32, #tpu.memory_space<hbm>> -> memref<1x512xf32, #tpu.memory_space<hbm>>
      %dma_wait3A_127 = tpu.memref_squeeze %dma_wait3A : memref<1x512xf32, #tpu.memory_space<hbm>> -> memref<512xf32, #tpu.memory_space<hbm>>
      %dma_wait3A_128 = tpu.memref_slice %arg14[%run_scoped3A_97, %multiple_of3A_95] : memref<2x40960xf32, #tpu.memory_space<hbm>> -> memref<1x512xf32, #tpu.memory_space<hbm>>
      %dma_wait3A_129 = tpu.memref_squeeze %dma_wait3A_128 : memref<1x512xf32, #tpu.memory_space<hbm>> -> memref<512xf32, #tpu.memory_space<hbm>>
      tpu.wait_dma2 semaphore(%run_scoped3A_123 : memref<!tpu.dma_semaphore, #tpu.memory_space<semaphore_mem>>) src(%dma_wait3A_129 : memref<512xf32, #tpu.memory_space<hbm>>) dst(%arg25 : memref<512xf32, #tpu.memory_space<vmem>>)
      tpu.yield
    }) : () -> ()
    %scan3A_98 = arith.constant 0 : i32
    %scan3A_99 = arith.constant 0 : i32
    %scan3A_100 = arith.constant 32 : i32
    %scan3A_101 = arith.addi %scan3A_99, %scan3A_100 : i32
    %scan3A_102 = arith.constant 1 : i32
    %scan3A_103 = scf.for %scan3A_123 = %scan3A_99 to %scan3A_101 step %scan3A_102 iter_args(%scan3A_124 = %scan3A_98) -> (i32)  : i32 {
      %mul3A_125 = arith.constant 16 : i32
      %mul3A_126 = arith.muli %scan3A_123, %mul3A_125 : i32
      %get3A = arith.index_cast %mul3A_126 : i32 to index
      %get3A_127 = tpu.vector_load %arg24[%get3A] {strides = array<i32>} : memref<512xf32, #tpu.memory_space<vmem>>, vector<16xf32>,
      %get3A_128 = vector.shape_cast %get3A_127 : vector<16xf32> to vector<16xf32>
      %get3A_129 = arith.index_cast %mul3A_126 : i32 to index
      %get3A_130 = tpu.vector_load %arg25[%get3A_129] {strides = array<i32>} : memref<512xf32, #tpu.memory_space<vmem>>, vector<16xf32>,
      %get3A_131 = vector.shape_cast %get3A_130 : vector<16xf32> to vector<16xf32>
      %add3A_132 = arith.addf %get3A_128, %get3A_131 : vector<16xf32>
      %swap3A = arith.index_cast %mul3A_126 : i32 to index
      %swap3A_133 = tpu.vector_load %arg24[%swap3A] {strides = array<i32>} : memref<512xf32, #tpu.memory_space<vmem>>, vector<16xf32>,
      %swap3A_134 = vector.shape_cast %swap3A_133 : vector<16xf32> to vector<16xf32>
      %swap3A_135 = vector.shape_cast %add3A_132 : vector<16xf32> to vector<16xf32>
      tpu.vector_store %arg24[%swap3A], %swap3A_135 {strides = array<i32>} : memref<512xf32, #tpu.memory_space<vmem>>, vector<16xf32>,
      %scan3A_136 = arith.constant 0 : i32
      scf.yield %scan3A_136 : i32
    }
    %scan3A_104 = arith.constant 32 : i32
    "tpu.region"() ({
      %run_scoped3A_123 = tpu.sem_alloc : memref<!tpu.dma_semaphore, #tpu.memory_space<semaphore_mem>>
      %dma_start3A = tpu.memref_slice %arg33[%multiple_of3A_95] : memref<40960xf32, #tpu.memory_space<vmem_shared>> -> memref<512xf32, #tpu.memory_space<vmem_shared>>
      %dma_start3A_124 = tpu.memref_slice %arg33[%multiple_of3A_95] : memref<40960xf32, #tpu.memory_space<vmem_shared>> -> memref<512xf32, #tpu.memory_space<vmem_shared>>
      tpu.enqueue_dma source(%arg24 : memref<512xf32, #tpu.memory_space<vmem>>) target(%dma_start3A_124 : memref<512xf32, #tpu.memory_space<vmem_shared>>) target_semaphore(%run_scoped3A_123 : memref<!tpu.dma_semaphore, #tpu.memory_space<semaphore_mem>>)
      %dma_wait3A = tpu.memref_slice %arg33[%multiple_of3A_95] : memref<40960xf32, #tpu.memory_space<vmem_shared>> -> memref<512xf32, #tpu.memory_space<vmem_shared>>
      %dma_wait3A_125 = tpu.memref_slice %arg33[%multiple_of3A_95] : memref<40960xf32, #tpu.memory_space<vmem_shared>> -> memref<512xf32, #tpu.memory_space<vmem_shared>>
      tpu.wait_dma2 semaphore(%run_scoped3A_123 : memref<!tpu.dma_semaphore, #tpu.memory_space<semaphore_mem>>) src(%arg24 : memref<512xf32, #tpu.memory_space<vmem>>) dst(%dma_wait3A_125 : memref<512xf32, #tpu.memory_space<vmem_shared>>)
      tpu.yield
    }) : () -> ()
    %scan3A_105 = arith.constant 0 : i32
    %scan3A_106 = arith.constant 0 : i32
    %scan3A_107 = arith.constant 128 : i32
    %scan3A_108 = arith.addi %scan3A_106, %scan3A_107 : i32
    %scan3A_109 = arith.constant 1 : i32
    %scan3A_110 = scf.for %scan3A_123 = %scan3A_106 to %scan3A_108 step %scan3A_109 iter_args(%scan3A_124 = %scan3A_105) -> (i32)  : i32 {
      %broadcast_in_dim3A = arith.constant 0.000000e+00 : f32
      %broadcast_in_dim3A_125 = vector.broadcast %broadcast_in_dim3A : f32 to vector<16xf32>
      %swap3A = arith.index_cast %scan3A_123 : i32 to index
      %swap3A_126 = arith.constant 64 : index
      %swap3A_127 = tpu.vector_load %arg31[%swap3A, %swap3A_126] {strides = array<i32>} : memref<128x128xf32, #tpu.memory_space<vmem>>, vector<1x16xf32>,
      %swap3A_128 = vector.shape_cast %swap3A_127 : vector<1x16xf32> to vector<16xf32>
      %swap3A_129 = vector.shape_cast %broadcast_in_dim3A_125 : vector<16xf32> to vector<1x16xf32>
      tpu.vector_store %arg31[%swap3A, %swap3A_126], %swap3A_129 {strides = array<i32>} : memref<128x128xf32, #tpu.memory_space<vmem>>, vector<1x16xf32>,
      %broadcast_in_dim3A_130 = arith.constant 0.000000e+00 : f32
      %broadcast_in_dim3A_131 = vector.broadcast %broadcast_in_dim3A_130 : f32 to vector<16xf32>
      %swap3A_132 = arith.index_cast %scan3A_123 : i32 to index
      %swap3A_133 = arith.constant 80 : index
      %swap3A_134 = tpu.vector_load %arg31[%swap3A_132, %swap3A_133] {strides = array<i32>} : memref<128x128xf32, #tpu.memory_space<vmem>>, vector<1x16xf32>,
      %swap3A_135 = vector.shape_cast %swap3A_134 : vector<1x16xf32> to vector<16xf32>
      %swap3A_136 = vector.shape_cast %broadcast_in_dim3A_131 : vector<16xf32> to vector<1x16xf32>
      tpu.vector_store %arg31[%swap3A_132, %swap3A_133], %swap3A_136 {strides = array<i32>} : memref<128x128xf32, #tpu.memory_space<vmem>>, vector<1x16xf32>,
      %broadcast_in_dim3A_137 = arith.constant 0.000000e+00 : f32
      %broadcast_in_dim3A_138 = vector.broadcast %broadcast_in_dim3A_137 : f32 to vector<16xf32>
      %swap3A_139 = arith.index_cast %scan3A_123 : i32 to index
      %swap3A_140 = arith.constant 96 : index
      %swap3A_141 = tpu.vector_load %arg31[%swap3A_139, %swap3A_140] {strides = array<i32>} : memref<128x128xf32, #tpu.memory_space<vmem>>, vector<1x16xf32>,
      %swap3A_142 = vector.shape_cast %swap3A_141 : vector<1x16xf32> to vector<16xf32>
      %swap3A_143 = vector.shape_cast %broadcast_in_dim3A_138 : vector<16xf32> to vector<1x16xf32>
      tpu.vector_store %arg31[%swap3A_139, %swap3A_140], %swap3A_143 {strides = array<i32>} : memref<128x128xf32, #tpu.memory_space<vmem>>, vector<1x16xf32>,
      %broadcast_in_dim3A_144 = arith.constant 0.000000e+00 : f32
      %broadcast_in_dim3A_145 = vector.broadcast %broadcast_in_dim3A_144 : f32 to vector<16xf32>
      %swap3A_146 = arith.index_cast %scan3A_123 : i32 to index
      %swap3A_147 = arith.constant 112 : index
      %swap3A_148 = tpu.vector_load %arg31[%swap3A_146, %swap3A_147] {strides = array<i32>} : memref<128x128xf32, #tpu.memory_space<vmem>>, vector<1x16xf32>,
      %swap3A_149 = vector.shape_cast %swap3A_148 : vector<1x16xf32> to vector<16xf32>
      %swap3A_150 = vector.shape_cast %broadcast_in_dim3A_145 : vector<16xf32> to vector<1x16xf32>
      tpu.vector_store %arg31[%swap3A_146, %swap3A_147], %swap3A_150 {strides = array<i32>} : memref<128x128xf32, #tpu.memory_space<vmem>>, vector<1x16xf32>,
      %scan3A_151 = arith.constant 0 : i32
      scf.yield %scan3A_151 : i32
    }
    %scan3A_111 = arith.constant 128 : i32
    %barrier3A = arith.constant 0 : index
    tpu.barrier barrier_id(%barrier3A)
    %scan3A_112 = arith.constant 0 : i32
    %scan3A_113 = arith.constant 0 : i32
    %scan3A_114 = arith.constant 42 : i32
    %scan3A_115 = arith.addi %scan3A_113, %scan3A_114 : i32
    %scan3A_116 = arith.constant 1 : i32
    %scan3A_117 = scf.for %scan3A_123 = %scan3A_113 to %scan3A_115 step %scan3A_116 iter_args(%scan3A_124 = %scan3A_112) -> (i32)  : i32 {
      %mul3A_125 = arith.constant 2 : i32
      %mul3A_126 = arith.muli %arg1, %mul3A_125 : i32
      %add3A_127 = arith.addi %mul3A_126, %arg0 : i32
      %mul3A_128 = arith.constant 5376 : i32
      %mul3A_129 = arith.muli %add3A_127, %mul3A_128 : i32
      %mul3A_130 = arith.constant 128 : i32
      %mul3A_131 = arith.muli %scan3A_123, %mul3A_130 : i32
      %add3A_132 = arith.addi %mul3A_129, %mul3A_131 : i32
      %multiple_of3A_133 = tpu.assume_multiple %add3A_132, 128 : i32
      "tpu.region"() ({
        %run_scoped3A_168 = tpu.sem_alloc : memref<!tpu.dma_semaphore, #tpu.memory_space<semaphore_mem>>
        %dma_start3A_169 = tpu.memref_slice %arg11[%multiple_of3A_133] : memref<172032xi32, #tpu.memory_space<hbm>> -> memref<128xi32, #tpu.memory_space<hbm>>
        %dma_start3A_170 = tpu.memref_slice %arg11[%multiple_of3A_133] : memref<172032xi32, #tpu.memory_space<hbm>> -> memref<128xi32, #tpu.memory_space<hbm>>
        tpu.enqueue_dma source(%dma_start3A_170 : memref<128xi32, #tpu.memory_space<hbm>>) target(%arg18 : memref<128xi32, #tpu.memory_space<vmem>>) target_semaphore(%run_scoped3A_168 : memref<!tpu.dma_semaphore, #tpu.memory_space<semaphore_mem>>)
        %dma_wait3A_171 = tpu.memref_slice %arg11[%multiple_of3A_133] : memref<172032xi32, #tpu.memory_space<hbm>> -> memref<128xi32, #tpu.memory_space<hbm>>
        %dma_wait3A_172 = tpu.memref_slice %arg11[%multiple_of3A_133] : memref<172032xi32, #tpu.memory_space<hbm>> -> memref<128xi32, #tpu.memory_space<hbm>>
        tpu.wait_dma2 semaphore(%run_scoped3A_168 : memref<!tpu.dma_semaphore, #tpu.memory_space<semaphore_mem>>) src(%dma_wait3A_172 : memref<128xi32, #tpu.memory_space<hbm>>) dst(%arg18 : memref<128xi32, #tpu.memory_space<vmem>>)
        tpu.yield
      }) : () -> ()
      "tpu.region"() ({
        %run_scoped3A_168 = tpu.sem_alloc : memref<!tpu.dma_semaphore, #tpu.memory_space<semaphore_mem>>
        %dma_start3A_169 = tpu.memref_slice %arg12[%multiple_of3A_133] : memref<172032xi32, #tpu.memory_space<hbm>> -> memref<128xi32, #tpu.memory_space<hbm>>
        %dma_start3A_170 = tpu.memref_slice %arg12[%multiple_of3A_133] : memref<172032xi32, #tpu.memory_space<hbm>> -> memref<128xi32, #tpu.memory_space<hbm>>
        tpu.enqueue_dma source(%dma_start3A_170 : memref<128xi32, #tpu.memory_space<hbm>>) target(%arg19 : memref<128xi32, #tpu.memory_space<vmem>>) target_semaphore(%run_scoped3A_168 : memref<!tpu.dma_semaphore, #tpu.memory_space<semaphore_mem>>)
        %dma_wait3A_171 = tpu.memref_slice %arg12[%multiple_of3A_133] : memref<172032xi32, #tpu.memory_space<hbm>> -> memref<128xi32, #tpu.memory_space<hbm>>
        %dma_wait3A_172 = tpu.memref_slice %arg12[%multiple_of3A_133] : memref<172032xi32, #tpu.memory_space<hbm>> -> memref<128xi32, #tpu.memory_space<hbm>>
        tpu.wait_dma2 semaphore(%run_scoped3A_168 : memref<!tpu.dma_semaphore, #tpu.memory_space<semaphore_mem>>) src(%dma_wait3A_172 : memref<128xi32, #tpu.memory_space<hbm>>) dst(%arg19 : memref<128xi32, #tpu.memory_space<vmem>>)
        tpu.yield
      }) : () -> ()
      %dma_start3A = arith.constant 0 : i32
      %dma_start3A_134 = arith.constant 0 : i32
      %dma_start3A_135 = tpu.memref_slice %arg10[%dma_start3A, %dma_start3A_134] : memref<10240x128xf32, #tpu.memory_space<hbm>> -> memref<10240x128xf32, #tpu.memory_space<hbm>>
      tpu.enqueue_indirect_dma source(%dma_start3A_135 : memref<10240x128xf32, #tpu.memory_space<hbm>>) target(%arg30 : memref<128x128xf32, #tpu.memory_space<vmem>>) offsets(%arg18 : memref<128xi32, #tpu.memory_space<vmem>>) semaphore(%arg35 : memref<!tpu.dma_semaphore, #tpu.memory_space<semaphore_mem>>)
      %dma_wait3A = arith.constant 0 : i32
      %dma_wait3A_136 = arith.constant 0 : i32
      %dma_wait3A_137 = tpu.memref_slice %arg10[%dma_wait3A, %dma_wait3A_136] : memref<10240x128xf32, #tpu.memory_space<hbm>> -> memref<10240x128xf32, #tpu.memory_space<hbm>>
      tpu.wait_indirect_dma semaphore(%arg35 : memref<!tpu.dma_semaphore, #tpu.memory_space<semaphore_mem>>) src(%dma_wait3A_137 : memref<10240x128xf32, #tpu.memory_space<hbm>>) dst(%arg30 : memref<128x128xf32, #tpu.memory_space<vmem>>)
      %scan3A_138 = arith.constant 0 : i32
      %scan3A_139 = arith.constant 0 : i32
      %scan3A_140 = arith.constant 8 : i32
      %scan3A_141 = arith.addi %scan3A_139, %scan3A_140 : i32
      %scan3A_142 = arith.constant 1 : i32
      %scan3A_143 = scf.for %scan3A_168 = %scan3A_139 to %scan3A_141 step %scan3A_142 iter_args(%scan3A_169 = %scan3A_138) -> (i32)  : i32 {
        %mul3A_170 = arith.constant 16 : i32
        %mul3A_171 = arith.muli %scan3A_168, %mul3A_170 : i32
        %get3A = arith.index_cast %mul3A_171 : i32 to index
        %get3A_172 = tpu.vector_load %arg18[%get3A] {strides = array<i32>} : memref<128xi32, #tpu.memory_space<vmem>>, vector<16xi32>,
        %get3A_173 = vector.shape_cast %get3A_172 : vector<16xi32> to vector<16xi32>
        %mul3A_174 = arith.constant 16 : i32
        %mul3A_175 = arith.muli %scan3A_168, %mul3A_174 : i32
        %get3A_176 = arith.index_cast %mul3A_175 : i32 to index
        %get3A_177 = tpu.vector_load %arg19[%get3A_176] {strides = array<i32>} : memref<128xi32, #tpu.memory_space<vmem>>, vector<16xi32>,
        %get3A_178 = vector.shape_cast %get3A_177 : vector<16xi32> to vector<16xi32>
        %add3A_179 = arith.constant 0 : i32
        %add3A_180 = vector.broadcast %add3A_179 : i32 to vector<16xi32>
        %add3A_181 = arith.addi %add3A_180, %get3A_173 : vector<16xi32>
        %mul3A_182 = arith.constant 16 : i32
        %mul3A_183 = arith.muli %scan3A_168, %mul3A_182 : i32
        %add3A_184 = arith.constant 0 : i32
        %add3A_185 = arith.addi %add3A_184, %mul3A_183 : i32
        %swap3A = arith.index_cast %add3A_185 : i32 to index
        %swap3A_186 = tpu.vector_load %arg20[%swap3A] {strides = array<i32>} : memref<2048xi32, #tpu.memory_space<vmem>>, vector<16xi32>,
        %swap3A_187 = vector.shape_cast %swap3A_186 : vector<16xi32> to vector<16xi32>
        %swap3A_188 = vector.shape_cast %add3A_181 : vector<16xi32> to vector<16xi32>
        tpu.vector_store %arg20[%swap3A], %swap3A_188 {strides = array<i32>} : memref<2048xi32, #tpu.memory_space<vmem>>, vector<16xi32>,
        %add3A_189 = arith.constant 40960 : i32
        %add3A_190 = vector.broadcast %add3A_189 : i32 to vector<16xi32>
        %add3A_191 = arith.addi %add3A_190, %get3A_178 : vector<16xi32>
        %mul3A_192 = arith.constant 16 : i32
        %mul3A_193 = arith.muli %scan3A_168, %mul3A_192 : i32
        %add3A_194 = arith.constant 512 : i32
        %add3A_195 = arith.addi %add3A_194, %mul3A_193 : i32
        %swap3A_196 = arith.index_cast %add3A_195 : i32 to index
        %swap3A_197 = tpu.vector_load %arg20[%swap3A_196] {strides = array<i32>} : memref<2048xi32, #tpu.memory_space<vmem>>, vector<16xi32>,
        %swap3A_198 = vector.shape_cast %swap3A_197 : vector<16xi32> to vector<16xi32>
        %swap3A_199 = vector.shape_cast %add3A_191 : vector<16xi32> to vector<16xi32>
        tpu.vector_store %arg20[%swap3A_196], %swap3A_199 {strides = array<i32>} : memref<2048xi32, #tpu.memory_space<vmem>>, vector<16xi32>,
        %add3A_200 = arith.constant 0 : i32
        %add3A_201 = vector.broadcast %add3A_200 : i32 to vector<16xi32>
        %add3A_202 = arith.addi %add3A_201, %get3A_178 : vector<16xi32>
        %mul3A_203 = arith.constant 16 : i32
        %mul3A_204 = arith.muli %scan3A_168, %mul3A_203 : i32
        %add3A_205 = arith.constant 0 : i32
        %add3A_206 = arith.addi %add3A_205, %mul3A_204 : i32
        %swap3A_207 = arith.index_cast %add3A_206 : i32 to index
        %swap3A_208 = tpu.vector_load %arg22[%swap3A_207] {strides = array<i32>} : memref<1024xi32, #tpu.memory_space<vmem>>, vector<16xi32>,
        %swap3A_209 = vector.shape_cast %swap3A_208 : vector<16xi32> to vector<16xi32>
        %swap3A_210 = vector.shape_cast %add3A_202 : vector<16xi32> to vector<16xi32>
        tpu.vector_store %arg22[%swap3A_207], %swap3A_210 {strides = array<i32>} : memref<1024xi32, #tpu.memory_space<vmem>>, vector<16xi32>,
        %add3A_211 = arith.constant 10240 : i32
        %add3A_212 = vector.broadcast %add3A_211 : i32 to vector<16xi32>
        %add3A_213 = arith.addi %add3A_212, %get3A_173 : vector<16xi32>
        %mul3A_214 = arith.constant 16 : i32
        %mul3A_215 = arith.muli %scan3A_168, %mul3A_214 : i32
        %add3A_216 = arith.constant 128 : i32
        %add3A_217 = arith.addi %add3A_216, %mul3A_215 : i32
        %swap3A_218 = arith.index_cast %add3A_217 : i32 to index
        %swap3A_219 = tpu.vector_load %arg20[%swap3A_218] {strides = array<i32>} : memref<2048xi32, #tpu.memory_space<vmem>>, vector<16xi32>,
        %swap3A_220 = vector.shape_cast %swap3A_219 : vector<16xi32> to vector<16xi32>
        %swap3A_221 = vector.shape_cast %add3A_213 : vector<16xi32> to vector<16xi32>
        tpu.vector_store %arg20[%swap3A_218], %swap3A_221 {strides = array<i32>} : memref<2048xi32, #tpu.memory_space<vmem>>, vector<16xi32>,
        %add3A_222 = arith.constant 51200 : i32
        %add3A_223 = vector.broadcast %add3A_222 : i32 to vector<16xi32>
        %add3A_224 = arith.addi %add3A_223, %get3A_178 : vector<16xi32>
        %mul3A_225 = arith.constant 16 : i32
        %mul3A_226 = arith.muli %scan3A_168, %mul3A_225 : i32
        %add3A_227 = arith.constant 640 : i32
        %add3A_228 = arith.addi %add3A_227, %mul3A_226 : i32
        %swap3A_229 = arith.index_cast %add3A_228 : i32 to index
        %swap3A_230 = tpu.vector_load %arg20[%swap3A_229] {strides = array<i32>} : memref<2048xi32, #tpu.memory_space<vmem>>, vector<16xi32>,
        %swap3A_231 = vector.shape_cast %swap3A_230 : vector<16xi32> to vector<16xi32>
        %swap3A_232 = vector.shape_cast %add3A_224 : vector<16xi32> to vector<16xi32>
        tpu.vector_store %arg20[%swap3A_229], %swap3A_232 {strides = array<i32>} : memref<2048xi32, #tpu.memory_space<vmem>>, vector<16xi32>,
        %add3A_233 = arith.constant 10240 : i32
        %add3A_234 = vector.broadcast %add3A_233 : i32 to vector<16xi32>
        %add3A_235 = arith.addi %add3A_234, %get3A_178 : vector<16xi32>
        %mul3A_236 = arith.constant 16 : i32
        %mul3A_237 = arith.muli %scan3A_168, %mul3A_236 : i32
        %add3A_238 = arith.constant 128 : i32
        %add3A_239 = arith.addi %add3A_238, %mul3A_237 : i32
        %swap3A_240 = arith.index_cast %add3A_239 : i32 to index
        %swap3A_241 = tpu.vector_load %arg22[%swap3A_240] {strides = array<i32>} : memref<1024xi32, #tpu.memory_space<vmem>>, vector<16xi32>,
        %swap3A_242 = vector.shape_cast %swap3A_241 : vector<16xi32> to vector<16xi32>
        %swap3A_243 = vector.shape_cast %add3A_235 : vector<16xi32> to vector<16xi32>
        tpu.vector_store %arg22[%swap3A_240], %swap3A_243 {strides = array<i32>} : memref<1024xi32, #tpu.memory_space<vmem>>, vector<16xi32>,
        %add3A_244 = arith.constant 20480 : i32
        %add3A_245 = vector.broadcast %add3A_244 : i32 to vector<16xi32>
        %add3A_246 = arith.addi %add3A_245, %get3A_173 : vector<16xi32>
        %mul3A_247 = arith.constant 16 : i32
        %mul3A_248 = arith.muli %scan3A_168, %mul3A_247 : i32
        %add3A_249 = arith.constant 256 : i32
        %add3A_250 = arith.addi %add3A_249, %mul3A_248 : i32
        %swap3A_251 = arith.index_cast %add3A_250 : i32 to index
        %swap3A_252 = tpu.vector_load %arg20[%swap3A_251] {strides = array<i32>} : memref<2048xi32, #tpu.memory_space<vmem>>, vector<16xi32>,
        %swap3A_253 = vector.shape_cast %swap3A_252 : vector<16xi32> to vector<16xi32>
        %swap3A_254 = vector.shape_cast %add3A_246 : vector<16xi32> to vector<16xi32>
        tpu.vector_store %arg20[%swap3A_251], %swap3A_254 {strides = array<i32>} : memref<2048xi32, #tpu.memory_space<vmem>>, vector<16xi32>,
        %add3A_255 = arith.constant 61440 : i32
        %add3A_256 = vector.broadcast %add3A_255 : i32 to vector<16xi32>
        %add3A_257 = arith.addi %add3A_256, %get3A_178 : vector<16xi32>
        %mul3A_258 = arith.constant 16 : i32
        %mul3A_259 = arith.muli %scan3A_168, %mul3A_258 : i32
        %add3A_260 = arith.constant 768 : i32
        %add3A_261 = arith.addi %add3A_260, %mul3A_259 : i32
        %swap3A_262 = arith.index_cast %add3A_261 : i32 to index
        %swap3A_263 = tpu.vector_load %arg20[%swap3A_262] {strides = array<i32>} : memref<2048xi32, #tpu.memory_space<vmem>>, vector<16xi32>,
        %swap3A_264 = vector.shape_cast %swap3A_263 : vector<16xi32> to vector<16xi32>
        %swap3A_265 = vector.shape_cast %add3A_257 : vector<16xi32> to vector<16xi32>
        tpu.vector_store %arg20[%swap3A_262], %swap3A_265 {strides = array<i32>} : memref<2048xi32, #tpu.memory_space<vmem>>, vector<16xi32>,
        %add3A_266 = arith.constant 20480 : i32
        %add3A_267 = vector.broadcast %add3A_266 : i32 to vector<16xi32>
        %add3A_268 = arith.addi %add3A_267, %get3A_178 : vector<16xi32>
        %mul3A_269 = arith.constant 16 : i32
        %mul3A_270 = arith.muli %scan3A_168, %mul3A_269 : i32
        %add3A_271 = arith.constant 256 : i32
        %add3A_272 = arith.addi %add3A_271, %mul3A_270 : i32
        %swap3A_273 = arith.index_cast %add3A_272 : i32 to index
        %swap3A_274 = tpu.vector_load %arg22[%swap3A_273] {strides = array<i32>} : memref<1024xi32, #tpu.memory_space<vmem>>, vector<16xi32>,
        %swap3A_275 = vector.shape_cast %swap3A_274 : vector<16xi32> to vector<16xi32>
        %swap3A_276 = vector.shape_cast %add3A_268 : vector<16xi32> to vector<16xi32>
        tpu.vector_store %arg22[%swap3A_273], %swap3A_276 {strides = array<i32>} : memref<1024xi32, #tpu.memory_space<vmem>>, vector<16xi32>,
        %add3A_277 = arith.constant 30720 : i32
        %add3A_278 = vector.broadcast %add3A_277 : i32 to vector<16xi32>
        %add3A_279 = arith.addi %add3A_278, %get3A_173 : vector<16xi32>
        %mul3A_280 = arith.constant 16 : i32
        %mul3A_281 = arith.muli %scan3A_168, %mul3A_280 : i32
        %add3A_282 = arith.constant 384 : i32
        %add3A_283 = arith.addi %add3A_282, %mul3A_281 : i32
        %swap3A_284 = arith.index_cast %add3A_283 : i32 to index
        %swap3A_285 = tpu.vector_load %arg20[%swap3A_284] {strides = array<i32>} : memref<2048xi32, #tpu.memory_space<vmem>>, vector<16xi32>,
        %swap3A_286 = vector.shape_cast %swap3A_285 : vector<16xi32> to vector<16xi32>
        %swap3A_287 = vector.shape_cast %add3A_279 : vector<16xi32> to vector<16xi32>
        tpu.vector_store %arg20[%swap3A_284], %swap3A_287 {strides = array<i32>} : memref<2048xi32, #tpu.memory_space<vmem>>, vector<16xi32>,
        %add3A_288 = arith.constant 71680 : i32
        %add3A_289 = vector.broadcast %add3A_288 : i32 to vector<16xi32>
        %add3A_290 = arith.addi %add3A_289, %get3A_178 : vector<16xi32>
        %mul3A_291 = arith.constant 16 : i32
        %mul3A_292 = arith.muli %scan3A_168, %mul3A_291 : i32
        %add3A_293 = arith.constant 896 : i32
        %add3A_294 = arith.addi %add3A_293, %mul3A_292 : i32
        %swap3A_295 = arith.index_cast %add3A_294 : i32 to index
        %swap3A_296 = tpu.vector_load %arg20[%swap3A_295] {strides = array<i32>} : memref<2048xi32, #tpu.memory_space<vmem>>, vector<16xi32>,
        %swap3A_297 = vector.shape_cast %swap3A_296 : vector<16xi32> to vector<16xi32>
        %swap3A_298 = vector.shape_cast %add3A_290 : vector<16xi32> to vector<16xi32>
        tpu.vector_store %arg20[%swap3A_295], %swap3A_298 {strides = array<i32>} : memref<2048xi32, #tpu.memory_space<vmem>>, vector<16xi32>,
        %add3A_299 = arith.constant 30720 : i32
        %add3A_300 = vector.broadcast %add3A_299 : i32 to vector<16xi32>
        %add3A_301 = arith.addi %add3A_300, %get3A_178 : vector<16xi32>
        %mul3A_302 = arith.constant 16 : i32
        %mul3A_303 = arith.muli %scan3A_168, %mul3A_302 : i32
        %add3A_304 = arith.constant 384 : i32
        %add3A_305 = arith.addi %add3A_304, %mul3A_303 : i32
        %swap3A_306 = arith.index_cast %add3A_305 : i32 to index
        %swap3A_307 = tpu.vector_load %arg22[%swap3A_306] {strides = array<i32>} : memref<1024xi32, #tpu.memory_space<vmem>>, vector<16xi32>,
        %swap3A_308 = vector.shape_cast %swap3A_307 : vector<16xi32> to vector<16xi32>
        %swap3A_309 = vector.shape_cast %add3A_301 : vector<16xi32> to vector<16xi32>
        tpu.vector_store %arg22[%swap3A_306], %swap3A_309 {strides = array<i32>} : memref<1024xi32, #tpu.memory_space<vmem>>, vector<16xi32>,
        %scan3A_310 = arith.constant 0 : i32
        scf.yield %scan3A_310 : i32
      }
      %scan3A_144 = arith.constant 8 : i32
      %dma_start3A_145 = arith.constant 0 : i32
      %dma_start3A_146 = tpu.memref_slice %arg32[%dma_start3A_145] : memref<81920xf32, #tpu.memory_space<vmem_shared>> -> memref<81920xf32, #tpu.memory_space<vmem_shared>>
      tpu.enqueue_indirect_dma source(%dma_start3A_146 : memref<81920xf32, #tpu.memory_space<vmem_shared>>) target(%arg21 : memref<2048xf32, #tpu.memory_space<vmem>>) offsets(%arg20 : memref<2048xi32, #tpu.memory_space<vmem>>) semaphore(%arg35 : memref<!tpu.dma_semaphore, #tpu.memory_space<semaphore_mem>>)
      %dma_wait3A_147 = arith.constant 0 : i32
      %dma_wait3A_148 = tpu.memref_slice %arg32[%dma_wait3A_147] : memref<81920xf32, #tpu.memory_space<vmem_shared>> -> memref<81920xf32, #tpu.memory_space<vmem_shared>>
      tpu.wait_indirect_dma semaphore(%arg35 : memref<!tpu.dma_semaphore, #tpu.memory_space<semaphore_mem>>) src(%dma_wait3A_148 : memref<81920xf32, #tpu.memory_space<vmem_shared>>) dst(%arg21 : memref<2048xf32, #tpu.memory_space<vmem>>)
      %dma_start3A_149 = arith.constant 0 : i32
      %dma_start3A_150 = tpu.memref_slice %arg33[%dma_start3A_149] : memref<40960xf32, #tpu.memory_space<vmem_shared>> -> memref<40960xf32, #tpu.memory_space<vmem_shared>>
      tpu.enqueue_indirect_dma source(%dma_start3A_150 : memref<40960xf32, #tpu.memory_space<vmem_shared>>) target(%arg23 : memref<1024xf32, #tpu.memory_space<vmem>>) offsets(%arg22 : memref<1024xi32, #tpu.memory_space<vmem>>) semaphore(%arg35 : memref<!tpu.dma_semaphore, #tpu.memory_space<semaphore_mem>>)
      %dma_wait3A_151 = arith.constant 0 : i32
      %dma_wait3A_152 = tpu.memref_slice %arg33[%dma_wait3A_151] : memref<40960xf32, #tpu.memory_space<vmem_shared>> -> memref<40960xf32, #tpu.memory_space<vmem_shared>>
      tpu.wait_indirect_dma semaphore(%arg35 : memref<!tpu.dma_semaphore, #tpu.memory_space<semaphore_mem>>) src(%dma_wait3A_152 : memref<40960xf32, #tpu.memory_space<vmem_shared>>) dst(%arg23 : memref<1024xf32, #tpu.memory_space<vmem>>)
      %scan3A_153 = arith.constant 0 : i32
      %scan3A_154 = arith.constant 0 : i32
      %scan3A_155 = arith.constant 8 : i32
      %scan3A_156 = arith.addi %scan3A_154, %scan3A_155 : i32
      %scan3A_157 = arith.constant 1 : i32
      %scan3A_158 = scf.for %scan3A_168 = %scan3A_154 to %scan3A_156 step %scan3A_157 iter_args(%scan3A_169 = %scan3A_153) -> (i32)  : i32 {
        %mul3A_170 = arith.constant 16 : i32
        %mul3A_171 = arith.muli %scan3A_168, %mul3A_170 : i32
        %add3A_172 = arith.constant 0 : i32
        %add3A_173 = arith.addi %add3A_172, %mul3A_171 : i32
        %get3A = arith.index_cast %add3A_173 : i32 to index
        %get3A_174 = tpu.vector_load %arg21[%get3A] {strides = array<i32>} : memref<2048xf32, #tpu.memory_space<vmem>>, vector<16xf32>,
        %get3A_175 = vector.shape_cast %get3A_174 : vector<16xf32> to vector<16xf32>
        %mul3A_176 = arith.constant 16 : i32
        %mul3A_177 = arith.muli %scan3A_168, %mul3A_176 : i32
        %add3A_178 = arith.constant 512 : i32
        %add3A_179 = arith.addi %add3A_178, %mul3A_177 : i32
        %get3A_180 = arith.index_cast %add3A_179 : i32 to index
        %get3A_181 = tpu.vector_load %arg21[%get3A_180] {strides = array<i32>} : memref<2048xf32, #tpu.memory_space<vmem>>, vector<16xf32>,
        %get3A_182 = vector.shape_cast %get3A_181 : vector<16xf32> to vector<16xf32>
        %add3A_183 = arith.addf %get3A_175, %get3A_182 : vector<16xf32>
        %ge3A = arith.constant 0.000000e+00 : f32
        %ge3A_184 = vector.broadcast %ge3A : f32 to vector<16xf32>
        %ge3A_185 = arith.cmpf oge, %add3A_183, %ge3A_184 : vector<16xf32>
        %mul3A_186 = arith.constant 2.000000e-01 : f32
        %mul3A_187 = vector.broadcast %mul3A_186 : f32 to vector<16xf32>
        %mul3A_188 = arith.mulf %mul3A_187, %add3A_183 : vector<16xf32>
        %select_n3A = arith.select %ge3A_185, %add3A_183, %mul3A_188 : vector<16xi1>, vector<16xf32>
        %get3A_189 = arith.constant 0 : index
        %get3A_190 = tpu.vector_load %arg17[%get3A_189] {strides = array<i32>} : memref<64xf32, #tpu.memory_space<vmem>>, vector<16xf32>,
        %get3A_191 = vector.shape_cast %get3A_190 : vector<16xf32> to vector<16xf32>
        %sub3A = arith.subf %select_n3A, %get3A_191 : vector<16xf32>
        %exp3A = math.exp %sub3A : vector<16xf32>
        %mul3A_192 = arith.constant 16 : i32
        %mul3A_193 = arith.muli %scan3A_168, %mul3A_192 : i32
        %add3A_194 = arith.constant 0 : i32
        %add3A_195 = arith.addi %add3A_194, %mul3A_193 : i32
        %get3A_196 = arith.index_cast %add3A_195 : i32 to index
        %get3A_197 = tpu.vector_load %arg23[%get3A_196] {strides = array<i32>} : memref<1024xf32, #tpu.memory_space<vmem>>, vector<16xf32>,
        %get3A_198 = vector.shape_cast %get3A_197 : vector<16xf32> to vector<16xf32>
        %add3A_199 = arith.constant 1.000000e-16 : f32
        %add3A_200 = vector.broadcast %add3A_199 : f32 to vector<16xf32>
        %add3A_201 = arith.addf %get3A_198, %add3A_200 : vector<16xf32>
        %div3A = arith.divf %exp3A, %add3A_201 : vector<16xf32>
        %mul3A_202 = arith.constant 16 : i32
        %mul3A_203 = arith.muli %scan3A_168, %mul3A_202 : i32
        %swap3A = arith.index_cast %mul3A_203 : i32 to index
        %swap3A_204 = tpu.vector_load %arg26[%swap3A] {strides = array<i32>} : memref<144xf32, #tpu.memory_space<vmem>>, vector<16xf32>,
        %swap3A_205 = vector.shape_cast %swap3A_204 : vector<16xf32> to vector<16xf32>
        %swap3A_206 = vector.shape_cast %div3A : vector<16xf32> to vector<16xf32>
        tpu.vector_store %arg26[%swap3A], %swap3A_206 {strides = array<i32>} : memref<144xf32, #tpu.memory_space<vmem>>, vector<16xf32>,
        %mul3A_207 = arith.constant 16 : i32
        %mul3A_208 = arith.muli %scan3A_168, %mul3A_207 : i32
        %add3A_209 = arith.constant 128 : i32
        %add3A_210 = arith.addi %add3A_209, %mul3A_208 : i32
        %get3A_211 = arith.index_cast %add3A_210 : i32 to index
        %get3A_212 = tpu.vector_load %arg21[%get3A_211] {strides = array<i32>} : memref<2048xf32, #tpu.memory_space<vmem>>, vector<16xf32>,
        %get3A_213 = vector.shape_cast %get3A_212 : vector<16xf32> to vector<16xf32>
        %mul3A_214 = arith.constant 16 : i32
        %mul3A_215 = arith.muli %scan3A_168, %mul3A_214 : i32
        %add3A_216 = arith.constant 640 : i32
        %add3A_217 = arith.addi %add3A_216, %mul3A_215 : i32
        %get3A_218 = arith.index_cast %add3A_217 : i32 to index
        %get3A_219 = tpu.vector_load %arg21[%get3A_218] {strides = array<i32>} : memref<2048xf32, #tpu.memory_space<vmem>>, vector<16xf32>,
        %get3A_220 = vector.shape_cast %get3A_219 : vector<16xf32> to vector<16xf32>
        %add3A_221 = arith.addf %get3A_213, %get3A_220 : vector<16xf32>
        %ge3A_222 = arith.constant 0.000000e+00 : f32
        %ge3A_223 = vector.broadcast %ge3A_222 : f32 to vector<16xf32>
        %ge3A_224 = arith.cmpf oge, %add3A_221, %ge3A_223 : vector<16xf32>
        %mul3A_225 = arith.constant 2.000000e-01 : f32
        %mul3A_226 = vector.broadcast %mul3A_225 : f32 to vector<16xf32>
        %mul3A_227 = arith.mulf %mul3A_226, %add3A_221 : vector<16xf32>
        %select_n3A_228 = arith.select %ge3A_224, %add3A_221, %mul3A_227 : vector<16xi1>, vector<16xf32>
        %get3A_229 = arith.constant 16 : index
        %get3A_230 = tpu.vector_load %arg17[%get3A_229] {strides = array<i32>} : memref<64xf32, #tpu.memory_space<vmem>>, vector<16xf32>,
        %get3A_231 = vector.shape_cast %get3A_230 : vector<16xf32> to vector<16xf32>
        %sub3A_232 = arith.subf %select_n3A_228, %get3A_231 : vector<16xf32>
        %exp3A_233 = math.exp %sub3A_232 : vector<16xf32>
        %mul3A_234 = arith.constant 16 : i32
        %mul3A_235 = arith.muli %scan3A_168, %mul3A_234 : i32
        %add3A_236 = arith.constant 128 : i32
        %add3A_237 = arith.addi %add3A_236, %mul3A_235 : i32
        %get3A_238 = arith.index_cast %add3A_237 : i32 to index
        %get3A_239 = tpu.vector_load %arg23[%get3A_238] {strides = array<i32>} : memref<1024xf32, #tpu.memory_space<vmem>>, vector<16xf32>,
        %get3A_240 = vector.shape_cast %get3A_239 : vector<16xf32> to vector<16xf32>
        %add3A_241 = arith.constant 1.000000e-16 : f32
        %add3A_242 = vector.broadcast %add3A_241 : f32 to vector<16xf32>
        %add3A_243 = arith.addf %get3A_240, %add3A_242 : vector<16xf32>
        %div3A_244 = arith.divf %exp3A_233, %add3A_243 : vector<16xf32>
        %mul3A_245 = arith.constant 16 : i32
        %mul3A_246 = arith.muli %scan3A_168, %mul3A_245 : i32
        %swap3A_247 = arith.index_cast %mul3A_246 : i32 to index
        %swap3A_248 = tpu.vector_load %arg27[%swap3A_247] {strides = array<i32>} : memref<144xf32, #tpu.memory_space<vmem>>, vector<16xf32>,
        %swap3A_249 = vector.shape_cast %swap3A_248 : vector<16xf32> to vector<16xf32>
        %swap3A_250 = vector.shape_cast %div3A_244 : vector<16xf32> to vector<16xf32>
        tpu.vector_store %arg27[%swap3A_247], %swap3A_250 {strides = array<i32>} : memref<144xf32, #tpu.memory_space<vmem>>, vector<16xf32>,
        %mul3A_251 = arith.constant 16 : i32
        %mul3A_252 = arith.muli %scan3A_168, %mul3A_251 : i32
        %add3A_253 = arith.constant 256 : i32
        %add3A_254 = arith.addi %add3A_253, %mul3A_252 : i32
        %get3A_255 = arith.index_cast %add3A_254 : i32 to index
        %get3A_256 = tpu.vector_load %arg21[%get3A_255] {strides = array<i32>} : memref<2048xf32, #tpu.memory_space<vmem>>, vector<16xf32>,
        %get3A_257 = vector.shape_cast %get3A_256 : vector<16xf32> to vector<16xf32>
        %mul3A_258 = arith.constant 16 : i32
        %mul3A_259 = arith.muli %scan3A_168, %mul3A_258 : i32
        %add3A_260 = arith.constant 768 : i32
        %add3A_261 = arith.addi %add3A_260, %mul3A_259 : i32
        %get3A_262 = arith.index_cast %add3A_261 : i32 to index
        %get3A_263 = tpu.vector_load %arg21[%get3A_262] {strides = array<i32>} : memref<2048xf32, #tpu.memory_space<vmem>>, vector<16xf32>,
        %get3A_264 = vector.shape_cast %get3A_263 : vector<16xf32> to vector<16xf32>
        %add3A_265 = arith.addf %get3A_257, %get3A_264 : vector<16xf32>
        %ge3A_266 = arith.constant 0.000000e+00 : f32
        %ge3A_267 = vector.broadcast %ge3A_266 : f32 to vector<16xf32>
        %ge3A_268 = arith.cmpf oge, %add3A_265, %ge3A_267 : vector<16xf32>
        %mul3A_269 = arith.constant 2.000000e-01 : f32
        %mul3A_270 = vector.broadcast %mul3A_269 : f32 to vector<16xf32>
        %mul3A_271 = arith.mulf %mul3A_270, %add3A_265 : vector<16xf32>
        %select_n3A_272 = arith.select %ge3A_268, %add3A_265, %mul3A_271 : vector<16xi1>, vector<16xf32>
        %get3A_273 = arith.constant 32 : index
        %get3A_274 = tpu.vector_load %arg17[%get3A_273] {strides = array<i32>} : memref<64xf32, #tpu.memory_space<vmem>>, vector<16xf32>,
        %get3A_275 = vector.shape_cast %get3A_274 : vector<16xf32> to vector<16xf32>
        %sub3A_276 = arith.subf %select_n3A_272, %get3A_275 : vector<16xf32>
        %exp3A_277 = math.exp %sub3A_276 : vector<16xf32>
        %mul3A_278 = arith.constant 16 : i32
        %mul3A_279 = arith.muli %scan3A_168, %mul3A_278 : i32
        %add3A_280 = arith.constant 256 : i32
        %add3A_281 = arith.addi %add3A_280, %mul3A_279 : i32
        %get3A_282 = arith.index_cast %add3A_281 : i32 to index
        %get3A_283 = tpu.vector_load %arg23[%get3A_282] {strides = array<i32>} : memref<1024xf32, #tpu.memory_space<vmem>>, vector<16xf32>,
        %get3A_284 = vector.shape_cast %get3A_283 : vector<16xf32> to vector<16xf32>
        %add3A_285 = arith.constant 1.000000e-16 : f32
        %add3A_286 = vector.broadcast %add3A_285 : f32 to vector<16xf32>
        %add3A_287 = arith.addf %get3A_284, %add3A_286 : vector<16xf32>
        %div3A_288 = arith.divf %exp3A_277, %add3A_287 : vector<16xf32>
        %mul3A_289 = arith.constant 16 : i32
        %mul3A_290 = arith.muli %scan3A_168, %mul3A_289 : i32
        %swap3A_291 = arith.index_cast %mul3A_290 : i32 to index
        %swap3A_292 = tpu.vector_load %arg28[%swap3A_291] {strides = array<i32>} : memref<144xf32, #tpu.memory_space<vmem>>, vector<16xf32>,
        %swap3A_293 = vector.shape_cast %swap3A_292 : vector<16xf32> to vector<16xf32>
        %swap3A_294 = vector.shape_cast %div3A_288 : vector<16xf32> to vector<16xf32>
        tpu.vector_store %arg28[%swap3A_291], %swap3A_294 {strides = array<i32>} : memref<144xf32, #tpu.memory_space<vmem>>, vector<16xf32>,
        %mul3A_295 = arith.constant 16 : i32
        %mul3A_296 = arith.muli %scan3A_168, %mul3A_295 : i32
        %add3A_297 = arith.constant 384 : i32
        %add3A_298 = arith.addi %add3A_297, %mul3A_296 : i32
        %get3A_299 = arith.index_cast %add3A_298 : i32 to index
        %get3A_300 = tpu.vector_load %arg21[%get3A_299] {strides = array<i32>} : memref<2048xf32, #tpu.memory_space<vmem>>, vector<16xf32>,
        %get3A_301 = vector.shape_cast %get3A_300 : vector<16xf32> to vector<16xf32>
        %mul3A_302 = arith.constant 16 : i32
        %mul3A_303 = arith.muli %scan3A_168, %mul3A_302 : i32
        %add3A_304 = arith.constant 896 : i32
        %add3A_305 = arith.addi %add3A_304, %mul3A_303 : i32
        %get3A_306 = arith.index_cast %add3A_305 : i32 to index
        %get3A_307 = tpu.vector_load %arg21[%get3A_306] {strides = array<i32>} : memref<2048xf32, #tpu.memory_space<vmem>>, vector<16xf32>,
        %get3A_308 = vector.shape_cast %get3A_307 : vector<16xf32> to vector<16xf32>
        %add3A_309 = arith.addf %get3A_301, %get3A_308 : vector<16xf32>
        %ge3A_310 = arith.constant 0.000000e+00 : f32
        %ge3A_311 = vector.broadcast %ge3A_310 : f32 to vector<16xf32>
        %ge3A_312 = arith.cmpf oge, %add3A_309, %ge3A_311 : vector<16xf32>
        %mul3A_313 = arith.constant 2.000000e-01 : f32
        %mul3A_314 = vector.broadcast %mul3A_313 : f32 to vector<16xf32>
        %mul3A_315 = arith.mulf %mul3A_314, %add3A_309 : vector<16xf32>
        %select_n3A_316 = arith.select %ge3A_312, %add3A_309, %mul3A_315 : vector<16xi1>, vector<16xf32>
        %get3A_317 = arith.constant 48 : index
        %get3A_318 = tpu.vector_load %arg17[%get3A_317] {strides = array<i32>} : memref<64xf32, #tpu.memory_space<vmem>>, vector<16xf32>,
        %get3A_319 = vector.shape_cast %get3A_318 : vector<16xf32> to vector<16xf32>
        %sub3A_320 = arith.subf %select_n3A_316, %get3A_319 : vector<16xf32>
        %exp3A_321 = math.exp %sub3A_320 : vector<16xf32>
        %mul3A_322 = arith.constant 16 : i32
        %mul3A_323 = arith.muli %scan3A_168, %mul3A_322 : i32
        %add3A_324 = arith.constant 384 : i32
        %add3A_325 = arith.addi %add3A_324, %mul3A_323 : i32
        %get3A_326 = arith.index_cast %add3A_325 : i32 to index
        %get3A_327 = tpu.vector_load %arg23[%get3A_326] {strides = array<i32>} : memref<1024xf32, #tpu.memory_space<vmem>>, vector<16xf32>,
        %get3A_328 = vector.shape_cast %get3A_327 : vector<16xf32> to vector<16xf32>
        %add3A_329 = arith.constant 1.000000e-16 : f32
        %add3A_330 = vector.broadcast %add3A_329 : f32 to vector<16xf32>
        %add3A_331 = arith.addf %get3A_328, %add3A_330 : vector<16xf32>
        %div3A_332 = arith.divf %exp3A_321, %add3A_331 : vector<16xf32>
        %mul3A_333 = arith.constant 16 : i32
        %mul3A_334 = arith.muli %scan3A_168, %mul3A_333 : i32
        %swap3A_335 = arith.index_cast %mul3A_334 : i32 to index
        %swap3A_336 = tpu.vector_load %arg29[%swap3A_335] {strides = array<i32>} : memref<144xf32, #tpu.memory_space<vmem>>, vector<16xf32>,
        %swap3A_337 = vector.shape_cast %swap3A_336 : vector<16xf32> to vector<16xf32>
        %swap3A_338 = vector.shape_cast %div3A_332 : vector<16xf32> to vector<16xf32>
        tpu.vector_store %arg29[%swap3A_335], %swap3A_338 {strides = array<i32>} : memref<144xf32, #tpu.memory_space<vmem>>, vector<16xf32>,
        %scan3A_339 = arith.constant 0 : i32
        scf.yield %scan3A_339 : i32
      }
      %scan3A_159 = arith.constant 8 : i32
      %scan3A_160 = arith.constant 0 : i32
      %scan3A_161 = arith.constant 0 : i32
      %scan3A_162 = arith.constant 128 : i32
      %scan3A_163 = arith.addi %scan3A_161, %scan3A_162 : i32
      %scan3A_164 = arith.constant 1 : i32
      %scan3A_165 = scf.for %scan3A_168 = %scan3A_161 to %scan3A_163 step %scan3A_164 iter_args(%scan3A_169 = %scan3A_160) -> (i32)  : i32 {
        %get3A = arith.index_cast %scan3A_168 : i32 to index
        %get3A_170 = tpu.vector_load %arg26[%get3A] {strides = array<i32>} : memref<144xf32, #tpu.memory_space<vmem>>, vector<16xf32>,
        %get3A_171 = vector.shape_cast %get3A_170 : vector<16xf32> to vector<16xf32>
        %slice3A = vector.extract_strided_slice %get3A_171 {offsets = [0], sizes = [1], strides = [1]} : vector<16xf32> to vector<1xf32>
        %squeeze3A = vector.extract %slice3A[0] : f32 from vector<1xf32>
        %broadcast_in_dim3A = vector.broadcast %squeeze3A : f32 to vector<16xf32>
        %get3A_172 = arith.index_cast %scan3A_168 : i32 to index
        %get3A_173 = arith.constant 0 : index
        %get3A_174 = tpu.vector_load %arg30[%get3A_172, %get3A_173] {strides = array<i32>} : memref<128x128xf32, #tpu.memory_space<vmem>>, vector<1x16xf32>,
        %get3A_175 = vector.shape_cast %get3A_174 : vector<1x16xf32> to vector<16xf32>
        %mul3A_176 = arith.mulf %get3A_175, %broadcast_in_dim3A : vector<16xf32>
        %swap3A = arith.index_cast %scan3A_168 : i32 to index
        %swap3A_177 = arith.constant 0 : index
        %swap3A_178 = tpu.vector_load %arg31[%swap3A, %swap3A_177] {strides = array<i32>} : memref<128x128xf32, #tpu.memory_space<vmem>>, vector<1x16xf32>,
        %swap3A_179 = vector.shape_cast %swap3A_178 : vector<1x16xf32> to vector<16xf32>
        %swap3A_180 = vector.shape_cast %mul3A_176 : vector<16xf32> to vector<1x16xf32>
        tpu.vector_store %arg31[%swap3A, %swap3A_177], %swap3A_180 {strides = array<i32>} : memref<128x128xf32, #tpu.memory_space<vmem>>, vector<1x16xf32>,
        %get3A_181 = arith.index_cast %scan3A_168 : i32 to index
        %get3A_182 = tpu.vector_load %arg27[%get3A_181] {strides = array<i32>} : memref<144xf32, #tpu.memory_space<vmem>>, vector<16xf32>,
        %get3A_183 = vector.shape_cast %get3A_182 : vector<16xf32> to vector<16xf32>
        %slice3A_184 = vector.extract_strided_slice %get3A_183 {offsets = [0], sizes = [1], strides = [1]} : vector<16xf32> to vector<1xf32>
        %squeeze3A_185 = vector.extract %slice3A_184[0] : f32 from vector<1xf32>
        %broadcast_in_dim3A_186 = vector.broadcast %squeeze3A_185 : f32 to vector<16xf32>
        %get3A_187 = arith.index_cast %scan3A_168 : i32 to index
        %get3A_188 = arith.constant 16 : index
        %get3A_189 = tpu.vector_load %arg30[%get3A_187, %get3A_188] {strides = array<i32>} : memref<128x128xf32, #tpu.memory_space<vmem>>, vector<1x16xf32>,
        %get3A_190 = vector.shape_cast %get3A_189 : vector<1x16xf32> to vector<16xf32>
        %mul3A_191 = arith.mulf %get3A_190, %broadcast_in_dim3A_186 : vector<16xf32>
        %swap3A_192 = arith.index_cast %scan3A_168 : i32 to index
        %swap3A_193 = arith.constant 16 : index
        %swap3A_194 = tpu.vector_load %arg31[%swap3A_192, %swap3A_193] {strides = array<i32>} : memref<128x128xf32, #tpu.memory_space<vmem>>, vector<1x16xf32>,
        %swap3A_195 = vector.shape_cast %swap3A_194 : vector<1x16xf32> to vector<16xf32>
        %swap3A_196 = vector.shape_cast %mul3A_191 : vector<16xf32> to vector<1x16xf32>
        tpu.vector_store %arg31[%swap3A_192, %swap3A_193], %swap3A_196 {strides = array<i32>} : memref<128x128xf32, #tpu.memory_space<vmem>>, vector<1x16xf32>,
        %get3A_197 = arith.index_cast %scan3A_168 : i32 to index
        %get3A_198 = tpu.vector_load %arg28[%get3A_197] {strides = array<i32>} : memref<144xf32, #tpu.memory_space<vmem>>, vector<16xf32>,
        %get3A_199 = vector.shape_cast %get3A_198 : vector<16xf32> to vector<16xf32>
        %slice3A_200 = vector.extract_strided_slice %get3A_199 {offsets = [0], sizes = [1], strides = [1]} : vector<16xf32> to vector<1xf32>
        %squeeze3A_201 = vector.extract %slice3A_200[0] : f32 from vector<1xf32>
        %broadcast_in_dim3A_202 = vector.broadcast %squeeze3A_201 : f32 to vector<16xf32>
        %get3A_203 = arith.index_cast %scan3A_168 : i32 to index
        %get3A_204 = arith.constant 32 : index
        %get3A_205 = tpu.vector_load %arg30[%get3A_203, %get3A_204] {strides = array<i32>} : memref<128x128xf32, #tpu.memory_space<vmem>>, vector<1x16xf32>,
        %get3A_206 = vector.shape_cast %get3A_205 : vector<1x16xf32> to vector<16xf32>
        %mul3A_207 = arith.mulf %get3A_206, %broadcast_in_dim3A_202 : vector<16xf32>
        %swap3A_208 = arith.index_cast %scan3A_168 : i32 to index
        %swap3A_209 = arith.constant 32 : index
        %swap3A_210 = tpu.vector_load %arg31[%swap3A_208, %swap3A_209] {strides = array<i32>} : memref<128x128xf32, #tpu.memory_space<vmem>>, vector<1x16xf32>,
        %swap3A_211 = vector.shape_cast %swap3A_210 : vector<1x16xf32> to vector<16xf32>
        %swap3A_212 = vector.shape_cast %mul3A_207 : vector<16xf32> to vector<1x16xf32>
        tpu.vector_store %arg31[%swap3A_208, %swap3A_209], %swap3A_212 {strides = array<i32>} : memref<128x128xf32, #tpu.memory_space<vmem>>, vector<1x16xf32>,
        %get3A_213 = arith.index_cast %scan3A_168 : i32 to index
        %get3A_214 = tpu.vector_load %arg29[%get3A_213] {strides = array<i32>} : memref<144xf32, #tpu.memory_space<vmem>>, vector<16xf32>,
        %get3A_215 = vector.shape_cast %get3A_214 : vector<16xf32> to vector<16xf32>
        %slice3A_216 = vector.extract_strided_slice %get3A_215 {offsets = [0], sizes = [1], strides = [1]} : vector<16xf32> to vector<1xf32>
        %squeeze3A_217 = vector.extract %slice3A_216[0] : f32 from vector<1xf32>
        %broadcast_in_dim3A_218 = vector.broadcast %squeeze3A_217 : f32 to vector<16xf32>
        %get3A_219 = arith.index_cast %scan3A_168 : i32 to index
        %get3A_220 = arith.constant 48 : index
        %get3A_221 = tpu.vector_load %arg30[%get3A_219, %get3A_220] {strides = array<i32>} : memref<128x128xf32, #tpu.memory_space<vmem>>, vector<1x16xf32>,
        %get3A_222 = vector.shape_cast %get3A_221 : vector<1x16xf32> to vector<16xf32>
        %mul3A_223 = arith.mulf %get3A_222, %broadcast_in_dim3A_218 : vector<16xf32>
        %swap3A_224 = arith.index_cast %scan3A_168 : i32 to index
        %swap3A_225 = arith.constant 48 : index
        %swap3A_226 = tpu.vector_load %arg31[%swap3A_224, %swap3A_225] {strides = array<i32>} : memref<128x128xf32, #tpu.memory_space<vmem>>, vector<1x16xf32>,
        %swap3A_227 = vector.shape_cast %swap3A_226 : vector<1x16xf32> to vector<16xf32>
        %swap3A_228 = vector.shape_cast %mul3A_223 : vector<16xf32> to vector<1x16xf32>
        tpu.vector_store %arg31[%swap3A_224, %swap3A_225], %swap3A_228 {strides = array<i32>} : memref<128x128xf32, #tpu.memory_space<vmem>>, vector<1x16xf32>,
        %scan3A_229 = arith.constant 0 : i32
        scf.yield %scan3A_229 : i32
      }
      %scan3A_166 = arith.constant 128 : i32
      "tpu.region"() ({
        %run_scoped3A_168 = tpu.sem_alloc : memref<!tpu.dma_semaphore, #tpu.memory_space<semaphore_mem>>
        %dma_start3A_169 = arith.constant 0 : i32
        %dma_start3A_170 = arith.constant 0 : i32
        %dma_start3A_171 = tpu.memref_slice %arg34[%dma_start3A_169, %dma_start3A_170] : memref<10240x128xf32, #tpu.memory_space<vmem_shared>> -> memref<10240x128xf32, #tpu.memory_space<vmem_shared>>
        tpu.enqueue_indirect_dma source(%arg31 : memref<128x128xf32, #tpu.memory_space<vmem>>) target(%dma_start3A_171 : memref<10240x128xf32, #tpu.memory_space<vmem_shared>>) offsets(%arg19 : memref<128xi32, #tpu.memory_space<vmem>>) semaphore(%run_scoped3A_168 : memref<!tpu.dma_semaphore, #tpu.memory_space<semaphore_mem>>) {add = true}
        %dma_wait3A_172 = arith.constant 0 : i32
        %dma_wait3A_173 = arith.constant 0 : i32
        %dma_wait3A_174 = tpu.memref_slice %arg34[%dma_wait3A_172, %dma_wait3A_173] : memref<10240x128xf32, #tpu.memory_space<vmem_shared>> -> memref<10240x128xf32, #tpu.memory_space<vmem_shared>>
        tpu.wait_indirect_dma semaphore(%run_scoped3A_168 : memref<!tpu.dma_semaphore, #tpu.memory_space<semaphore_mem>>) src(%arg31 : memref<128x128xf32, #tpu.memory_space<vmem>>) dst(%dma_wait3A_174 : memref<10240x128xf32, #tpu.memory_space<vmem_shared>>)
        tpu.yield
      }) : () -> ()
      %scan3A_167 = arith.constant 0 : i32
      scf.yield %scan3A_167 : i32
    }
    %scan3A_118 = arith.constant 42 : i32
    %barrier3A_119 = arith.constant 0 : index
    tpu.barrier barrier_id(%barrier3A_119)
    %mul3A_120 = arith.constant 640 : i32
    %mul3A_121 = arith.muli %arg1, %mul3A_120 : i32
    %multiple_of3A_122 = tpu.assume_multiple %mul3A_121, 640 : i32
    "tpu.region"() ({
      %run_scoped3A_123 = tpu.sem_alloc : memref<!tpu.dma_semaphore, #tpu.memory_space<semaphore_mem>>
      %dma_start3A = arith.constant 0 : i32
      %dma_start3A_124 = tpu.memref_slice %arg16[%arg0, %multiple_of3A_122, %dma_start3A] : memref<2x10240x128xf32, #tpu.memory_space<hbm>> -> memref<1x640x128xf32, #tpu.memory_space<hbm>>
      %dma_start3A_125 = tpu.memref_squeeze %dma_start3A_124 : memref<1x640x128xf32, #tpu.memory_space<hbm>> -> memref<640x128xf32, #tpu.memory_space<hbm>>
      %dma_start3A_126 = arith.constant 0 : i32
      %dma_start3A_127 = tpu.memref_slice %arg34[%multiple_of3A_122, %dma_start3A_126] : memref<10240x128xf32, #tpu.memory_space<vmem_shared>> -> memref<640x128xf32, #tpu.memory_space<vmem_shared>>
      tpu.enqueue_dma source(%dma_start3A_127 : memref<640x128xf32, #tpu.memory_space<vmem_shared>>) target(%dma_start3A_125 : memref<640x128xf32, #tpu.memory_space<hbm>>) target_semaphore(%run_scoped3A_123 : memref<!tpu.dma_semaphore, #tpu.memory_space<semaphore_mem>>)
      %dma_wait3A = arith.constant 0 : i32
      %dma_wait3A_128 = tpu.memref_slice %arg16[%arg0, %multiple_of3A_122, %dma_wait3A] : memref<2x10240x128xf32, #tpu.memory_space<hbm>> -> memref<1x640x128xf32, #tpu.memory_space<hbm>>
      %dma_wait3A_129 = tpu.memref_squeeze %dma_wait3A_128 : memref<1x640x128xf32, #tpu.memory_space<hbm>> -> memref<640x128xf32, #tpu.memory_space<hbm>>
      %dma_wait3A_130 = arith.constant 0 : i32
      %dma_wait3A_131 = tpu.memref_slice %arg34[%multiple_of3A_122, %dma_wait3A_130] : memref<10240x128xf32, #tpu.memory_space<vmem_shared>> -> memref<640x128xf32, #tpu.memory_space<vmem_shared>>
      tpu.wait_dma2 semaphore(%run_scoped3A_123 : memref<!tpu.dma_semaphore, #tpu.memory_space<semaphore_mem>>) src(%dma_wait3A_131 : memref<640x128xf32, #tpu.memory_space<vmem_shared>>) dst(%dma_wait3A_129 : memref<640x128xf32, #tpu.memory_space<hbm>>)
      tpu.yield
    }) : () -> ()
    return
  }
}

#map = affine_map<(d0, d1) -> (0, 0)>
#map1 = affine_map<(d0, d1) -> (0)>
module attributes {stable_mosaic.version = 14 : i64} {
  func.func @_k1_embed(%arg0: i32, %arg1: i32, %arg2: memref<50001x256xf32, #tpu.memory_space<hbm>>, %arg3: memref<10240xi32, #tpu.memory_space<hbm>>, %arg4: memref<10240x256xf32, #tpu.memory_space<hbm>>, %arg5: memref<4x80xi32, #tpu.memory_space<vmem>>, %arg6: memref<320x256xf32, #tpu.memory_space<vmem>>, %arg7: memref<!tpu.dma_semaphore, #tpu.memory_space<semaphore_mem>>) attributes {dimension_semantics = [#tpu.dimension_semantics<core_parallel>, #tpu.dimension_semantics<subcore_parallel>], iteration_bounds = array<i64: 2, 16>, scalar_prefetch = 0 : i64, scratch_operands = 3 : i64, tpu.core_type = #tpu.core_type<sc_vector_subcore>, window_params = [{transform_indices = #map}, {transform_indices = #map1}, {transform_indices = #map}]} {
    %mul3A = arith.constant 2 : i32
    %mul3A_0 = arith.muli %arg1, %mul3A : i32
    %add3A = arith.addi %mul3A_0, %arg0 : i32
    %mul3A_1 = arith.constant 320 : i32
    %mul3A_2 = arith.muli %add3A, %mul3A_1 : i32
    %multiple_of3A = tpu.assume_multiple %mul3A_2, 320 : i32
    %add3A_3 = arith.constant 0 : i32
    %add3A_4 = arith.addi %multiple_of3A, %add3A_3 : i32
    %run_scoped3A = arith.constant 0 : i32
    "tpu.region"() ({
      %run_scoped3A_92 = tpu.sem_alloc : memref<!tpu.dma_semaphore, #tpu.memory_space<semaphore_mem>>
      %dma_start3A_93 = arith.constant 0 : i32
      %dma_start3A_94 = tpu.memref_slice %arg5[%run_scoped3A, %dma_start3A_93] : memref<4x80xi32, #tpu.memory_space<vmem>> -> memref<1x80xi32, #tpu.memory_space<vmem>>
      %dma_start3A_95 = tpu.memref_squeeze %dma_start3A_94 : memref<1x80xi32, #tpu.memory_space<vmem>> -> memref<80xi32, #tpu.memory_space<vmem>>
      %dma_start3A_96 = tpu.memref_slice %arg3[%add3A_4] : memref<10240xi32, #tpu.memory_space<hbm>> -> memref<80xi32, #tpu.memory_space<hbm>>
      %dma_start3A_97 = arith.constant 0 : i32
      %dma_start3A_98 = tpu.memref_slice %arg5[%run_scoped3A, %dma_start3A_97] : memref<4x80xi32, #tpu.memory_space<vmem>> -> memref<1x80xi32, #tpu.memory_space<vmem>>
      %dma_start3A_99 = tpu.memref_squeeze %dma_start3A_98 : memref<1x80xi32, #tpu.memory_space<vmem>> -> memref<80xi32, #tpu.memory_space<vmem>>
      %dma_start3A_100 = tpu.memref_slice %arg3[%add3A_4] : memref<10240xi32, #tpu.memory_space<hbm>> -> memref<80xi32, #tpu.memory_space<hbm>>
      tpu.enqueue_dma source(%dma_start3A_100 : memref<80xi32, #tpu.memory_space<hbm>>) target(%dma_start3A_99 : memref<80xi32, #tpu.memory_space<vmem>>) target_semaphore(%run_scoped3A_92 : memref<!tpu.dma_semaphore, #tpu.memory_space<semaphore_mem>>)
      %dma_wait3A_101 = arith.constant 0 : i32
      %dma_wait3A_102 = tpu.memref_slice %arg5[%run_scoped3A, %dma_wait3A_101] : memref<4x80xi32, #tpu.memory_space<vmem>> -> memref<1x80xi32, #tpu.memory_space<vmem>>
      %dma_wait3A_103 = tpu.memref_squeeze %dma_wait3A_102 : memref<1x80xi32, #tpu.memory_space<vmem>> -> memref<80xi32, #tpu.memory_space<vmem>>
      %dma_wait3A_104 = tpu.memref_slice %arg3[%add3A_4] : memref<10240xi32, #tpu.memory_space<hbm>> -> memref<80xi32, #tpu.memory_space<hbm>>
      %dma_wait3A_105 = arith.constant 0 : i32
      %dma_wait3A_106 = tpu.memref_slice %arg5[%run_scoped3A, %dma_wait3A_105] : memref<4x80xi32, #tpu.memory_space<vmem>> -> memref<1x80xi32, #tpu.memory_space<vmem>>
      %dma_wait3A_107 = tpu.memref_squeeze %dma_wait3A_106 : memref<1x80xi32, #tpu.memory_space<vmem>> -> memref<80xi32, #tpu.memory_space<vmem>>
      %dma_wait3A_108 = tpu.memref_slice %arg3[%add3A_4] : memref<10240xi32, #tpu.memory_space<hbm>> -> memref<80xi32, #tpu.memory_space<hbm>>
      tpu.wait_dma2 semaphore(%run_scoped3A_92 : memref<!tpu.dma_semaphore, #tpu.memory_space<semaphore_mem>>) src(%dma_wait3A_108 : memref<80xi32, #tpu.memory_space<hbm>>) dst(%dma_wait3A_107 : memref<80xi32, #tpu.memory_space<vmem>>)
      tpu.yield
    }) : () -> ()
    %add3A_5 = arith.constant 80 : i32
    %add3A_6 = arith.addi %multiple_of3A, %add3A_5 : i32
    %run_scoped3A_7 = arith.constant 1 : i32
    "tpu.region"() ({
      %run_scoped3A_92 = tpu.sem_alloc : memref<!tpu.dma_semaphore, #tpu.memory_space<semaphore_mem>>
      %dma_start3A_93 = arith.constant 0 : i32
      %dma_start3A_94 = tpu.memref_slice %arg5[%run_scoped3A_7, %dma_start3A_93] : memref<4x80xi32, #tpu.memory_space<vmem>> -> memref<1x80xi32, #tpu.memory_space<vmem>>
      %dma_start3A_95 = tpu.memref_squeeze %dma_start3A_94 : memref<1x80xi32, #tpu.memory_space<vmem>> -> memref<80xi32, #tpu.memory_space<vmem>>
      %dma_start3A_96 = tpu.memref_slice %arg3[%add3A_6] : memref<10240xi32, #tpu.memory_space<hbm>> -> memref<80xi32, #tpu.memory_space<hbm>>
      %dma_start3A_97 = arith.constant 0 : i32
      %dma_start3A_98 = tpu.memref_slice %arg5[%run_scoped3A_7, %dma_start3A_97] : memref<4x80xi32, #tpu.memory_space<vmem>> -> memref<1x80xi32, #tpu.memory_space<vmem>>
      %dma_start3A_99 = tpu.memref_squeeze %dma_start3A_98 : memref<1x80xi32, #tpu.memory_space<vmem>> -> memref<80xi32, #tpu.memory_space<vmem>>
      %dma_start3A_100 = tpu.memref_slice %arg3[%add3A_6] : memref<10240xi32, #tpu.memory_space<hbm>> -> memref<80xi32, #tpu.memory_space<hbm>>
      tpu.enqueue_dma source(%dma_start3A_100 : memref<80xi32, #tpu.memory_space<hbm>>) target(%dma_start3A_99 : memref<80xi32, #tpu.memory_space<vmem>>) target_semaphore(%run_scoped3A_92 : memref<!tpu.dma_semaphore, #tpu.memory_space<semaphore_mem>>)
      %dma_wait3A_101 = arith.constant 0 : i32
      %dma_wait3A_102 = tpu.memref_slice %arg5[%run_scoped3A_7, %dma_wait3A_101] : memref<4x80xi32, #tpu.memory_space<vmem>> -> memref<1x80xi32, #tpu.memory_space<vmem>>
      %dma_wait3A_103 = tpu.memref_squeeze %dma_wait3A_102 : memref<1x80xi32, #tpu.memory_space<vmem>> -> memref<80xi32, #tpu.memory_space<vmem>>
      %dma_wait3A_104 = tpu.memref_slice %arg3[%add3A_6] : memref<10240xi32, #tpu.memory_space<hbm>> -> memref<80xi32, #tpu.memory_space<hbm>>
      %dma_wait3A_105 = arith.constant 0 : i32
      %dma_wait3A_106 = tpu.memref_slice %arg5[%run_scoped3A_7, %dma_wait3A_105] : memref<4x80xi32, #tpu.memory_space<vmem>> -> memref<1x80xi32, #tpu.memory_space<vmem>>
      %dma_wait3A_107 = tpu.memref_squeeze %dma_wait3A_106 : memref<1x80xi32, #tpu.memory_space<vmem>> -> memref<80xi32, #tpu.memory_space<vmem>>
      %dma_wait3A_108 = tpu.memref_slice %arg3[%add3A_6] : memref<10240xi32, #tpu.memory_space<hbm>> -> memref<80xi32, #tpu.memory_space<hbm>>
      tpu.wait_dma2 semaphore(%run_scoped3A_92 : memref<!tpu.dma_semaphore, #tpu.memory_space<semaphore_mem>>) src(%dma_wait3A_108 : memref<80xi32, #tpu.memory_space<hbm>>) dst(%dma_wait3A_107 : memref<80xi32, #tpu.memory_space<vmem>>)
      tpu.yield
    }) : () -> ()
    %add3A_8 = arith.constant 160 : i32
    %add3A_9 = arith.addi %multiple_of3A, %add3A_8 : i32
    %run_scoped3A_10 = arith.constant 2 : i32
    "tpu.region"() ({
      %run_scoped3A_92 = tpu.sem_alloc : memref<!tpu.dma_semaphore, #tpu.memory_space<semaphore_mem>>
      %dma_start3A_93 = arith.constant 0 : i32
      %dma_start3A_94 = tpu.memref_slice %arg5[%run_scoped3A_10, %dma_start3A_93] : memref<4x80xi32, #tpu.memory_space<vmem>> -> memref<1x80xi32, #tpu.memory_space<vmem>>
      %dma_start3A_95 = tpu.memref_squeeze %dma_start3A_94 : memref<1x80xi32, #tpu.memory_space<vmem>> -> memref<80xi32, #tpu.memory_space<vmem>>
      %dma_start3A_96 = tpu.memref_slice %arg3[%add3A_9] : memref<10240xi32, #tpu.memory_space<hbm>> -> memref<80xi32, #tpu.memory_space<hbm>>
      %dma_start3A_97 = arith.constant 0 : i32
      %dma_start3A_98 = tpu.memref_slice %arg5[%run_scoped3A_10, %dma_start3A_97] : memref<4x80xi32, #tpu.memory_space<vmem>> -> memref<1x80xi32, #tpu.memory_space<vmem>>
      %dma_start3A_99 = tpu.memref_squeeze %dma_start3A_98 : memref<1x80xi32, #tpu.memory_space<vmem>> -> memref<80xi32, #tpu.memory_space<vmem>>
      %dma_start3A_100 = tpu.memref_slice %arg3[%add3A_9] : memref<10240xi32, #tpu.memory_space<hbm>> -> memref<80xi32, #tpu.memory_space<hbm>>
      tpu.enqueue_dma source(%dma_start3A_100 : memref<80xi32, #tpu.memory_space<hbm>>) target(%dma_start3A_99 : memref<80xi32, #tpu.memory_space<vmem>>) target_semaphore(%run_scoped3A_92 : memref<!tpu.dma_semaphore, #tpu.memory_space<semaphore_mem>>)
      %dma_wait3A_101 = arith.constant 0 : i32
      %dma_wait3A_102 = tpu.memref_slice %arg5[%run_scoped3A_10, %dma_wait3A_101] : memref<4x80xi32, #tpu.memory_space<vmem>> -> memref<1x80xi32, #tpu.memory_space<vmem>>
      %dma_wait3A_103 = tpu.memref_squeeze %dma_wait3A_102 : memref<1x80xi32, #tpu.memory_space<vmem>> -> memref<80xi32, #tpu.memory_space<vmem>>
      %dma_wait3A_104 = tpu.memref_slice %arg3[%add3A_9] : memref<10240xi32, #tpu.memory_space<hbm>> -> memref<80xi32, #tpu.memory_space<hbm>>
      %dma_wait3A_105 = arith.constant 0 : i32
      %dma_wait3A_106 = tpu.memref_slice %arg5[%run_scoped3A_10, %dma_wait3A_105] : memref<4x80xi32, #tpu.memory_space<vmem>> -> memref<1x80xi32, #tpu.memory_space<vmem>>
      %dma_wait3A_107 = tpu.memref_squeeze %dma_wait3A_106 : memref<1x80xi32, #tpu.memory_space<vmem>> -> memref<80xi32, #tpu.memory_space<vmem>>
      %dma_wait3A_108 = tpu.memref_slice %arg3[%add3A_9] : memref<10240xi32, #tpu.memory_space<hbm>> -> memref<80xi32, #tpu.memory_space<hbm>>
      tpu.wait_dma2 semaphore(%run_scoped3A_92 : memref<!tpu.dma_semaphore, #tpu.memory_space<semaphore_mem>>) src(%dma_wait3A_108 : memref<80xi32, #tpu.memory_space<hbm>>) dst(%dma_wait3A_107 : memref<80xi32, #tpu.memory_space<vmem>>)
      tpu.yield
    }) : () -> ()
    %add3A_11 = arith.constant 240 : i32
    %add3A_12 = arith.addi %multiple_of3A, %add3A_11 : i32
    %run_scoped3A_13 = arith.constant 3 : i32
    "tpu.region"() ({
      %run_scoped3A_92 = tpu.sem_alloc : memref<!tpu.dma_semaphore, #tpu.memory_space<semaphore_mem>>
      %dma_start3A_93 = arith.constant 0 : i32
      %dma_start3A_94 = tpu.memref_slice %arg5[%run_scoped3A_13, %dma_start3A_93] : memref<4x80xi32, #tpu.memory_space<vmem>> -> memref<1x80xi32, #tpu.memory_space<vmem>>
      %dma_start3A_95 = tpu.memref_squeeze %dma_start3A_94 : memref<1x80xi32, #tpu.memory_space<vmem>> -> memref<80xi32, #tpu.memory_space<vmem>>
      %dma_start3A_96 = tpu.memref_slice %arg3[%add3A_12] : memref<10240xi32, #tpu.memory_space<hbm>> -> memref<80xi32, #tpu.memory_space<hbm>>
      %dma_start3A_97 = arith.constant 0 : i32
      %dma_start3A_98 = tpu.memref_slice %arg5[%run_scoped3A_13, %dma_start3A_97] : memref<4x80xi32, #tpu.memory_space<vmem>> -> memref<1x80xi32, #tpu.memory_space<vmem>>
      %dma_start3A_99 = tpu.memref_squeeze %dma_start3A_98 : memref<1x80xi32, #tpu.memory_space<vmem>> -> memref<80xi32, #tpu.memory_space<vmem>>
      %dma_start3A_100 = tpu.memref_slice %arg3[%add3A_12] : memref<10240xi32, #tpu.memory_space<hbm>> -> memref<80xi32, #tpu.memory_space<hbm>>
      tpu.enqueue_dma source(%dma_start3A_100 : memref<80xi32, #tpu.memory_space<hbm>>) target(%dma_start3A_99 : memref<80xi32, #tpu.memory_space<vmem>>) target_semaphore(%run_scoped3A_92 : memref<!tpu.dma_semaphore, #tpu.memory_space<semaphore_mem>>)
      %dma_wait3A_101 = arith.constant 0 : i32
      %dma_wait3A_102 = tpu.memref_slice %arg5[%run_scoped3A_13, %dma_wait3A_101] : memref<4x80xi32, #tpu.memory_space<vmem>> -> memref<1x80xi32, #tpu.memory_space<vmem>>
      %dma_wait3A_103 = tpu.memref_squeeze %dma_wait3A_102 : memref<1x80xi32, #tpu.memory_space<vmem>> -> memref<80xi32, #tpu.memory_space<vmem>>
      %dma_wait3A_104 = tpu.memref_slice %arg3[%add3A_12] : memref<10240xi32, #tpu.memory_space<hbm>> -> memref<80xi32, #tpu.memory_space<hbm>>
      %dma_wait3A_105 = arith.constant 0 : i32
      %dma_wait3A_106 = tpu.memref_slice %arg5[%run_scoped3A_13, %dma_wait3A_105] : memref<4x80xi32, #tpu.memory_space<vmem>> -> memref<1x80xi32, #tpu.memory_space<vmem>>
      %dma_wait3A_107 = tpu.memref_squeeze %dma_wait3A_106 : memref<1x80xi32, #tpu.memory_space<vmem>> -> memref<80xi32, #tpu.memory_space<vmem>>
      %dma_wait3A_108 = tpu.memref_slice %arg3[%add3A_12] : memref<10240xi32, #tpu.memory_space<hbm>> -> memref<80xi32, #tpu.memory_space<hbm>>
      tpu.wait_dma2 semaphore(%run_scoped3A_92 : memref<!tpu.dma_semaphore, #tpu.memory_space<semaphore_mem>>) src(%dma_wait3A_108 : memref<80xi32, #tpu.memory_space<hbm>>) dst(%dma_wait3A_107 : memref<80xi32, #tpu.memory_space<vmem>>)
      tpu.yield
    }) : () -> ()
    %dma_start3A = arith.constant 0 : i32
    %dma_start3A_14 = arith.constant 0 : i32
    %dma_start3A_15 = arith.constant 0 : i32
    %dma_start3A_16 = tpu.memref_slice %arg6[%dma_start3A_14, %dma_start3A_15] : memref<320x256xf32, #tpu.memory_space<vmem>> -> memref<80x256xf32, #tpu.memory_space<vmem>>
    %dma_start3A_17 = arith.constant 0 : i32
    %dma_start3A_18 = tpu.memref_slice %arg5[%dma_start3A, %dma_start3A_17] : memref<4x80xi32, #tpu.memory_space<vmem>> -> memref<1x80xi32, #tpu.memory_space<vmem>>
    %dma_start3A_19 = tpu.memref_squeeze %dma_start3A_18 : memref<1x80xi32, #tpu.memory_space<vmem>> -> memref<80xi32, #tpu.memory_space<vmem>>
    %dma_start3A_20 = arith.constant 0 : i32
    %dma_start3A_21 = arith.constant 0 : i32
    %dma_start3A_22 = tpu.memref_slice %arg2[%dma_start3A_20, %dma_start3A_21] : memref<50001x256xf32, #tpu.memory_space<hbm>> -> memref<50001x256xf32, #tpu.memory_space<hbm>>
    tpu.enqueue_indirect_dma source(%dma_start3A_22 : memref<50001x256xf32, #tpu.memory_space<hbm>>) target(%dma_start3A_16 : memref<80x256xf32, #tpu.memory_space<vmem>>) offsets(%dma_start3A_19 : memref<80xi32, #tpu.memory_space<vmem>>) semaphore(%arg7 : memref<!tpu.dma_semaphore, #tpu.memory_space<semaphore_mem>>)
    %dma_wait3A = arith.constant 0 : i32
    %dma_wait3A_23 = arith.constant 0 : i32
    %dma_wait3A_24 = arith.constant 0 : i32
    %dma_wait3A_25 = tpu.memref_slice %arg6[%dma_wait3A_23, %dma_wait3A_24] : memref<320x256xf32, #tpu.memory_space<vmem>> -> memref<80x256xf32, #tpu.memory_space<vmem>>
    %dma_wait3A_26 = arith.constant 0 : i32
    %dma_wait3A_27 = tpu.memref_slice %arg5[%dma_wait3A, %dma_wait3A_26] : memref<4x80xi32, #tpu.memory_space<vmem>> -> memref<1x80xi32, #tpu.memory_space<vmem>>
    %dma_wait3A_28 = tpu.memref_squeeze %dma_wait3A_27 : memref<1x80xi32, #tpu.memory_space<vmem>> -> memref<80xi32, #tpu.memory_space<vmem>>
    %dma_wait3A_29 = arith.constant 0 : i32
    %dma_wait3A_30 = arith.constant 0 : i32
    %dma_wait3A_31 = tpu.memref_slice %arg2[%dma_wait3A_29, %dma_wait3A_30] : memref<50001x256xf32, #tpu.memory_space<hbm>> -> memref<50001x256xf32, #tpu.memory_space<hbm>>
    tpu.wait_indirect_dma semaphore(%arg7 : memref<!tpu.dma_semaphore, #tpu.memory_space<semaphore_mem>>) src(%dma_wait3A_31 : memref<50001x256xf32, #tpu.memory_space<hbm>>) dst(%dma_wait3A_25 : memref<80x256xf32, #tpu.memory_space<vmem>>)
    %dma_start3A_32 = arith.constant 1 : i32
    %dma_start3A_33 = arith.constant 80 : i32
    %dma_start3A_34 = arith.constant 0 : i32
    %dma_start3A_35 = tpu.memref_slice %arg6[%dma_start3A_33, %dma_start3A_34] : memref<320x256xf32, #tpu.memory_space<vmem>> -> memref<80x256xf32, #tpu.memory_space<vmem>>
    %dma_start3A_36 = arith.constant 0 : i32
    %dma_start3A_37 = tpu.memref_slice %arg5[%dma_start3A_32, %dma_start3A_36] : memref<4x80xi32, #tpu.memory_space<vmem>> -> memref<1x80xi32, #tpu.memory_space<vmem>>
    %dma_start3A_38 = tpu.memref_squeeze %dma_start3A_37 : memref<1x80xi32, #tpu.memory_space<vmem>> -> memref<80xi32, #tpu.memory_space<vmem>>
    %dma_start3A_39 = arith.constant 0 : i32
    %dma_start3A_40 = arith.constant 0 : i32
    %dma_start3A_41 = tpu.memref_slice %arg2[%dma_start3A_39, %dma_start3A_40] : memref<50001x256xf32, #tpu.memory_space<hbm>> -> memref<50001x256xf32, #tpu.memory_space<hbm>>
    tpu.enqueue_indirect_dma source(%dma_start3A_41 : memref<50001x256xf32, #tpu.memory_space<hbm>>) target(%dma_start3A_35 : memref<80x256xf32, #tpu.memory_space<vmem>>) offsets(%dma_start3A_38 : memref<80xi32, #tpu.memory_space<vmem>>) semaphore(%arg7 : memref<!tpu.dma_semaphore, #tpu.memory_space<semaphore_mem>>)
    %dma_wait3A_42 = arith.constant 1 : i32
    %dma_wait3A_43 = arith.constant 80 : i32
    %dma_wait3A_44 = arith.constant 0 : i32
    %dma_wait3A_45 = tpu.memref_slice %arg6[%dma_wait3A_43, %dma_wait3A_44] : memref<320x256xf32, #tpu.memory_space<vmem>> -> memref<80x256xf32, #tpu.memory_space<vmem>>
    %dma_wait3A_46 = arith.constant 0 : i32
    %dma_wait3A_47 = tpu.memref_slice %arg5[%dma_wait3A_42, %dma_wait3A_46] : memref<4x80xi32, #tpu.memory_space<vmem>> -> memref<1x80xi32, #tpu.memory_space<vmem>>
    %dma_wait3A_48 = tpu.memref_squeeze %dma_wait3A_47 : memref<1x80xi32, #tpu.memory_space<vmem>> -> memref<80xi32, #tpu.memory_space<vmem>>
    %dma_wait3A_49 = arith.constant 0 : i32
    %dma_wait3A_50 = arith.constant 0 : i32
    %dma_wait3A_51 = tpu.memref_slice %arg2[%dma_wait3A_49, %dma_wait3A_50] : memref<50001x256xf32, #tpu.memory_space<hbm>> -> memref<50001x256xf32, #tpu.memory_space<hbm>>
    tpu.wait_indirect_dma semaphore(%arg7 : memref<!tpu.dma_semaphore, #tpu.memory_space<semaphore_mem>>) src(%dma_wait3A_51 : memref<50001x256xf32, #tpu.memory_space<hbm>>) dst(%dma_wait3A_45 : memref<80x256xf32, #tpu.memory_space<vmem>>)
    %dma_start3A_52 = arith.constant 2 : i32
    %dma_start3A_53 = arith.constant 160 : i32
    %dma_start3A_54 = arith.constant 0 : i32
    %dma_start3A_55 = tpu.memref_slice %arg6[%dma_start3A_53, %dma_start3A_54] : memref<320x256xf32, #tpu.memory_space<vmem>> -> memref<80x256xf32, #tpu.memory_space<vmem>>
    %dma_start3A_56 = arith.constant 0 : i32
    %dma_start3A_57 = tpu.memref_slice %arg5[%dma_start3A_52, %dma_start3A_56] : memref<4x80xi32, #tpu.memory_space<vmem>> -> memref<1x80xi32, #tpu.memory_space<vmem>>
    %dma_start3A_58 = tpu.memref_squeeze %dma_start3A_57 : memref<1x80xi32, #tpu.memory_space<vmem>> -> memref<80xi32, #tpu.memory_space<vmem>>
    %dma_start3A_59 = arith.constant 0 : i32
    %dma_start3A_60 = arith.constant 0 : i32
    %dma_start3A_61 = tpu.memref_slice %arg2[%dma_start3A_59, %dma_start3A_60] : memref<50001x256xf32, #tpu.memory_space<hbm>> -> memref<50001x256xf32, #tpu.memory_space<hbm>>
    tpu.enqueue_indirect_dma source(%dma_start3A_61 : memref<50001x256xf32, #tpu.memory_space<hbm>>) target(%dma_start3A_55 : memref<80x256xf32, #tpu.memory_space<vmem>>) offsets(%dma_start3A_58 : memref<80xi32, #tpu.memory_space<vmem>>) semaphore(%arg7 : memref<!tpu.dma_semaphore, #tpu.memory_space<semaphore_mem>>)
    %dma_wait3A_62 = arith.constant 2 : i32
    %dma_wait3A_63 = arith.constant 160 : i32
    %dma_wait3A_64 = arith.constant 0 : i32
    %dma_wait3A_65 = tpu.memref_slice %arg6[%dma_wait3A_63, %dma_wait3A_64] : memref<320x256xf32, #tpu.memory_space<vmem>> -> memref<80x256xf32, #tpu.memory_space<vmem>>
    %dma_wait3A_66 = arith.constant 0 : i32
    %dma_wait3A_67 = tpu.memref_slice %arg5[%dma_wait3A_62, %dma_wait3A_66] : memref<4x80xi32, #tpu.memory_space<vmem>> -> memref<1x80xi32, #tpu.memory_space<vmem>>
    %dma_wait3A_68 = tpu.memref_squeeze %dma_wait3A_67 : memref<1x80xi32, #tpu.memory_space<vmem>> -> memref<80xi32, #tpu.memory_space<vmem>>
    %dma_wait3A_69 = arith.constant 0 : i32
    %dma_wait3A_70 = arith.constant 0 : i32
    %dma_wait3A_71 = tpu.memref_slice %arg2[%dma_wait3A_69, %dma_wait3A_70] : memref<50001x256xf32, #tpu.memory_space<hbm>> -> memref<50001x256xf32, #tpu.memory_space<hbm>>
    tpu.wait_indirect_dma semaphore(%arg7 : memref<!tpu.dma_semaphore, #tpu.memory_space<semaphore_mem>>) src(%dma_wait3A_71 : memref<50001x256xf32, #tpu.memory_space<hbm>>) dst(%dma_wait3A_65 : memref<80x256xf32, #tpu.memory_space<vmem>>)
    %dma_start3A_72 = arith.constant 3 : i32
    %dma_start3A_73 = arith.constant 240 : i32
    %dma_start3A_74 = arith.constant 0 : i32
    %dma_start3A_75 = tpu.memref_slice %arg6[%dma_start3A_73, %dma_start3A_74] : memref<320x256xf32, #tpu.memory_space<vmem>> -> memref<80x256xf32, #tpu.memory_space<vmem>>
    %dma_start3A_76 = arith.constant 0 : i32
    %dma_start3A_77 = tpu.memref_slice %arg5[%dma_start3A_72, %dma_start3A_76] : memref<4x80xi32, #tpu.memory_space<vmem>> -> memref<1x80xi32, #tpu.memory_space<vmem>>
    %dma_start3A_78 = tpu.memref_squeeze %dma_start3A_77 : memref<1x80xi32, #tpu.memory_space<vmem>> -> memref<80xi32, #tpu.memory_space<vmem>>
    %dma_start3A_79 = arith.constant 0 : i32
    %dma_start3A_80 = arith.constant 0 : i32
    %dma_start3A_81 = tpu.memref_slice %arg2[%dma_start3A_79, %dma_start3A_80] : memref<50001x256xf32, #tpu.memory_space<hbm>> -> memref<50001x256xf32, #tpu.memory_space<hbm>>
    tpu.enqueue_indirect_dma source(%dma_start3A_81 : memref<50001x256xf32, #tpu.memory_space<hbm>>) target(%dma_start3A_75 : memref<80x256xf32, #tpu.memory_space<vmem>>) offsets(%dma_start3A_78 : memref<80xi32, #tpu.memory_space<vmem>>) semaphore(%arg7 : memref<!tpu.dma_semaphore, #tpu.memory_space<semaphore_mem>>)
    %dma_wait3A_82 = arith.constant 3 : i32
    %dma_wait3A_83 = arith.constant 240 : i32
    %dma_wait3A_84 = arith.constant 0 : i32
    %dma_wait3A_85 = tpu.memref_slice %arg6[%dma_wait3A_83, %dma_wait3A_84] : memref<320x256xf32, #tpu.memory_space<vmem>> -> memref<80x256xf32, #tpu.memory_space<vmem>>
    %dma_wait3A_86 = arith.constant 0 : i32
    %dma_wait3A_87 = tpu.memref_slice %arg5[%dma_wait3A_82, %dma_wait3A_86] : memref<4x80xi32, #tpu.memory_space<vmem>> -> memref<1x80xi32, #tpu.memory_space<vmem>>
    %dma_wait3A_88 = tpu.memref_squeeze %dma_wait3A_87 : memref<1x80xi32, #tpu.memory_space<vmem>> -> memref<80xi32, #tpu.memory_space<vmem>>
    %dma_wait3A_89 = arith.constant 0 : i32
    %dma_wait3A_90 = arith.constant 0 : i32
    %dma_wait3A_91 = tpu.memref_slice %arg2[%dma_wait3A_89, %dma_wait3A_90] : memref<50001x256xf32, #tpu.memory_space<hbm>> -> memref<50001x256xf32, #tpu.memory_space<hbm>>
    tpu.wait_indirect_dma semaphore(%arg7 : memref<!tpu.dma_semaphore, #tpu.memory_space<semaphore_mem>>) src(%dma_wait3A_91 : memref<50001x256xf32, #tpu.memory_space<hbm>>) dst(%dma_wait3A_85 : memref<80x256xf32, #tpu.memory_space<vmem>>)
    "tpu.region"() ({
      %run_scoped3A_92 = tpu.sem_alloc : memref<!tpu.dma_semaphore, #tpu.memory_space<semaphore_mem>>
      %dma_start3A_93 = arith.constant 0 : i32
      %dma_start3A_94 = tpu.memref_slice %arg4[%multiple_of3A, %dma_start3A_93] : memref<10240x256xf32, #tpu.memory_space<hbm>> -> memref<320x256xf32, #tpu.memory_space<hbm>>
      %dma_start3A_95 = arith.constant 0 : i32
      %dma_start3A_96 = tpu.memref_slice %arg4[%multiple_of3A, %dma_start3A_95] : memref<10240x256xf32, #tpu.memory_space<hbm>> -> memref<320x256xf32, #tpu.memory_space<hbm>>
      tpu.enqueue_dma source(%arg6 : memref<320x256xf32, #tpu.memory_space<vmem>>) target(%dma_start3A_96 : memref<320x256xf32, #tpu.memory_space<hbm>>) target_semaphore(%run_scoped3A_92 : memref<!tpu.dma_semaphore, #tpu.memory_space<semaphore_mem>>)
      %dma_wait3A_97 = arith.constant 0 : i32
      %dma_wait3A_98 = tpu.memref_slice %arg4[%multiple_of3A, %dma_wait3A_97] : memref<10240x256xf32, #tpu.memory_space<hbm>> -> memref<320x256xf32, #tpu.memory_space<hbm>>
      %dma_wait3A_99 = arith.constant 0 : i32
      %dma_wait3A_100 = tpu.memref_slice %arg4[%multiple_of3A, %dma_wait3A_99] : memref<10240x256xf32, #tpu.memory_space<hbm>> -> memref<320x256xf32, #tpu.memory_space<hbm>>
      tpu.wait_dma2 semaphore(%run_scoped3A_92 : memref<!tpu.dma_semaphore, #tpu.memory_space<semaphore_mem>>) src(%arg6 : memref<320x256xf32, #tpu.memory_space<vmem>>) dst(%dma_wait3A_100 : memref<320x256xf32, #tpu.memory_space<hbm>>)
      tpu.yield
    }) : () -> ()
    return
  }
}

#map = affine_map<(d0, d1) -> (0)>
module attributes {stable_mosaic.version = 14 : i64} {
  func.func @_k8_adjacency(%arg0: i32, %arg1: i32, %arg2: memref<163840xi32, #tpu.memory_space<hbm>>, %arg3: memref<163840xi32, #tpu.memory_space<hbm>>, %arg4: memref<163840xf32, #tpu.memory_space<hbm>>, %arg5: memref<1280000xf32, #tpu.memory_space<hbm>>, %arg6: memref<100000000xf32, #tpu.memory_space<hbm>>, %arg7: memref<10240xi32, #tpu.memory_space<vmem>>, %arg8: memref<10240xf32, #tpu.memory_space<vmem>>, %arg9: memref<10240xi32, #tpu.memory_space<vmem>>, %arg10: memref<10240xf32, #tpu.memory_space<vmem>>, %arg11: memref<1280256xf32, #tpu.memory_space<vmem_shared>>, %arg12: memref<!tpu.dma_semaphore, #tpu.memory_space<semaphore_mem>>) attributes {dimension_semantics = [#tpu.dimension_semantics<core_parallel>, #tpu.dimension_semantics<subcore_parallel>], iteration_bounds = array<i64: 2, 16>, scalar_prefetch = 0 : i64, scratch_operands = 6 : i64, tpu.core_type = #tpu.core_type<sc_vector_subcore>, window_params = [{transform_indices = #map}, {transform_indices = #map}, {transform_indices = #map}, {transform_indices = #map}, {transform_indices = #map}]} {
    %mul3A = arith.constant 10240 : i32
    %mul3A_0 = arith.muli %arg1, %mul3A : i32
    %multiple_of3A = tpu.assume_multiple %mul3A_0, 10240 : i32
    "tpu.region"() ({
      %run_scoped3A = tpu.sem_alloc : memref<!tpu.dma_semaphore, #tpu.memory_space<semaphore_mem>>
      %dma_start3A = tpu.memref_slice %arg2[%multiple_of3A] : memref<163840xi32, #tpu.memory_space<hbm>> -> memref<10240xi32, #tpu.memory_space<hbm>>
      %dma_start3A_26 = tpu.memref_slice %arg2[%multiple_of3A] : memref<163840xi32, #tpu.memory_space<hbm>> -> memref<10240xi32, #tpu.memory_space<hbm>>
      tpu.enqueue_dma source(%dma_start3A_26 : memref<10240xi32, #tpu.memory_space<hbm>>) target(%arg9 : memref<10240xi32, #tpu.memory_space<vmem>>) target_semaphore(%run_scoped3A : memref<!tpu.dma_semaphore, #tpu.memory_space<semaphore_mem>>)
      %dma_wait3A = tpu.memref_slice %arg2[%multiple_of3A] : memref<163840xi32, #tpu.memory_space<hbm>> -> memref<10240xi32, #tpu.memory_space<hbm>>
      %dma_wait3A_27 = tpu.memref_slice %arg2[%multiple_of3A] : memref<163840xi32, #tpu.memory_space<hbm>> -> memref<10240xi32, #tpu.memory_space<hbm>>
      tpu.wait_dma2 semaphore(%run_scoped3A : memref<!tpu.dma_semaphore, #tpu.memory_space<semaphore_mem>>) src(%dma_wait3A_27 : memref<10240xi32, #tpu.memory_space<hbm>>) dst(%arg9 : memref<10240xi32, #tpu.memory_space<vmem>>)
      tpu.yield
    }) : () -> ()
    "tpu.region"() ({
      %run_scoped3A = tpu.sem_alloc : memref<!tpu.dma_semaphore, #tpu.memory_space<semaphore_mem>>
      %dma_start3A = tpu.memref_slice %arg3[%multiple_of3A] : memref<163840xi32, #tpu.memory_space<hbm>> -> memref<10240xi32, #tpu.memory_space<hbm>>
      %dma_start3A_26 = tpu.memref_slice %arg3[%multiple_of3A] : memref<163840xi32, #tpu.memory_space<hbm>> -> memref<10240xi32, #tpu.memory_space<hbm>>
      tpu.enqueue_dma source(%dma_start3A_26 : memref<10240xi32, #tpu.memory_space<hbm>>) target(%arg7 : memref<10240xi32, #tpu.memory_space<vmem>>) target_semaphore(%run_scoped3A : memref<!tpu.dma_semaphore, #tpu.memory_space<semaphore_mem>>)
      %dma_wait3A = tpu.memref_slice %arg3[%multiple_of3A] : memref<163840xi32, #tpu.memory_space<hbm>> -> memref<10240xi32, #tpu.memory_space<hbm>>
      %dma_wait3A_27 = tpu.memref_slice %arg3[%multiple_of3A] : memref<163840xi32, #tpu.memory_space<hbm>> -> memref<10240xi32, #tpu.memory_space<hbm>>
      tpu.wait_dma2 semaphore(%run_scoped3A : memref<!tpu.dma_semaphore, #tpu.memory_space<semaphore_mem>>) src(%dma_wait3A_27 : memref<10240xi32, #tpu.memory_space<hbm>>) dst(%arg7 : memref<10240xi32, #tpu.memory_space<vmem>>)
      tpu.yield
    }) : () -> ()
    "tpu.region"() ({
      %run_scoped3A = tpu.sem_alloc : memref<!tpu.dma_semaphore, #tpu.memory_space<semaphore_mem>>
      %dma_start3A = tpu.memref_slice %arg4[%multiple_of3A] : memref<163840xf32, #tpu.memory_space<hbm>> -> memref<10240xf32, #tpu.memory_space<hbm>>
      %dma_start3A_26 = tpu.memref_slice %arg4[%multiple_of3A] : memref<163840xf32, #tpu.memory_space<hbm>> -> memref<10240xf32, #tpu.memory_space<hbm>>
      tpu.enqueue_dma source(%dma_start3A_26 : memref<10240xf32, #tpu.memory_space<hbm>>) target(%arg8 : memref<10240xf32, #tpu.memory_space<vmem>>) target_semaphore(%run_scoped3A : memref<!tpu.dma_semaphore, #tpu.memory_space<semaphore_mem>>)
      %dma_wait3A = tpu.memref_slice %arg4[%multiple_of3A] : memref<163840xf32, #tpu.memory_space<hbm>> -> memref<10240xf32, #tpu.memory_space<hbm>>
      %dma_wait3A_27 = tpu.memref_slice %arg4[%multiple_of3A] : memref<163840xf32, #tpu.memory_space<hbm>> -> memref<10240xf32, #tpu.memory_space<hbm>>
      tpu.wait_dma2 semaphore(%run_scoped3A : memref<!tpu.dma_semaphore, #tpu.memory_space<semaphore_mem>>) src(%dma_wait3A_27 : memref<10240xf32, #tpu.memory_space<hbm>>) dst(%arg8 : memref<10240xf32, #tpu.memory_space<vmem>>)
      tpu.yield
    }) : () -> ()
    %mul3A_1 = arith.constant 80000 : i32
    %mul3A_2 = arith.muli %arg1, %mul3A_1 : i32
    %multiple_of3A_3 = tpu.assume_multiple %mul3A_2, 128 : i32
    "tpu.region"() ({
      %run_scoped3A = tpu.sem_alloc : memref<!tpu.dma_semaphore, #tpu.memory_space<semaphore_mem>>
      %dma_start3A = tpu.memref_slice %arg11[%multiple_of3A_3] : memref<1280256xf32, #tpu.memory_space<vmem_shared>> -> memref<80000xf32, #tpu.memory_space<vmem_shared>>
      %dma_start3A_26 = tpu.memref_slice %arg5[%multiple_of3A_3] : memref<1280000xf32, #tpu.memory_space<hbm>> -> memref<80000xf32, #tpu.memory_space<hbm>>
      tpu.enqueue_dma source(%dma_start3A_26 : memref<80000xf32, #tpu.memory_space<hbm>>) target(%dma_start3A : memref<80000xf32, #tpu.memory_space<vmem_shared>>) target_semaphore(%run_scoped3A : memref<!tpu.dma_semaphore, #tpu.memory_space<semaphore_mem>>)
      %dma_wait3A = tpu.memref_slice %arg11[%multiple_of3A_3] : memref<1280256xf32, #tpu.memory_space<vmem_shared>> -> memref<80000xf32, #tpu.memory_space<vmem_shared>>
      %dma_wait3A_27 = tpu.memref_slice %arg5[%multiple_of3A_3] : memref<1280000xf32, #tpu.memory_space<hbm>> -> memref<80000xf32, #tpu.memory_space<hbm>>
      tpu.wait_dma2 semaphore(%run_scoped3A : memref<!tpu.dma_semaphore, #tpu.memory_space<semaphore_mem>>) src(%dma_wait3A_27 : memref<80000xf32, #tpu.memory_space<hbm>>) dst(%dma_wait3A : memref<80000xf32, #tpu.memory_space<vmem_shared>>)
      tpu.yield
    }) : () -> ()
    %scan3A = arith.constant 0 : i32
    %scan3A_4 = arith.constant 0 : i32
    %scan3A_5 = arith.constant 640 : i32
    %scan3A_6 = arith.addi %scan3A_4, %scan3A_5 : i32
    %scan3A_7 = arith.constant 1 : i32
    %scan3A_8 = scf.for %scan3A_26 = %scan3A_4 to %scan3A_6 step %scan3A_7 iter_args(%scan3A_27 = %scan3A) -> (i32)  : i32 {
      %mul3A_28 = arith.constant 16 : i32
      %mul3A_29 = arith.muli %scan3A_26, %mul3A_28 : i32
      %get3A = arith.index_cast %mul3A_29 : i32 to index
      %get3A_30 = tpu.vector_load %arg9[%get3A] {strides = array<i32>} : memref<10240xi32, #tpu.memory_space<vmem>>, vector<16xi32>,
      %get3A_31 = vector.shape_cast %get3A_30 : vector<16xi32> to vector<16xi32>
      %mul3A_32 = arith.constant 10000 : i32
      %mul3A_33 = vector.broadcast %mul3A_32 : i32 to vector<16xi32>
      %mul3A_34 = arith.muli %get3A_31, %mul3A_33 : vector<16xi32>
      %get3A_35 = arith.index_cast %mul3A_29 : i32 to index
      %get3A_36 = tpu.vector_load %arg7[%get3A_35] {strides = array<i32>} : memref<10240xi32, #tpu.memory_space<vmem>>, vector<16xi32>,
      %get3A_37 = vector.shape_cast %get3A_36 : vector<16xi32> to vector<16xi32>
      %add3A = arith.addi %mul3A_34, %get3A_37 : vector<16xi32>
      %swap3A = arith.index_cast %mul3A_29 : i32 to index
      %swap3A_38 = tpu.vector_load %arg7[%swap3A] {strides = array<i32>} : memref<10240xi32, #tpu.memory_space<vmem>>, vector<16xi32>,
      %swap3A_39 = vector.shape_cast %swap3A_38 : vector<16xi32> to vector<16xi32>
      %swap3A_40 = vector.shape_cast %add3A : vector<16xi32> to vector<16xi32>
      tpu.vector_store %arg7[%swap3A], %swap3A_40 {strides = array<i32>} : memref<10240xi32, #tpu.memory_space<vmem>>, vector<16xi32>,
      %scan3A_41 = arith.constant 0 : i32
      scf.yield %scan3A_41 : i32
    }
    %scan3A_9 = arith.constant 640 : i32
    %barrier3A = arith.constant 0 : index
    tpu.barrier barrier_id(%barrier3A)
    %mul3A_10 = arith.constant 128 : i32
    %mul3A_11 = arith.muli %arg0, %mul3A_10 : i32
    %scan3A_12 = arith.constant 0 : i32
    %scan3A_13 = arith.constant 0 : i32
    %scan3A_14 = arith.constant 640 : i32
    %scan3A_15 = arith.addi %scan3A_13, %scan3A_14 : i32
    %scan3A_16 = arith.constant 1 : i32
    %scan3A_17 = scf.for %scan3A_26 = %scan3A_13 to %scan3A_15 step %scan3A_16 iter_args(%scan3A_27 = %scan3A_12) -> (i32)  : i32 {
      %mul3A_28 = arith.constant 16 : i32
      %mul3A_29 = arith.muli %scan3A_26, %mul3A_28 : i32
      %get3A = arith.index_cast %mul3A_29 : i32 to index
      %get3A_30 = tpu.vector_load %arg7[%get3A] {strides = array<i32>} : memref<10240xi32, #tpu.memory_space<vmem>>, vector<16xi32>,
      %get3A_31 = vector.shape_cast %get3A_30 : vector<16xi32> to vector<16xi32>
      %mul3A_32 = arith.constant 10000 : i32
      %mul3A_33 = arith.muli %mul3A_11, %mul3A_32 : i32
      %ge3A = vector.broadcast %mul3A_33 : i32 to vector<16xi32>
      %ge3A_34 = arith.cmpi sge, %get3A_31, %ge3A : vector<16xi32>
      %add3A = arith.constant 128 : i32
      %add3A_35 = arith.addi %mul3A_11, %add3A : i32
      %mul3A_36 = arith.constant 10000 : i32
      %mul3A_37 = arith.muli %add3A_35, %mul3A_36 : i32
      %lt3A = vector.broadcast %mul3A_37 : i32 to vector<16xi32>
      %lt3A_38 = arith.cmpi slt, %get3A_31, %lt3A : vector<16xi32>
      %and3A = arith.andi %ge3A_34, %lt3A_38 : vector<16xi1>
      %mul3A_39 = arith.constant 16 : i32
      %mul3A_40 = arith.muli %scan3A_26, %mul3A_39 : i32
      %iota3A = tpu.iota {dimensions = array<i32: 0>} : vector<16xi32>
      %add3A_41 = vector.broadcast %mul3A_40 : i32 to vector<16xi32>
      %add3A_42 = arith.addi %add3A_41, %iota3A : vector<16xi32>
      %and3A_43 = arith.constant 255 : i32
      %and3A_44 = vector.broadcast %and3A_43 : i32 to vector<16xi32>
      %and3A_45 = arith.andi %add3A_42, %and3A_44 : vector<16xi32>
      %add3A_46 = arith.constant 1280000 : i32
      %add3A_47 = vector.broadcast %add3A_46 : i32 to vector<16xi32>
      %add3A_48 = arith.addi %add3A_47, %and3A_45 : vector<16xi32>
      %mul3A_49 = arith.constant 10000 : i32
      %mul3A_50 = arith.muli %mul3A_11, %mul3A_49 : i32
      %sub3A = vector.broadcast %mul3A_50 : i32 to vector<16xi32>
      %sub3A_51 = arith.subi %get3A_31, %sub3A : vector<16xi32>
      %select_n3A = arith.select %and3A, %sub3A_51, %add3A_48 : vector<16xi1>, vector<16xi32>
      %swap3A = arith.index_cast %mul3A_29 : i32 to index
      %swap3A_52 = tpu.vector_load %arg9[%swap3A] {strides = array<i32>} : memref<10240xi32, #tpu.memory_space<vmem>>, vector<16xi32>,
      %swap3A_53 = vector.shape_cast %swap3A_52 : vector<16xi32> to vector<16xi32>
      %swap3A_54 = vector.shape_cast %select_n3A : vector<16xi32> to vector<16xi32>
      tpu.vector_store %arg9[%swap3A], %swap3A_54 {strides = array<i32>} : memref<10240xi32, #tpu.memory_space<vmem>>, vector<16xi32>,
      %get3A_55 = arith.index_cast %mul3A_29 : i32 to index
      %get3A_56 = tpu.vector_load %arg8[%get3A_55] {strides = array<i32>} : memref<10240xf32, #tpu.memory_space<vmem>>, vector<16xf32>,
      %get3A_57 = vector.shape_cast %get3A_56 : vector<16xf32> to vector<16xf32>
      %jit3A = arith.constant 0.000000e+00 : f32
      %broadcast_in_dim3A = vector.broadcast %jit3A : f32 to vector<16xf32>
      %select_n3A_58 = arith.select %and3A, %get3A_57, %broadcast_in_dim3A : vector<16xi1>, vector<16xf32>
      %swap3A_59 = arith.index_cast %mul3A_29 : i32 to index
      %swap3A_60 = tpu.vector_load %arg10[%swap3A_59] {strides = array<i32>} : memref<10240xf32, #tpu.memory_space<vmem>>, vector<16xf32>,
      %swap3A_61 = vector.shape_cast %swap3A_60 : vector<16xf32> to vector<16xf32>
      %swap3A_62 = vector.shape_cast %select_n3A_58 : vector<16xf32> to vector<16xf32>
      tpu.vector_store %arg10[%swap3A_59], %swap3A_62 {strides = array<i32>} : memref<10240xf32, #tpu.memory_space<vmem>>, vector<16xf32>,
      %scan3A_63 = arith.constant 0 : i32
      scf.yield %scan3A_63 : i32
    }
    %scan3A_18 = arith.constant 640 : i32
    "tpu.region"() ({
      %run_scoped3A = tpu.sem_alloc : memref<!tpu.dma_semaphore, #tpu.memory_space<semaphore_mem>>
      %dma_start3A = arith.constant 0 : i32
      %dma_start3A_26 = tpu.memref_slice %arg11[%dma_start3A] : memref<1280256xf32, #tpu.memory_space<vmem_shared>> -> memref<1280256xf32, #tpu.memory_space<vmem_shared>>
      tpu.enqueue_indirect_dma source(%arg10 : memref<10240xf32, #tpu.memory_space<vmem>>) target(%dma_start3A_26 : memref<1280256xf32, #tpu.memory_space<vmem_shared>>) offsets(%arg9 : memref<10240xi32, #tpu.memory_space<vmem>>) semaphore(%run_scoped3A : memref<!tpu.dma_semaphore, #tpu.memory_space<semaphore_mem>>) {add = true}
      %dma_wait3A = arith.constant 0 : i32
      %dma_wait3A_27 = tpu.memref_slice %arg11[%dma_wait3A] : memref<1280256xf32, #tpu.memory_space<vmem_shared>> -> memref<1280256xf32, #tpu.memory_space<vmem_shared>>
      tpu.wait_indirect_dma semaphore(%run_scoped3A : memref<!tpu.dma_semaphore, #tpu.memory_space<semaphore_mem>>) src(%arg10 : memref<10240xf32, #tpu.memory_space<vmem>>) dst(%dma_wait3A_27 : memref<1280256xf32, #tpu.memory_space<vmem_shared>>)
      tpu.yield
    }) : () -> ()
    %scan3A_19 = arith.constant 0 : i32
    %scan3A_20 = arith.constant 0 : i32
    %scan3A_21 = arith.constant 40 : i32
    %scan3A_22 = arith.addi %scan3A_20, %scan3A_21 : i32
    %scan3A_23 = arith.constant 1 : i32
    %scan3A_24 = scf.for %scan3A_26 = %scan3A_20 to %scan3A_22 step %scan3A_23 iter_args(%scan3A_27 = %scan3A_19) -> (i32)  : i32 {
      %mul3A_28 = arith.constant 2 : i32
      %mul3A_29 = arith.muli %mul3A_28, %scan3A_26 : i32
      %add3A = arith.addi %mul3A_29, %arg0 : i32
      %mul3A_30 = arith.constant 128 : i32
      %mul3A_31 = arith.muli %add3A, %mul3A_30 : i32
      %lt3A = arith.constant 79 : i32
      %lt3A_32 = arith.cmpi slt, %add3A, %lt3A : i32
      %barrier3A_33 = arith.constant 0 : index
      tpu.barrier barrier_id(%barrier3A_33)
      %convert_element_type3A = arith.extui %lt3A_32 : i1 to i32
      %cond3A = arith.constant 0 : i32
      %cond3A_34 = arith.cmpi ne, %convert_element_type3A, %cond3A : i32
      scf.if %cond3A_34 {
        %mul3A_44 = arith.constant 8 : i32
        %mul3A_45 = arith.muli %arg1, %mul3A_44 : i32
        %add3A_46 = arith.addi %mul3A_31, %mul3A_45 : i32
        %add3A_47 = arith.constant 8 : i32
        %add3A_48 = arith.addi %add3A_46, %add3A_47 : i32
        %le3A = arith.constant 10000 : i32
        %le3A_49 = arith.cmpi sle, %add3A_48, %le3A : i32
        %convert_element_type3A_50 = arith.extui %le3A_49 : i1 to i32
        %cond3A_51 = arith.constant 0 : i32
        %cond3A_52 = arith.cmpi ne, %convert_element_type3A_50, %cond3A_51 : i32
        scf.if %cond3A_52 {
          %mul3A_53 = arith.constant 80000 : i32
          %mul3A_54 = arith.muli %arg1, %mul3A_53 : i32
          %multiple_of3A_55 = tpu.assume_multiple %mul3A_54, 128 : i32
          %mul3A_56 = arith.constant 10000 : i32
          %mul3A_57 = arith.muli %add3A_46, %mul3A_56 : i32
          %multiple_of3A_58 = tpu.assume_multiple %mul3A_57, 128 : i32
          "tpu.region"() ({
            %run_scoped3A = tpu.sem_alloc : memref<!tpu.dma_semaphore, #tpu.memory_space<semaphore_mem>>
            %dma_start3A = tpu.memref_slice %arg6[%multiple_of3A_58] : memref<100000000xf32, #tpu.memory_space<hbm>> -> memref<80000xf32, #tpu.memory_space<hbm>>
            %dma_start3A_59 = tpu.memref_slice %arg11[%multiple_of3A_55] : memref<1280256xf32, #tpu.memory_space<vmem_shared>> -> memref<80000xf32, #tpu.memory_space<vmem_shared>>
            tpu.enqueue_dma source(%dma_start3A_59 : memref<80000xf32, #tpu.memory_space<vmem_shared>>) target(%dma_start3A : memref<80000xf32, #tpu.memory_space<hbm>>) target_semaphore(%run_scoped3A : memref<!tpu.dma_semaphore, #tpu.memory_space<semaphore_mem>>)
            %dma_wait3A = tpu.memref_slice %arg6[%multiple_of3A_58] : memref<100000000xf32, #tpu.memory_space<hbm>> -> memref<80000xf32, #tpu.memory_space<hbm>>
            %dma_wait3A_60 = tpu.memref_slice %arg11[%multiple_of3A_55] : memref<1280256xf32, #tpu.memory_space<vmem_shared>> -> memref<80000xf32, #tpu.memory_space<vmem_shared>>
            tpu.wait_dma2 semaphore(%run_scoped3A : memref<!tpu.dma_semaphore, #tpu.memory_space<semaphore_mem>>) src(%dma_wait3A_60 : memref<80000xf32, #tpu.memory_space<vmem_shared>>) dst(%dma_wait3A : memref<80000xf32, #tpu.memory_space<hbm>>)
            tpu.yield
          }) : () -> ()
        } else {
        }
      } else {
      }
      %barrier3A_35 = arith.constant 0 : index
      tpu.barrier barrier_id(%barrier3A_35)
      %add3A_36 = arith.constant 2 : i32
      %add3A_37 = arith.addi %add3A, %add3A_36 : i32
      %lt3A_38 = arith.constant 79 : i32
      %lt3A_39 = arith.cmpi slt, %add3A_37, %lt3A_38 : i32
      %convert_element_type3A_40 = arith.extui %lt3A_39 : i1 to i32
      %cond3A_41 = arith.constant 0 : i32
      %cond3A_42 = arith.cmpi ne, %convert_element_type3A_40, %cond3A_41 : i32
      scf.if %cond3A_42 {
        %add3A_44 = arith.constant 2 : i32
        %add3A_45 = arith.addi %add3A, %add3A_44 : i32
        %mul3A_46 = arith.constant 128 : i32
        %mul3A_47 = arith.muli %add3A_45, %mul3A_46 : i32
        %scan3A_48 = arith.constant 0 : i32
        %scan3A_49 = arith.constant 0 : i32
        %scan3A_50 = arith.constant 640 : i32
        %scan3A_51 = arith.addi %scan3A_49, %scan3A_50 : i32
        %scan3A_52 = arith.constant 1 : i32
        %scan3A_53 = scf.for %scan3A_55 = %scan3A_49 to %scan3A_51 step %scan3A_52 iter_args(%scan3A_56 = %scan3A_48) -> (i32)  : i32 {
          %mul3A_57 = arith.constant 16 : i32
          %mul3A_58 = arith.muli %scan3A_55, %mul3A_57 : i32
          %get3A = arith.index_cast %mul3A_58 : i32 to index
          %get3A_59 = tpu.vector_load %arg7[%get3A] {strides = array<i32>} : memref<10240xi32, #tpu.memory_space<vmem>>, vector<16xi32>,
          %get3A_60 = vector.shape_cast %get3A_59 : vector<16xi32> to vector<16xi32>
          %mul3A_61 = arith.constant 10000 : i32
          %mul3A_62 = arith.muli %mul3A_31, %mul3A_61 : i32
          %ge3A = vector.broadcast %mul3A_62 : i32 to vector<16xi32>
          %ge3A_63 = arith.cmpi sge, %get3A_60, %ge3A : vector<16xi32>
          %add3A_64 = arith.constant 128 : i32
          %add3A_65 = arith.addi %mul3A_31, %add3A_64 : i32
          %mul3A_66 = arith.constant 10000 : i32
          %mul3A_67 = arith.muli %add3A_65, %mul3A_66 : i32
          %lt3A_68 = vector.broadcast %mul3A_67 : i32 to vector<16xi32>
          %lt3A_69 = arith.cmpi slt, %get3A_60, %lt3A_68 : vector<16xi32>
          %and3A = arith.andi %ge3A_63, %lt3A_69 : vector<16xi1>
          %mul3A_70 = arith.constant 10000 : i32
          %mul3A_71 = arith.muli %mul3A_47, %mul3A_70 : i32
          %ge3A_72 = vector.broadcast %mul3A_71 : i32 to vector<16xi32>
          %ge3A_73 = arith.cmpi sge, %get3A_60, %ge3A_72 : vector<16xi32>
          %add3A_74 = arith.constant 128 : i32
          %add3A_75 = arith.addi %mul3A_47, %add3A_74 : i32
          %mul3A_76 = arith.constant 10000 : i32
          %mul3A_77 = arith.muli %add3A_75, %mul3A_76 : i32
          %lt3A_78 = vector.broadcast %mul3A_77 : i32 to vector<16xi32>
          %lt3A_79 = arith.cmpi slt, %get3A_60, %lt3A_78 : vector<16xi32>
          %and3A_80 = arith.andi %ge3A_73, %lt3A_79 : vector<16xi1>
          %mul3A_81 = arith.constant 16 : i32
          %mul3A_82 = arith.muli %scan3A_55, %mul3A_81 : i32
          %iota3A = tpu.iota {dimensions = array<i32: 0>} : vector<16xi32>
          %add3A_83 = vector.broadcast %mul3A_82 : i32 to vector<16xi32>
          %add3A_84 = arith.addi %add3A_83, %iota3A : vector<16xi32>
          %and3A_85 = arith.constant 255 : i32
          %and3A_86 = vector.broadcast %and3A_85 : i32 to vector<16xi32>
          %and3A_87 = arith.andi %add3A_84, %and3A_86 : vector<16xi32>
          %add3A_88 = arith.constant 1280000 : i32
          %add3A_89 = vector.broadcast %add3A_88 : i32 to vector<16xi32>
          %add3A_90 = arith.addi %add3A_89, %and3A_87 : vector<16xi32>
          %mul3A_91 = arith.constant 10000 : i32
          %mul3A_92 = arith.muli %mul3A_47, %mul3A_91 : i32
          %sub3A = vector.broadcast %mul3A_92 : i32 to vector<16xi32>
          %sub3A_93 = arith.subi %get3A_60, %sub3A : vector<16xi32>
          %mul3A_94 = arith.constant 10000 : i32
          %mul3A_95 = arith.muli %mul3A_31, %mul3A_94 : i32
          %sub3A_96 = vector.broadcast %mul3A_95 : i32 to vector<16xi32>
          %sub3A_97 = arith.subi %get3A_60, %sub3A_96 : vector<16xi32>
          %select_n3A = arith.select %and3A, %sub3A_97, %add3A_90 : vector<16xi1>, vector<16xi32>
          %select_n3A_98 = arith.select %and3A_80, %sub3A_93, %select_n3A : vector<16xi1>, vector<16xi32>
          %swap3A = arith.index_cast %mul3A_58 : i32 to index
          %swap3A_99 = tpu.vector_load %arg9[%swap3A] {strides = array<i32>} : memref<10240xi32, #tpu.memory_space<vmem>>, vector<16xi32>,
          %swap3A_100 = vector.shape_cast %swap3A_99 : vector<16xi32> to vector<16xi32>
          %swap3A_101 = vector.shape_cast %select_n3A_98 : vector<16xi32> to vector<16xi32>
          tpu.vector_store %arg9[%swap3A], %swap3A_101 {strides = array<i32>} : memref<10240xi32, #tpu.memory_space<vmem>>, vector<16xi32>,
          %get3A_102 = arith.index_cast %mul3A_58 : i32 to index
          %get3A_103 = tpu.vector_load %arg8[%get3A_102] {strides = array<i32>} : memref<10240xf32, #tpu.memory_space<vmem>>, vector<16xf32>,
          %get3A_104 = vector.shape_cast %get3A_103 : vector<16xf32> to vector<16xf32>
          %get3A_105 = arith.index_cast %mul3A_58 : i32 to index
          %get3A_106 = tpu.vector_load %arg8[%get3A_105] {strides = array<i32>} : memref<10240xf32, #tpu.memory_space<vmem>>, vector<16xf32>,
          %get3A_107 = vector.shape_cast %get3A_106 : vector<16xf32> to vector<16xf32>
          %neg3A = arith.constant 0.000000e+00 : f32
          %neg3A_108 = vector.broadcast %neg3A : f32 to vector<16xf32>
          %neg3A_109 = arith.subf %neg3A_108, %get3A_107 : vector<16xf32>
          %jit3A = arith.constant 0.000000e+00 : f32
          %broadcast_in_dim3A = vector.broadcast %jit3A : f32 to vector<16xf32>
          %select_n3A_110 = arith.select %and3A, %neg3A_109, %broadcast_in_dim3A : vector<16xi1>, vector<16xf32>
          %select_n3A_111 = arith.select %and3A_80, %get3A_104, %select_n3A_110 : vector<16xi1>, vector<16xf32>
          %swap3A_112 = arith.index_cast %mul3A_58 : i32 to index
          %swap3A_113 = tpu.vector_load %arg10[%swap3A_112] {strides = array<i32>} : memref<10240xf32, #tpu.memory_space<vmem>>, vector<16xf32>,
          %swap3A_114 = vector.shape_cast %swap3A_113 : vector<16xf32> to vector<16xf32>
          %swap3A_115 = vector.shape_cast %select_n3A_111 : vector<16xf32> to vector<16xf32>
          tpu.vector_store %arg10[%swap3A_112], %swap3A_115 {strides = array<i32>} : memref<10240xf32, #tpu.memory_space<vmem>>, vector<16xf32>,
          %scan3A_116 = arith.constant 0 : i32
          scf.yield %scan3A_116 : i32
        }
        %scan3A_54 = arith.constant 640 : i32
        "tpu.region"() ({
          %run_scoped3A = tpu.sem_alloc : memref<!tpu.dma_semaphore, #tpu.memory_space<semaphore_mem>>
          %dma_start3A = arith.constant 0 : i32
          %dma_start3A_55 = tpu.memref_slice %arg11[%dma_start3A] : memref<1280256xf32, #tpu.memory_space<vmem_shared>> -> memref<1280256xf32, #tpu.memory_space<vmem_shared>>
          tpu.enqueue_indirect_dma source(%arg10 : memref<10240xf32, #tpu.memory_space<vmem>>) target(%dma_start3A_55 : memref<1280256xf32, #tpu.memory_space<vmem_shared>>) offsets(%arg9 : memref<10240xi32, #tpu.memory_space<vmem>>) semaphore(%run_scoped3A : memref<!tpu.dma_semaphore, #tpu.memory_space<semaphore_mem>>) {add = true}
          %dma_wait3A = arith.constant 0 : i32
          %dma_wait3A_56 = tpu.memref_slice %arg11[%dma_wait3A] : memref<1280256xf32, #tpu.memory_space<vmem_shared>> -> memref<1280256xf32, #tpu.memory_space<vmem_shared>>
          tpu.wait_indirect_dma semaphore(%run_scoped3A : memref<!tpu.dma_semaphore, #tpu.memory_space<semaphore_mem>>) src(%arg10 : memref<10240xf32, #tpu.memory_space<vmem>>) dst(%dma_wait3A_56 : memref<1280256xf32, #tpu.memory_space<vmem_shared>>)
          tpu.yield
        }) : () -> ()
      } else {
      }
      %scan3A_43 = arith.constant 0 : i32
      scf.yield %scan3A_43 : i32
    }
    %scan3A_25 = arith.constant 40 : i32
    return
  }
}

#map = affine_map<(d0, d1) -> (0)>
module attributes {stable_mosaic.version = 14 : i64} {
  func.func @_k5b_gat2_edges(%arg0: i32, %arg1: i32, %arg2: memref<10240xf32, #tpu.memory_space<hbm>>, %arg3: memref<10240xf32, #tpu.memory_space<hbm>>, %arg4: memref<10240xf32, #tpu.memory_space<hbm>>, %arg5: memref<172032xi32, #tpu.memory_space<hbm>>, %arg6: memref<172032xi32, #tpu.memory_space<hbm>>, %arg7: memref<16xf32, #tpu.memory_space<hbm>>, %arg8: memref<640xf32, #tpu.memory_space<hbm>>, %arg9: memref<20480xf32, #tpu.memory_space<hbm>>, %arg10: memref<16xf32, #tpu.memory_space<vmem>>, %arg11: memref<256xi32, #tpu.memory_space<vmem>>, %arg12: memref<256xi32, #tpu.memory_space<vmem>>, %arg13: memref<512xi32, #tpu.memory_space<vmem>>, %arg14: memref<512xf32, #tpu.memory_space<vmem>>, %arg15: memref<256xf32, #tpu.memory_space<vmem>>, %arg16: memref<256xf32, #tpu.memory_space<vmem>>, %arg17: memref<256xf32, #tpu.memory_space<vmem>>, %arg18: memref<20480xf32, #tpu.memory_space<vmem_shared>>, %arg19: memref<10240xf32, #tpu.memory_space<vmem_shared>>, %arg20: memref<10240xf32, #tpu.memory_space<vmem_shared>>, %arg21: memref<10240xf32, #tpu.memory_space<vmem_shared>>, %arg22: memref<!tpu.dma_semaphore, #tpu.memory_space<semaphore_mem>>) attributes {dimension_semantics = [#tpu.dimension_semantics<core_parallel>, #tpu.dimension_semantics<subcore_parallel>], iteration_bounds = array<i64: 2, 16>, scalar_prefetch = 0 : i64, scratch_operands = 13 : i64, tpu.core_type = #tpu.core_type<sc_vector_subcore>, window_params = [{transform_indices = #map}, {transform_indices = #map}, {transform_indices = #map}, {transform_indices = #map}, {transform_indices = #map}, {transform_indices = #map}, {transform_indices = #map}, {transform_indices = #map}]} {
    "tpu.region"() ({
      %run_scoped3A = tpu.sem_alloc : memref<!tpu.dma_semaphore, #tpu.memory_space<semaphore_mem>>
      tpu.enqueue_dma source(%arg7 : memref<16xf32, #tpu.memory_space<hbm>>) target(%arg10 : memref<16xf32, #tpu.memory_space<vmem>>) target_semaphore(%run_scoped3A : memref<!tpu.dma_semaphore, #tpu.memory_space<semaphore_mem>>)
      tpu.wait_dma2 semaphore(%run_scoped3A : memref<!tpu.dma_semaphore, #tpu.memory_space<semaphore_mem>>) src(%arg7 : memref<16xf32, #tpu.memory_space<hbm>>) dst(%arg10 : memref<16xf32, #tpu.memory_space<vmem>>)
      tpu.yield
    }) : () -> ()
    %eq3A = arith.constant 0 : i32
    %eq3A_0 = arith.cmpi eq, %arg1, %eq3A : i32
    %convert_element_type3A = arith.extui %eq3A_0 : i1 to i32
    %cond3A = arith.constant 0 : i32
    %cond3A_1 = arith.cmpi ne, %convert_element_type3A, %cond3A : i32
    scf.if %cond3A_1 {
      "tpu.region"() ({
        %run_scoped3A = tpu.sem_alloc : memref<!tpu.dma_semaphore, #tpu.memory_space<semaphore_mem>>
        %dma_start3A = arith.constant 0 : i32
        %dma_start3A_36 = tpu.memref_slice %arg18[%dma_start3A] : memref<20480xf32, #tpu.memory_space<vmem_shared>> -> memref<10240xf32, #tpu.memory_space<vmem_shared>>
        tpu.enqueue_dma source(%arg2 : memref<10240xf32, #tpu.memory_space<hbm>>) target(%dma_start3A_36 : memref<10240xf32, #tpu.memory_space<vmem_shared>>) target_semaphore(%run_scoped3A : memref<!tpu.dma_semaphore, #tpu.memory_space<semaphore_mem>>)
        %dma_wait3A = arith.constant 0 : i32
        %dma_wait3A_37 = tpu.memref_slice %arg18[%dma_wait3A] : memref<20480xf32, #tpu.memory_space<vmem_shared>> -> memref<10240xf32, #tpu.memory_space<vmem_shared>>
        tpu.wait_dma2 semaphore(%run_scoped3A : memref<!tpu.dma_semaphore, #tpu.memory_space<semaphore_mem>>) src(%arg2 : memref<10240xf32, #tpu.memory_space<hbm>>) dst(%dma_wait3A_37 : memref<10240xf32, #tpu.memory_space<vmem_shared>>)
        tpu.yield
      }) : () -> ()
    } else {
    }
    %eq3A_2 = arith.constant 1 : i32
    %eq3A_3 = arith.cmpi eq, %arg1, %eq3A_2 : i32
    %convert_element_type3A_4 = arith.extui %eq3A_3 : i1 to i32
    %cond3A_5 = arith.constant 0 : i32
    %cond3A_6 = arith.cmpi ne, %convert_element_type3A_4, %cond3A_5 : i32
    scf.if %cond3A_6 {
      "tpu.region"() ({
        %run_scoped3A = tpu.sem_alloc : memref<!tpu.dma_semaphore, #tpu.memory_space<semaphore_mem>>
        %dma_start3A = arith.constant 10240 : i32
        %dma_start3A_36 = tpu.memref_slice %arg18[%dma_start3A] : memref<20480xf32, #tpu.memory_space<vmem_shared>> -> memref<10240xf32, #tpu.memory_space<vmem_shared>>
        tpu.enqueue_dma source(%arg3 : memref<10240xf32, #tpu.memory_space<hbm>>) target(%dma_start3A_36 : memref<10240xf32, #tpu.memory_space<vmem_shared>>) target_semaphore(%run_scoped3A : memref<!tpu.dma_semaphore, #tpu.memory_space<semaphore_mem>>)
        %dma_wait3A = arith.constant 10240 : i32
        %dma_wait3A_37 = tpu.memref_slice %arg18[%dma_wait3A] : memref<20480xf32, #tpu.memory_space<vmem_shared>> -> memref<10240xf32, #tpu.memory_space<vmem_shared>>
        tpu.wait_dma2 semaphore(%run_scoped3A : memref<!tpu.dma_semaphore, #tpu.memory_space<semaphore_mem>>) src(%arg3 : memref<10240xf32, #tpu.memory_space<hbm>>) dst(%dma_wait3A_37 : memref<10240xf32, #tpu.memory_space<vmem_shared>>)
        tpu.yield
      }) : () -> ()
    } else {
    }
    %eq3A_7 = arith.constant 2 : i32
    %eq3A_8 = arith.cmpi eq, %arg1, %eq3A_7 : i32
    %convert_element_type3A_9 = arith.extui %eq3A_8 : i1 to i32
    %cond3A_10 = arith.constant 0 : i32
    %cond3A_11 = arith.cmpi ne, %convert_element_type3A_9, %cond3A_10 : i32
    scf.if %cond3A_11 {
      "tpu.region"() ({
        %run_scoped3A = tpu.sem_alloc : memref<!tpu.dma_semaphore, #tpu.memory_space<semaphore_mem>>
        tpu.enqueue_dma source(%arg4 : memref<10240xf32, #tpu.memory_space<hbm>>) target(%arg19 : memref<10240xf32, #tpu.memory_space<vmem_shared>>) target_semaphore(%run_scoped3A : memref<!tpu.dma_semaphore, #tpu.memory_space<semaphore_mem>>)
        tpu.wait_dma2 semaphore(%run_scoped3A : memref<!tpu.dma_semaphore, #tpu.memory_space<semaphore_mem>>) src(%arg4 : memref<10240xf32, #tpu.memory_space<hbm>>) dst(%arg19 : memref<10240xf32, #tpu.memory_space<vmem_shared>>)
        tpu.yield
      }) : () -> ()
    } else {
    }
    %mul3A = arith.constant 640 : i32
    %mul3A_12 = arith.muli %arg1, %mul3A : i32
    %multiple_of3A = tpu.assume_multiple %mul3A_12, 640 : i32
    "tpu.region"() ({
      %run_scoped3A = tpu.sem_alloc : memref<!tpu.dma_semaphore, #tpu.memory_space<semaphore_mem>>
      %dma_start3A = tpu.memref_slice %arg20[%multiple_of3A] : memref<10240xf32, #tpu.memory_space<vmem_shared>> -> memref<640xf32, #tpu.memory_space<vmem_shared>>
      tpu.enqueue_dma source(%arg8 : memref<640xf32, #tpu.memory_space<hbm>>) target(%dma_start3A : memref<640xf32, #tpu.memory_space<vmem_shared>>) target_semaphore(%run_scoped3A : memref<!tpu.dma_semaphore, #tpu.memory_space<semaphore_mem>>)
      %dma_wait3A = tpu.memref_slice %arg20[%multiple_of3A] : memref<10240xf32, #tpu.memory_space<vmem_shared>> -> memref<640xf32, #tpu.memory_space<vmem_shared>>
      tpu.wait_dma2 semaphore(%run_scoped3A : memref<!tpu.dma_semaphore, #tpu.memory_space<semaphore_mem>>) src(%arg8 : memref<640xf32, #tpu.memory_space<hbm>>) dst(%dma_wait3A : memref<640xf32, #tpu.memory_space<vmem_shared>>)
      tpu.yield
    }) : () -> ()
    "tpu.region"() ({
      %run_scoped3A = tpu.sem_alloc : memref<!tpu.dma_semaphore, #tpu.memory_space<semaphore_mem>>
      %dma_start3A = tpu.memref_slice %arg21[%multiple_of3A] : memref<10240xf32, #tpu.memory_space<vmem_shared>> -> memref<640xf32, #tpu.memory_space<vmem_shared>>
      tpu.enqueue_dma source(%arg8 : memref<640xf32, #tpu.memory_space<hbm>>) target(%dma_start3A : memref<640xf32, #tpu.memory_space<vmem_shared>>) target_semaphore(%run_scoped3A : memref<!tpu.dma_semaphore, #tpu.memory_space<semaphore_mem>>)
      %dma_wait3A = tpu.memref_slice %arg21[%multiple_of3A] : memref<10240xf32, #tpu.memory_space<vmem_shared>> -> memref<640xf32, #tpu.memory_space<vmem_shared>>
      tpu.wait_dma2 semaphore(%run_scoped3A : memref<!tpu.dma_semaphore, #tpu.memory_space<semaphore_mem>>) src(%arg8 : memref<640xf32, #tpu.memory_space<hbm>>) dst(%dma_wait3A : memref<640xf32, #tpu.memory_space<vmem_shared>>)
      tpu.yield
    }) : () -> ()
    %barrier3A = arith.constant 0 : index
    tpu.barrier barrier_id(%barrier3A)
    %scan3A = arith.constant 0 : i32
    %scan3A_13 = arith.constant 0 : i32
    %scan3A_14 = arith.constant 42 : i32
    %scan3A_15 = arith.addi %scan3A_13, %scan3A_14 : i32
    %scan3A_16 = arith.constant 1 : i32
    %scan3A_17 = scf.for %scan3A_36 = %scan3A_13 to %scan3A_15 step %scan3A_16 iter_args(%scan3A_37 = %scan3A) -> (i32)  : i32 {
      %mul3A_38 = arith.constant 10752 : i32
      %mul3A_39 = arith.muli %arg1, %mul3A_38 : i32
      %mul3A_40 = arith.constant 256 : i32
      %mul3A_41 = arith.muli %scan3A_36, %mul3A_40 : i32
      %add3A_42 = arith.addi %mul3A_39, %mul3A_41 : i32
      %multiple_of3A_43 = tpu.assume_multiple %add3A_42, 256 : i32
      "tpu.region"() ({
        %run_scoped3A = tpu.sem_alloc : memref<!tpu.dma_semaphore, #tpu.memory_space<semaphore_mem>>
        %dma_start3A_61 = tpu.memref_slice %arg5[%multiple_of3A_43] : memref<172032xi32, #tpu.memory_space<hbm>> -> memref<256xi32, #tpu.memory_space<hbm>>
        %dma_start3A_62 = tpu.memref_slice %arg5[%multiple_of3A_43] : memref<172032xi32, #tpu.memory_space<hbm>> -> memref<256xi32, #tpu.memory_space<hbm>>
        tpu.enqueue_dma source(%dma_start3A_62 : memref<256xi32, #tpu.memory_space<hbm>>) target(%arg11 : memref<256xi32, #tpu.memory_space<vmem>>) target_semaphore(%run_scoped3A : memref<!tpu.dma_semaphore, #tpu.memory_space<semaphore_mem>>)
        %dma_wait3A_63 = tpu.memref_slice %arg5[%multiple_of3A_43] : memref<172032xi32, #tpu.memory_space<hbm>> -> memref<256xi32, #tpu.memory_space<hbm>>
        %dma_wait3A_64 = tpu.memref_slice %arg5[%multiple_of3A_43] : memref<172032xi32, #tpu.memory_space<hbm>> -> memref<256xi32, #tpu.memory_space<hbm>>
        tpu.wait_dma2 semaphore(%run_scoped3A : memref<!tpu.dma_semaphore, #tpu.memory_space<semaphore_mem>>) src(%dma_wait3A_64 : memref<256xi32, #tpu.memory_space<hbm>>) dst(%arg11 : memref<256xi32, #tpu.memory_space<vmem>>)
        tpu.yield
      }) : () -> ()
      "tpu.region"() ({
        %run_scoped3A = tpu.sem_alloc : memref<!tpu.dma_semaphore, #tpu.memory_space<semaphore_mem>>
        %dma_start3A_61 = tpu.memref_slice %arg6[%multiple_of3A_43] : memref<172032xi32, #tpu.memory_space<hbm>> -> memref<256xi32, #tpu.memory_space<hbm>>
        %dma_start3A_62 = tpu.memref_slice %arg6[%multiple_of3A_43] : memref<172032xi32, #tpu.memory_space<hbm>> -> memref<256xi32, #tpu.memory_space<hbm>>
        tpu.enqueue_dma source(%dma_start3A_62 : memref<256xi32, #tpu.memory_space<hbm>>) target(%arg12 : memref<256xi32, #tpu.memory_space<vmem>>) target_semaphore(%run_scoped3A : memref<!tpu.dma_semaphore, #tpu.memory_space<semaphore_mem>>)
        %dma_wait3A_63 = tpu.memref_slice %arg6[%multiple_of3A_43] : memref<172032xi32, #tpu.memory_space<hbm>> -> memref<256xi32, #tpu.memory_space<hbm>>
        %dma_wait3A_64 = tpu.memref_slice %arg6[%multiple_of3A_43] : memref<172032xi32, #tpu.memory_space<hbm>> -> memref<256xi32, #tpu.memory_space<hbm>>
        tpu.wait_dma2 semaphore(%run_scoped3A : memref<!tpu.dma_semaphore, #tpu.memory_space<semaphore_mem>>) src(%dma_wait3A_64 : memref<256xi32, #tpu.memory_space<hbm>>) dst(%arg12 : memref<256xi32, #tpu.memory_space<vmem>>)
        tpu.yield
      }) : () -> ()
      %scan3A_44 = arith.constant 0 : i32
      %scan3A_45 = arith.constant 0 : i32
      %scan3A_46 = arith.constant 16 : i32
      %scan3A_47 = arith.addi %scan3A_45, %scan3A_46 : i32
      %scan3A_48 = arith.constant 1 : i32
      %scan3A_49 = scf.for %scan3A_61 = %scan3A_45 to %scan3A_47 step %scan3A_48 iter_args(%scan3A_62 = %scan3A_44) -> (i32)  : i32 {
        %mul3A_63 = arith.constant 16 : i32
        %mul3A_64 = arith.muli %scan3A_61, %mul3A_63 : i32
        %get3A = arith.index_cast %mul3A_64 : i32 to index
        %get3A_65 = tpu.vector_load %arg11[%get3A] {strides = array<i32>} : memref<256xi32, #tpu.memory_space<vmem>>, vector<16xi32>,
        %get3A_66 = vector.shape_cast %get3A_65 : vector<16xi32> to vector<16xi32>
        %swap3A = arith.index_cast %mul3A_64 : i32 to index
        %swap3A_67 = tpu.vector_load %arg13[%swap3A] {strides = array<i32>} : memref<512xi32, #tpu.memory_space<vmem>>, vector<16xi32>,
        %swap3A_68 = vector.shape_cast %swap3A_67 : vector<16xi32> to vector<16xi32>
        %swap3A_69 = vector.shape_cast %get3A_66 : vector<16xi32> to vector<16xi32>
        tpu.vector_store %arg13[%swap3A], %swap3A_69 {strides = array<i32>} : memref<512xi32, #tpu.memory_space<vmem>>, vector<16xi32>,
        %get3A_70 = arith.index_cast %mul3A_64 : i32 to index
        %get3A_71 = tpu.vector_load %arg12[%get3A_70] {strides = array<i32>} : memref<256xi32, #tpu.memory_space<vmem>>, vector<16xi32>,
        %get3A_72 = vector.shape_cast %get3A_71 : vector<16xi32> to vector<16xi32>
        %add3A_73 = arith.constant 10240 : i32
        %add3A_74 = vector.broadcast %add3A_73 : i32 to vector<16xi32>
        %add3A_75 = arith.addi %add3A_74, %get3A_72 : vector<16xi32>
        %mul3A_76 = arith.constant 16 : i32
        %mul3A_77 = arith.muli %scan3A_61, %mul3A_76 : i32
        %add3A_78 = arith.constant 256 : i32
        %add3A_79 = arith.addi %add3A_78, %mul3A_77 : i32
        %swap3A_80 = arith.index_cast %add3A_79 : i32 to index
        %swap3A_81 = tpu.vector_load %arg13[%swap3A_80] {strides = array<i32>} : memref<512xi32, #tpu.memory_space<vmem>>, vector<16xi32>,
        %swap3A_82 = vector.shape_cast %swap3A_81 : vector<16xi32> to vector<16xi32>
        %swap3A_83 = vector.shape_cast %add3A_75 : vector<16xi32> to vector<16xi32>
        tpu.vector_store %arg13[%swap3A_80], %swap3A_83 {strides = array<i32>} : memref<512xi32, #tpu.memory_space<vmem>>, vector<16xi32>,
        %scan3A_84 = arith.constant 0 : i32
        scf.yield %scan3A_84 : i32
      }
      %scan3A_50 = arith.constant 16 : i32
      %dma_start3A = arith.constant 0 : i32
      %dma_start3A_51 = tpu.memref_slice %arg18[%dma_start3A] : memref<20480xf32, #tpu.memory_space<vmem_shared>> -> memref<20480xf32, #tpu.memory_space<vmem_shared>>
      tpu.enqueue_indirect_dma source(%dma_start3A_51 : memref<20480xf32, #tpu.memory_space<vmem_shared>>) target(%arg14 : memref<512xf32, #tpu.memory_space<vmem>>) offsets(%arg13 : memref<512xi32, #tpu.memory_space<vmem>>) semaphore(%arg22 : memref<!tpu.dma_semaphore, #tpu.memory_space<semaphore_mem>>)
      %dma_wait3A = arith.constant 0 : i32
      %dma_wait3A_52 = tpu.memref_slice %arg18[%dma_wait3A] : memref<20480xf32, #tpu.memory_space<vmem_shared>> -> memref<20480xf32, #tpu.memory_space<vmem_shared>>
      tpu.wait_indirect_dma semaphore(%arg22 : memref<!tpu.dma_semaphore, #tpu.memory_space<semaphore_mem>>) src(%dma_wait3A_52 : memref<20480xf32, #tpu.memory_space<vmem_shared>>) dst(%arg14 : memref<512xf32, #tpu.memory_space<vmem>>)
      %scan3A_53 = arith.constant 0 : i32
      %scan3A_54 = arith.constant 0 : i32
      %scan3A_55 = arith.constant 16 : i32
      %scan3A_56 = arith.addi %scan3A_54, %scan3A_55 : i32
      %scan3A_57 = arith.constant 1 : i32
      %scan3A_58 = scf.for %scan3A_61 = %scan3A_54 to %scan3A_56 step %scan3A_57 iter_args(%scan3A_62 = %scan3A_53) -> (i32)  : i32 {
        %mul3A_63 = arith.constant 16 : i32
        %mul3A_64 = arith.muli %scan3A_61, %mul3A_63 : i32
        %get3A = arith.index_cast %mul3A_64 : i32 to index
        %get3A_65 = tpu.vector_load %arg14[%get3A] {strides = array<i32>} : memref<512xf32, #tpu.memory_space<vmem>>, vector<16xf32>,
        %get3A_66 = vector.shape_cast %get3A_65 : vector<16xf32> to vector<16xf32>
        %mul3A_67 = arith.constant 16 : i32
        %mul3A_68 = arith.muli %scan3A_61, %mul3A_67 : i32
        %add3A_69 = arith.constant 256 : i32
        %add3A_70 = arith.addi %add3A_69, %mul3A_68 : i32
        %get3A_71 = arith.index_cast %add3A_70 : i32 to index
        %get3A_72 = tpu.vector_load %arg14[%get3A_71] {strides = array<i32>} : memref<512xf32, #tpu.memory_space<vmem>>, vector<16xf32>,
        %get3A_73 = vector.shape_cast %get3A_72 : vector<16xf32> to vector<16xf32>
        %add3A_74 = arith.addf %get3A_66, %get3A_73 : vector<16xf32>
        %ge3A = arith.constant 0.000000e+00 : f32
        %ge3A_75 = vector.broadcast %ge3A : f32 to vector<16xf32>
        %ge3A_76 = arith.cmpf oge, %add3A_74, %ge3A_75 : vector<16xf32>
        %mul3A_77 = arith.constant 2.000000e-01 : f32
        %mul3A_78 = vector.broadcast %mul3A_77 : f32 to vector<16xf32>
        %mul3A_79 = arith.mulf %mul3A_78, %add3A_74 : vector<16xf32>
        %select_n3A = arith.select %ge3A_76, %add3A_74, %mul3A_79 : vector<16xi1>, vector<16xf32>
        %get3A_80 = arith.constant 0 : index
        %get3A_81 = tpu.vector_load %arg10[%get3A_80] {strides = array<i32>} : memref<16xf32, #tpu.memory_space<vmem>>, vector<16xf32>,
        %get3A_82 = vector.shape_cast %get3A_81 : vector<16xf32> to vector<16xf32>
        %sub3A = arith.subf %select_n3A, %get3A_82 : vector<16xf32>
        %exp3A = math.exp %sub3A : vector<16xf32>
        %mul3A_83 = arith.constant 16 : i32
        %mul3A_84 = arith.muli %scan3A_61, %mul3A_83 : i32
        %swap3A = arith.index_cast %mul3A_84 : i32 to index
        %swap3A_85 = tpu.vector_load %arg15[%swap3A] {strides = array<i32>} : memref<256xf32, #tpu.memory_space<vmem>>, vector<16xf32>,
        %swap3A_86 = vector.shape_cast %swap3A_85 : vector<16xf32> to vector<16xf32>
        %swap3A_87 = vector.shape_cast %exp3A : vector<16xf32> to vector<16xf32>
        tpu.vector_store %arg15[%swap3A], %swap3A_87 {strides = array<i32>} : memref<256xf32, #tpu.memory_space<vmem>>, vector<16xf32>,
        %scan3A_88 = arith.constant 0 : i32
        scf.yield %scan3A_88 : i32
      }
      %scan3A_59 = arith.constant 16 : i32
      "tpu.region"() ({
        %run_scoped3A = tpu.sem_alloc : memref<!tpu.dma_semaphore, #tpu.memory_space<semaphore_mem>>
        %dma_start3A_61 = arith.constant 0 : i32
        %dma_start3A_62 = tpu.memref_slice %arg20[%dma_start3A_61] : memref<10240xf32, #tpu.memory_space<vmem_shared>> -> memref<10240xf32, #tpu.memory_space<vmem_shared>>
        tpu.enqueue_indirect_dma source(%arg15 : memref<256xf32, #tpu.memory_space<vmem>>) target(%dma_start3A_62 : memref<10240xf32, #tpu.memory_space<vmem_shared>>) offsets(%arg12 : memref<256xi32, #tpu.memory_space<vmem>>) semaphore(%run_scoped3A : memref<!tpu.dma_semaphore, #tpu.memory_space<semaphore_mem>>) {add = true}
        %dma_wait3A_63 = arith.constant 0 : i32
        %dma_wait3A_64 = tpu.memref_slice %arg20[%dma_wait3A_63] : memref<10240xf32, #tpu.memory_space<vmem_shared>> -> memref<10240xf32, #tpu.memory_space<vmem_shared>>
        tpu.wait_indirect_dma semaphore(%run_scoped3A : memref<!tpu.dma_semaphore, #tpu.memory_space<semaphore_mem>>) src(%arg15 : memref<256xf32, #tpu.memory_space<vmem>>) dst(%dma_wait3A_64 : memref<10240xf32, #tpu.memory_space<vmem_shared>>)
        tpu.yield
      }) : () -> ()
      %scan3A_60 = arith.constant 0 : i32
      scf.yield %scan3A_60 : i32
    }
    %scan3A_18 = arith.constant 42 : i32
    %barrier3A_19 = arith.constant 0 : index
    tpu.barrier barrier_id(%barrier3A_19)
    %scan3A_20 = arith.constant 0 : i32
    %scan3A_21 = arith.constant 0 : i32
    %scan3A_22 = arith.constant 21 : i32
    %scan3A_23 = arith.addi %scan3A_21, %scan3A_22 : i32
    %scan3A_24 = arith.constant 1 : i32
    %scan3A_25 = scf.for %scan3A_36 = %scan3A_21 to %scan3A_23 step %scan3A_24 iter_args(%scan3A_37 = %scan3A_20) -> (i32)  : i32 {
      %mul3A_38 = arith.constant 2 : i32
      %mul3A_39 = arith.muli %arg1, %mul3A_38 : i32
      %add3A_40 = arith.addi %mul3A_39, %arg0 : i32
      %mul3A_41 = arith.constant 5376 : i32
      %mul3A_42 = arith.muli %add3A_40, %mul3A_41 : i32
      %mul3A_43 = arith.constant 256 : i32
      %mul3A_44 = arith.muli %scan3A_36, %mul3A_43 : i32
      %add3A_45 = arith.addi %mul3A_42, %mul3A_44 : i32
      %multiple_of3A_46 = tpu.assume_multiple %add3A_45, 256 : i32
      "tpu.region"() ({
        %run_scoped3A = tpu.sem_alloc : memref<!tpu.dma_semaphore, #tpu.memory_space<semaphore_mem>>
        %dma_start3A_72 = tpu.memref_slice %arg5[%multiple_of3A_46] : memref<172032xi32, #tpu.memory_space<hbm>> -> memref<256xi32, #tpu.memory_space<hbm>>
        %dma_start3A_73 = tpu.memref_slice %arg5[%multiple_of3A_46] : memref<172032xi32, #tpu.memory_space<hbm>> -> memref<256xi32, #tpu.memory_space<hbm>>
        tpu.enqueue_dma source(%dma_start3A_73 : memref<256xi32, #tpu.memory_space<hbm>>) target(%arg11 : memref<256xi32, #tpu.memory_space<vmem>>) target_semaphore(%run_scoped3A : memref<!tpu.dma_semaphore, #tpu.memory_space<semaphore_mem>>)
        %dma_wait3A_74 = tpu.memref_slice %arg5[%multiple_of3A_46] : memref<172032xi32, #tpu.memory_space<hbm>> -> memref<256xi32, #tpu.memory_space<hbm>>
        %dma_wait3A_75 = tpu.memref_slice %arg5[%multiple_of3A_46] : memref<172032xi32, #tpu.memory_space<hbm>> -> memref<256xi32, #tpu.memory_space<hbm>>
        tpu.wait_dma2 semaphore(%run_scoped3A : memref<!tpu.dma_semaphore, #tpu.memory_space<semaphore_mem>>) src(%dma_wait3A_75 : memref<256xi32, #tpu.memory_space<hbm>>) dst(%arg11 : memref<256xi32, #tpu.memory_space<vmem>>)
        tpu.yield
      }) : () -> ()
      "tpu.region"() ({
        %run_scoped3A = tpu.sem_alloc : memref<!tpu.dma_semaphore, #tpu.memory_space<semaphore_mem>>
        %dma_start3A_72 = tpu.memref_slice %arg6[%multiple_of3A_46] : memref<172032xi32, #tpu.memory_space<hbm>> -> memref<256xi32, #tpu.memory_space<hbm>>
        %dma_start3A_73 = tpu.memref_slice %arg6[%multiple_of3A_46] : memref<172032xi32, #tpu.memory_space<hbm>> -> memref<256xi32, #tpu.memory_space<hbm>>
        tpu.enqueue_dma source(%dma_start3A_73 : memref<256xi32, #tpu.memory_space<hbm>>) target(%arg12 : memref<256xi32, #tpu.memory_space<vmem>>) target_semaphore(%run_scoped3A : memref<!tpu.dma_semaphore, #tpu.memory_space<semaphore_mem>>)
        %dma_wait3A_74 = tpu.memref_slice %arg6[%multiple_of3A_46] : memref<172032xi32, #tpu.memory_space<hbm>> -> memref<256xi32, #tpu.memory_space<hbm>>
        %dma_wait3A_75 = tpu.memref_slice %arg6[%multiple_of3A_46] : memref<172032xi32, #tpu.memory_space<hbm>> -> memref<256xi32, #tpu.memory_space<hbm>>
        tpu.wait_dma2 semaphore(%run_scoped3A : memref<!tpu.dma_semaphore, #tpu.memory_space<semaphore_mem>>) src(%dma_wait3A_75 : memref<256xi32, #tpu.memory_space<hbm>>) dst(%arg12 : memref<256xi32, #tpu.memory_space<vmem>>)
        tpu.yield
      }) : () -> ()
      %scan3A_47 = arith.constant 0 : i32
      %scan3A_48 = arith.constant 0 : i32
      %scan3A_49 = arith.constant 16 : i32
      %scan3A_50 = arith.addi %scan3A_48, %scan3A_49 : i32
      %scan3A_51 = arith.constant 1 : i32
      %scan3A_52 = scf.for %scan3A_72 = %scan3A_48 to %scan3A_50 step %scan3A_51 iter_args(%scan3A_73 = %scan3A_47) -> (i32)  : i32 {
        %mul3A_74 = arith.constant 16 : i32
        %mul3A_75 = arith.muli %scan3A_72, %mul3A_74 : i32
        %get3A = arith.index_cast %mul3A_75 : i32 to index
        %get3A_76 = tpu.vector_load %arg11[%get3A] {strides = array<i32>} : memref<256xi32, #tpu.memory_space<vmem>>, vector<16xi32>,
        %get3A_77 = vector.shape_cast %get3A_76 : vector<16xi32> to vector<16xi32>
        %swap3A = arith.index_cast %mul3A_75 : i32 to index
        %swap3A_78 = tpu.vector_load %arg13[%swap3A] {strides = array<i32>} : memref<512xi32, #tpu.memory_space<vmem>>, vector<16xi32>,
        %swap3A_79 = vector.shape_cast %swap3A_78 : vector<16xi32> to vector<16xi32>
        %swap3A_80 = vector.shape_cast %get3A_77 : vector<16xi32> to vector<16xi32>
        tpu.vector_store %arg13[%swap3A], %swap3A_80 {strides = array<i32>} : memref<512xi32, #tpu.memory_space<vmem>>, vector<16xi32>,
        %get3A_81 = arith.index_cast %mul3A_75 : i32 to index
        %get3A_82 = tpu.vector_load %arg12[%get3A_81] {strides = array<i32>} : memref<256xi32, #tpu.memory_space<vmem>>, vector<16xi32>,
        %get3A_83 = vector.shape_cast %get3A_82 : vector<16xi32> to vector<16xi32>
        %add3A_84 = arith.constant 10240 : i32
        %add3A_85 = vector.broadcast %add3A_84 : i32 to vector<16xi32>
        %add3A_86 = arith.addi %add3A_85, %get3A_83 : vector<16xi32>
        %mul3A_87 = arith.constant 16 : i32
        %mul3A_88 = arith.muli %scan3A_72, %mul3A_87 : i32
        %add3A_89 = arith.constant 256 : i32
        %add3A_90 = arith.addi %add3A_89, %mul3A_88 : i32
        %swap3A_91 = arith.index_cast %add3A_90 : i32 to index
        %swap3A_92 = tpu.vector_load %arg13[%swap3A_91] {strides = array<i32>} : memref<512xi32, #tpu.memory_space<vmem>>, vector<16xi32>,
        %swap3A_93 = vector.shape_cast %swap3A_92 : vector<16xi32> to vector<16xi32>
        %swap3A_94 = vector.shape_cast %add3A_86 : vector<16xi32> to vector<16xi32>
        tpu.vector_store %arg13[%swap3A_91], %swap3A_94 {strides = array<i32>} : memref<512xi32, #tpu.memory_space<vmem>>, vector<16xi32>,
        %scan3A_95 = arith.constant 0 : i32
        scf.yield %scan3A_95 : i32
      }
      %scan3A_53 = arith.constant 16 : i32
      %dma_start3A = arith.constant 0 : i32
      %dma_start3A_54 = tpu.memref_slice %arg18[%dma_start3A] : memref<20480xf32, #tpu.memory_space<vmem_shared>> -> memref<20480xf32, #tpu.memory_space<vmem_shared>>
      tpu.enqueue_indirect_dma source(%dma_start3A_54 : memref<20480xf32, #tpu.memory_space<vmem_shared>>) target(%arg14 : memref<512xf32, #tpu.memory_space<vmem>>) offsets(%arg13 : memref<512xi32, #tpu.memory_space<vmem>>) semaphore(%arg22 : memref<!tpu.dma_semaphore, #tpu.memory_space<semaphore_mem>>)
      %dma_wait3A = arith.constant 0 : i32
      %dma_wait3A_55 = tpu.memref_slice %arg18[%dma_wait3A] : memref<20480xf32, #tpu.memory_space<vmem_shared>> -> memref<20480xf32, #tpu.memory_space<vmem_shared>>
      tpu.wait_indirect_dma semaphore(%arg22 : memref<!tpu.dma_semaphore, #tpu.memory_space<semaphore_mem>>) src(%dma_wait3A_55 : memref<20480xf32, #tpu.memory_space<vmem_shared>>) dst(%arg14 : memref<512xf32, #tpu.memory_space<vmem>>)
      %dma_start3A_56 = arith.constant 0 : i32
      %dma_start3A_57 = tpu.memref_slice %arg20[%dma_start3A_56] : memref<10240xf32, #tpu.memory_space<vmem_shared>> -> memref<10240xf32, #tpu.memory_space<vmem_shared>>
      tpu.enqueue_indirect_dma source(%dma_start3A_57 : memref<10240xf32, #tpu.memory_space<vmem_shared>>) target(%arg16 : memref<256xf32, #tpu.memory_space<vmem>>) offsets(%arg12 : memref<256xi32, #tpu.memory_space<vmem>>) semaphore(%arg22 : memref<!tpu.dma_semaphore, #tpu.memory_space<semaphore_mem>>)
      %dma_wait3A_58 = arith.constant 0 : i32
      %dma_wait3A_59 = tpu.memref_slice %arg20[%dma_wait3A_58] : memref<10240xf32, #tpu.memory_space<vmem_shared>> -> memref<10240xf32, #tpu.memory_space<vmem_shared>>
      tpu.wait_indirect_dma semaphore(%arg22 : memref<!tpu.dma_semaphore, #tpu.memory_space<semaphore_mem>>) src(%dma_wait3A_59 : memref<10240xf32, #tpu.memory_space<vmem_shared>>) dst(%arg16 : memref<256xf32, #tpu.memory_space<vmem>>)
      %dma_start3A_60 = arith.constant 0 : i32
      %dma_start3A_61 = tpu.memref_slice %arg19[%dma_start3A_60] : memref<10240xf32, #tpu.memory_space<vmem_shared>> -> memref<10240xf32, #tpu.memory_space<vmem_shared>>
      tpu.enqueue_indirect_dma source(%dma_start3A_61 : memref<10240xf32, #tpu.memory_space<vmem_shared>>) target(%arg17 : memref<256xf32, #tpu.memory_space<vmem>>) offsets(%arg11 : memref<256xi32, #tpu.memory_space<vmem>>) semaphore(%arg22 : memref<!tpu.dma_semaphore, #tpu.memory_space<semaphore_mem>>)
      %dma_wait3A_62 = arith.constant 0 : i32
      %dma_wait3A_63 = tpu.memref_slice %arg19[%dma_wait3A_62] : memref<10240xf32, #tpu.memory_space<vmem_shared>> -> memref<10240xf32, #tpu.memory_space<vmem_shared>>
      tpu.wait_indirect_dma semaphore(%arg22 : memref<!tpu.dma_semaphore, #tpu.memory_space<semaphore_mem>>) src(%dma_wait3A_63 : memref<10240xf32, #tpu.memory_space<vmem_shared>>) dst(%arg17 : memref<256xf32, #tpu.memory_space<vmem>>)
      %scan3A_64 = arith.constant 0 : i32
      %scan3A_65 = arith.constant 0 : i32
      %scan3A_66 = arith.constant 16 : i32
      %scan3A_67 = arith.addi %scan3A_65, %scan3A_66 : i32
      %scan3A_68 = arith.constant 1 : i32
      %scan3A_69 = scf.for %scan3A_72 = %scan3A_65 to %scan3A_67 step %scan3A_68 iter_args(%scan3A_73 = %scan3A_64) -> (i32)  : i32 {
        %mul3A_74 = arith.constant 16 : i32
        %mul3A_75 = arith.muli %scan3A_72, %mul3A_74 : i32
        %get3A = arith.index_cast %mul3A_75 : i32 to index
        %get3A_76 = tpu.vector_load %arg14[%get3A] {strides = array<i32>} : memref<512xf32, #tpu.memory_space<vmem>>, vector<16xf32>,
        %get3A_77 = vector.shape_cast %get3A_76 : vector<16xf32> to vector<16xf32>
        %mul3A_78 = arith.constant 16 : i32
        %mul3A_79 = arith.muli %scan3A_72, %mul3A_78 : i32
        %add3A_80 = arith.constant 256 : i32
        %add3A_81 = arith.addi %add3A_80, %mul3A_79 : i32
        %get3A_82 = arith.index_cast %add3A_81 : i32 to index
        %get3A_83 = tpu.vector_load %arg14[%get3A_82] {strides = array<i32>} : memref<512xf32, #tpu.memory_space<vmem>>, vector<16xf32>,
        %get3A_84 = vector.shape_cast %get3A_83 : vector<16xf32> to vector<16xf32>
        %add3A_85 = arith.addf %get3A_77, %get3A_84 : vector<16xf32>
        %ge3A = arith.constant 0.000000e+00 : f32
        %ge3A_86 = vector.broadcast %ge3A : f32 to vector<16xf32>
        %ge3A_87 = arith.cmpf oge, %add3A_85, %ge3A_86 : vector<16xf32>
        %mul3A_88 = arith.constant 2.000000e-01 : f32
        %mul3A_89 = vector.broadcast %mul3A_88 : f32 to vector<16xf32>
        %mul3A_90 = arith.mulf %mul3A_89, %add3A_85 : vector<16xf32>
        %select_n3A = arith.select %ge3A_87, %add3A_85, %mul3A_90 : vector<16xi1>, vector<16xf32>
        %get3A_91 = arith.constant 0 : index
        %get3A_92 = tpu.vector_load %arg10[%get3A_91] {strides = array<i32>} : memref<16xf32, #tpu.memory_space<vmem>>, vector<16xf32>,
        %get3A_93 = vector.shape_cast %get3A_92 : vector<16xf32> to vector<16xf32>
        %sub3A = arith.subf %select_n3A, %get3A_93 : vector<16xf32>
        %exp3A = math.exp %sub3A : vector<16xf32>
        %get3A_94 = arith.index_cast %mul3A_75 : i32 to index
        %get3A_95 = tpu.vector_load %arg17[%get3A_94] {strides = array<i32>} : memref<256xf32, #tpu.memory_space<vmem>>, vector<16xf32>,
        %get3A_96 = vector.shape_cast %get3A_95 : vector<16xf32> to vector<16xf32>
        %mul3A_97 = arith.mulf %get3A_96, %exp3A : vector<16xf32>
        %get3A_98 = arith.index_cast %mul3A_75 : i32 to index
        %get3A_99 = tpu.vector_load %arg16[%get3A_98] {strides = array<i32>} : memref<256xf32, #tpu.memory_space<vmem>>, vector<16xf32>,
        %get3A_100 = vector.shape_cast %get3A_99 : vector<16xf32> to vector<16xf32>
        %add3A_101 = arith.constant 1.000000e-16 : f32
        %add3A_102 = vector.broadcast %add3A_101 : f32 to vector<16xf32>
        %add3A_103 = arith.addf %get3A_100, %add3A_102 : vector<16xf32>
        %div3A = arith.divf %mul3A_97, %add3A_103 : vector<16xf32>
        %swap3A = arith.index_cast %mul3A_75 : i32 to index
        %swap3A_104 = tpu.vector_load %arg17[%swap3A] {strides = array<i32>} : memref<256xf32, #tpu.memory_space<vmem>>, vector<16xf32>,
        %swap3A_105 = vector.shape_cast %swap3A_104 : vector<16xf32> to vector<16xf32>
        %swap3A_106 = vector.shape_cast %div3A : vector<16xf32> to vector<16xf32>
        tpu.vector_store %arg17[%swap3A], %swap3A_106 {strides = array<i32>} : memref<256xf32, #tpu.memory_space<vmem>>, vector<16xf32>,
        %scan3A_107 = arith.constant 0 : i32
        scf.yield %scan3A_107 : i32
      }
      %scan3A_70 = arith.constant 16 : i32
      "tpu.region"() ({
        %run_scoped3A = tpu.sem_alloc : memref<!tpu.dma_semaphore, #tpu.memory_space<semaphore_mem>>
        %dma_start3A_72 = arith.constant 0 : i32
        %dma_start3A_73 = tpu.memref_slice %arg21[%dma_start3A_72] : memref<10240xf32, #tpu.memory_space<vmem_shared>> -> memref<10240xf32, #tpu.memory_space<vmem_shared>>
        tpu.enqueue_indirect_dma source(%arg17 : memref<256xf32, #tpu.memory_space<vmem>>) target(%dma_start3A_73 : memref<10240xf32, #tpu.memory_space<vmem_shared>>) offsets(%arg12 : memref<256xi32, #tpu.memory_space<vmem>>) semaphore(%run_scoped3A : memref<!tpu.dma_semaphore, #tpu.memory_space<semaphore_mem>>) {add = true}
        %dma_wait3A_74 = arith.constant 0 : i32
        %dma_wait3A_75 = tpu.memref_slice %arg21[%dma_wait3A_74] : memref<10240xf32, #tpu.memory_space<vmem_shared>> -> memref<10240xf32, #tpu.memory_space<vmem_shared>>
        tpu.wait_indirect_dma semaphore(%run_scoped3A : memref<!tpu.dma_semaphore, #tpu.memory_space<semaphore_mem>>) src(%arg17 : memref<256xf32, #tpu.memory_space<vmem>>) dst(%dma_wait3A_75 : memref<10240xf32, #tpu.memory_space<vmem_shared>>)
        tpu.yield
      }) : () -> ()
      %scan3A_71 = arith.constant 0 : i32
      scf.yield %scan3A_71 : i32
    }
    %scan3A_26 = arith.constant 21 : i32
    %barrier3A_27 = arith.constant 0 : index
    tpu.barrier barrier_id(%barrier3A_27)
    %mul3A_28 = arith.constant 640 : i32
    %mul3A_29 = arith.muli %arg1, %mul3A_28 : i32
    %multiple_of3A_30 = tpu.assume_multiple %mul3A_29, 640 : i32
    %mul3A_31 = arith.constant 10240 : i32
    %mul3A_32 = arith.muli %arg0, %mul3A_31 : i32
    %mul3A_33 = arith.constant 640 : i32
    %mul3A_34 = arith.muli %arg1, %mul3A_33 : i32
    %add3A = arith.addi %mul3A_32, %mul3A_34 : i32
    %multiple_of3A_35 = tpu.assume_multiple %add3A, 128 : i32
    "tpu.region"() ({
      %run_scoped3A = tpu.sem_alloc : memref<!tpu.dma_semaphore, #tpu.memory_space<semaphore_mem>>
      %dma_start3A = tpu.memref_slice %arg9[%multiple_of3A_35] : memref<20480xf32, #tpu.memory_space<hbm>> -> memref<640xf32, #tpu.memory_space<hbm>>
      %dma_start3A_36 = tpu.memref_slice %arg21[%multiple_of3A_30] : memref<10240xf32, #tpu.memory_space<vmem_shared>> -> memref<640xf32, #tpu.memory_space<vmem_shared>>
      tpu.enqueue_dma source(%dma_start3A_36 : memref<640xf32, #tpu.memory_space<vmem_shared>>) target(%dma_start3A : memref<640xf32, #tpu.memory_space<hbm>>) target_semaphore(%run_scoped3A : memref<!tpu.dma_semaphore, #tpu.memory_space<semaphore_mem>>)
      %dma_wait3A = tpu.memref_slice %arg9[%multiple_of3A_35] : memref<20480xf32, #tpu.memory_space<hbm>> -> memref<640xf32, #tpu.memory_space<hbm>>
      %dma_wait3A_37 = tpu.memref_slice %arg21[%multiple_of3A_30] : memref<10240xf32, #tpu.memory_space<vmem_shared>> -> memref<640xf32, #tpu.memory_space<vmem_shared>>
      tpu.wait_dma2 semaphore(%run_scoped3A : memref<!tpu.dma_semaphore, #tpu.memory_space<semaphore_mem>>) src(%dma_wait3A_37 : memref<640xf32, #tpu.memory_space<vmem_shared>>) dst(%dma_wait3A : memref<640xf32, #tpu.memory_space<hbm>>)
      tpu.yield
    }) : () -> ()
    return
  }
}

module attributes {stable_mosaic.version = 14 : i64} {
  func.func @_k2_body(%arg0: i32, %arg1: memref<512x256xf32, #tpu.memory_space<vmem>>, %arg2: memref<256x128xf32, #tpu.memory_space<vmem>>, %arg3: memref<1x128xf32, #tpu.memory_space<vmem>>, %arg4: memref<512x128xf32, #tpu.memory_space<vmem>>) attributes {dimension_semantics = [#tpu.dimension_semantics<arbitrary>], iteration_bounds = array<i64: 20>, scalar_prefetch = 0 : i64, scratch_operands = 0 : i64, tpu.core_type = #tpu.core_type<tc>, window_params = [{transform_indices = @transform_0, window_bounds = array<i64: 512, 256>}, {pipeline_mode = #tpu.pipeline_mode<synchronous>, transform_indices = @transform_1, window_bounds = array<i64: 256, 128>}, {pipeline_mode = #tpu.pipeline_mode<synchronous>, transform_indices = @transform_2, window_bounds = array<i64: 1, 128>}, {transform_indices = @transform_3, window_bounds = array<i64: 512, 128>}]} {
    %get3A = arith.constant 0 : index
    %get3A_0 = arith.constant 0 : index
    %get3A_1 = vector.load %arg1[%get3A, %get3A_0] : memref<512x256xf32, #tpu.memory_space<vmem>>, vector<512x256xf32>
    %get3A_2 = arith.constant 0 : index
    %get3A_3 = arith.constant 0 : index
    %get3A_4 = vector.load %arg2[%get3A_2, %get3A_3] : memref<256x128xf32, #tpu.memory_space<vmem>>, vector<256x128xf32>
    %dot_general3A = arith.constant dense<0.000000e+00> : vector<512x128xf32>
    %dot_general3A_5 = tpu.matmul %get3A_1, %get3A_4, %dot_general3A {dimension_numbers = #tpu.dot_dimension_numbers<[1], [0], [0], [1], [0, 0, 1, 1], [], []>, transpose_lhs_hint = false} : vector<512x256xf32>, vector<256x128xf32>, vector<512x128xf32> -> vector<512x128xf32>
    %get3A_6 = arith.constant 0 : index
    %get3A_7 = arith.constant 0 : index
    %get3A_8 = vector.load %arg3[%get3A_6, %get3A_7] : memref<1x128xf32, #tpu.memory_space<vmem>>, vector<1x128xf32>
    %add3A = vector.broadcast %get3A_8 : vector<1x128xf32> to vector<512x128xf32>
    %add3A_9 = arith.addf %dot_general3A_5, %add3A : vector<512x128xf32>
    %tanh3A = math.tanh %add3A_9 : vector<512x128xf32>
    %swap3A = arith.constant 0 : index
    %swap3A_10 = arith.constant 0 : index
    %swap3A_11 = vector.load %arg4[%swap3A, %swap3A_10] : memref<512x128xf32, #tpu.memory_space<vmem>>, vector<512x128xf32>
    tpu.vector_store %arg4[%swap3A, %swap3A_10], %tanh3A {strides = array<i32>} : memref<512x128xf32, #tpu.memory_space<vmem>>, vector<512x128xf32>,
    return
  }
  func.func @transform_0(%arg0: i32) -> (i32, i32) {
    %c0_i32 = arith.constant 0 : i32
    %c0_i32_0 = arith.constant 0 : i32
    return %arg0, %c0_i32 : i32, i32
  }
  func.func @transform_1(%arg0: i32) -> (i32, i32) {
    %c0_i32 = arith.constant 0 : i32
    %c0_i32_0 = arith.constant 0 : i32
    %c0_i32_1 = arith.constant 0 : i32
    return %c0_i32, %c0_i32_0 : i32, i32
  }
  func.func @transform_2(%arg0: i32) -> (i32, i32) {
    %c0_i32 = arith.constant 0 : i32
    %c0_i32_0 = arith.constant 0 : i32
    %c0_i32_1 = arith.constant 0 : i32
    return %c0_i32, %c0_i32_0 : i32, i32
  }
  func.func @transform_3(%arg0: i32) -> (i32, i32) {
    %c0_i32 = arith.constant 0 : i32
    %c0_i32_0 = arith.constant 0 : i32
    return %arg0, %c0_i32 : i32, i32
  }
}

module attributes {stable_mosaic.version = 14 : i64} {
  func.func @_k4a_body(%arg0: i32, %arg1: memref<2x512x128xf32, #tpu.memory_space<vmem>>, %arg2: memref<128x128xf32, #tpu.memory_space<vmem>>, %arg3: memref<128x8xf32, #tpu.memory_space<vmem>>, %arg4: memref<512x128xf32, #tpu.memory_space<vmem>>, %arg5: memref<512x128xf32, #tpu.memory_space<vmem>>, %arg6: memref<8x512xf32, #tpu.memory_space<vmem>>, %arg7: memref<8x1xf32, #tpu.memory_space<vmem>>) attributes {dimension_semantics = [#tpu.dimension_semantics<arbitrary>], iteration_bounds = array<i64: 20>, scalar_prefetch = 0 : i64, scratch_operands = 0 : i64, tpu.core_type = #tpu.core_type<tc>, window_params = [{transform_indices = @transform_0, window_bounds = array<i64: 2, 512, 128>}, {pipeline_mode = #tpu.pipeline_mode<synchronous>, transform_indices = @transform_1, window_bounds = array<i64: 128, 128>}, {pipeline_mode = #tpu.pipeline_mode<synchronous>, transform_indices = @transform_2, window_bounds = array<i64: 128, 8>}, {transform_indices = @transform_3, window_bounds = array<i64: 512, 128>}, {transform_indices = @transform_4, window_bounds = array<i64: 512, 128>}, {transform_indices = @transform_5, window_bounds = array<i64: 8, 512>}, {pipeline_mode = #tpu.pipeline_mode<synchronous>, transform_indices = @transform_6, window_bounds = array<i64: 8, 1>}]} {
    %get3A = arith.constant 0 : index
    %get3A_0 = arith.constant 0 : index
    %get3A_1 = arith.constant 0 : index
    %get3A_2 = vector.load %arg1[%get3A, %get3A_0, %get3A_1] : memref<2x512x128xf32, #tpu.memory_space<vmem>>, vector<1x512x128xf32>
    %get3A_3 = vector.shape_cast %get3A_2 : vector<1x512x128xf32> to vector<512x128xf32>
    %get3A_4 = arith.constant 1 : index
    %get3A_5 = arith.constant 0 : index
    %get3A_6 = arith.constant 0 : index
    %get3A_7 = vector.load %arg1[%get3A_4, %get3A_5, %get3A_6] : memref<2x512x128xf32, #tpu.memory_space<vmem>>, vector<1x512x128xf32>
    %get3A_8 = vector.shape_cast %get3A_7 : vector<1x512x128xf32> to vector<512x128xf32>
    %add3A = arith.addf %get3A_3, %get3A_8 : vector<512x128xf32>
    %swap3A = arith.constant 0 : index
    %swap3A_9 = arith.constant 0 : index
    %swap3A_10 = vector.load %arg4[%swap3A, %swap3A_9] : memref<512x128xf32, #tpu.memory_space<vmem>>, vector<512x128xf32>
    tpu.vector_store %arg4[%swap3A, %swap3A_9], %add3A {strides = array<i32>} : memref<512x128xf32, #tpu.memory_space<vmem>>, vector<512x128xf32>,
    %get3A_11 = arith.constant 0 : index
    %get3A_12 = arith.constant 0 : index
    %get3A_13 = vector.load %arg2[%get3A_11, %get3A_12] : memref<128x128xf32, #tpu.memory_space<vmem>>, vector<128x128xf32>
    %dot_general3A = arith.constant dense<0.000000e+00> : vector<512x128xf32>
    %dot_general3A_14 = tpu.matmul %add3A, %get3A_13, %dot_general3A {dimension_numbers = #tpu.dot_dimension_numbers<[1], [0], [0], [1], [0, 0, 1, 1], [], []>, transpose_lhs_hint = false} : vector<512x128xf32>, vector<128x128xf32>, vector<512x128xf32> -> vector<512x128xf32>
    %swap3A_15 = arith.constant 0 : index
    %swap3A_16 = arith.constant 0 : index
    %swap3A_17 = vector.load %arg5[%swap3A_15, %swap3A_16] : memref<512x128xf32, #tpu.memory_space<vmem>>, vector<512x128xf32>
    tpu.vector_store %arg5[%swap3A_15, %swap3A_16], %dot_general3A_14 {strides = array<i32>} : memref<512x128xf32, #tpu.memory_space<vmem>>, vector<512x128xf32>,
    %get3A_18 = arith.constant 0 : index
    %get3A_19 = arith.constant 0 : index
    %get3A_20 = vector.load %arg3[%get3A_18, %get3A_19] : memref<128x8xf32, #tpu.memory_space<vmem>>, vector<128x8xf32>
    %dot_general3A_21 = arith.constant dense<0.000000e+00> : vector<8x512xf32>
    %dot_general3A_22 = tpu.matmul %get3A_20, %dot_general3A_14, %dot_general3A_21 {dimension_numbers = #tpu.dot_dimension_numbers<[0], [1], [1], [0], [0, 1, 1, 0], [], []>, transpose_lhs_hint = false} : vector<128x8xf32>, vector<512x128xf32>, vector<8x512xf32> -> vector<8x512xf32>
    %swap3A_23 = arith.constant 0 : index
    %swap3A_24 = arith.constant 0 : index
    %swap3A_25 = vector.load %arg6[%swap3A_23, %swap3A_24] : memref<8x512xf32, #tpu.memory_space<vmem>>, vector<8x512xf32>
    tpu.vector_store %arg6[%swap3A_23, %swap3A_24], %dot_general3A_22 {strides = array<i32>} : memref<8x512xf32, #tpu.memory_space<vmem>>, vector<8x512xf32>,
    %reduce_max3A = arith.constant dense<0xFF800000> : vector<8xf32>
    %reduce_max3A_26 = vector.multi_reduction <maximumf>, %dot_general3A_22, %reduce_max3A [1] : vector<8x512xf32> to vector<8xf32>
    %broadcast_in_dim3A = vector.shape_cast %reduce_max3A_26 : vector<8xf32> to vector<8x1xf32>
    %eq3A = arith.constant 0 : i32
    %eq3A_27 = arith.cmpi eq, %arg0, %eq3A : i32
    %convert_element_type3A = arith.extui %eq3A_27 : i1 to i32
    %cond3A = arith.constant 0 : i32
    %cond3A_28 = arith.cmpi ne, %convert_element_type3A, %cond3A : i32
    scf.if %cond3A_28 {
      %swap3A_33 = arith.constant 0 : index
      %swap3A_34 = arith.constant 0 : index
      %swap3A_35 = vector.load %arg7[%swap3A_33, %swap3A_34] : memref<8x1xf32, #tpu.memory_space<vmem>>, vector<8x1xf32>
      tpu.vector_store %arg7[%swap3A_33, %swap3A_34], %broadcast_in_dim3A {strides = array<i32>} : memref<8x1xf32, #tpu.memory_space<vmem>>, vector<8x1xf32>,
    } else {
    }
    %ne3A = arith.constant 0 : i32
    %ne3A_29 = arith.cmpi ne, %arg0, %ne3A : i32
    %convert_element_type3A_30 = arith.extui %ne3A_29 : i1 to i32
    %cond3A_31 = arith.constant 0 : i32
    %cond3A_32 = arith.cmpi ne, %convert_element_type3A_30, %cond3A_31 : i32
    scf.if %cond3A_32 {
      %get3A_33 = arith.constant 0 : index
      %get3A_34 = arith.constant 0 : index
      %get3A_35 = vector.load %arg7[%get3A_33, %get3A_34] : memref<8x1xf32, #tpu.memory_space<vmem>>, vector<8x1xf32>
      %max3A = arith.maximumf %get3A_35, %broadcast_in_dim3A : vector<8x1xf32>
      %swap3A_36 = arith.constant 0 : index
      %swap3A_37 = arith.constant 0 : index
      %swap3A_38 = vector.load %arg7[%swap3A_36, %swap3A_37] : memref<8x1xf32, #tpu.memory_space<vmem>>, vector<8x1xf32>
      tpu.vector_store %arg7[%swap3A_36, %swap3A_37], %max3A {strides = array<i32>} : memref<8x1xf32, #tpu.memory_space<vmem>>, vector<8x1xf32>,
    } else {
    }
    return
  }
  func.func @transform_0(%arg0: i32) -> (i32, i32, i32) {
    %c0_i32 = arith.constant 0 : i32
    %c0_i32_0 = arith.constant 0 : i32
    %c0_i32_1 = arith.constant 0 : i32
    return %c0_i32, %arg0, %c0_i32_0 : i32, i32, i32
  }
  func.func @transform_1(%arg0: i32) -> (i32, i32) {
    %c0_i32 = arith.constant 0 : i32
    %c0_i32_0 = arith.constant 0 : i32
    %c0_i32_1 = arith.constant 0 : i32
    return %c0_i32, %c0_i32_0 : i32, i32
  }
  func.func @transform_2(%arg0: i32) -> (i32, i32) {
    %c0_i32 = arith.constant 0 : i32
    %c0_i32_0 = arith.constant 0 : i32
    %c0_i32_1 = arith.constant 0 : i32
    return %c0_i32, %c0_i32_0 : i32, i32
  }
  func.func @transform_3(%arg0: i32) -> (i32, i32) {
    %c0_i32 = arith.constant 0 : i32
    %c0_i32_0 = arith.constant 0 : i32
    return %arg0, %c0_i32 : i32, i32
  }
  func.func @transform_4(%arg0: i32) -> (i32, i32) {
    %c0_i32 = arith.constant 0 : i32
    %c0_i32_0 = arith.constant 0 : i32
    return %arg0, %c0_i32 : i32, i32
  }
  func.func @transform_5(%arg0: i32) -> (i32, i32) {
    %c0_i32 = arith.constant 0 : i32
    %c0_i32_0 = arith.constant 0 : i32
    return %c0_i32, %arg0 : i32, i32
  }
  func.func @transform_6(%arg0: i32) -> (i32, i32) {
    %c0_i32 = arith.constant 0 : i32
    %c0_i32_0 = arith.constant 0 : i32
    %c0_i32_1 = arith.constant 0 : i32
    return %c0_i32, %c0_i32_0 : i32, i32
  }
}

module attributes {stable_mosaic.version = 14 : i64} {
  func.func @_k4c_body(%arg0: i32, %arg1: memref<2x512x128xf32, #tpu.memory_space<vmem>>, %arg2: memref<1x128xf32, #tpu.memory_space<vmem>>, %arg3: memref<128x1xf32, #tpu.memory_space<vmem>>, %arg4: memref<1x1xf32, #tpu.memory_space<vmem>>, %arg5: memref<1x1xf32, #tpu.memory_space<vmem>>, %arg6: memref<2x512xf32, #tpu.memory_space<vmem>>, %arg7: memref<1x512xf32, #tpu.memory_space<vmem>>, %arg8: memref<2x1xf32, #tpu.memory_space<vmem>>) attributes {dimension_semantics = [#tpu.dimension_semantics<arbitrary>], iteration_bounds = array<i64: 20>, scalar_prefetch = 0 : i64, scratch_operands = 0 : i64, tpu.core_type = #tpu.core_type<tc>, window_params = [{transform_indices = @transform_0, window_bounds = array<i64: 2, 512, 128>}, {pipeline_mode = #tpu.pipeline_mode<synchronous>, transform_indices = @transform_1, window_bounds = array<i64: 1, 128>}, {pipeline_mode = #tpu.pipeline_mode<synchronous>, transform_indices = @transform_2, window_bounds = array<i64: 128, 1>}, {pipeline_mode = #tpu.pipeline_mode<synchronous>, transform_indices = @transform_3, window_bounds = array<i64: 1, 1>}, {pipeline_mode = #tpu.pipeline_mode<synchronous>, transform_indices = @transform_4, window_bounds = array<i64: 1, 1>}, {transform_indices = @transform_5, window_bounds = array<i64: 2, 512>}, {transform_indices = @transform_6, window_bounds = array<i64: 1, 512>}, {pipeline_mode = #tpu.pipeline_mode<synchronous>, transform_indices = @transform_7, window_bounds = array<i64: 2, 1>}]} {
    %get3A = arith.constant 0 : index
    %get3A_0 = arith.constant 0 : index
    %get3A_1 = arith.constant 0 : index
    %get3A_2 = vector.load %arg1[%get3A, %get3A_0, %get3A_1] : memref<2x512x128xf32, #tpu.memory_space<vmem>>, vector<1x512x128xf32>
    %get3A_3 = vector.shape_cast %get3A_2 : vector<1x512x128xf32> to vector<512x128xf32>
    %get3A_4 = arith.constant 1 : index
    %get3A_5 = arith.constant 0 : index
    %get3A_6 = arith.constant 0 : index
    %get3A_7 = vector.load %arg1[%get3A_4, %get3A_5, %get3A_6] : memref<2x512x128xf32, #tpu.memory_space<vmem>>, vector<1x512x128xf32>
    %get3A_8 = vector.shape_cast %get3A_7 : vector<1x512x128xf32> to vector<512x128xf32>
    %add3A = arith.addf %get3A_3, %get3A_8 : vector<512x128xf32>
    %get3A_9 = arith.constant 0 : index
    %get3A_10 = arith.constant 0 : index
    %get3A_11 = vector.load %arg2[%get3A_9, %get3A_10] : memref<1x128xf32, #tpu.memory_space<vmem>>, vector<1x128xf32>
    %add3A_12 = vector.broadcast %get3A_11 : vector<1x128xf32> to vector<512x128xf32>
    %add3A_13 = arith.addf %add3A, %add3A_12 : vector<512x128xf32>
    %max3A = arith.constant 0.000000e+00 : f32
    %max3A_14 = vector.broadcast %max3A : f32 to vector<512x128xf32>
    %max3A_15 = arith.maximumf %add3A_13, %max3A_14 : vector<512x128xf32>
    %get3A_16 = arith.constant 0 : index
    %get3A_17 = arith.constant 0 : index
    %get3A_18 = vector.load %arg3[%get3A_16, %get3A_17] : memref<128x1xf32, #tpu.memory_space<vmem>>, vector<128x1xf32>
    %dot_general3A = arith.constant dense<0.000000e+00> : vector<1x512xf32>
    %dot_general3A_19 = tpu.matmul %get3A_18, %max3A_15, %dot_general3A {dimension_numbers = #tpu.dot_dimension_numbers<[0], [1], [1], [0], [0, 1, 1, 0], [], []>, transpose_lhs_hint = false} : vector<128x1xf32>, vector<512x128xf32>, vector<1x512xf32> -> vector<1x512xf32>
    %swap3A = arith.constant 0 : index
    %swap3A_20 = arith.constant 0 : index
    %swap3A_21 = vector.load %arg7[%swap3A, %swap3A_20] : memref<1x512xf32, #tpu.memory_space<vmem>>, vector<1x512xf32>
    tpu.vector_store %arg7[%swap3A, %swap3A_20], %dot_general3A_19 {strides = array<i32>} : memref<1x512xf32, #tpu.memory_space<vmem>>, vector<1x512xf32>,
    %get3A_22 = arith.constant 0 : index
    %get3A_23 = arith.constant 0 : index
    %get3A_24 = vector.load %arg4[%get3A_22, %get3A_23] : memref<1x1xf32, #tpu.memory_space<vmem>>, vector<1x1xf32>
    %get3A_25 = vector.extract %get3A_24[0, 0] : f32 from vector<1x1xf32>
    %mul3A = vector.broadcast %get3A_25 : f32 to vector<1x512xf32>
    %mul3A_26 = arith.mulf %dot_general3A_19, %mul3A : vector<1x512xf32>
    %get3A_27 = arith.constant 0 : index
    %get3A_28 = arith.constant 0 : index
    %get3A_29 = vector.load %arg5[%get3A_27, %get3A_28] : memref<1x1xf32, #tpu.memory_space<vmem>>, vector<1x1xf32>
    %get3A_30 = vector.extract %get3A_29[0, 0] : f32 from vector<1x1xf32>
    %mul3A_31 = vector.broadcast %get3A_30 : f32 to vector<1x512xf32>
    %mul3A_32 = arith.mulf %dot_general3A_19, %mul3A_31 : vector<1x512xf32>
    %concatenate3A = tpu.concatenate %mul3A_26, %mul3A_32 in 0 : vector<1x512xf32>, vector<1x512xf32> -> vector<2x512xf32>
    %swap3A_33 = arith.constant 0 : index
    %swap3A_34 = arith.constant 0 : index
    %swap3A_35 = vector.load %arg6[%swap3A_33, %swap3A_34] : memref<2x512xf32, #tpu.memory_space<vmem>>, vector<2x512xf32>
    tpu.vector_store %arg6[%swap3A_33, %swap3A_34], %concatenate3A {strides = array<i32>} : memref<2x512xf32, #tpu.memory_space<vmem>>, vector<2x512xf32>,
    %reduce_max3A = arith.constant dense<0xFF800000> : vector<2xf32>
    %reduce_max3A_36 = vector.multi_reduction <maximumf>, %concatenate3A, %reduce_max3A [1] : vector<2x512xf32> to vector<2xf32>
    %broadcast_in_dim3A = vector.shape_cast %reduce_max3A_36 : vector<2xf32> to vector<2x1xf32>
    %eq3A = arith.constant 0 : i32
    %eq3A_37 = arith.cmpi eq, %arg0, %eq3A : i32
    %convert_element_type3A = arith.extui %eq3A_37 : i1 to i32
    %cond3A = arith.constant 0 : i32
    %cond3A_38 = arith.cmpi ne, %convert_element_type3A, %cond3A : i32
    scf.if %cond3A_38 {
      %swap3A_43 = arith.constant 0 : index
      %swap3A_44 = arith.constant 0 : index
      %swap3A_45 = vector.load %arg8[%swap3A_43, %swap3A_44] : memref<2x1xf32, #tpu.memory_space<vmem>>, vector<2x1xf32>
      tpu.vector_store %arg8[%swap3A_43, %swap3A_44], %broadcast_in_dim3A {strides = array<i32>} : memref<2x1xf32, #tpu.memory_space<vmem>>, vector<2x1xf32>,
    } else {
    }
    %ne3A = arith.constant 0 : i32
    %ne3A_39 = arith.cmpi ne, %arg0, %ne3A : i32
    %convert_element_type3A_40 = arith.extui %ne3A_39 : i1 to i32
    %cond3A_41 = arith.constant 0 : i32
    %cond3A_42 = arith.cmpi ne, %convert_element_type3A_40, %cond3A_41 : i32
    scf.if %cond3A_42 {
      %get3A_43 = arith.constant 0 : index
      %get3A_44 = arith.constant 0 : index
      %get3A_45 = vector.load %arg8[%get3A_43, %get3A_44] : memref<2x1xf32, #tpu.memory_space<vmem>>, vector<2x1xf32>
      %max3A_46 = arith.maximumf %get3A_45, %broadcast_in_dim3A : vector<2x1xf32>
      %swap3A_47 = arith.constant 0 : index
      %swap3A_48 = arith.constant 0 : index
      %swap3A_49 = vector.load %arg8[%swap3A_47, %swap3A_48] : memref<2x1xf32, #tpu.memory_space<vmem>>, vector<2x1xf32>
      tpu.vector_store %arg8[%swap3A_47, %swap3A_48], %max3A_46 {strides = array<i32>} : memref<2x1xf32, #tpu.memory_space<vmem>>, vector<2x1xf32>,
    } else {
    }
    return
  }
  func.func @transform_0(%arg0: i32) -> (i32, i32, i32) {
    %c0_i32 = arith.constant 0 : i32
    %c0_i32_0 = arith.constant 0 : i32
    %c0_i32_1 = arith.constant 0 : i32
    return %c0_i32, %arg0, %c0_i32_0 : i32, i32, i32
  }
  func.func @transform_1(%arg0: i32) -> (i32, i32) {
    %c0_i32 = arith.constant 0 : i32
    %c0_i32_0 = arith.constant 0 : i32
    %c0_i32_1 = arith.constant 0 : i32
    return %c0_i32, %c0_i32_0 : i32, i32
  }
  func.func @transform_2(%arg0: i32) -> (i32, i32) {
    %c0_i32 = arith.constant 0 : i32
    %c0_i32_0 = arith.constant 0 : i32
    %c0_i32_1 = arith.constant 0 : i32
    return %c0_i32, %c0_i32_0 : i32, i32
  }
  func.func @transform_3(%arg0: i32) -> (i32, i32) {
    %c0_i32 = arith.constant 0 : i32
    %c0_i32_0 = arith.constant 0 : i32
    %c0_i32_1 = arith.constant 0 : i32
    return %c0_i32, %c0_i32_0 : i32, i32
  }
  func.func @transform_4(%arg0: i32) -> (i32, i32) {
    %c0_i32 = arith.constant 0 : i32
    %c0_i32_0 = arith.constant 0 : i32
    %c0_i32_1 = arith.constant 0 : i32
    return %c0_i32, %c0_i32_0 : i32, i32
  }
  func.func @transform_5(%arg0: i32) -> (i32, i32) {
    %c0_i32 = arith.constant 0 : i32
    %c0_i32_0 = arith.constant 0 : i32
    return %c0_i32, %arg0 : i32, i32
  }
  func.func @transform_6(%arg0: i32) -> (i32, i32) {
    %c0_i32 = arith.constant 0 : i32
    %c0_i32_0 = arith.constant 0 : i32
    return %c0_i32, %arg0 : i32, i32
  }
  func.func @transform_7(%arg0: i32) -> (i32, i32) {
    %c0_i32 = arith.constant 0 : i32
    %c0_i32_0 = arith.constant 0 : i32
    %c0_i32_1 = arith.constant 0 : i32
    return %c0_i32, %c0_i32_0 : i32, i32
  }
}

module attributes {stable_mosaic.version = 14 : i64} {
  func.func @_k6_body(%arg0: i32, %arg1: memref<200x128xf32, #tpu.memory_space<vmem>>, %arg2: memref<2x200x1xf32, #tpu.memory_space<vmem>>, %arg3: memref<1x1xf32, #tpu.memory_space<vmem>>, %arg4: memref<128x96xf32, #tpu.memory_space<vmem>>, %arg5: memref<1x96xf32, #tpu.memory_space<vmem>>, %arg6: memref<200x96xf32, #tpu.memory_space<vmem>>, %arg7: memref<1x1x96xf32, #tpu.memory_space<vmem>>) attributes {dimension_semantics = [#tpu.dimension_semantics<arbitrary>], iteration_bounds = array<i64: 50>, scalar_prefetch = 0 : i64, scratch_operands = 0 : i64, tpu.core_type = #tpu.core_type<tc>, window_params = [{transform_indices = @transform_0, window_bounds = array<i64: 200, 128>}, {transform_indices = @transform_1, window_bounds = array<i64: 2, 200, 1>}, {pipeline_mode = #tpu.pipeline_mode<synchronous>, transform_indices = @transform_2, window_bounds = array<i64: 1, 1>}, {pipeline_mode = #tpu.pipeline_mode<synchronous>, transform_indices = @transform_3, window_bounds = array<i64: 128, 96>}, {pipeline_mode = #tpu.pipeline_mode<synchronous>, transform_indices = @transform_4, window_bounds = array<i64: 1, 96>}, {transform_indices = @transform_5, window_bounds = array<i64: 200, 96>}, {transform_indices = @transform_6, window_bounds = array<i64: 1, 1, 96>}]} {
    %get3A = arith.constant 0 : index
    %get3A_0 = arith.constant 0 : index
    %get3A_1 = arith.constant 0 : index
    %get3A_2 = vector.load %arg2[%get3A, %get3A_0, %get3A_1] : memref<2x200x1xf32, #tpu.memory_space<vmem>>, vector<1x200x1xf32>
    %get3A_3 = vector.shape_cast %get3A_2 : vector<1x200x1xf32> to vector<200x1xf32>
    %get3A_4 = arith.constant 1 : index
    %get3A_5 = arith.constant 0 : index
    %get3A_6 = arith.constant 0 : index
    %get3A_7 = vector.load %arg2[%get3A_4, %get3A_5, %get3A_6] : memref<2x200x1xf32, #tpu.memory_space<vmem>>, vector<1x200x1xf32>
    %get3A_8 = vector.shape_cast %get3A_7 : vector<1x200x1xf32> to vector<200x1xf32>
    %add3A = arith.addf %get3A_3, %get3A_8 : vector<200x1xf32>
    %get3A_9 = arith.constant 0 : index
    %get3A_10 = arith.constant 0 : index
    %get3A_11 = vector.load %arg3[%get3A_9, %get3A_10] : memref<1x1xf32, #tpu.memory_space<vmem>>, vector<1x1xf32>
    %get3A_12 = vector.extract %get3A_11[0, 0] : f32 from vector<1x1xf32>
    %add3A_13 = vector.broadcast %get3A_12 : f32 to vector<200x1xf32>
    %add3A_14 = arith.addf %add3A, %add3A_13 : vector<200x1xf32>
    %logistic3A = arith.negf %add3A_14 : vector<200x1xf32>
    %logistic3A_15 = math.exp %logistic3A : vector<200x1xf32>
    %logistic3A_16 = arith.constant 1.000000e+00 : f32
    %logistic3A_17 = vector.broadcast %logistic3A_16 : f32 to vector<200x1xf32>
    %logistic3A_18 = arith.addf %logistic3A_17, %logistic3A_15 : vector<200x1xf32>
    %logistic3A_19 = arith.divf %logistic3A_17, %logistic3A_18 : vector<200x1xf32>
    %get3A_20 = arith.constant 0 : index
    %get3A_21 = arith.constant 0 : index
    %get3A_22 = vector.load %arg1[%get3A_20, %get3A_21] : memref<200x128xf32, #tpu.memory_space<vmem>>, vector<200x128xf32>
    %get3A_23 = arith.constant 0 : index
    %get3A_24 = arith.constant 0 : index
    %get3A_25 = vector.load %arg4[%get3A_23, %get3A_24] : memref<128x96xf32, #tpu.memory_space<vmem>>, vector<128x96xf32>
    %dot_general3A = arith.constant dense<0.000000e+00> : vector<200x96xf32>
    %dot_general3A_26 = tpu.matmul %get3A_22, %get3A_25, %dot_general3A {dimension_numbers = #tpu.dot_dimension_numbers<[1], [0], [0], [1], [0, 0, 1, 1], [], []>, transpose_lhs_hint = false} : vector<200x128xf32>, vector<128x96xf32>, vector<200x96xf32> -> vector<200x96xf32>
    %get3A_27 = arith.constant 0 : index
    %get3A_28 = arith.constant 0 : index
    %get3A_29 = vector.load %arg5[%get3A_27, %get3A_28] : memref<1x96xf32, #tpu.memory_space<vmem>>, vector<1x96xf32>
    %add3A_30 = vector.broadcast %get3A_29 : vector<1x96xf32> to vector<200x96xf32>
    %add3A_31 = arith.addf %dot_general3A_26, %add3A_30 : vector<200x96xf32>
    %tanh3A = math.tanh %add3A_31 : vector<200x96xf32>
    %mul3A = vector.broadcast %logistic3A_19 : vector<200x1xf32> to vector<200x96xf32>
    %mul3A_32 = arith.mulf %mul3A, %tanh3A : vector<200x96xf32>
    %swap3A = arith.constant 0 : index
    %swap3A_33 = arith.constant 0 : index
    %swap3A_34 = vector.load %arg6[%swap3A, %swap3A_33] : memref<200x96xf32, #tpu.memory_space<vmem>>, vector<200x96xf32>
    tpu.vector_store %arg6[%swap3A, %swap3A_33], %mul3A_32 {strides = array<i32>} : memref<200x96xf32, #tpu.memory_space<vmem>>, vector<200x96xf32>,
    %reduce_max3A = arith.constant dense<0xFF800000> : vector<96xf32>
    %reduce_max3A_35 = vector.multi_reduction <maximumf>, %mul3A_32, %reduce_max3A [0] : vector<200x96xf32> to vector<96xf32>
    %broadcast_in_dim3A = vector.shape_cast %reduce_max3A_35 : vector<96xf32> to vector<1x96xf32>
    %reduce_sum3A = arith.constant dense<0.000000e+00> : vector<96xf32>
    %reduce_sum3A_36 = vector.multi_reduction <add>, %mul3A_32, %reduce_sum3A [0] : vector<200x96xf32> to vector<96xf32>
    %broadcast_in_dim3A_37 = vector.shape_cast %reduce_sum3A_36 : vector<96xf32> to vector<1x96xf32>
    %mul3A_38 = arith.constant 5.000000e-03 : f32
    %mul3A_39 = vector.broadcast %mul3A_38 : f32 to vector<1x96xf32>
    %mul3A_40 = arith.mulf %broadcast_in_dim3A_37, %mul3A_39 : vector<1x96xf32>
    %add3A_41 = arith.addf %broadcast_in_dim3A, %mul3A_40 : vector<1x96xf32>
    %swap3A_42 = arith.constant 0 : index
    %swap3A_43 = arith.constant 0 : index
    %swap3A_44 = arith.constant 0 : index
    %swap3A_45 = vector.load %arg7[%swap3A_42, %swap3A_43, %swap3A_44] : memref<1x1x96xf32, #tpu.memory_space<vmem>>, vector<1x1x96xf32>
    %swap3A_46 = vector.shape_cast %swap3A_45 : vector<1x1x96xf32> to vector<1x96xf32>
    %swap3A_47 = vector.shape_cast %add3A_41 : vector<1x96xf32> to vector<1x1x96xf32>
    tpu.vector_store %arg7[%swap3A_42, %swap3A_43, %swap3A_44], %swap3A_47 {strides = array<i32>} : memref<1x1x96xf32, #tpu.memory_space<vmem>>, vector<1x1x96xf32>,
    return
  }
  func.func @transform_0(%arg0: i32) -> (i32, i32) {
    %c0_i32 = arith.constant 0 : i32
    %c0_i32_0 = arith.constant 0 : i32
    return %arg0, %c0_i32 : i32, i32
  }
  func.func @transform_1(%arg0: i32) -> (i32, i32, i32) {
    %c0_i32 = arith.constant 0 : i32
    %c0_i32_0 = arith.constant 0 : i32
    %c0_i32_1 = arith.constant 0 : i32
    return %c0_i32, %arg0, %c0_i32_0 : i32, i32, i32
  }
  func.func @transform_2(%arg0: i32) -> (i32, i32) {
    %c0_i32 = arith.constant 0 : i32
    %c0_i32_0 = arith.constant 0 : i32
    %c0_i32_1 = arith.constant 0 : i32
    return %c0_i32, %c0_i32_0 : i32, i32
  }
  func.func @transform_3(%arg0: i32) -> (i32, i32) {
    %c0_i32 = arith.constant 0 : i32
    %c0_i32_0 = arith.constant 0 : i32
    %c0_i32_1 = arith.constant 0 : i32
    return %c0_i32, %c0_i32_0 : i32, i32
  }
  func.func @transform_4(%arg0: i32) -> (i32, i32) {
    %c0_i32 = arith.constant 0 : i32
    %c0_i32_0 = arith.constant 0 : i32
    %c0_i32_1 = arith.constant 0 : i32
    return %c0_i32, %c0_i32_0 : i32, i32
  }
  func.func @transform_5(%arg0: i32) -> (i32, i32) {
    %c0_i32 = arith.constant 0 : i32
    %c0_i32_0 = arith.constant 0 : i32
    return %arg0, %c0_i32 : i32, i32
  }
  func.func @transform_6(%arg0: i32) -> (i32, i32, i32) {
    %c0_i32 = arith.constant 0 : i32
    %c0_i32_0 = arith.constant 0 : i32
    %c0_i32_1 = arith.constant 0 : i32
    return %arg0, %c0_i32, %c0_i32_0 : i32, i32, i32
  }
}

module attributes {stable_mosaic.version = 14 : i64} {
  func.func @_k7_body(%arg0: i32, %arg1: i32, %arg2: memref<1024x96xf32, #tpu.memory_space<vmem>>, %arg3: memref<1024x96xf32, #tpu.memory_space<vmem>>, %arg4: memref<1024x1024xf32, #tpu.memory_space<vmem>>) attributes {dimension_semantics = [#tpu.dimension_semantics<arbitrary>, #tpu.dimension_semantics<arbitrary>], iteration_bounds = array<i64: 10, 10>, scalar_prefetch = 0 : i64, scratch_operands = 0 : i64, tpu.core_type = #tpu.core_type<tc>, window_params = [{transform_indices = @transform_0, window_bounds = array<i64: 1024, 96>}, {transform_indices = @transform_1, window_bounds = array<i64: 1024, 96>}, {transform_indices = @transform_2, window_bounds = array<i64: 1024, 1024>}]} {
    %get3A = arith.constant 0 : index
    %get3A_0 = arith.constant 0 : index
    %get3A_1 = vector.load %arg2[%get3A, %get3A_0] : memref<1024x96xf32, #tpu.memory_space<vmem>>, vector<1024x96xf32>
    %get3A_2 = arith.constant 0 : index
    %get3A_3 = arith.constant 0 : index
    %get3A_4 = vector.load %arg3[%get3A_2, %get3A_3] : memref<1024x96xf32, #tpu.memory_space<vmem>>, vector<1024x96xf32>
    %dot_general3A = arith.constant dense<0.000000e+00> : vector<1024x1024xf32>
    %dot_general3A_5 = tpu.matmul %get3A_1, %get3A_4, %dot_general3A {dimension_numbers = #tpu.dot_dimension_numbers<[1], [1], [0], [0], [0, 0, 1, 0], [], []>, transpose_lhs_hint = false} : vector<1024x96xf32>, vector<1024x96xf32>, vector<1024x1024xf32> -> vector<1024x1024xf32>
    %logistic3A = arith.negf %dot_general3A_5 : vector<1024x1024xf32>
    %logistic3A_6 = math.exp %logistic3A : vector<1024x1024xf32>
    %logistic3A_7 = arith.constant 1.000000e+00 : f32
    %logistic3A_8 = vector.broadcast %logistic3A_7 : f32 to vector<1024x1024xf32>
    %logistic3A_9 = arith.addf %logistic3A_8, %logistic3A_6 : vector<1024x1024xf32>
    %logistic3A_10 = arith.divf %logistic3A_8, %logistic3A_9 : vector<1024x1024xf32>
    %swap3A = arith.constant 0 : index
    %swap3A_11 = arith.constant 0 : index
    %swap3A_12 = vector.load %arg4[%swap3A, %swap3A_11] : memref<1024x1024xf32, #tpu.memory_space<vmem>>, vector<1024x1024xf32>
    tpu.vector_store %arg4[%swap3A, %swap3A_11], %logistic3A_10 {strides = array<i32>} : memref<1024x1024xf32, #tpu.memory_space<vmem>>, vector<1024x1024xf32>,
    return
  }
  func.func @transform_0(%arg0: i32, %arg1: i32) -> (i32, i32) {
    %c0_i32 = arith.constant 0 : i32
    %c0_i32_0 = arith.constant 0 : i32
    return %arg0, %c0_i32 : i32, i32
  }
  func.func @transform_1(%arg0: i32, %arg1: i32) -> (i32, i32) {
    %c0_i32 = arith.constant 0 : i32
    %c0_i32_0 = arith.constant 0 : i32
    return %arg1, %c0_i32 : i32, i32
  }
  func.func @transform_2(%arg0: i32, %arg1: i32) -> (i32, i32) {
    %c0_i32 = arith.constant 0 : i32
    return %arg0, %arg1 : i32, i32
  }
}

</mosaic_0001>

<sc_bundles>
// kernel: kernel.13.cloned.1.call-start
scs
__scs_entry_jumppad:
0x0: {  	(pc) =	sbr.rel $0x88, $3  }
0x1: {  	(tag) =	ssettag $0x0;
	lr =	simm.s32 $0x1  }
0x2: {  	[smem:$0x3F91] =	sst lr;
	_ =	strace $0xD0000000  }
0x3: {  	_ = 	snop  }
0x4: {  	_ = 	snop  }
0x5: {  	_ = 	snop  }
0x6: {  	_ = 	snop  }
0x7: {  	_ = 	snop  }
__scs_overlays_trampoline_lowered:
0x8: {  	[smem:$0x3FA0] =	sst s0  }
0x9: {  	[smem:$0x3FA1] =	sst s1  }
0xa: {  	[smem:$0x3FA2] =	sst s2  }
0xb: {  	[smem:$0x3FA3] =	sst s3  }
0xc: {  	[smem:$0x3FA4] =	sst s4  }
0xd: {  	[smem:$0x3FA5] =	sst s5  }
0xe: {  	[smem:$0x3FA6] =	sst s6  }
0xf: {  	[smem:$0x3FA7] =	sst s7  }
0x10: {  	[smem:$0x3FA8] =	sst s8  }
0x11: {  	[smem:$0x3FA9] =	sst s9;
	s0 =	simm.s32 @!p0 $0x0  }
0x12: {  	s1 =	sld [smem:$0x3F8F];
	s0 =	simm.s32 @p0 $0x1  }
0x13: {  	[smem:$0x3FAA] =	sst s0;
	s0 =	simm.s32 @!p1 $0x0  }
0x14: {  	s2 =	sld [smem:$0x3F8E];
	s0 =	simm.s32 @p1 $0x1  }
0x15: {  	[smem:$0x3FAB] =	sst s0;
	s0 =	simm.s32 @!p2 $0x0  }
0x16: {  	s3 =	sld [smem:$0x3FDB];
	s0 =	simm.s32 @p2 $0x1  }
0x17: {  	s4 =	simm.s32 $0x1BF5;
	[smem:$0x3FAD] =	sst s0  }
0x18: {  	s0 =	sld [smem:$0x3F90];
	_ =	swait.ge [sflag:s4], $0x0  }
0x19: {  	s7 =	sld [smem:$0x3F91]  }
0x1a: {  	s8 =	sadd.s32 $0xFFFFE003, lr  }
0x1b: {  	s9 =	sadd.s32 $0xFFFFFEF7, lr;
	s5 =	simm.s32 $0xFFFFFFFF;
	p2 =	slt.u32 s8, $0xFFFFF086  }
0x1c: {  	p1 =	slt.u32 s9, $0xF7A;
	s5 =	simm.s32 @!p2 $0x0  }
0x1d: {  	s5 =	simm.s32 @p1 $0x1;
	p0 =	seq.s32 s7, s2  }
0x1e: {  	s7 =	smul.u32 @!p0 $0xF7A, s2;
	p2 =	seq.s32 @!p0 s5, $0x0  }
0x1f: {  	s9 =	smul.u32 $0xF7A, s1;
	s8 =	simm.s32 @!p0 $0x1BF5;
	p2 =	por !p2, p0  }
0x20: {  	[sflag:s8] =	ssyncset.s32 @!p0 $0xFFFFF086;
	s6 =	sadd.s32 @!p0 s3, s7;
	s7 =	simm.s32 @!p0 $0x108  }
0x21: {  	s3 =	sadd.s32 s3, s9;
	s6 =	sadd.s32 @!p0 $0x88, s6;
	s7 =	simm.s32 @p2 $0x1082  }
0x22: {  	[simem:s7], [sflag:s8] =	dma.local @!p0 [hbm:s6], $0xF7A  }
0x23: {  	s9 =	sor.u32 $0xD0000000, s2;
	s6 =	simm.s32 $0x108;
	_ =	swait.ge @!p0 [sflag:s8], $0x0  }
0x24: {  	s3 =	sadd.s32 $0x88, s3;
	s6 =	simm.s32 @!p1 $0x1082;
	[sflag:s4] =	ssyncset.s32 $0xFFFFF086  }
0x25: {  	[simem:s6], [sflag:s4] =	dma.local [hbm:s3], $0xF7A  }
0x26: {  	[smem:$0x3F91] =	sst s1;
	(tag) =	ssettag s2;
	_ =	strace s9  }
0x27: {  	s1 =	sld [smem:$0x3FA1]  }
0x28: {  	s2 =	sld [smem:$0x3FA2]  }
0x29: {  	s4 =	sld [smem:$0x3FA4]  }
0x2a: {  	p0 =	seq.s32 s5, $0x0;
	s5 =	sld [smem:$0x3FA5]  }
0x2b: {  	s6 =	sld [smem:$0x3FA6]  }
0x2c: {  	s7 =	sld [smem:$0x3FA7]  }
0x2d: {  	s3 =	simm.s32 $0x108;
	s8 =	sld [smem:$0x3FA8]  }
0x2e: {  	s3 =	simm.s32 @!p0 $0x1082;
	s9 =	sld [smem:$0x3FA9]  }
0x2f: {  	lr =	sadd.s32 s0, s3;
	s0 =	sld [smem:$0x3FA0]  }
0x30: {  	s3 =	sld [smem:$0x3FA3]  }
0x31: {  	[smem:$0x3FAC] =	sst s10  }
0x32: {  	s10 =	sld [smem:$0x3FAA];
	_ =	sdelay $0x3  }
0x33: {  	p0 =	seq.s32 s10, $0x1;
	s10 =	sld [smem:$0x3FAC];
	_ =	sdelay $0x3  }
0x34: {  	[smem:$0x3FAC] =	sst s10  }
0x35: {  	s10 =	sld [smem:$0x3FAB];
	_ =	sdelay $0x3  }
0x36: {  	p1 =	seq.s32 s10, $0x1;
	s10 =	sld [smem:$0x3FAC];
	_ =	sdelay $0x3  }
0x37: {  	[smem:$0x3FAC] =	sst s10  }
0x38: {  	s10 =	sld [smem:$0x3FAD]  }
0x39: {  	_ = 	snop;
	(pc) =	sbr.ind lr, $3  }
0x3a: {  	_ = 	snop  }
0x3b: {  	_ = 	snop  }
0x3c: {  	p2 =	seq.s32 s10, $0x1;
	s10 =	sld [smem:$0x3FAC]  }
0x3d: {  	_ =	shalt  }
0x3e: {  	_ =	shalt  }
0x3f: {  	_ =	shalt  }
0x40: {  	_ =	shalt  }
0x41: {  	_ =	shalt  }
0x42: {  	_ =	shalt  }
0x43: {  	_ =	shalt  }
0x44: {  	_ =	shalt  }
0x45: {  	_ =	shalt  }
0x46: {  	_ =	shalt  }
0x47: {  	_ =	shalt  }
0x48: {  	_ =	shalt  }
0x49: {  	_ =	shalt  }
0x4a: {  	_ =	shalt  }
0x4b: {  	_ =	shalt  }
0x4c: {  	_ =	shalt  }
0x4d: {  	_ =	shalt  }
0x4e: {  	_ =	shalt  }
0x4f: {  	_ =	shalt  }
0x50: {  	_ =	shalt  }
0x51: {  	_ =	shalt  }
0x52: {  	_ =	shalt  }
0x53: {  	_ =	shalt  }
0x54: {  	_ =	shalt  }
0x55: {  	_ =	shalt  }
0x56: {  	_ =	shalt  }
0x57: {  	_ =	shalt  }
0x58: {  	_ =	shalt  }
0x59: {  	_ =	shalt  }
0x5a: {  	_ =	shalt  }
0x5b: {  	_ =	shalt  }
0x5c: {  	_ =	shalt  }
0x5d: {  	_ =	shalt  }
0x5e: {  	_ =	shalt  }
0x5f: {  	_ =	shalt  }
0x60: {  	_ =	shalt  }
0x61: {  	_ =	shalt  }
0x62: {  	_ =	shalt  }
0x63: {  	_ =	shalt  }
0x64: {  	_ =	shalt  }
0x65: {  	_ =	shalt  }
0x66: {  	_ =	shalt  }
0x67: {  	_ =	shalt  }
0x68: {  	_ =	shalt  }
0x69: {  	_ =	shalt  }
0x6a: {  	_ =	shalt  }
0x6b: {  	_ =	shalt  }
0x6c: {  	_ =	shalt  }
0x6d: {  	_ =	shalt  }
0x6e: {  	_ =	shalt  }
0x6f: {  	_ =	shalt  }
0x70: {  	_ =	shalt  }
0x71: {  	_ =	shalt  }
0x72: {  	_ =	shalt  }
0x73: {  	_ =	shalt  }
0x74: {  	_ =	shalt  }
0x75: {  	_ =	shalt  }
0x76: {  	_ =	shalt  }
0x77: {  	_ =	shalt  }
0x78: {  	_ =	shalt  }
0x79: {  	_ =	shalt  }
0x7a: {  	_ =	shalt  }
0x7b: {  	_ =	shalt  }
0x7c: {  	_ =	shalt  }
0x7d: {  	_ =	shalt  }
0x7e: {  	_ =	shalt  }
0x7f: {  	_ =	shalt  }
0x80: {  	_ =	shalt  }
0x81: {  	_ =	shalt  }
0x82: {  	_ =	shalt  }
0x83: {  	_ =	shalt  }
0x84: {  	_ =	shalt  }
0x85: {  	_ =	shalt  }
0x86: {  	_ =	shalt  }
0x87: {  	_ =	shalt  }
.Lfunc_end0:
.L_simem_size_0:
called_computation_lowered:
.L_overlay_start_0:
0x88: {  	s2 =	sld [smem:$0x3FD9]  }
0x89: {  	s3 =	sld [smem:$0x3FFE];
	_ =	sdelay $0x1  }
0x8a: {  	s1 =	srdreg.scid  }
0x8b: {  	s0 =	sand.u32 $0x1, s1  }
0x8c: {  	s15 =	sshll.u32 s0, $0xA;
	s2 =	sadd.s32 s3, s2  }
0x8d: {  	s2 =	sadd.s32 s2, s15  }
0x8e: {  	[smem:$0x3FB8] =	sst s2  }
0x8f: {  	_ = 	snop  }
0x90: {  	s2 =	sld [smem:$0x3FD0];
	_ =	sdelay $0x2  }
0x91: {  	s4 =	simm.s32 $0xB;
	s5 =	simm.s32 $0x10;
	s16 =	sld [smem:$0x3FC6]  }
0x92: {  	[smem:s5], [sflag:s4] =	dma.local [hbm:s2], $0x1  }
0x93: {  	_ =	swait.eq [sflag:s4], $0x1  }
0x94: {  	[sflag:s4] =	ssyncset.done $0x0  }
0x95: {  	s17 =	sld [smem:$0x10];
	[sflag:s4] =	ssyncadd.s32 $0xFFFFFFFF  }
0x96: {  	s18 =	sld [smem:$0x12];
	(tm) =	ssettm $0x1  }
0x97: {  	s19 =	sld [smem:$0x3FFB];
	_ =	sdelay $0x3  }
0x98: {  	_ =	strace s19  }
0x99: {  	s5 =	sld [smem:$0x3FFC];
	_ =	sdelay $0x3  }
0x9a: {  	_ =	strace s5  }
0x9b: {  	s5 =	sld [smem:$0x3FFD];
	_ =	sdelay $0x3  }
0x9c: {  	_ =	strace s5  }
0x9d: {  	_ =	strace $0x8FFFFFFF  }
0x9e: {  	s20 =	sld [smem:$0x3FDB];
	_ =	sdelay $0x1  }
0x9f: {  	s6 =	simm.s32 $_scs_section_size  }
0xa0: {  	s7 =	simm.s32 $_size__tile_overlayer_lowered;
	s8 =	simm.s32 $_tile_overlayer_lowered  }
0xa1: {  	s23 =	simm.s32 $0x1BFF;
	s22 =	sshll.u32 s8, $0x1;
	s5 =	sadd.s32 s6, s20  }
0xa2: {  	s9 =	simm.s32 $0x0;
	s21 =	sshll.u32 s7, $0x1;
	s7 =	sadd.s32 s22, s5  }
0xa3: {  	[timem:s9], [sflag:s23] =	dma.local [hbm:s7], s21  }
0xa4: {  	_ =	swait.ge [sflag:s23], s21  }
0xa5: {  	s6 =	ssub.s32 $0x0, s21;
	[sflag:s23] =	ssyncset.done $0x0  }
0xa6: {  	[sflag:s23] =	ssyncadd.s32 s6;
	_ =	sdelay $0x1  }
0xa7: {  	s24 =	simm.s32 $0x1B8B  }
0xa8: {  	_ =	swait.ge [sflag:s24], $0x1  }
0xa9: {  	[sflag:s24] =	ssyncset.done $0x0  }
0xaa: {  	s25 =	simm.s32 $0x1B8E;
	[sflag:s24] =	ssyncadd.s32 $0xFFFFFFFF  }
0xab: {  	s26 =	simm.s32 $execute0_lowered;
	[smem:$0x3FD2] =	sst s25  }
0xac: {  	s6 =	sshll.u32 s26, $0x1;
	_ =	strace $0x80000046;
	[dreg:$0x1] =	wrdreg $0xFFFFFFFF  }
0xad: {  	s28 =	simm.s32 $_size_execute0_lowered;
	s5 =	sadd.s32 s5, s6;
	[dreg:$0x0] =	wrdreg $0x0  }
0xae: {  	s6 =	sshll.u32 s28, $0x1;
	[dreg:$0x2] =	wrdreg s5  }
0xaf: {  	[dreg:$0x3] =	wrdreg s6  }
0xb0: {  	[dreg:$0x4] =	wrdreg $0xC0  }
0xb1: {  	_ =	task [dreg:s9], $0x5FFFF  }
0xb2: {  	[dreg:$0x1] =	wrdreg $0xFFFFFFFF  }
0xb3: {  	[dreg:$0x0] =	wrdreg $0x60  }
0xb4: {  	[dreg:$0x2] =	wrdreg s16  }
0xb5: {  	[dreg:$0x3] =	wrdreg s17  }
0xb6: {  	[dreg:$0x4] =	wrdreg s18  }
0xb7: {  	[dreg:$0x5] =	wrdreg $0x9  }
0xb8: {  	_ =	task.clear_ibuf [dreg:s9], $0x6FFFF;
	_ =	strace $0x90000046  }
0xb9: {  	s29 =	simm.s32 $0x9;
	_ =	strace $0x80000048  }
0xba: {  	_ =	swait.ge [sflag:s29], $0x1  }
0xbb: {  	[sflag:s29] =	ssyncadd.s32 $0xFFFFFFFF  }
0xbc: {  	_ =	strace $0x90000048  }
0xbd: {  	_ =	sfence  }
0xbe: {  	s30 =	sld [smem:$0x0];
	_ =	sdelay $0x2  }
0xbf: {  	s31 =	sshll.u32 s1, $0xD;
	s1 =	sshrl.u32 s1, $0x2  }
0xc0: {  	s3 =	sand.u32 $0x4000, s31;
	s1 =	sadd.s32 s1, s30  }
0xc1: {  	s0 =	sor.u32 s3, s0;
	s1 =	sshll.u32 s1, $0x11  }
0xc2: {  	s0 =	sor.u32 s1, s0  }
0xc3: {  	s0 =	sadd.s32 $0x8F2B, s0  }
0xc4: {  	[sflag:s0] =	ssyncadd.remote.s32 $0x1  }
0xc5: {  	_ =	sfence.sel $0xFFFF  }
0xc6: {  	[dreg:$0x0] =	wrdreg $0xFFFFFFFF;
	(pc) =	sbr.abs _section_cstart, $3  }
0xc7: {  	[dreg:$0x1] =	wrdreg $0xFFFFFFFF  }
0xc8: {  	_ =	task.clear_ibuf [dreg:s9], $0x2FFFF;
	_ =	strace $0x9FFFFFFF  }
0xc9: {  	(tm) =	ssettm $0x7FFFFFFF  }
tec
execute0_lowered:
.L_overlay_start_1:
0x0: {  	(tag) =	ssettag $0x1  }
0x1: {  	s1 =	srdreg.scid  }
0x2: {  	s0 =	stileid.u32;
	s2 =	rddreg [dreg:$0x0]  }
0x3: {  	s4 =	rddreg [dreg:$0x1];
	s1 =	sand.u32 $0x1, s1;
	s3 =	sshll.u32 s0, $0x1  }
0x4: {  	s7 =	rddreg [dreg:$0x2];
	s5 =	sor.u32 s1, s3;
	s3 =	simm.s32 $0x0  }
0x5: {  	s8 =	simm.s32 $0x100;
	[smem:$0x7FF] =	sst s3  }
0x6: {  	s9 =	simm.s32 $0x180;
	_ =	strace $0x80000047;
	[dreg:$0x9] =	wrdreg s8  }
0x7: {  	s10 =	simm.s32 $0xA00;
	[dreg:$0xa] =	wrdreg s9  }
0x8: {  	s11 =	simm.s32 $0x1200;
	[dreg:$0xb] =	wrdreg s10  }
0x9: {  	s12 =	simm.s32 $0x1A00;
	[dreg:$0xc] =	wrdreg s11  }
0xa: {  	s13 =	simm.s32 $0x2200;
	[dreg:$0xd] =	wrdreg s12  }
0xb: {  	s14 =	simm.s32 $0x2A00;
	[dreg:$0xe] =	wrdreg s13  }
0xc: {  	s15 =	simm.s32 $0x3200;
	s16 =	simm.s32 $0x3A00;
	[dreg:$0xf] =	wrdreg s14  }
0xd: {  	s17 =	simm.s32 $0x4200;
	s18 =	simm.s32 $0x4A00;
	[dreg:$0x10] =	wrdreg s15  }
0xe: {  	s19 =	simm.s32 $0x5200;
	s21 =	simm.s32 $0x5A00;
	[dreg:$0x11] =	wrdreg s16  }
0xf: {  	s22 =	simm.s32 $0x6200;
	s23 =	simm.s32 $0x6A00;
	[dreg:$0x12] =	wrdreg s17  }
0x10: {  	s24 =	simm.s32 $0x7200;
	s25 =	simm.s32 $0x7A00;
	[dreg:$0x13] =	wrdreg s18  }
0x11: {  	s28 =	simm.s32 $0x11A00;
	s29 =	simm.s32 $0x12200;
	[dreg:$0x14] =	wrdreg s19  }
0x12: {  	s30 =	simm.s32 $0x12A00;
	s31 =	simm.s32 $0x13200;
	[dreg:$0x15] =	wrdreg s21  }
0x13: {  	s1 =	ssub.s32 $0x2, s1;
	s6 =	smul.u32 $0x140, s5;
	[dreg:$0x16] =	wrdreg s22  }
0x14: {  	s5 =	smul.u32 $0x2800, s5;
	s20 =	sshrl.u32 s1, $0x1;
	[dreg:$0x17] =	wrdreg s23  }
0x15: {  	s1 =	ssub.s32 s1, s20;
	[dreg:$0x18] =	wrdreg s24;
	s8 =	simm.s32 $0x1  }
0x16: {  	[dreg:$0x19] =	wrdreg s25;
	s10 =	simm.s32 $0x9200;
	s11 =	simm.s32 $0x9A00  }
0x17: {  	s12 =	simm.s32 $0xA200;
	s13 =	simm.s32 $0xAA00;
	s14 =	simm.s32 $0xB200  }
0x18: {  	s15 =	simm.s32 $0xBA00;
	s16 =	simm.s32 $0xC200;
	s17 =	simm.s32 $0xCA00  }
0x19: {  	s18 =	simm.s32 $0xD200;
	s19 =	simm.s32 $0xDA00;
	s20 =	simm.s32 $0xE200  }
0x1a: {  	s21 =	simm.s32 $0xEA00;
	s22 =	simm.s32 $0xF200;
	s23 =	simm.s32 $0xFA00  }
0x1b: {  	s24 =	simm.s32 $0x10200;
	s6 =	sshrl.u32 s6, $0x3;
	s5 =	sadd.s32 s7, s5  }
0x1c: {  	s7 =	simm.s32 $0x80;
	s4 =	sadd.s32 s4, s6;
	[dreg:$0x7] =	wrdreg s5  }
0x1d: {  	s25 =	simm.s32 $0x10A00;
	[dreg:$0x8] =	wrdreg s7;
	s6 =	sadd.s32 $0xA, s4  }
0x1e: {  	s5 =	smax.u32 s1, $0x1;
	s26 =	sadd.s32 $0x14, s4;
	[dreg:$0x4] =	wrdreg s6  }
0x1f: {  	v2 =	vlaneseq.u32;
	s7 =	simm.s32 $0x200;
	s0 =	sadd.s32 $0x1E, s4;
	[dreg:$0x5] =	wrdreg s26  }
0x20: {  	vm0 =	vmmov $0xffff;
	v1 =	vshrl.u32 v2, $0x3;
	s1 =	simm.s32 $0x13A00;
	[dreg:$0x6] =	wrdreg s0;
	s26 =	simm.s32 $0x8200  }
0x21: {  	v0 =	vand.u32 $0x7, v2;
	v2 =	vor.u32 $0x8, v2;
	v1 =	vmul.u32 $0x8, v1;
	s6 =	simm.s32 $0x2;
	[dreg:$0x1a] =	wrdreg s26;
	s26 =	simm.s32 $0x11200  }
.LBB2_1:
0x22: {  	[tilespmem:s3], [sflag:$0x2] =	stream.linear.gather [hbm4b:s4+s3], $0x50, $0x38;
	[tilespmem:$0x14200] =	vst v63  }
0x23: {  	_ =	swait.ge [sflag:s6], $0x50  }
0x24: {  	s0 =	rddreg [dreg:$0x4];
	[sflag:s6] =	ssyncset.done $0x0  }
0x25: {  	s9 =	rddreg [dreg:$0x8];
	[sflag:s6] =	ssyncadd.s32 $0xFFFFFFB0  }
0x26: {  	[tilespmem:s9], [sflag:$0x2] =	stream.linear.gather [hbm4b:s0+s3], $0x50, $0x38;
	[tilespmem:$0x14200] =	vst v63  }
0x27: {  	_ =	swait.ge [sflag:s6], $0x50  }
0x28: {  	s0 =	rddreg [dreg:$0x5];
	[sflag:s6] =	ssyncset.done $0x0  }
0x29: {  	s9 =	rddreg [dreg:$0x9];
	[sflag:s6] =	ssyncadd.s32 $0xFFFFFFB0  }
0x2a: {  	[tilespmem:s9], [sflag:$0x2] =	stream.linear.gather [hbm4b:s0+s3], $0x50, $0x38;
	[tilespmem:$0x14200] =	vst v63  }
0x2b: {  	_ =	swait.ge [sflag:s6], $0x50  }
0x2c: {  	s0 =	rddreg [dreg:$0x6];
	[sflag:s6] =	ssyncset.done $0x0  }
0x2d: {  	s9 =	rddreg [dreg:$0xa];
	[sflag:s6] =	ssyncadd.s32 $0xFFFFFFB0  }
0x2e: {  	[tilespmem:s9], [sflag:$0x2] =	stream.linear.gather [hbm4b:s0+s3], $0x50, $0x38;
	[tilespmem:$0x14200] =	vst v63  }
0x2f: {  	_ =	swait.ge [sflag:s6], $0x50  }
0x30: {  	[sflag:s6] =	ssyncset.done $0x0  }
0x31: {  	[sflag:s6] =	ssyncadd.s32 $0xFFFFFFB0  }
0x32: {  	v3 =	vld [tilespmem:$0x0];
	_ =	sdelay $0x4  }
0x33: {  	v4 =	vshll.u32 v3, $0x1  }
0x34: {  	v3 =	vand.u32 $0x7, v3;
	v4 =	vand.u32 $0xFFFFFFF0, v4  }
0x35: {  	v3 =	vor.u32 v3, v4  }
0x36: {  	v4 =	vperm.xlane v3, v0;
	_ =	sdelay $0x1  }
0x37: {  	v3 =	vperm.xlane v3, v2;
	v4 =	vadd.s32 v1, v4;
	_ =	sdelay $0x1  }
0x38: {  	v3 =	vadd.s32 v1, v3;
	_ =	sdelay $0x2  }
0x39: {  	[tilespmem:s7], [sflag:$0x1] =	stream.indirect_vreg.gather [hbm4b:s2+s3], $0x80, v4, vm0, $0xb8;
	[tilespmem:$0x14200] =	vst v63  }
0x3a: {  	s9 =	rddreg [dreg:$0xb]  }
0x3b: {  	[tilespmem:s9], [sflag:$0x1] =	stream.indirect_vreg.gather [hbm4b:s2+s3], $0x80, v3, vm0, $0xb8;
	[tilespmem:$0x14200] =	vst v63  }
0x3c: {  	v3 =	vld [tilespmem:$0x10];
	_ =	sdelay $0x4  }
0x3d: {  	v45 =	vshll.u32 v3, $0x1  }
0x3e: {  	v3 =	vand.u32 $0x7, v3;
	v4 =	vand.u32 $0xFFFFFFF0, v45  }
0x3f: {  	v3 =	vor.u32 v3, v4  }
0x40: {  	v4 =	vperm.xlane v3, v0;
	_ =	sdelay $0x1  }
0x41: {  	v3 =	vperm.xlane v3, v2;
	v4 =	vadd.s32 v1, v4;
	_ =	sdelay $0x1  }
0x42: {  	v3 =	vadd.s32 v1, v3;
	_ =	sdelay $0x1  }
0x43: {  	s0 =	rddreg [dreg:$0xc]  }
0x44: {  	[tilespmem:s0], [sflag:$0x1] =	stream.indirect_vreg.gather [hbm4b:s2+s3], $0x80, v4, vm0, $0xb8;
	[tilespmem:$0x14200] =	vst v63  }
0x45: {  	s9 =	rddreg [dreg:$0xd]  }
0x46: {  	[tilespmem:s9], [sflag:$0x1] =	stream.indirect_vreg.gather [hbm4b:s2+s3], $0x80, v3, vm0, $0xb8;
	[tilespmem:$0x14200] =	vst v63  }
0x47: {  	v3 =	vld [tilespmem:$0x20];
	_ =	sdelay $0x4  }
0x48: {  	v46 =	vshll.u32 v3, $0x1  }
0x49: {  	v3 =	vand.u32 $0x7, v3;
	v4 =	vand.u32 $0xFFFFFFF0, v46  }
0x4a: {  	v3 =	vor.u32 v3, v4  }
0x4b: {  	v4 =	vperm.xlane v3, v0;
	_ =	sdelay $0x1  }
0x4c: {  	v3 =	vperm.xlane v3, v2;
	v4 =	vadd.s32 v1, v4;
	_ =	sdelay $0x1  }
0x4d: {  	v3 =	vadd.s32 v1, v3;
	_ =	sdelay $0x1  }
0x4e: {  	s0 =	rddreg [dreg:$0xe]  }
0x4f: {  	[tilespmem:s0], [sflag:$0x1] =	stream.indirect_vreg.gather [hbm4b:s2+s3], $0x80, v4, vm0, $0xb8;
	[tilespmem:$0x14200] =	vst v63  }
0x50: {  	s9 =	rddreg [dreg:$0xf]  }
0x51: {  	[tilespmem:s9], [sflag:$0x1] =	stream.indirect_vreg.gather [hbm4b:s2+s3], $0x80, v3, vm0, $0xb8;
	[tilespmem:$0x14200] =	vst v63  }
0x52: {  	v3 =	vld [tilespmem:$0x30];
	_ =	sdelay $0x4  }
0x53: {  	v47 =	vshll.u32 v3, $0x1  }
0x54: {  	v3 =	vand.u32 $0x7, v3;
	v4 =	vand.u32 $0xFFFFFFF0, v47  }
0x55: {  	v3 =	vor.u32 v3, v4  }
0x56: {  	v4 =	vperm.xlane v3, v0;
	_ =	sdelay $0x1  }
0x57: {  	v3 =	vperm.xlane v3, v2;
	v4 =	vadd.s32 v1, v4;
	_ =	sdelay $0x1  }
0x58: {  	v3 =	vadd.s32 v1, v3;
	_ =	sdelay $0x1  }
0x59: {  	s0 =	rddreg [dreg:$0x10]  }
0x5a: {  	[tilespmem:s0], [sflag:$0x1] =	stream.indirect_vreg.gather [hbm4b:s2+s3], $0x80, v4, vm0, $0xb8;
	[tilespmem:$0x14200] =	vst v63  }
0x5b: {  	s9 =	rddreg [dreg:$0x11]  }
0x5c: {  	[tilespmem:s9], [sflag:$0x1] =	stream.indirect_vreg.gather [hbm4b:s2+s3], $0x80, v3, vm0, $0xb8;
	[tilespmem:$0x14200] =	vst v63  }
0x5d: {  	v3 =	vld [tilespmem:$0x40];
	_ =	sdelay $0x4  }
0x5e: {  	v48 =	vshll.u32 v3, $0x1  }
0x5f: {  	v3 =	vand.u32 $0x7, v3;
	v4 =	vand.u32 $0xFFFFFFF0, v48  }
0x60: {  	v3 =	vor.u32 v3, v4  }
0x61: {  	v4 =	vperm.xlane v3, v0;
	_ =	sdelay $0x1  }
0x62: {  	v3 =	vperm.xlane v3, v2;
	v4 =	vadd.s32 v1, v4;
	_ =	sdelay $0x1  }
0x63: {  	v3 =	vadd.s32 v1, v3;
	_ =	sdelay $0x1  }
0x64: {  	s0 =	rddreg [dreg:$0x12]  }
0x65: {  	[tilespmem:s0], [sflag:$0x1] =	stream.indirect_vreg.gather [hbm4b:s2+s3], $0x80, v4, vm0, $0xb8;
	[tilespmem:$0x14200] =	vst v63  }
0x66: {  	s9 =	rddreg [dreg:$0x13]  }
0x67: {  	[tilespmem:s9], [sflag:$0x1] =	stream.indirect_vreg.gather [hbm4b:s2+s3], $0x80, v3, vm0, $0xb8;
	[tilespmem:$0x14200] =	vst v63  }
0x68: {  	_ =	swait.ge [sflag:s8], $0x5000  }
0x69: {  	[sflag:s8] =	ssyncset.done $0x0  }
0x6a: {  	[sflag:s8] =	ssyncadd.s32 $0xFFFFB000  }
0x6b: {  	v3 =	vld [tilespmem:$0x80];
	_ =	sdelay $0x4  }
0x6c: {  	v49 =	vshll.u32 v3, $0x1  }
0x6d: {  	v3 =	vand.u32 $0x7, v3;
	v4 =	vand.u32 $0xFFFFFFF0, v49  }
0x6e: {  	v3 =	vor.u32 v3, v4  }
0x6f: {  	v4 =	vperm.xlane v3, v0;
	_ =	sdelay $0x1  }
0x70: {  	v3 =	vperm.xlane v3, v2;
	v4 =	vadd.s32 v1, v4;
	_ =	sdelay $0x1  }
0x71: {  	v3 =	vadd.s32 v1, v3;
	_ =	sdelay $0x1  }
0x72: {  	s0 =	rddreg [dreg:$0x14]  }
0x73: {  	[tilespmem:s0], [sflag:$0x1] =	stream.indirect_vreg.gather [hbm4b:s2+s3], $0x80, v4, vm0, $0xb8;
	[tilespmem:$0x14200] =	vst v63  }
0x74: {  	s9 =	rddreg [dreg:$0x15]  }
0x75: {  	[tilespmem:s9], [sflag:$0x1] =	stream.indirect_vreg.gather [hbm4b:s2+s3], $0x80, v3, vm0, $0xb8;
	[tilespmem:$0x14200] =	vst v63  }
0x76: {  	v3 =	vld [tilespmem:$0x90];
	_ =	sdelay $0x4  }
0x77: {  	v50 =	vshll.u32 v3, $0x1  }
0x78: {  	v3 =	vand.u32 $0x7, v3;
	v4 =	vand.u32 $0xFFFFFFF0, v50  }
0x79: {  	v3 =	vor.u32 v3, v4  }
0x7a: {  	v4 =	vperm.xlane v3, v0;
	_ =	sdelay $0x1  }
0x7b: {  	v3 =	vperm.xlane v3, v2;
	v4 =	vadd.s32 v1, v4;
	_ =	sdelay $0x1  }
0x7c: {  	v3 =	vadd.s32 v1, v3;
	_ =	sdelay $0x1  }
0x7d: {  	s0 =	rddreg [dreg:$0x16]  }
0x7e: {  	[tilespmem:s0], [sflag:$0x1] =	stream.indirect_vreg.gather [hbm4b:s2+s3], $0x80, v4, vm0, $0xb8;
	[tilespmem:$0x14200] =	vst v63  }
0x7f: {  	s9 =	rddreg [dreg:$0x17]  }
0x80: {  	[tilespmem:s9], [sflag:$0x1] =	stream.indirect_vreg.gather [hbm4b:s2+s3], $0x80, v3, vm0, $0xb8;
	[tilespmem:$0x14200] =	vst v63  }
0x81: {  	v3 =	vld [tilespmem:$0xA0];
	_ =	sdelay $0x4  }
0x82: {  	v51 =	vshll.u32 v3, $0x1  }
0x83: {  	v3 =	vand.u32 $0x7, v3;
	v4 =	vand.u32 $0xFFFFFFF0, v51  }
0x84: {  	v3 =	vor.u32 v3, v4  }
0x85: {  	v4 =	vperm.xlane v3, v0;
	_ =	sdelay $0x1  }
0x86: {  	v3 =	vperm.xlane v3, v2;
	v4 =	vadd.s32 v1, v4;
	_ =	sdelay $0x1  }
0x87: {  	v3 =	vadd.s32 v1, v3;
	_ =	sdelay $0x1  }
0x88: {  	s0 =	rddreg [dreg:$0x18]  }
0x89: {  	[tilespmem:s0], [sflag:$0x1] =	stream.indirect_vreg.gather [hbm4b:s2+s3], $0x80, v4, vm0, $0xb8;
	[tilespmem:$0x14200] =	vst v63  }
0x8a: {  	s9 =	rddreg [dreg:$0x19]  }
0x8b: {  	[tilespmem:s9], [sflag:$0x1] =	stream.indirect_vreg.gather [hbm4b:s2+s3], $0x80, v3, vm0, $0xb8;
	[tilespmem:$0x14200] =	vst v63  }
0x8c: {  	v3 =	vld [tilespmem:$0xB0];
	_ =	sdelay $0x4  }
0x8d: {  	v52 =	vshll.u32 v3, $0x1  }
0x8e: {  	v3 =	vand.u32 $0x7, v3;
	v4 =	vand.u32 $0xFFFFFFF0, v52  }
0x8f: {  	v3 =	vor.u32 v3, v4  }
0x90: {  	v4 =	vperm.xlane v3, v0;
	_ =	sdelay $0x1  }
0x91: {  	v3 =	vperm.xlane v3, v2;
	v4 =	vadd.s32 v1, v4;
	_ =	sdelay $0x1  }
0x92: {  	v3 =	vadd.s32 v1, v3;
	_ =	sdelay $0x1  }
0x93: {  	s9 =	rddreg [dreg:$0x1a]  }
0x94: {  	[tilespmem:s9], [sflag:$0x1] =	stream.indirect_vreg.gather [hbm4b:s2+s3], $0x80, v4, vm0, $0xb8;
	[tilespmem:$0x14200] =	vst v63  }
0x95: {  	s9 =	simm.s32 $0x8A00  }
0x96: {  	[tilespmem:s9], [sflag:$0x1] =	stream.indirect_vreg.gather [hbm4b:s2+s3], $0x80, v3, vm0, $0xb8;
	[tilespmem:$0x14200] =	vst v63  }
0x97: {  	v3 =	vld [tilespmem:$0xC0];
	_ =	sdelay $0x4  }
0x98: {  	v53 =	vshll.u32 v3, $0x1  }
0x99: {  	v3 =	vand.u32 $0x7, v3;
	v4 =	vand.u32 $0xFFFFFFF0, v53  }
0x9a: {  	v3 =	vor.u32 v3, v4  }
0x9b: {  	v4 =	vperm.xlane v3, v0;
	_ =	sdelay $0x1  }
0x9c: {  	v3 =	vperm.xlane v3, v2;
	v4 =	vadd.s32 v1, v4;
	_ =	sdelay $0x1  }
0x9d: {  	v3 =	vadd.s32 v1, v3;
	_ =	sdelay $0x2  }
0x9e: {  	[tilespmem:s10], [sflag:$0x1] =	stream.indirect_vreg.gather [hbm4b:s2+s3], $0x80, v4, vm0, $0xb8;
	[tilespmem:$0x14200] =	vst v63  }
0x9f: {  	_ = 	snop  }
0xa0: {  	[tilespmem:s11], [sflag:$0x1] =	stream.indirect_vreg.gather [hbm4b:s2+s3], $0x80, v3, vm0, $0xb8;
	[tilespmem:$0x14200] =	vst v63  }
0xa1: {  	_ =	swait.ge [sflag:s8], $0x5000  }
0xa2: {  	[sflag:s8] =	ssyncset.done $0x0  }
0xa3: {  	[sflag:s8] =	ssyncadd.s32 $0xFFFFB000  }
0xa4: {  	v3 =	vld [tilespmem:$0x100];
	_ =	sdelay $0x4  }
0xa5: {  	v54 =	vshll.u32 v3, $0x1  }
0xa6: {  	v3 =	vand.u32 $0x7, v3;
	v4 =	vand.u32 $0xFFFFFFF0, v54  }
0xa7: {  	v3 =	vor.u32 v3, v4  }
0xa8: {  	v4 =	vperm.xlane v3, v0;
	_ =	sdelay $0x1  }
0xa9: {  	v3 =	vperm.xlane v3, v2;
	v4 =	vadd.s32 v1, v4;
	_ =	sdelay $0x1  }
0xaa: {  	v3 =	vadd.s32 v1, v3;
	_ =	sdelay $0x2  }
0xab: {  	[tilespmem:s12], [sflag:$0x1] =	stream.indirect_vreg.gather [hbm4b:s2+s3], $0x80, v4, vm0, $0xb8;
	[tilespmem:$0x14200] =	vst v63  }
0xac: {  	_ = 	snop  }
0xad: {  	[tilespmem:s13], [sflag:$0x1] =	stream.indirect_vreg.gather [hbm4b:s2+s3], $0x80, v3, vm0, $0xb8;
	[tilespmem:$0x14200] =	vst v63  }
0xae: {  	v3 =	vld [tilespmem:$0x110];
	_ =	sdelay $0x4  }
0xaf: {  	v55 =	vshll.u32 v3, $0x1  }
0xb0: {  	v3 =	vand.u32 $0x7, v3;
	v4 =	vand.u32 $0xFFFFFFF0, v55  }
0xb1: {  	v3 =	vor.u32 v3, v4  }
0xb2: {  	v4 =	vperm.xlane v3, v0;
	_ =	sdelay $0x1  }
0xb3: {  	v3 =	vperm.xlane v3, v2;
	v4 =	vadd.s32 v1, v4;
	_ =	sdelay $0x1  }
0xb4: {  	v3 =	vadd.s32 v1, v3;
	_ =	sdelay $0x2  }
0xb5: {  	[tilespmem:s14], [sflag:$0x1] =	stream.indirect_vreg.gather [hbm4b:s2+s3], $0x80, v4, vm0, $0xb8;
	[tilespmem:$0x14200] =	vst v63  }
0xb6: {  	_ = 	snop  }
0xb7: {  	[tilespmem:s15], [sflag:$0x1] =	stream.indirect_vreg.gather [hbm4b:s2+s3], $0x80, v3, vm0, $0xb8;
	[tilespmem:$0x14200] =	vst v63  }
0xb8: {  	v3 =	vld [tilespmem:$0x120];
	_ =	sdelay $0x4  }
0xb9: {  	v56 =	vshll.u32 v3, $0x1  }
0xba: {  	v3 =	vand.u32 $0x7, v3;
	v4 =	vand.u32 $0xFFFFFFF0, v56  }
0xbb: {  	v3 =	vor.u32 v3, v4  }
0xbc: {  	v4 =	vperm.xlane v3, v0;
	_ =	sdelay $0x1  }
0xbd: {  	v3 =	vperm.xlane v3, v2;
	v4 =	vadd.s32 v1, v4;
	_ =	sdelay $0x1  }
0xbe: {  	v3 =	vadd.s32 v1, v3;
	_ =	sdelay $0x2  }
0xbf: {  	[tilespmem:s16], [sflag:$0x1] =	stream.indirect_vreg.gather [hbm4b:s2+s3], $0x80, v4, vm0, $0xb8;
	[tilespmem:$0x14200] =	vst v63  }
0xc0: {  	_ = 	snop  }
0xc1: {  	[tilespmem:s17], [sflag:$0x1] =	stream.indirect_vreg.gather [hbm4b:s2+s3], $0x80, v3, vm0, $0xb8;
	[tilespmem:$0x14200] =	vst v63  }
0xc2: {  	v3 =	vld [tilespmem:$0x130];
	_ =	sdelay $0x4  }
0xc3: {  	v57 =	vshll.u32 v3, $0x1  }
0xc4: {  	v3 =	vand.u32 $0x7, v3;
	v4 =	vand.u32 $0xFFFFFFF0, v57  }
0xc5: {  	v3 =	vor.u32 v3, v4  }
0xc6: {  	v4 =	vperm.xlane v3, v0;
	_ =	sdelay $0x1  }
0xc7: {  	v3 =	vperm.xlane v3, v2;
	v4 =	vadd.s32 v1, v4;
	_ =	sdelay $0x1  }
0xc8: {  	v3 =	vadd.s32 v1, v3;
	_ =	sdelay $0x2  }
0xc9: {  	[tilespmem:s18], [sflag:$0x1] =	stream.indirect_vreg.gather [hbm4b:s2+s3], $0x80, v4, vm0, $0xb8;
	[tilespmem:$0x14200] =	vst v63  }
0xca: {  	_ = 	snop  }
0xcb: {  	[tilespmem:s19], [sflag:$0x1] =	stream.indirect_vreg.gather [hbm4b:s2+s3], $0x80, v3, vm0, $0xb8;
	[tilespmem:$0x14200] =	vst v63  }
0xcc: {  	v3 =	vld [tilespmem:$0x140];
	_ =	sdelay $0x4  }
0xcd: {  	v58 =	vshll.u32 v3, $0x1  }
0xce: {  	v3 =	vand.u32 $0x7, v3;
	v4 =	vand.u32 $0xFFFFFFF0, v58  }
0xcf: {  	v3 =	vor.u32 v3, v4  }
0xd0: {  	v4 =	vperm.xlane v3, v0;
	_ =	sdelay $0x1  }
0xd1: {  	v3 =	vperm.xlane v3, v2;
	v4 =	vadd.s32 v1, v4;
	_ =	sdelay $0x1  }
0xd2: {  	v3 =	vadd.s32 v1, v3;
	_ =	sdelay $0x2  }
0xd3: {  	[tilespmem:s20], [sflag:$0x1] =	stream.indirect_vreg.gather [hbm4b:s2+s3], $0x80, v4, vm0, $0xb8;
	[tilespmem:$0x14200] =	vst v63  }
0xd4: {  	_ = 	snop  }
0xd5: {  	[tilespmem:s21], [sflag:$0x1] =	stream.indirect_vreg.gather [hbm4b:s2+s3], $0x80, v3, vm0, $0xb8;
	[tilespmem:$0x14200] =	vst v63  }
0xd6: {  	_ =	swait.ge [sflag:s8], $0x5000  }
0xd7: {  	[sflag:s8] =	ssyncset.done $0x0  }
0xd8: {  	[sflag:s8] =	ssyncadd.s32 $0xFFFFB000  }
0xd9: {  	v3 =	vld [tilespmem:$0x180];
	_ =	sdelay $0x4  }
0xda: {  	v59 =	vshll.u32 v3, $0x1  }
0xdb: {  	v3 =	vand.u32 $0x7, v3;
	v4 =	vand.u32 $0xFFFFFFF0, v59  }
0xdc: {  	v3 =	vor.u32 v3, v4  }
0xdd: {  	v4 =	vperm.xlane v3, v0;
	_ =	sdelay $0x1  }
0xde: {  	v3 =	vperm.xlane v3, v2;
	v4 =	vadd.s32 v1, v4;
	_ =	sdelay $0x1  }
0xdf: {  	v3 =	vadd.s32 v1, v3;
	_ =	sdelay $0x2  }
0xe0: {  	[tilespmem:s22], [sflag:$0x1] =	stream.indirect_vreg.gather [hbm4b:s2+s3], $0x80, v4, vm0, $0xb8;
	[tilespmem:$0x14200] =	vst v63  }
0xe1: {  	_ = 	snop  }
0xe2: {  	[tilespmem:s23], [sflag:$0x1] =	stream.indirect_vreg.gather [hbm4b:s2+s3], $0x80, v3, vm0, $0xb8;
	[tilespmem:$0x14200] =	vst v63  }
0xe3: {  	v3 =	vld [tilespmem:$0x190];
	_ =	sdelay $0x4  }
0xe4: {  	v60 =	vshll.u32 v3, $0x1  }
0xe5: {  	v3 =	vand.u32 $0x7, v3;
	v4 =	vand.u32 $0xFFFFFFF0, v60  }
0xe6: {  	v3 =	vor.u32 v3, v4  }
0xe7: {  	v4 =	vperm.xlane v3, v0;
	_ =	sdelay $0x1  }
0xe8: {  	v3 =	vperm.xlane v3, v2;
	v4 =	vadd.s32 v1, v4;
	_ =	sdelay $0x1  }
0xe9: {  	v3 =	vadd.s32 v1, v3;
	_ =	sdelay $0x2  }
0xea: {  	[tilespmem:s24], [sflag:$0x1] =	stream.indirect_vreg.gather [hbm4b:s2+s3], $0x80, v4, vm0, $0xb8;
	[tilespmem:$0x14200] =	vst v63  }
0xeb: {  	_ = 	snop  }
0xec: {  	[tilespmem:s25], [sflag:$0x1] =	stream.indirect_vreg.gather [hbm4b:s2+s3], $0x80, v3, vm0, $0xb8;
	[tilespmem:$0x14200] =	vst v63  }
0xed: {  	v3 =	vld [tilespmem:$0x1A0];
	_ =	sdelay $0x4  }
0xee: {  	v61 =	vshll.u32 v3, $0x1  }
0xef: {  	v3 =	vand.u32 $0x7, v3;
	v4 =	vand.u32 $0xFFFFFFF0, v61  }
0xf0: {  	v3 =	vor.u32 v3, v4  }
0xf1: {  	v4 =	vperm.xlane v3, v0;
	_ =	sdelay $0x1  }
0xf2: {  	v3 =	vperm.xlane v3, v2;
	v4 =	vadd.s32 v1, v4;
	_ =	sdelay $0x1  }
0xf3: {  	v3 =	vadd.s32 v1, v3;
	_ =	sdelay $0x2  }
0xf4: {  	[tilespmem:s26], [sflag:$0x1] =	stream.indirect_vreg.gather [hbm4b:s2+s3], $0x80, v4, vm0, $0xb8;
	[tilespmem:$0x14200] =	vst v63  }
0xf5: {  	_ = 	snop  }
0xf6: {  	[tilespmem:s28], [sflag:$0x1] =	stream.indirect_vreg.gather [hbm4b:s2+s3], $0x80, v3, vm0, $0xb8;
	[tilespmem:$0x14200] =	vst v63  }
0xf7: {  	v3 =	vld [tilespmem:$0x1B0];
	_ =	sdelay $0x4  }
0xf8: {  	v62 =	vshll.u32 v3, $0x1  }
0xf9: {  	v3 =	vand.u32 $0x7, v3;
	v4 =	vand.u32 $0xFFFFFFF0, v62  }
0xfa: {  	v3 =	vor.u32 v3, v4  }
0xfb: {  	v4 =	vperm.xlane v3, v0;
	_ =	sdelay $0x1  }
0xfc: {  	v3 =	vperm.xlane v3, v2;
	v4 =	vadd.s32 v1, v4;
	_ =	sdelay $0x1  }
0xfd: {  	v3 =	vadd.s32 v1, v3;
	_ =	sdelay $0x2  }
0xfe: {  	[tilespmem:s29], [sflag:$0x1] =	stream.indirect_vreg.gather [hbm4b:s2+s3], $0x80, v4, vm0, $0xb8;
	[tilespmem:$0x14200] =	vst v63  }
0xff: {  	_ = 	snop  }
0x100: {  	[tilespmem:s30], [sflag:$0x1] =	stream.indirect_vreg.gather [hbm4b:s2+s3], $0x80, v3, vm0, $0xb8;
	[tilespmem:$0x14200] =	vst v63  }
0x101: {  	v3 =	vld [tilespmem:$0x1C0];
	_ =	sdelay $0x4  }
0x102: {  	v63 =	vshll.u32 v3, $0x1  }
0x103: {  	v3 =	vand.u32 $0x7, v3;
	v4 =	vand.u32 $0xFFFFFFF0, v63  }
0x104: {  	v3 =	vor.u32 v3, v4  }
0x105: {  	v4 =	vperm.xlane v3, v0;
	_ =	sdelay $0x1  }
0x106: {  	v3 =	vperm.xlane v3, v2;
	v4 =	vadd.s32 v1, v4;
	_ =	sdelay $0x1  }
0x107: {  	v3 =	vadd.s32 v1, v3;
	_ =	sdelay $0x2  }
0x108: {  	[tilespmem:s31], [sflag:$0x1] =	stream.indirect_vreg.gather [hbm4b:s2+s3], $0x80, v4, vm0, $0xb8;
	[tilespmem:$0x14200] =	vst v63  }
0x109: {  	_ = 	snop  }
0x10a: {  	[tilespmem:s1], [sflag:$0x1] =	stream.indirect_vreg.gather [hbm4b:s2+s3], $0x80, v3, vm0, $0xb8;
	[tilespmem:$0x14200] =	vst v63  }
0x10b: {  	_ =	swait.ge [sflag:s8], $0x5000  }
0x10c: {  	p0 =	sne.s32 s5, $0x1;
	[sflag:s8] =	ssyncset.done $0x0  }
.Ltmp0:
0x10d: {  	s9 =	rddreg [dreg:$0x7];
	[sflag:s8] =	ssyncadd.s32 $0xFFFFB000;
	(pc) =	sbr.rel @p0 .LBB2_1-.Ltmp0, $4  }
0x10e: {  	[hbm4b:s9+s3] =	stream.linear.scatter [tilespmem:s7], [sflag:$0x2], $0x14000, $0x38;
	[tilespmem:$0x14200] =	vst v63  }
0x10f: {  	_ =	swait.ge [sflag:s6], $0x14000  }
0x110: {  	[sflag:s6] =	ssyncset.done $0x0  }
0x111: {  	s5 =	sadd.s32 $0xFFFFFFFF, s5;
	[sflag:s6] =	ssyncadd.s32 $0xFFFEC000  }
0x112: {  	_ =	sfence.sel $0x180000  }
0x113: {  	[bflag:$0x0] =	sbarrier.arrive $0xFFFF  }
0x114: {  	_ =	strace $0x90000047  }
0x115: {  	s0 =	stileid.u32;
	[bflag:$0x2] =	sbarrier.arrive $0xFFFF  }
0x116: {  	p0 =	sne.s32 s0, $0x0;
	s0 =	rddreg [dreg:$0x3]  }
0x117: {  	s0 =	sadd.s32 @!p0 $0x100000, s0  }
0x118: {  	[sflag:s0] =	ssyncadd.tile.s32 @!p0 $0x1;
	_ =	shalt  }
.Lfunc_end2:
_tile_overlayer_lowered:
.L_overlay_start_2:
0x119: {  	(tag) =	ssettag $0x2  }
0x11a: {  	s0 =	rddreg [dreg:$0x0];
	s2 =	stileid.u32  }
0x11b: {  	s1 =	rddreg [dreg:$0x1];
	p0 =	sne.s32 s2, $0x0  }
0x11c: {  	s3 =	rddreg [dreg:$0x2];
	[bflag:$0x3] =	sbarrier.arrive $0xFFFF;
	s2 =	simm.s32 @!p0 $0x1C02  }
0x11d: {  	[timem:s3], [sflag:s2] =	dma.local @!p0 [hbm:s0], s1  }
0x11e: {  	s0 =	simm.s32 @!p0 $0x2  }
0x11f: {  	_ =	swait.ge @!p0 [sflag:s0], s1  }
0x120: {  	s1 =	ssub.s32 @!p0 $0x0, s1;
	[sflag:s0] =	ssyncset.done @!p0 $0x0  }
0x121: {  	[sflag:s0] =	ssyncadd.s32 @!p0 s1  }
0x122: {  	[bflag:$0x3] =	sbarrier.arrive $0xFFFF  }
0x123: {  	_ =	shalt  }

// kernel: kernel.16.cloned.1.call-start
scs
__scs_entry_jumppad:
0x0: {  	(pc) =	sbr.rel $0x88, $3  }
0x1: {  	(tag) =	ssettag $0x0;
	lr =	simm.s32 $0x1  }
0x2: {  	[smem:$0x3F91] =	sst lr;
	_ =	strace $0xD0000000  }
0x3: {  	_ = 	snop  }
0x4: {  	_ = 	snop  }
0x5: {  	_ = 	snop  }
0x6: {  	_ = 	snop  }
0x7: {  	_ = 	snop  }
__scs_overlays_trampoline_lowered:
0x8: {  	[smem:$0x3FA0] =	sst s0  }
0x9: {  	[smem:$0x3FA1] =	sst s1  }
0xa: {  	[smem:$0x3FA2] =	sst s2  }
0xb: {  	[smem:$0x3FA3] =	sst s3  }
0xc: {  	[smem:$0x3FA4] =	sst s4  }
0xd: {  	[smem:$0x3FA5] =	sst s5  }
0xe: {  	[smem:$0x3FA6] =	sst s6  }
0xf: {  	[smem:$0x3FA7] =	sst s7  }
0x10: {  	[smem:$0x3FA8] =	sst s8  }
0x11: {  	[smem:$0x3FA9] =	sst s9;
	s0 =	simm.s32 @!p0 $0x0  }
0x12: {  	s1 =	sld [smem:$0x3F8F];
	s0 =	simm.s32 @p0 $0x1  }
0x13: {  	[smem:$0x3FAA] =	sst s0;
	s0 =	simm.s32 @!p1 $0x0  }
0x14: {  	s2 =	sld [smem:$0x3F8E];
	s0 =	simm.s32 @p1 $0x1  }
0x15: {  	[smem:$0x3FAB] =	sst s0;
	s0 =	simm.s32 @!p2 $0x0  }
0x16: {  	s3 =	sld [smem:$0x3FDB];
	s0 =	simm.s32 @p2 $0x1  }
0x17: {  	s4 =	simm.s32 $0x1BF5;
	[smem:$0x3FAD] =	sst s0  }
0x18: {  	s0 =	sld [smem:$0x3F90];
	_ =	swait.ge [sflag:s4], $0x0  }
0x19: {  	s7 =	sld [smem:$0x3F91]  }
0x1a: {  	s8 =	sadd.s32 $0xFFFFE003, lr  }
0x1b: {  	s9 =	sadd.s32 $0xFFFFFEF7, lr;
	s5 =	simm.s32 $0xFFFFFFFF;
	p2 =	slt.u32 s8, $0xFFFFF086  }
0x1c: {  	p1 =	slt.u32 s9, $0xF7A;
	s5 =	simm.s32 @!p2 $0x0  }
0x1d: {  	s5 =	simm.s32 @p1 $0x1;
	p0 =	seq.s32 s7, s2  }
0x1e: {  	s7 =	smul.u32 @!p0 $0xF7A, s2;
	p2 =	seq.s32 @!p0 s5, $0x0  }
0x1f: {  	s9 =	smul.u32 $0xF7A, s1;
	s8 =	simm.s32 @!p0 $0x1BF5;
	p2 =	por !p2, p0  }
0x20: {  	[sflag:s8] =	ssyncset.s32 @!p0 $0xFFFFF086;
	s6 =	sadd.s32 @!p0 s3, s7;
	s7 =	simm.s32 @!p0 $0x108  }
0x21: {  	s3 =	sadd.s32 s3, s9;
	s6 =	sadd.s32 @!p0 $0x88, s6;
	s7 =	simm.s32 @p2 $0x1082  }
0x22: {  	[simem:s7], [sflag:s8] =	dma.local @!p0 [hbm:s6], $0xF7A  }
0x23: {  	s9 =	sor.u32 $0xD0000000, s2;
	s6 =	simm.s32 $0x108;
	_ =	swait.ge @!p0 [sflag:s8], $0x0  }
0x24: {  	s3 =	sadd.s32 $0x88, s3;
	s6 =	simm.s32 @!p1 $0x1082;
	[sflag:s4] =	ssyncset.s32 $0xFFFFF086  }
0x25: {  	[simem:s6], [sflag:s4] =	dma.local [hbm:s3], $0xF7A  }
0x26: {  	[smem:$0x3F91] =	sst s1;
	(tag) =	ssettag s2;
	_ =	strace s9  }
0x27: {  	s1 =	sld [smem:$0x3FA1]  }
0x28: {  	s2 =	sld [smem:$0x3FA2]  }
0x29: {  	s4 =	sld [smem:$0x3FA4]  }
0x2a: {  	p0 =	seq.s32 s5, $0x0;
	s5 =	sld [smem:$0x3FA5]  }
0x2b: {  	s6 =	sld [smem:$0x3FA6]  }
0x2c: {  	s7 =	sld [smem:$0x3FA7]  }
0x2d: {  	s3 =	simm.s32 $0x108;
	s8 =	sld [smem:$0x3FA8]  }
0x2e: {  	s3 =	simm.s32 @!p0 $0x1082;
	s9 =	sld [smem:$0x3FA9]  }
0x2f: {  	lr =	sadd.s32 s0, s3;
	s0 =	sld [smem:$0x3FA0]  }
0x30: {  	s3 =	sld [smem:$0x3FA3]  }
0x31: {  	[smem:$0x3FAC] =	sst s10  }
0x32: {  	s10 =	sld [smem:$0x3FAA];
	_ =	sdelay $0x3  }
0x33: {  	p0 =	seq.s32 s10, $0x1;
	s10 =	sld [smem:$0x3FAC];
	_ =	sdelay $0x3  }
0x34: {  	[smem:$0x3FAC] =	sst s10  }
0x35: {  	s10 =	sld [smem:$0x3FAB];
	_ =	sdelay $0x3  }
0x36: {  	p1 =	seq.s32 s10, $0x1;
	s10 =	sld [smem:$0x3FAC];
	_ =	sdelay $0x3  }
0x37: {  	[smem:$0x3FAC] =	sst s10  }
0x38: {  	s10 =	sld [smem:$0x3FAD]  }
0x39: {  	_ = 	snop;
	(pc) =	sbr.ind lr, $3  }
0x3a: {  	_ = 	snop  }
0x3b: {  	_ = 	snop  }
0x3c: {  	p2 =	seq.s32 s10, $0x1;
	s10 =	sld [smem:$0x3FAC]  }
0x3d: {  	_ =	shalt  }
0x3e: {  	_ =	shalt  }
0x3f: {  	_ =	shalt  }
0x40: {  	_ =	shalt  }
0x41: {  	_ =	shalt  }
0x42: {  	_ =	shalt  }
0x43: {  	_ =	shalt  }
0x44: {  	_ =	shalt  }
0x45: {  	_ =	shalt  }
0x46: {  	_ =	shalt  }
0x47: {  	_ =	shalt  }
0x48: {  	_ =	shalt  }
0x49: {  	_ =	shalt  }
0x4a: {  	_ =	shalt  }
0x4b: {  	_ =	shalt  }
0x4c: {  	_ =	shalt  }
0x4d: {  	_ =	shalt  }
0x4e: {  	_ =	shalt  }
0x4f: {  	_ =	shalt  }
0x50: {  	_ =	shalt  }
0x51: {  	_ =	shalt  }
0x52: {  	_ =	shalt  }
0x53: {  	_ =	shalt  }
0x54: {  	_ =	shalt  }
0x55: {  	_ =	shalt  }
0x56: {  	_ =	shalt  }
0x57: {  	_ =	shalt  }
0x58: {  	_ =	shalt  }
0x59: {  	_ =	shalt  }
0x5a: {  	_ =	shalt  }
0x5b: {  	_ =	shalt  }
0x5c: {  	_ =	shalt  }
0x5d: {  	_ =	shalt  }
0x5e: {  	_ =	shalt  }
0x5f: {  	_ =	shalt  }
0x60: {  	_ =	shalt  }
0x61: {  	_ =	shalt  }
0x62: {  	_ =	shalt  }
0x63: {  	_ =	shalt  }
0x64: {  	_ =	shalt  }
0x65: {  	_ =	shalt  }
0x66: {  	_ =	shalt  }
0x67: {  	_ =	shalt  }
0x68: {  	_ =	shalt  }
0x69: {  	_ =	shalt  }
0x6a: {  	_ =	shalt  }
0x6b: {  	_ =	shalt  }
0x6c: {  	_ =	shalt  }
0x6d: {  	_ =	shalt  }
0x6e: {  	_ =	shalt  }
0x6f: {  	_ =	shalt  }
0x70: {  	_ =	shalt  }
0x71: {  	_ =	shalt  }
0x72: {  	_ =	shalt  }
0x73: {  	_ =	shalt  }
0x74: {  	_ =	shalt  }
0x75: {  	_ =	shalt  }
0x76: {  	_ =	shalt  }
0x77: {  	_ =	shalt  }
0x78: {  	_ =	shalt  }
0x79: {  	_ =	shalt  }
0x7a: {  	_ =	shalt  }
0x7b: {  	_ =	shalt  }
0x7c: {  	_ =	shalt  }
0x7d: {  	_ =	shalt  }
0x7e: {  	_ =	shalt  }
0x7f: {  	_ =	shalt  }
0x80: {  	_ =	shalt  }
0x81: {  	_ =	shalt  }
0x82: {  	_ =	shalt  }
0x83: {  	_ =	shalt  }
0x84: {  	_ =	shalt  }
0x85: {  	_ =	shalt  }
0x86: {  	_ =	shalt  }
0x87: {  	_ =	shalt  }
.Lfunc_end0:
.L_simem_size_0:
called_computation.1_lowered:
.L_overlay_start_0:
0x88: {  	s2 =	sld [smem:$0x3FD9]  }
0x89: {  	s3 =	sld [smem:$0x3FFE];
	_ =	sdelay $0x1  }
0x8a: {  	s1 =	srdreg.scid  }
0x8b: {  	s0 =	sand.u32 $0x1, s1  }
0x8c: {  	s14 =	sshll.u32 s0, $0xA;
	s2 =	sadd.s32 s3, s2  }
0x8d: {  	s2 =	sadd.s32 s2, s14  }
0x8e: {  	[smem:$0x3FB8] =	sst s2  }
0x8f: {  	_ = 	snop  }
0x90: {  	s2 =	sld [smem:$0x3FD0];
	_ =	sdelay $0x2  }
0x91: {  	s15 =	simm.s32 $0xB;
	s4 =	simm.s32 $0x10  }
0x92: {  	[smem:s4], [sflag:s15] =	dma.local [hbm:s2], $0x1  }
0x93: {  	_ =	swait.eq [sflag:s15], $0x1  }
0x94: {  	[sflag:s15] =	ssyncset.done $0x0  }
0x95: {  	s16 =	sld [smem:$0x10];
	[sflag:s15] =	ssyncadd.s32 $0xFFFFFFFF  }
0x96: {  	s17 =	sld [smem:$0x12];
	(tm) =	ssettm $0x1  }
0x97: {  	s18 =	sld [smem:$0x3FFB];
	_ =	sdelay $0x3  }
0x98: {  	_ =	strace s18  }
0x99: {  	s4 =	sld [smem:$0x3FFC];
	_ =	sdelay $0x3  }
0x9a: {  	_ =	strace s4  }
0x9b: {  	s4 =	sld [smem:$0x3FFD];
	_ =	sdelay $0x3  }
0x9c: {  	_ =	strace s4  }
0x9d: {  	_ =	strace $0x8FFFFFFF  }
0x9e: {  	s19 =	sld [smem:$0x3FDB];
	_ =	sdelay $0x1  }
0x9f: {  	s5 =	simm.s32 $_scs_section_size  }
0xa0: {  	s6 =	simm.s32 $_size__tile_overlayer_lowered;
	s7 =	simm.s32 $_tile_overlayer_lowered  }
0xa1: {  	s22 =	simm.s32 $0x1BFF;
	s21 =	sshll.u32 s7, $0x1;
	s4 =	sadd.s32 s5, s19  }
0xa2: {  	s8 =	simm.s32 $0x0;
	s20 =	sshll.u32 s6, $0x1;
	s6 =	sadd.s32 s21, s4  }
0xa3: {  	[timem:s8], [sflag:s22] =	dma.local [hbm:s6], s20  }
0xa4: {  	_ =	swait.ge [sflag:s22], s20  }
0xa5: {  	s5 =	ssub.s32 $0x0, s20;
	[sflag:s22] =	ssyncset.done $0x0  }
0xa6: {  	[sflag:s22] =	ssyncadd.s32 s5;
	_ =	sdelay $0x1  }
0xa7: {  	s23 =	simm.s32 $0x1B8B  }
0xa8: {  	_ =	swait.ge [sflag:s23], $0x1  }
0xa9: {  	[sflag:s23] =	ssyncset.done $0x0  }
0xaa: {  	s25 =	simm.s32 $0x1B8E;
	s24 =	sld [smem:$0x3FFE];
	[sflag:s23] =	ssyncadd.s32 $0xFFFFFFFF  }
0xab: {  	s26 =	simm.s32 $execute0_lowered;
	[smem:$0x3FD2] =	sst s25  }
0xac: {  	s6 =	sshll.u32 s26, $0x1;
	_ =	strace $0x80000049;
	[dreg:$0x1] =	wrdreg $0xFFFFFFFF  }
0xad: {  	s28 =	simm.s32 $_size_execute0_lowered;
	s4 =	sadd.s32 s4, s6;
	[dreg:$0x0] =	wrdreg $0x0  }
0xae: {  	s6 =	sshll.u32 s28, $0x1;
	[dreg:$0x2] =	wrdreg s4  }
0xaf: {  	[dreg:$0x3] =	wrdreg s6  }
0xb0: {  	[dreg:$0x4] =	wrdreg $0xC0  }
0xb1: {  	_ =	task [dreg:s8], $0x5FFFF  }
0xb2: {  	[dreg:$0x1] =	wrdreg $0xFFFFFFFF  }
0xb3: {  	[dreg:$0x0] =	wrdreg $0x60  }
0xb4: {  	[dreg:$0x2] =	wrdreg s16  }
0xb5: {  	[dreg:$0x3] =	wrdreg s24  }
0xb6: {  	[dreg:$0x4] =	wrdreg s17  }
0xb7: {  	[dreg:$0x5] =	wrdreg $0x82000  }
0xb8: {  	[dreg:$0x6] =	wrdreg $0x9  }
0xb9: {  	_ =	task.clear_ibuf [dreg:s8], $0x7FFFF;
	_ =	strace $0x90000049  }
0xba: {  	s29 =	simm.s32 $0x9;
	_ =	strace $0x8000004B  }
0xbb: {  	_ =	swait.ge [sflag:s29], $0x1  }
0xbc: {  	[sflag:s29] =	ssyncadd.s32 $0xFFFFFFFF  }
0xbd: {  	_ =	strace $0x9000004B  }
0xbe: {  	_ =	sfence  }
0xbf: {  	s30 =	sld [smem:$0x0];
	_ =	sdelay $0x2  }
0xc0: {  	s31 =	sshll.u32 s1, $0xD;
	s1 =	sshrl.u32 s1, $0x2  }
0xc1: {  	s3 =	sand.u32 $0x4000, s31;
	s1 =	sadd.s32 s1, s30  }
0xc2: {  	s0 =	sor.u32 s3, s0;
	s1 =	sshll.u32 s1, $0x11  }
0xc3: {  	s0 =	sor.u32 s1, s0  }
0xc4: {  	s0 =	sadd.s32 $0x8F2B, s0  }
0xc5: {  	[sflag:s0] =	ssyncadd.remote.s32 $0x1  }
0xc6: {  	_ =	sfence.sel $0xFFFF  }
0xc7: {  	[dreg:$0x0] =	wrdreg $0xFFFFFFFF;
	(pc) =	sbr.abs _section_cstart, $3  }
0xc8: {  	[dreg:$0x1] =	wrdreg $0xFFFFFFFF  }
0xc9: {  	_ =	task.clear_ibuf [dreg:s8], $0x2FFFF;
	_ =	strace $0x9FFFFFFF  }
0xca: {  	(tm) =	ssettm $0x7FFFFFFF  }
0xcb: {  	_ =	shalt  }
tec
execute0_lowered:
.L_overlay_start_1:
0x0: {  	(tag) =	ssettag $0x1  }
0x1: {  	s1 =	rddreg [dreg:$0x0]  }
0x2: {  	s8 =	rddreg [dreg:$0x1]  }
0x3: {  	s11 =	rddreg [dreg:$0x2]  }
0x4: {  	s2 =	rddreg [dreg:$0x3]  }
0x5: {  	s0 =	rddreg [dreg:$0x4]  }
0x6: {  	s3 =	simm.s32 $0x0;
	s7 =	srdreg.scid;
	s4 =	stileid.u32  }
0x7: {  	s17 =	simm.s32 $0x1;
	s18 =	simm.s32 $0x4200;
	[smem:$0x7FF] =	sst s3  }
0x8: {  	s5 =	sadd.s32 $0xDC00, s8;
	s6 =	sadd.s32 $0x8C00, s8;
	s9 =	sand.u32 $0x1, s7  }
0x9: {  	s10 =	smul.u32 $0x50000, s4;
	s7 =	sadd.s32 $0x3C00, s8;
	s15 =	sshll.u32 s4, $0x1  }
0xa: {  	s16 =	smul.u32 $0x14000, s4;
	s8 =	sadd.s32 $0x12C00, s8;
	s30 =	sshll.u32 s4, $0x6  }
0xb: {  	_ =	strace $0x8000004A;
	s12 =	ssub.s32 $0x2, s9;
	s13 =	smul.u32 $0x140000, s9  }
0xc: {  	s28 =	sor.u32 s9, s15;
	s9 =	sor.u32 $0x1C02, s30;
	s15 =	simm.s32 $0x80  }
0xd: {  	s14 =	sshrl.u32 s12, $0x1;
	s29 =	sshrl.u32 s10, $0x2;
	s10 =	smul.u32 $0x28, s28  }
0xe: {  	s12 =	ssub.s32 s12, s14;
	s13 =	sadd.s32 s16, s13;
	s31 =	sadd.s32 s29, s2  }
0xf: {  	s14 =	simm.s32 $0x2;
	s16 =	simm.s32 $0x200;
	s13 =	sshrl.u32 s13, $0x3  }
0x10: {  	s12 =	smax.u32 s12, $0x1;
	s11 =	sadd.s32 s11, s13;
	s13 =	sshrl.u32 s31, $0x3  }
.LBB2_1:
0x11: {  	[spmem:s13], [sflag:s9] =	dma.local [hbm:s8], $0x2800  }
0x12: {  	_ =	swait.ge [sflag:s14], $0x2800  }
0x13: {  	[sflag:s14] =	ssyncset.done $0x0  }
0x14: {  	[sflag:s14] =	ssyncadd.s32 $0xFFFFD800  }
0x15: {  	s19 =	simm.s32 $0x0;
	[bflag:$0x0] =	sbarrier.arrive $0xFFFF  }
.LBB2_2:
0x16: {  	s20 =	sadd.s32 s10, s19  }
0x17: {  	s20 =	sshll.u32 s20, $0x4  }
0x18: {  	s22 =	simm.s32 $0x0;
	s21 =	sadd.s32 s5, s20  }
0x19: {  	[tilespmem:s22], [sflag:$0x2] =	stream.linear.gather [hbm4b:s21+s22], $0x80, $0x38;
	[tilespmem:$0x1C200] =	vst v63  }
0x1a: {  	_ =	swait.ge [sflag:s14], $0x80  }
0x1b: {  	[sflag:s14] =	ssyncset.done $0x0  }
0x1c: {  	s31 =	sadd.s32 s6, s20;
	[sflag:s14] =	ssyncadd.s32 $0xFFFFFF80  }
0x1d: {  	[tilespmem:s15], [sflag:$0x2] =	stream.linear.gather [hbm4b:s31+s22], $0x80, $0x38;
	[tilespmem:$0x1C200] =	vst v63  }
0x1e: {  	_ =	swait.ge [sflag:s14], $0x80  }
0x1f: {  	[sflag:s14] =	ssyncset.done $0x0  }
0x20: {  	s20 =	sadd.s32 s7, s20;
	s21 =	simm.s32 $0x100;
	[sflag:s14] =	ssyncadd.s32 $0xFFFFFF80  }
0x21: {  	[tilespmem:s21], [sflag:$0x2] =	stream.linear.gather [hbm4b:s20+s22], $0x80, $0x38;
	[tilespmem:$0x1C200] =	vst v63  }
0x22: {  	_ =	swait.ge [sflag:s14], $0x80  }
0x23: {  	[sflag:s14] =	ssyncset.done $0x0  }
0x24: {  	[sflag:s14] =	ssyncadd.s32 $0xFFFFFF80  }
0x25: {  	[tilespmem:s16], [sflag:$0x1] =	stream.indirect.gather [hbm4b:s1+s15], $0x80, s22, s15, $0xb8;
	[tilespmem:$0x1C200] =	vst v63  }
0x26: {  	_ =	swait.ge [sflag:s17], $0x4000  }
0x27: {  	[sflag:s17] =	ssyncset.done $0x0  }
0x28: {  	s20 =	simm.s32 $0x0;
	[sflag:s17] =	ssyncadd.s32 $0xFFFFC000  }
0x29: {  	v1 =	vld [tilespmem:s20+$0x200]  }
0x2a: {  	v2 =	vld [tilespmem:s20+$0x210]  }
0x2b: {  	v3 =	vld [tilespmem:s20+$0x220]  }
0x2c: {  	v4 =	vld [tilespmem:s20+$0x230]  }
0x2d: {  	s22 =	simm.s32 $0x200;
	v0 =	vld.msk [tilespmem:s21+$0x0 ss:$0x0], $0xffff  }
.LBB2_3:
0x2e: {  	p0 =	sne.s32 s22, $0xFE00;
	v5 =	vld [tilespmem:s20+$0x240]  }
0x2f: {  	v6 =	vld [tilespmem:s20+$0x250]  }
0x30: {  	v7 =	vld [tilespmem:s20+$0x260]  }
0x31: {  	v8 =	vld [tilespmem:s20+$0x270];
	_ =	sdelay $0x1  }
0x32: {  	v1 =	vmul.f32 v0, v1;
	v2 =	vmul.f32 v2, v0  }
0x33: {  	v3 =	vmul.f32 v3, v0;
	v4 =	vmul.f32 v4, v0  }
0x34: {  	v5 =	vmul.f32 v5, v0;
	v6 =	vmul.f32 v6, v0;
	[tilespmem:s20+$0x4200] =	vst v1  }
0x35: {  	v7 =	vmul.f32 v7, v0;
	[tilespmem:s20+$0x4210] =	vst v2;
	v0 =	vmul.f32 v8, v0  }
0x36: {  	[tilespmem:s20+$0x4220] =	vst v3  }
0x37: {  	s23 =	sshra.s32 s22, $0x2;
	[tilespmem:s20+$0x4230] =	vst v4  }
.Ltmp0:
0x38: {  	v1 =	vld [tilespmem:s23+$0x200];
	[tilespmem:s20+$0x4240] =	vst v5;
	(pc) =	sbr.rel @p0 .LBB2_3-.Ltmp0, $4  }
0x39: {  	v2 =	vld [tilespmem:s23+$0x210];
	[tilespmem:s20+$0x4250] =	vst v6  }
0x3a: {  	v3 =	vld [tilespmem:s23+$0x220];
	[tilespmem:s20+$0x4260] =	vst v7  }
0x3b: {  	s21 =	sadd.s32 $0x1, s21;
	v4 =	vld [tilespmem:s23+$0x230];
	[tilespmem:s20+$0x4270] =	vst v0;
	s20 =	smov.u32 s23  }
0x3c: {  	s22 =	sadd.s32 $0x200, s22;
	v0 =	vld.msk [tilespmem:s21+$0x0 ss:$0x0], $0xffff  }
0x3d: {  	_ =	sdelay $0x2  }
0x3e: {  	v5 =	vld [tilespmem:s20+$0x240]  }
0x3f: {  	v6 =	vld [tilespmem:s20+$0x250];
	v1 =	vmul.f32 v0, v1  }
0x40: {  	v7 =	vld [tilespmem:s20+$0x260];
	v2 =	vmul.f32 v2, v0  }
0x41: {  	v8 =	vld [tilespmem:s20+$0x270];
	v3 =	vmul.f32 v3, v0;
	[tilespmem:s20+$0x4200] =	vst v1  }
0x42: {  	v59 =	vmul.f32 v4, v0;
	[tilespmem:s20+$0x4210] =	vst v2  }
0x43: {  	v60 =	vmul.f32 v5, v0;
	[tilespmem:s20+$0x4220] =	vst v3  }
0x44: {  	v61 =	vmul.f32 v6, v0;
	[tilespmem:s20+$0x4230] =	vst v59  }
0x45: {  	v62 =	vmul.f32 v7, v0;
	[tilespmem:s20+$0x4240] =	vst v60  }
0x46: {  	s19 =	sadd.s32 $0x1, s19;
	v63 =	vmul.f32 v8, v0;
	[tilespmem:s20+$0x4250] =	vst v61  }
0x47: {  	p0 =	sne.s32 s19, $0x28;
	[tilespmem:s20+$0x4260] =	vst v62  }
.Ltmp1:
0x48: {  	[tilespmem:s20+$0x4270] =	vst v63;
	(pc) =	sbr.rel @p0 .LBB2_2-.Ltmp1, $4  }
0x49: {  	[spmem:s2] =	stream.indirect.scatter.add.f32 [tilespmem:s18], [sflag:$0x2], $0x80, s15, s15, $0xb8;
	[tilespmem:$0x1C200] =	vst v63  }
0x4a: {  	_ =	swait.ge [sflag:s14], $0x4000  }
0x4b: {  	[sflag:s14] =	ssyncset.done $0x0  }
0x4c: {  	[sflag:s14] =	ssyncadd.s32 $0xFFFFC000  }
0x4d: {  	s3 =	sadd.s32 $0x1, s3  }
0x4e: {  	p0 =	sne.s32 s3, s12  }
.Ltmp2:
0x4f: {  	[bflag:$0x0] =	sbarrier.arrive $0xFFFF;
	(pc) =	sbr.rel @p0 .LBB2_1-.Ltmp2, $4  }
0x50: {  	[hbm:s11], [sflag:s9] =	dma.local [spmem:s13], $0x2800  }
0x51: {  	_ =	swait.ge [sflag:s14], $0x2800  }
0x52: {  	[sflag:s14] =	ssyncset.done $0x0  }
0x53: {  	[sflag:s14] =	ssyncadd.s32 $0xFFFFD800  }
0x54: {  	_ =	sfence.sel $0x180000  }
0x55: {  	[bflag:$0x0] =	sbarrier.arrive $0xFFFF  }
0x56: {  	p0 =	sne.s32 s4, $0x0;
	_ =	strace $0x9000004A  }
0x57: {  	s0 =	sadd.s32 @!p0 $0x100000, s0;
	[bflag:$0x2] =	sbarrier.arrive $0xFFFF  }
0x58: {  	[sflag:s0] =	ssyncadd.tile.s32 @!p0 $0x1;
	_ =	shalt  }
.Lfunc_end2:
_tile_overlayer_lowered:
.L_overlay_start_2:
0x59: {  	(tag) =	ssettag $0x2  }
0x5a: {  	s0 =	rddreg [dreg:$0x0];
	s2 =	stileid.u32  }
0x5b: {  	s1 =	rddreg [dreg:$0x1];
	p0 =	sne.s32 s2, $0x0  }
0x5c: {  	s3 =	rddreg [dreg:$0x2];
	[bflag:$0x3] =	sbarrier.arrive $0xFFFF;
	s2 =	simm.s32 @!p0 $0x1C02  }
0x5d: {  	[timem:s3], [sflag:s2] =	dma.local @!p0 [hbm:s0], s1  }
0x5e: {  	s0 =	simm.s32 @!p0 $0x2  }
0x5f: {  	_ =	swait.ge @!p0 [sflag:s0], s1  }
0x60: {  	s1 =	ssub.s32 @!p0 $0x0, s1;
	[sflag:s0] =	ssyncset.done @!p0 $0x0  }
0x61: {  	[sflag:s0] =	ssyncadd.s32 @!p0 s1  }
0x62: {  	[bflag:$0x3] =	sbarrier.arrive $0xFFFF  }
0x63: {  	_ =	shalt  }

// kernel: kernel.19.cloned.1.call-start
scs
__scs_entry_jumppad:
0x0: {  	(pc) =	sbr.rel $0x88, $3  }
0x1: {  	(tag) =	ssettag $0x0;
	lr =	simm.s32 $0x1  }
0x2: {  	[smem:$0x3F91] =	sst lr;
	_ =	strace $0xD0000000  }
0x3: {  	_ = 	snop  }
0x4: {  	_ = 	snop  }
0x5: {  	_ = 	snop  }
0x6: {  	_ = 	snop  }
0x7: {  	_ = 	snop  }
__scs_overlays_trampoline_lowered:
0x8: {  	[smem:$0x3FA0] =	sst s0  }
0x9: {  	[smem:$0x3FA1] =	sst s1  }
0xa: {  	[smem:$0x3FA2] =	sst s2  }
0xb: {  	[smem:$0x3FA3] =	sst s3  }
0xc: {  	[smem:$0x3FA4] =	sst s4  }
0xd: {  	[smem:$0x3FA5] =	sst s5  }
0xe: {  	[smem:$0x3FA6] =	sst s6  }
0xf: {  	[smem:$0x3FA7] =	sst s7  }
0x10: {  	[smem:$0x3FA8] =	sst s8  }
0x11: {  	[smem:$0x3FA9] =	sst s9;
	s0 =	simm.s32 @!p0 $0x0  }
0x12: {  	s1 =	sld [smem:$0x3F8F];
	s0 =	simm.s32 @p0 $0x1  }
0x13: {  	[smem:$0x3FAA] =	sst s0;
	s0 =	simm.s32 @!p1 $0x0  }
0x14: {  	s2 =	sld [smem:$0x3F8E];
	s0 =	simm.s32 @p1 $0x1  }
0x15: {  	[smem:$0x3FAB] =	sst s0;
	s0 =	simm.s32 @!p2 $0x0  }
0x16: {  	s3 =	sld [smem:$0x3FDB];
	s0 =	simm.s32 @p2 $0x1  }
0x17: {  	s4 =	simm.s32 $0x1BF5;
	[smem:$0x3FAD] =	sst s0  }
0x18: {  	s0 =	sld [smem:$0x3F90];
	_ =	swait.ge [sflag:s4], $0x0  }
0x19: {  	s7 =	sld [smem:$0x3F91]  }
0x1a: {  	s8 =	sadd.s32 $0xFFFFE003, lr  }
0x1b: {  	s9 =	sadd.s32 $0xFFFFFEF7, lr;
	s5 =	simm.s32 $0xFFFFFFFF;
	p2 =	slt.u32 s8, $0xFFFFF086  }
0x1c: {  	p1 =	slt.u32 s9, $0xF7A;
	s5 =	simm.s32 @!p2 $0x0  }
0x1d: {  	s5 =	simm.s32 @p1 $0x1;
	p0 =	seq.s32 s7, s2  }
0x1e: {  	s7 =	smul.u32 @!p0 $0xF7A, s2;
	p2 =	seq.s32 @!p0 s5, $0x0  }
0x1f: {  	s9 =	smul.u32 $0xF7A, s1;
	s8 =	simm.s32 @!p0 $0x1BF5;
	p2 =	por !p2, p0  }
0x20: {  	[sflag:s8] =	ssyncset.s32 @!p0 $0xFFFFF086;
	s6 =	sadd.s32 @!p0 s3, s7;
	s7 =	simm.s32 @!p0 $0x108  }
0x21: {  	s3 =	sadd.s32 s3, s9;
	s6 =	sadd.s32 @!p0 $0x88, s6;
	s7 =	simm.s32 @p2 $0x1082  }
0x22: {  	[simem:s7], [sflag:s8] =	dma.local @!p0 [hbm:s6], $0xF7A  }
0x23: {  	s9 =	sor.u32 $0xD0000000, s2;
	s6 =	simm.s32 $0x108;
	_ =	swait.ge @!p0 [sflag:s8], $0x0  }
0x24: {  	s3 =	sadd.s32 $0x88, s3;
	s6 =	simm.s32 @!p1 $0x1082;
	[sflag:s4] =	ssyncset.s32 $0xFFFFF086  }
0x25: {  	[simem:s6], [sflag:s4] =	dma.local [hbm:s3], $0xF7A  }
0x26: {  	[smem:$0x3F91] =	sst s1;
	(tag) =	ssettag s2;
	_ =	strace s9  }
0x27: {  	s1 =	sld [smem:$0x3FA1]  }
0x28: {  	s2 =	sld [smem:$0x3FA2]  }
0x29: {  	s4 =	sld [smem:$0x3FA4]  }
0x2a: {  	p0 =	seq.s32 s5, $0x0;
	s5 =	sld [smem:$0x3FA5]  }
0x2b: {  	s6 =	sld [smem:$0x3FA6]  }
0x2c: {  	s7 =	sld [smem:$0x3FA7]  }
0x2d: {  	s3 =	simm.s32 $0x108;
	s8 =	sld [smem:$0x3FA8]  }
0x2e: {  	s3 =	simm.s32 @!p0 $0x1082;
	s9 =	sld [smem:$0x3FA9]  }
0x2f: {  	lr =	sadd.s32 s0, s3;
	s0 =	sld [smem:$0x3FA0]  }
0x30: {  	s3 =	sld [smem:$0x3FA3]  }
0x31: {  	[smem:$0x3FAC] =	sst s10  }
0x32: {  	s10 =	sld [smem:$0x3FAA];
	_ =	sdelay $0x3  }
0x33: {  	p0 =	seq.s32 s10, $0x1;
	s10 =	sld [smem:$0x3FAC];
	_ =	sdelay $0x3  }
0x34: {  	[smem:$0x3FAC] =	sst s10  }
0x35: {  	s10 =	sld [smem:$0x3FAB];
	_ =	sdelay $0x3  }
0x36: {  	p1 =	seq.s32 s10, $0x1;
	s10 =	sld [smem:$0x3FAC];
	_ =	sdelay $0x3  }
0x37: {  	[smem:$0x3FAC] =	sst s10  }
0x38: {  	s10 =	sld [smem:$0x3FAD]  }
0x39: {  	_ = 	snop;
	(pc) =	sbr.ind lr, $3  }
0x3a: {  	_ = 	snop  }
0x3b: {  	_ = 	snop  }
0x3c: {  	p2 =	seq.s32 s10, $0x1;
	s10 =	sld [smem:$0x3FAC]  }
0x3d: {  	_ =	shalt  }
0x3e: {  	_ =	shalt  }
0x3f: {  	_ =	shalt  }
0x40: {  	_ =	shalt  }
0x41: {  	_ =	shalt  }
0x42: {  	_ =	shalt  }
0x43: {  	_ =	shalt  }
0x44: {  	_ =	shalt  }
0x45: {  	_ =	shalt  }
0x46: {  	_ =	shalt  }
0x47: {  	_ =	shalt  }
0x48: {  	_ =	shalt  }
0x49: {  	_ =	shalt  }
0x4a: {  	_ =	shalt  }
0x4b: {  	_ =	shalt  }
0x4c: {  	_ =	shalt  }
0x4d: {  	_ =	shalt  }
0x4e: {  	_ =	shalt  }
0x4f: {  	_ =	shalt  }
0x50: {  	_ =	shalt  }
0x51: {  	_ =	shalt  }
0x52: {  	_ =	shalt  }
0x53: {  	_ =	shalt  }
0x54: {  	_ =	shalt  }
0x55: {  	_ =	shalt  }
0x56: {  	_ =	shalt  }
0x57: {  	_ =	shalt  }
0x58: {  	_ =	shalt  }
0x59: {  	_ =	shalt  }
0x5a: {  	_ =	shalt  }
0x5b: {  	_ =	shalt  }
0x5c: {  	_ =	shalt  }
0x5d: {  	_ =	shalt  }
0x5e: {  	_ =	shalt  }
0x5f: {  	_ =	shalt  }
0x60: {  	_ =	shalt  }
0x61: {  	_ =	shalt  }
0x62: {  	_ =	shalt  }
0x63: {  	_ =	shalt  }
0x64: {  	_ =	shalt  }
0x65: {  	_ =	shalt  }
0x66: {  	_ =	shalt  }
0x67: {  	_ =	shalt  }
0x68: {  	_ =	shalt  }
0x69: {  	_ =	shalt  }
0x6a: {  	_ =	shalt  }
0x6b: {  	_ =	shalt  }
0x6c: {  	_ =	shalt  }
0x6d: {  	_ =	shalt  }
0x6e: {  	_ =	shalt  }
0x6f: {  	_ =	shalt  }
0x70: {  	_ =	shalt  }
0x71: {  	_ =	shalt  }
0x72: {  	_ =	shalt  }
0x73: {  	_ =	shalt  }
0x74: {  	_ =	shalt  }
0x75: {  	_ =	shalt  }
0x76: {  	_ =	shalt  }
0x77: {  	_ =	shalt  }
0x78: {  	_ =	shalt  }
0x79: {  	_ =	shalt  }
0x7a: {  	_ =	shalt  }
0x7b: {  	_ =	shalt  }
0x7c: {  	_ =	shalt  }
0x7d: {  	_ =	shalt  }
0x7e: {  	_ =	shalt  }
0x7f: {  	_ =	shalt  }
0x80: {  	_ =	shalt  }
0x81: {  	_ =	shalt  }
0x82: {  	_ =	shalt  }
0x83: {  	_ =	shalt  }
0x84: {  	_ =	shalt  }
0x85: {  	_ =	shalt  }
0x86: {  	_ =	shalt  }
0x87: {  	_ =	shalt  }
.Lfunc_end0:
.L_simem_size_0:
called_computation.2_lowered:
.L_overlay_start_0:
0x88: {  	s2 =	sld [smem:$0x3FD9]  }
0x89: {  	s3 =	sld [smem:$0x3FFE];
	_ =	sdelay $0x1  }
0x8a: {  	s1 =	srdreg.scid  }
0x8b: {  	s0 =	sand.u32 $0x1, s1  }
0x8c: {  	s14 =	sshll.u32 s0, $0xA;
	s2 =	sadd.s32 s3, s2  }
0x8d: {  	s2 =	sadd.s32 s2, s14  }
0x8e: {  	[smem:$0x3FB8] =	sst s2  }
0x8f: {  	_ = 	snop  }
0x90: {  	s2 =	sld [smem:$0x3FD0];
	_ =	sdelay $0x2  }
0x91: {  	s15 =	simm.s32 $0xB;
	s4 =	simm.s32 $0x10  }
0x92: {  	[smem:s4], [sflag:s15] =	dma.local [hbm:s2], $0x1  }
0x93: {  	_ =	swait.eq [sflag:s15], $0x1  }
0x94: {  	[sflag:s15] =	ssyncset.done $0x0  }
0x95: {  	[sflag:s15] =	ssyncadd.s32 $0xFFFFFFFF  }
0x96: {  	s16 =	sld [smem:$0x11];
	(tm) =	ssettm $0x1  }
0x97: {  	s17 =	sld [smem:$0x3FFB];
	_ =	sdelay $0x3  }
0x98: {  	_ =	strace s17  }
0x99: {  	s3 =	sld [smem:$0x3FFC];
	_ =	sdelay $0x3  }
0x9a: {  	_ =	strace s3  }
0x9b: {  	s3 =	sld [smem:$0x3FFD];
	_ =	sdelay $0x3  }
0x9c: {  	_ =	strace s3  }
0x9d: {  	_ =	strace $0x8FFFFFFF  }
0x9e: {  	s18 =	sld [smem:$0x3FDB];
	_ =	sdelay $0x1  }
0x9f: {  	s19 =	simm.s32 $_scs_section_size  }
0xa0: {  	s5 =	simm.s32 $_size__tile_overlayer_lowered;
	s6 =	simm.s32 $_tile_overlayer_lowered  }
0xa1: {  	s22 =	simm.s32 $0x1BFF;
	s21 =	sshll.u32 s6, $0x1;
	s3 =	sadd.s32 s19, s18  }
0xa2: {  	s7 =	simm.s32 $0x0;
	s20 =	sshll.u32 s5, $0x1;
	s5 =	sadd.s32 s21, s3  }
0xa3: {  	[timem:s7], [sflag:s22] =	dma.local [hbm:s5], s20  }
0xa4: {  	_ =	swait.ge [sflag:s22], s20  }
0xa5: {  	s4 =	ssub.s32 $0x0, s20;
	[sflag:s22] =	ssyncset.done $0x0  }
0xa6: {  	[sflag:s22] =	ssyncadd.s32 s4;
	_ =	sdelay $0x1  }
0xa7: {  	s23 =	simm.s32 $0x1B8B  }
0xa8: {  	_ =	swait.ge [sflag:s23], $0x1  }
0xa9: {  	[sflag:s23] =	ssyncset.done $0x0  }
0xaa: {  	s25 =	simm.s32 $0x1B8E;
	s24 =	sld [smem:$0x3FFE];
	[sflag:s23] =	ssyncadd.s32 $0xFFFFFFFF  }
0xab: {  	s26 =	simm.s32 $execute0_lowered;
	[smem:$0x3FD2] =	sst s25  }
0xac: {  	s5 =	sshll.u32 s26, $0x1;
	_ =	strace $0x8000004C;
	[dreg:$0x1] =	wrdreg $0xFFFFFFFF  }
0xad: {  	s28 =	simm.s32 $_size_execute0_lowered;
	s3 =	sadd.s32 s3, s5;
	[dreg:$0x0] =	wrdreg $0x0  }
0xae: {  	s5 =	sshll.u32 s28, $0x1;
	[dreg:$0x2] =	wrdreg s3  }
0xaf: {  	[dreg:$0x3] =	wrdreg s5  }
0xb0: {  	[dreg:$0x4] =	wrdreg $0xC0  }
0xb1: {  	_ =	task [dreg:s7], $0x5FFFF  }
0xb2: {  	[dreg:$0x1] =	wrdreg $0xFFFFFFFF  }
0xb3: {  	[dreg:$0x0] =	wrdreg $0x60  }
0xb4: {  	[dreg:$0x2] =	wrdreg s24  }
0xb5: {  	[dreg:$0x3] =	wrdreg s16  }
0xb6: {  	[dreg:$0x4] =	wrdreg $0x1A800  }
0xb7: {  	[dreg:$0x5] =	wrdreg $0x2E800  }
0xb8: {  	[dreg:$0x6] =	wrdreg $0x9  }
0xb9: {  	_ =	task.clear_ibuf [dreg:s7], $0x7FFFF;
	_ =	strace $0x9000004C  }
0xba: {  	s29 =	simm.s32 $0x9;
	_ =	strace $0x8000004E  }
0xbb: {  	_ =	swait.ge [sflag:s29], $0x1  }
0xbc: {  	[sflag:s29] =	ssyncadd.s32 $0xFFFFFFFF  }
0xbd: {  	_ =	strace $0x9000004E  }
0xbe: {  	_ =	sfence  }
0xbf: {  	s30 =	sld [smem:$0x0];
	_ =	sdelay $0x2  }
0xc0: {  	s31 =	sshll.u32 s1, $0xD;
	s1 =	sshrl.u32 s1, $0x2  }
0xc1: {  	s3 =	sand.u32 $0x4000, s31;
	s1 =	sadd.s32 s1, s30  }
0xc2: {  	s0 =	sor.u32 s3, s0;
	s1 =	sshll.u32 s1, $0x11  }
0xc3: {  	s0 =	sor.u32 s1, s0  }
0xc4: {  	s0 =	sadd.s32 $0x8F2B, s0  }
0xc5: {  	[sflag:s0] =	ssyncadd.remote.s32 $0x1  }
0xc6: {  	_ =	sfence.sel $0xFFFF  }
0xc7: {  	[dreg:$0x0] =	wrdreg $0xFFFFFFFF;
	(pc) =	sbr.abs _section_cstart, $3  }
0xc8: {  	[dreg:$0x1] =	wrdreg $0xFFFFFFFF  }
0xc9: {  	_ =	task.clear_ibuf [dreg:s7], $0x2FFFF;
	_ =	strace $0x9FFFFFFF  }
0xca: {  	(tm) =	ssettm $0x7FFFFFFF  }
0xcb: {  	_ =	shalt  }
tec
execute0_lowered:
.L_overlay_start_1:
0x0: {  	(tag) =	ssettag $0x1  }
0x1: {  	s0 =	rddreg [dreg:$0x0]  }
0x2: {  	s1 =	rddreg [dreg:$0x1]  }
0x3: {  	s2 =	rddreg [dreg:$0x2]  }
0x4: {  	s3 =	rddreg [dreg:$0x3]  }
0x5: {  	s4 =	simm.s32 $0x0;
	s21 =	srdreg.scid;
	s11 =	stileid.u32  }
0x6: {  	s29 =	simm.s32 $0x0;
	[smem:$0x7FF] =	sst s4;
	s15 =	sadd.s32 $0x72800, s0  }
0x7: {  	s16 =	sadd.s32 $0x72200, s0;
	s17 =	sadd.s32 $0x71C00, s0;
	s18 =	sadd.s32 $0x71600, s0  }
0x8: {  	s19 =	sadd.s32 $0x71000, s0;
	s20 =	sadd.s32 $0x70A00, s0;
	s5 =	sadd.s32 $0x70400, s0  }
0x9: {  	s4 =	sand.u32 $0x1, s21;
	s22 =	smul.u32 $0x1400, s11;
	s6 =	sadd.s32 $0x6FE00, s0  }
0xa: {  	s14 =	sadd.s32 $0x1A800, s0;
	_ =	strace $0x8000004D;
	[dreg:$0x5] =	wrdreg s15  }
0xb: {  	s8 =	smul.u32 $0x2800, s11;
	s9 =	sadd.s32 $0x6FC00, s0;
	[dreg:$0x6] =	wrdreg s16  }
0xc: {  	s26 =	sadd.s32 $0x7800, s2;
	s28 =	sadd.s32 $0x5000, s2;
	[dreg:$0x7] =	wrdreg s17  }
0xd: {  	s30 =	sadd.s32 $0x2800, s2;
	s31 =	sshll.u32 s11, $0x1;
	[dreg:$0x8] =	wrdreg s18  }
0xe: {  	p0 =	sgt.s32 s11, $0x3;
	p1 =	sgt.s32 s11, $0x1;
	[dreg:$0x9] =	wrdreg s19  }
0xf: {  	p2 =	seq.s32 s11, $0x0;
	p4 =	seq.s32 s11, $0x2;
	[dreg:$0xa] =	wrdreg s20  }
0x10: {  	p6 =	sgt.s32 s11, $0x5;
	p3 =	seq.s32 s11, $0x4;
	[dreg:$0xb] =	wrdreg s5  }
0x11: {  	p5 =	seq.s32 s11, $0x6;
	[dreg:$0xc] =	wrdreg s6;
	s23 =	sshll.u32 s4, $0x7  }
0x12: {  	s15 =	sadd.s32 $0x15400, s0;
	s24 =	ssub.s32 $0x2, s4;
	[dreg:$0xd] =	wrdreg s9  }
0x13: {  	s4 =	sor.u32 s4, s31;
	s13 =	sshrl.u32 s30, $0x3;
	s16 =	sshrl.u32 s28, $0x3  }
0x14: {  	s21 =	sshrl.u32 s26, $0x3;
	s28 =	sadd.s32 $0xF000, s2;
	s30 =	sadd.s32 $0xC800, s2  }
0x15: {  	s31 =	sadd.s32 $0x11800, s2;
	s6 =	simm.s32 $0x280;
	s9 =	simm.s32 $0x1  }
0x16: {  	s5 =	sor.u32 s23, s22;
	s7 =	sshrl.u32 s24, $0x1;
	[dreg:$0xe] =	wrdreg s13  }
0x17: {  	s8 =	sshrl.u32 s8, $0x2;
	s18 =	smul.u32 $0x1500, s4;
	[dreg:$0xf] =	wrdreg s16  }
0x18: {  	[dreg:$0x10] =	wrdreg s21;
	s23 =	sadd.s32 $0xA000, s2;
	s5 =	sshrl.u32 s5, $0x3  }
0x19: {  	s4 =	sshrl.u32 s30, $0x3;
	s25 =	ssub.s32 s24, s7;
	s0 =	sadd.s32 s5, s0  }
0x1a: {  	s17 =	sadd.s32 s8, s3;
	s19 =	sadd.s32 $0x72E00, s0;
	s0 =	simm.s32 @!p2 $0x0  }
0x1b: {  	[dreg:$0x12] =	wrdreg s4;
	s0 =	simm.s32 @p2 $0x1;
	p2 =	seq.s32 s11, $0x1  }
0x1c: {  	s7 =	simm.s32 $0xA80;
	[smem:$0x7F9] =	sst s0;
	s0 =	simm.s32 @!p2 $0x0  }
0x1d: {  	s10 =	sadd.s32 $0x280, s17;
	s0 =	simm.s32 @p2 $0x1;
	p2 =	seq.s32 s11, $0x3  }
0x1e: {  	s12 =	sadd.s32 $0x500, s17;
	[smem:$0x7FA] =	sst s0;
	s0 =	simm.s32 @!p2 $0x0  }
0x1f: {  	s20 =	smax.u32 s25, $0x1;
	s22 =	sadd.s32 $0x780, s17;
	s0 =	simm.s32 @p2 $0x1  }
0x20: {  	s5 =	simm.s32 $0x800;
	[smem:$0x7FB] =	sst s0;
	s0 =	sshrl.u32 s23, $0x3  }
0x21: {  	s24 =	sshrl.u32 s10, $0x3;
	[dreg:$0x11] =	wrdreg s0;
	s0 =	sshrl.u32 s28, $0x3  }
0x22: {  	p2 =	seq.s32 s11, $0x5;
	[dreg:$0x13] =	wrdreg s0;
	s0 =	sshrl.u32 s31, $0x3  }
0x23: {  	s25 =	sshrl.u32 s12, $0x3;
	[dreg:$0x14] =	wrdreg s0;
	s0 =	simm.s32 @!p2 $0x0  }
0x24: {  	s26 =	sshrl.u32 s22, $0x3;
	s0 =	simm.s32 @p2 $0x1;
	p2 =	seq.s32 s11, $0x7  }
0x25: {  	s10 =	simm.s32 $0x400;
	[smem:$0x7FC] =	sst s0;
	s0 =	simm.s32 @!p2 $0x0  }
0x26: {  	s12 =	simm.s32 $0x1680;
	s22 =	simm.s32 $0x0;
	s0 =	simm.s32 @p2 $0x1  }
0x27: {  	s11 =	simm.s32 $0x1280;
	[smem:$0x7FD] =	sst s0;
	s0 =	simm.s32 $0x2  }
.LBB2_1:
.Ltmp0:
0x28: {  	s4 =	simm.s32 $0x0;
	s8 =	rddreg [dreg:$0xd];
	(pc) =	sbr.rel @p0 .LBB2_9-.Ltmp0, $4  }
0x29: {  	[tilespmem:s4], [sflag:$0x2] =	stream.linear.gather [hbm4b:s8+s4], $0x80, $0x38;
	[tilespmem:$0x3880] =	vst v63  }
0x2a: {  	_ =	swait.ge [sflag:s0], $0x80  }
0x2b: {  	[sflag:s0] =	ssyncset.done $0x0  }
0x2c: {  	[sflag:s0] =	ssyncadd.s32 $0xFFFFFF80  }
.Ltmp1:
0x2d: {  	(pc) =	sbr.rel @p1 .LBB2_6-.Ltmp1, $1  }
0x2e: {  	_ =	sdelay $0x3  }
0x2f: {  	s4 =	sld [smem:$0x7F9];
	_ =	sdelay $0x2  }
0x30: {  	p2 =	seq.s32 s4, $0x1  }
.Ltmp2:
0x31: {  	_ = 	snop;
	(pc) =	sbr.rel @p2 .LBB2_16-.Ltmp2, $1  }
0x32: {  	_ =	sdelay $0x3  }
0x33: {  	s4 =	sld [smem:$0x7FA];
	_ =	sdelay $0x2  }
0x34: {  	p2 =	seq.s32 s4, $0x1  }
.Ltmp3:
0x35: {  	_ = 	snop;
	(pc) =	sbr.rel @!p2 .LBB2_21-.Ltmp3, $1  }
0x36: {  	_ =	sdelay $0x3  }
.Ltmp4:
0x37: {  	(pc) =	sbr.rel .LBB2_20-.Ltmp4, $4  }
0x38: {  	_ = 	snop  }
0x39: {  	s4 =	rddreg [dreg:$0x6]  }
0x3a: {  	s8 =	rddreg [dreg:$0xe];
	s13 =	simm.s32 $0x1C42  }
0x3b: {  	[spmem:s8], [sflag:s13] =	dma.local [hbm:s4], $0x500  }
.LBB2_9:
.Ltmp5:
0x3c: {  	(pc) =	sbr.rel @p6 .LBB2_13-.Ltmp5, $1  }
0x3d: {  	_ =	sdelay $0x3  }
.Ltmp6:
0x3e: {  	(pc) =	sbr.rel @p3 .LBB2_18-.Ltmp6, $1  }
0x3f: {  	_ =	sdelay $0x3  }
0x40: {  	s4 =	sld [smem:$0x7FC];
	_ =	sdelay $0x2  }
0x41: {  	p2 =	seq.s32 s4, $0x1  }
.Ltmp7:
0x42: {  	_ = 	snop;
	(pc) =	sbr.rel @!p2 .LBB2_21-.Ltmp7, $1  }
0x43: {  	_ =	sdelay $0x3  }
.Ltmp8:
0x44: {  	(pc) =	sbr.rel .LBB2_20-.Ltmp8, $4  }
0x45: {  	_ = 	snop  }
0x46: {  	s4 =	rddreg [dreg:$0xa]  }
0x47: {  	s8 =	rddreg [dreg:$0x12];
	s13 =	simm.s32 $0x1D42  }
0x48: {  	[spmem:s8], [sflag:s13] =	dma.local [hbm:s4], $0x500  }
.LBB2_6:
.Ltmp9:
0x49: {  	(pc) =	sbr.rel @p4 .LBB2_17-.Ltmp9, $1  }
0x4a: {  	_ =	sdelay $0x3  }
0x4b: {  	s4 =	sld [smem:$0x7FB];
	_ =	sdelay $0x2  }
0x4c: {  	p2 =	seq.s32 s4, $0x1  }
.Ltmp10:
0x4d: {  	_ = 	snop;
	(pc) =	sbr.rel @!p2 .LBB2_21-.Ltmp10, $1  }
0x4e: {  	_ =	sdelay $0x3  }
.Ltmp11:
0x4f: {  	(pc) =	sbr.rel .LBB2_20-.Ltmp11, $4  }
0x50: {  	_ = 	snop  }
0x51: {  	s4 =	rddreg [dreg:$0x8]  }
0x52: {  	s8 =	rddreg [dreg:$0x10];
	s13 =	simm.s32 $0x1CC2  }
0x53: {  	[spmem:s8], [sflag:s13] =	dma.local [hbm:s4], $0x500  }
.LBB2_13:
.Ltmp12:
0x54: {  	(pc) =	sbr.rel @p5 .LBB2_19-.Ltmp12, $1  }
0x55: {  	_ =	sdelay $0x3  }
0x56: {  	s4 =	sld [smem:$0x7FD];
	_ =	sdelay $0x2  }
0x57: {  	p2 =	seq.s32 s4, $0x1  }
.Ltmp13:
0x58: {  	_ = 	snop;
	(pc) =	sbr.rel @!p2 .LBB2_21-.Ltmp13, $1  }
0x59: {  	_ =	sdelay $0x3  }
.Ltmp14:
0x5a: {  	(pc) =	sbr.rel .LBB2_20-.Ltmp14, $4  }
0x5b: {  	_ = 	snop  }
0x5c: {  	s4 =	rddreg [dreg:$0xc]  }
0x5d: {  	s8 =	rddreg [dreg:$0x14];
	s13 =	simm.s32 $0x1DC2  }
0x5e: {  	[spmem:s8], [sflag:s13] =	dma.local [hbm:s4], $0x500  }
.LBB2_16:
.Ltmp15:
0x5f: {  	(pc) =	sbr.rel .LBB2_20-.Ltmp15, $3  }
0x60: {  	_ =	sdelay $0x1  }
0x61: {  	s4 =	sshrl.u32 s2, $0x3;
	s8 =	rddreg [dreg:$0x5];
	s13 =	simm.s32 $0x1C02  }
0x62: {  	[spmem:s4], [sflag:s13] =	dma.local [hbm:s8], $0x500  }
.LBB2_18:
.Ltmp16:
0x63: {  	(pc) =	sbr.rel .LBB2_20-.Ltmp16, $4  }
0x64: {  	_ = 	snop  }
0x65: {  	s4 =	rddreg [dreg:$0x9]  }
0x66: {  	s8 =	rddreg [dreg:$0x11];
	s13 =	simm.s32 $0x1D02  }
0x67: {  	[spmem:s8], [sflag:s13] =	dma.local [hbm:s4], $0x500  }
.LBB2_17:
.Ltmp17:
0x68: {  	(pc) =	sbr.rel .LBB2_20-.Ltmp17, $4  }
0x69: {  	_ = 	snop  }
0x6a: {  	s4 =	rddreg [dreg:$0x7]  }
0x6b: {  	s8 =	rddreg [dreg:$0xf];
	s13 =	simm.s32 $0x1C82  }
0x6c: {  	[spmem:s8], [sflag:s13] =	dma.local [hbm:s4], $0x500  }
.LBB2_19:
0x6d: {  	s4 =	rddreg [dreg:$0xb]  }
0x6e: {  	s8 =	rddreg [dreg:$0x13];
	s13 =	simm.s32 $0x1D82  }
0x6f: {  	[spmem:s8], [sflag:s13] =	dma.local [hbm:s4], $0x500  }
.LBB2_20:
0x70: {  	_ =	swait.ge [sflag:s0], $0x500  }
0x71: {  	[sflag:s0] =	ssyncset.done $0x0  }
0x72: {  	[sflag:s0] =	ssyncadd.s32 $0xFFFFFB00  }
.LBB2_21:
0x73: {  	s4 =	stileid.u32  }
0x74: {  	s4 =	sshll.u32 s4, $0x6  }
0x75: {  	s28 =	sshrl.u32 s17, $0x3;
	s23 =	sor.u32 $0x1C02, s4  }
0x76: {  	[spmem:s28], [sflag:s23] =	dma.local [hbm:s1], $0x50  }
0x77: {  	_ =	swait.ge [sflag:s0], $0x50  }
0x78: {  	[sflag:s0] =	ssyncset.done $0x0  }
0x79: {  	[sflag:s0] =	ssyncadd.s32 $0xFFFFFFB0  }
0x7a: {  	[spmem:s24], [sflag:s23] =	dma.local [hbm:s1], $0x50  }
0x7b: {  	_ =	swait.ge [sflag:s0], $0x50  }
0x7c: {  	[sflag:s0] =	ssyncset.done $0x0  }
0x7d: {  	[sflag:s0] =	ssyncadd.s32 $0xFFFFFFB0  }
0x7e: {  	[spmem:s25], [sflag:s23] =	dma.local [hbm:s1], $0x50  }
0x7f: {  	_ =	swait.ge [sflag:s0], $0x50  }
0x80: {  	[sflag:s0] =	ssyncset.done $0x0  }
0x81: {  	[sflag:s0] =	ssyncadd.s32 $0xFFFFFFB0  }
0x82: {  	[spmem:s26], [sflag:s23] =	dma.local [hbm:s1], $0x50  }
0x83: {  	_ =	swait.ge [sflag:s0], $0x50  }
0x84: {  	[sflag:s0] =	ssyncset.done $0x0  }
0x85: {  	[sflag:s0] =	ssyncadd.s32 $0xFFFFFFB0  }
0x86: {  	s30 =	simm.s32 $0x0;
	[bflag:$0x0] =	sbarrier.arrive $0xFFFF  }
.LBB2_22:
0x87: {  	s4 =	sshll.u32 s30, $0x8  }
0x88: {  	s4 =	sadd.s32 s18, s4  }
0x89: {  	s8 =	sshrl.u32 s4, $0x3  }
0x8a: {  	s4 =	simm.s32 $0x80;
	s13 =	sadd.s32 s14, s8  }
0x8b: {  	[tilespmem:s4], [sflag:$0x2] =	stream.linear.gather [hbm4b:s13+s29], $0x100, $0x38;
	[tilespmem:$0x3880] =	vst v63  }
0x8c: {  	_ =	swait.ge [sflag:s0], $0x100  }
0x8d: {  	[sflag:s0] =	ssyncset.done $0x0  }
0x8e: {  	s21 =	sadd.s32 s15, s8;
	s8 =	simm.s32 $0x180;
	[sflag:s0] =	ssyncadd.s32 $0xFFFFFF00  }
0x8f: {  	[tilespmem:s8], [sflag:$0x2] =	stream.linear.gather [hbm4b:s21+s29], $0x100, $0x38;
	[tilespmem:$0x3880] =	vst v63  }
0x90: {  	_ =	swait.ge [sflag:s0], $0x100  }
0x91: {  	[sflag:s0] =	ssyncset.done $0x0  }
0x92: {  	[sflag:s0] =	ssyncadd.s32 $0xFFFFFF00  }
0x93: {  	v0 =	vld [tilespmem:s4+$0x0]  }
0x94: {  	v1 =	vld [tilespmem:s8+$0x0];
	_ =	sdelay $0x3  }
0x95: {  	s21 =	simm.s32 $0x480  }
0x96: {  	s31 =	sand.u32 $0xF0, s29;
	[tilespmem:s21+$0xFFFFFE00] =	vst v0;
	v2 =	vadd.s32 $0xA000, v1  }
0x97: {  	s13 =	simm.s32 $0x1480;
	[tilespmem:s31+$0x680] =	vst v2  }
0x98: {  	v2 =	vadd.s32 $0x2800, v0;
	[tilespmem:s13+$0xFFFFFE00] =	vst v1  }
0x99: {  	[tilespmem:s21+$0xFFFFFF00] =	vst v2;
	v2 =	vadd.s32 $0xC800, v1  }
0x9a: {  	[tilespmem:s31+$0x780] =	vst v2;
	v2 =	vadd.s32 $0x2800, v1  }
0x9b: {  	[tilespmem:s13+$0xFFFFFF00] =	vst v2;
	v2 =	vadd.s32 $0x5000, v0  }
0x9c: {  	[tilespmem:s21+$0x0] =	vst v2;
	v2 =	vadd.s32 $0xF000, v1  }
0x9d: {  	[tilespmem:s31+$0x880] =	vst v2;
	v2 =	vadd.s32 $0x5000, v1  }
0x9e: {  	v0 =	vadd.s32 $0x7800, v0;
	[tilespmem:s13+$0x0] =	vst v2  }
0x9f: {  	[tilespmem:s21+$0x100] =	vst v0;
	v0 =	vadd.s32 $0x11800, v1  }
0xa0: {  	s21 =	simm.s32 $0x10;
	[tilespmem:s31+$0x980] =	vst v0;
	v0 =	vadd.s32 $0x7800, v1;
	s31 =	simm.s32 $0x490  }
.LBB2_23:
0xa1: {  	[tilespmem:s13+$0x100] =	vst v0;
	s8 =	sadd.s32 $0x10, s8;
	s4 =	sadd.s32 $0x10, s4;
	s13 =	sadd.s32 $0x10, s13  }
0xa2: {  	p2 =	sne.s32 s21, $0xF0;
	s16 =	smov.u32 s21;
	s21 =	sadd.s32 $0x10, s21;
	v0 =	vld [tilespmem:s4+$0x0]  }
0xa3: {  	v1 =	vld [tilespmem:s8+$0x0];
	_ =	sdelay $0x4  }
0xa4: {  	s16 =	sand.u32 $0xF0, s16;
	[tilespmem:s31+$0xFFFFFE00] =	vst v0;
	v2 =	vadd.s32 $0xA000, v1  }
0xa5: {  	[tilespmem:s16+$0x680] =	vst v2  }
0xa6: {  	v2 =	vadd.s32 $0x2800, v0;
	[tilespmem:s13+$0xFFFFFE00] =	vst v1  }
0xa7: {  	[tilespmem:s31+$0xFFFFFF00] =	vst v2;
	v2 =	vadd.s32 $0xC800, v1  }
0xa8: {  	[tilespmem:s16+$0x780] =	vst v2;
	v2 =	vadd.s32 $0x2800, v1  }
0xa9: {  	[tilespmem:s13+$0xFFFFFF00] =	vst v2;
	v2 =	vadd.s32 $0x5000, v0  }
.Ltmp18:
0xaa: {  	[tilespmem:s31+$0x0] =	vst v2;
	v2 =	vadd.s32 $0xF000, v1;
	(pc) =	sbr.rel @p2 .LBB2_23-.Ltmp18, $4  }
0xab: {  	[tilespmem:s16+$0x880] =	vst v2;
	v2 =	vadd.s32 $0x5000, v1  }
0xac: {  	v0 =	vadd.s32 $0x7800, v0;
	[tilespmem:s13+$0x0] =	vst v2  }
0xad: {  	[tilespmem:s31+$0x100] =	vst v0;
	v0 =	vadd.s32 $0x11800, v1  }
0xae: {  	s31 =	sadd.s32 $0x10, s31;
	[tilespmem:s16+$0x980] =	vst v0;
	v0 =	vadd.s32 $0x7800, v1  }
0xaf: {  	[tilespmem:s13+$0x100] =	vst v0  }
0xb0: {  	[tilespmem:s7], [sflag:$0x1] =	stream.indirect.gather [spmem:s2], $0x1, s6, s5, $0xb8;
	[tilespmem:$0x3880] =	vst v63  }
0xb1: {  	_ =	swait.ge [sflag:s9], $0x800  }
0xb2: {  	[sflag:s9] =	ssyncset.done $0x0  }
0xb3: {  	s4 =	simm.s32 $0x0;
	s31 =	simm.s32 $0xC80;
	[sflag:s9] =	ssyncadd.s32 $0xFFFFF800  }
0xb4: {  	s8 =	sand.u32 $0xF0, s4;
	v56 =	vld [tilespmem:s31+$0xFFFFFE00]  }
0xb5: {  	v1 =	vld [tilespmem:s8+$0xE80];
	_ =	sdelay $0x4  }
0xb6: {  	v57 =	vld [tilespmem:$0x0];
	v0 =	vadd.f32 v1, v56;
	_ =	sdelay $0x1  }
0xb7: {  	v2 =	vmul.f32 $2.000000030e-01, v0  }
0xb8: {  	vm0 =	vge.f32 v0, $0.0e+00  }
0xb9: {  	v0 =	vsel vm0, v0, v2  }
0xba: {  	v0 =	vsub.f32 v0, v57;
	_ =	sdelay $0x1  }
0xbb: {  	v0 =	vmul.f32 $1.442695020e+00, v0;
	_ =	sdelay $0x1  }
0xbc: {  	(erf) = vpow2.f32 v0;
	_ =	sdelay $0x8  }
0xbd: {  	s4 =	simm.s32 $0x1880;
	v0 =	vpop (erf)  }
0xbe: {  	[tilespmem:s4+$0xFFFFFE00] =	vst v0  }
0xbf: {  	v0 =	vld [tilespmem:s31+$0xFFFFFF00]  }
0xc0: {  	v58 =	vld [tilespmem:s8+$0xF80];
	_ =	sdelay $0x4  }
0xc1: {  	v59 =	vld [tilespmem:$0x10];
	v0 =	vadd.f32 v58, v0;
	_ =	sdelay $0x1  }
0xc2: {  	v1 =	vmul.f32 $2.000000030e-01, v0  }
0xc3: {  	vm13 =	vge.f32 v0, $0.0e+00  }
0xc4: {  	v0 =	vsel vm13, v0, v1  }
0xc5: {  	v0 =	vsub.f32 v0, v59;
	_ =	sdelay $0x1  }
0xc6: {  	v0 =	vmul.f32 $1.442695020e+00, v0;
	_ =	sdelay $0x1  }
0xc7: {  	(erf) = vpow2.f32 v0;
	_ =	sdelay $0x8  }
0xc8: {  	v0 =	vpop (erf)  }
0xc9: {  	[tilespmem:s4+$0xFFFFFF00] =	vst v0  }
0xca: {  	v0 =	vld [tilespmem:s31+$0x0]  }
0xcb: {  	v60 =	vld [tilespmem:s8+$0x1080];
	_ =	sdelay $0x4  }
0xcc: {  	v61 =	vld [tilespmem:$0x20];
	v0 =	vadd.f32 v60, v0;
	_ =	sdelay $0x1  }
0xcd: {  	v1 =	vmul.f32 $2.000000030e-01, v0  }
0xce: {  	vm14 =	vge.f32 v0, $0.0e+00  }
0xcf: {  	v0 =	vsel vm14, v0, v1  }
0xd0: {  	v0 =	vsub.f32 v0, v61;
	_ =	sdelay $0x1  }
0xd1: {  	v0 =	vmul.f32 $1.442695020e+00, v0;
	_ =	sdelay $0x1  }
0xd2: {  	(erf) = vpow2.f32 v0;
	_ =	sdelay $0x8  }
0xd3: {  	v0 =	vpop (erf)  }
0xd4: {  	[tilespmem:s4+$0x0] =	vst v0  }
0xd5: {  	v0 =	vld [tilespmem:s31+$0x100]  }
0xd6: {  	v62 =	vld [tilespmem:s8+$0x1180];
	_ =	sdelay $0x4  }
0xd7: {  	v63 =	vld [tilespmem:$0x30];
	v0 =	vadd.f32 v62, v0;
	_ =	sdelay $0x1  }
0xd8: {  	v1 =	vmul.f32 $2.000000030e-01, v0  }
0xd9: {  	vm15 =	vge.f32 v0, $0.0e+00  }
0xda: {  	v0 =	vsel vm15, v0, v1  }
0xdb: {  	v0 =	vsub.f32 v0, v63;
	_ =	sdelay $0x1  }
0xdc: {  	v0 =	vmul.f32 $1.442695020e+00, v0;
	_ =	sdelay $0x1  }
0xdd: {  	s13 =	simm.s32 $0x10;
	s21 =	simm.s32 $0x1880;
	(erf) = vpow2.f32 v0  }
.LBB2_25:
0xde: {  	_ =	sdelay $0x5  }
0xdf: {  	p2 =	sne.s32 s13, $0xF0;
	s31 =	sadd.s32 $0x10, s31;
	s4 =	sadd.s32 $0x10, s4  }
0xe0: {  	s8 =	smov.u32 s13;
	s13 =	sadd.s32 $0x10, s13  }
0xe1: {  	v0 =	vpop (erf)  }
0xe2: {  	[tilespmem:s21+$0x100] =	vst v0;
	s21 =	smov.u32 s4  }
0xe3: {  	s8 =	sand.u32 $0xF0, s8;
	v0 =	vld [tilespmem:s31+$0xFFFFFE00]  }
0xe4: {  	v1 =	vld [tilespmem:s8+$0xE80];
	_ =	sdelay $0x4  }
0xe5: {  	v0 =	vadd.f32 v1, v0;
	v1 =	vld [tilespmem:$0x0];
	_ =	sdelay $0x1  }
0xe6: {  	v2 =	vmul.f32 $2.000000030e-01, v0  }
0xe7: {  	vm0 =	vge.f32 v0, $0.0e+00  }
0xe8: {  	v0 =	vsel vm0, v0, v2  }
0xe9: {  	v0 =	vsub.f32 v0, v1;
	_ =	sdelay $0x1  }
0xea: {  	v0 =	vmul.f32 $1.442695020e+00, v0;
	_ =	sdelay $0x1  }
0xeb: {  	(erf) = vpow2.f32 v0;
	_ =	sdelay $0x8  }
0xec: {  	v0 =	vpop (erf)  }
0xed: {  	[tilespmem:s4+$0xFFFFFE00] =	vst v0  }
0xee: {  	v0 =	vld [tilespmem:s31+$0xFFFFFF00]  }
0xef: {  	v1 =	vld [tilespmem:s8+$0xF80];
	_ =	sdelay $0x3  }
0xf0: {  	v2 =	vld [tilespmem:$0x10]  }
0xf1: {  	v0 =	vadd.f32 v1, v0;
	_ =	sdelay $0x1  }
0xf2: {  	vm0 =	vge.f32 v0, $0.0e+00;
	v1 =	vmul.f32 $2.000000030e-01, v0;
	_ =	sdelay $0x1  }
0xf3: {  	v0 =	vsel vm0, v0, v1  }
0xf4: {  	v0 =	vsub.f32 v0, v2;
	_ =	sdelay $0x1  }
0xf5: {  	v0 =	vmul.f32 $1.442695020e+00, v0;
	_ =	sdelay $0x1  }
0xf6: {  	(erf) = vpow2.f32 v0;
	_ =	sdelay $0x8  }
0xf7: {  	v0 =	vpop (erf)  }
0xf8: {  	[tilespmem:s4+$0xFFFFFF00] =	vst v0  }
0xf9: {  	v0 =	vld [tilespmem:s31+$0x0]  }
0xfa: {  	v1 =	vld [tilespmem:s8+$0x1080];
	_ =	sdelay $0x2  }
0xfb: {  	v2 =	vld [tilespmem:$0x20];
	_ =	sdelay $0x1  }
0xfc: {  	v0 =	vadd.f32 v1, v0;
	_ =	sdelay $0x1  }
0xfd: {  	vm0 =	vge.f32 v0, $0.0e+00;
	v1 =	vmul.f32 $2.000000030e-01, v0;
	_ =	sdelay $0x1  }
0xfe: {  	v0 =	vsel vm0, v0, v1  }
0xff: {  	v0 =	vsub.f32 v0, v2;
	_ =	sdelay $0x1  }
0x100: {  	v0 =	vmul.f32 $1.442695020e+00, v0;
	_ =	sdelay $0x1  }
0x101: {  	(erf) = vpow2.f32 v0;
	_ =	sdelay $0x8  }
0x102: {  	v0 =	vpop (erf)  }
0x103: {  	[tilespmem:s4+$0x0] =	vst v0  }
0x104: {  	v0 =	vld [tilespmem:s31+$0x100]  }
0x105: {  	v1 =	vld [tilespmem:s8+$0x1180]  }
0x106: {  	v2 =	vld [tilespmem:$0x30];
	_ =	sdelay $0x3  }
0x107: {  	v0 =	vadd.f32 v1, v0;
	_ =	sdelay $0x1  }
0x108: {  	vm0 =	vge.f32 v0, $0.0e+00;
	v1 =	vmul.f32 $2.000000030e-01, v0;
	_ =	sdelay $0x1  }
0x109: {  	v0 =	vsel vm0, v0, v1  }
.Ltmp19:
0x10a: {  	v0 =	vsub.f32 v0, v2;
	(pc) =	sbr.rel @p2 .LBB2_25-.Ltmp19, $3  }
0x10b: {  	_ = 	snop  }
0x10c: {  	v0 =	vmul.f32 $1.442695020e+00, v0;
	_ =	sdelay $0x1  }
0x10d: {  	(erf) = vpow2.f32 v0  }
0x10e: {  	_ =	sdelay $0x6  }
0x10f: {  	s30 =	sadd.s32 $0x1, s30  }
0x110: {  	p2 =	sne.s32 s30, $0x15;
	v0 =	vpop (erf)  }
.Ltmp20:
0x111: {  	[tilespmem:s21+$0x100] =	vst v0;
	(pc) =	sbr.rel @p2 .LBB2_22-.Ltmp20, $4  }
0x112: {  	[spmem:s3] =	stream.indirect.scatter.add.f32 [tilespmem:s12], [sflag:$0x1], $0x1, s11, s10, $0xb8;
	[tilespmem:$0x3880] =	vst v63  }
0x113: {  	_ =	swait.ge [sflag:s9], $0x400  }
0x114: {  	[sflag:s9] =	ssyncset.done $0x0  }
0x115: {  	[sflag:s9] =	ssyncadd.s32 $0xFFFFFC00  }
0x116: {  	s22 =	sadd.s32 $0x1, s22  }
0x117: {  	[bflag:$0x0] =	sbarrier.arrive $0xFFFF;
	p2 =	sne.s32 s22, s20  }
.Ltmp21:
0x118: {  	s4 =	simm.s32 $0x20;
	s8 =	simm.s32 $0x10;
	(pc) =	sbr.rel @p2 .LBB2_1-.Ltmp21, $4  }
0x119: {  	[hbm:s19@s4], [sflag:s23] =	dma.strided [spmem:s28@s8], $0x140, s9, $0x10   }
0x11a: {  	_ =	swait.ge [sflag:s0], $0x140  }
0x11b: {  	[sflag:s0] =	ssyncset.done $0x0  }
0x11c: {  	[sflag:s0] =	ssyncadd.s32 $0xFFFFFEC0  }
0x11d: {  	_ =	sfence.sel $0x180000  }
0x11e: {  	[bflag:$0x0] =	sbarrier.arrive $0xFFFF  }
0x11f: {  	_ =	strace $0x9000004D  }
0x120: {  	s0 =	stileid.u32;
	[bflag:$0x2] =	sbarrier.arrive $0xFFFF  }
0x121: {  	p0 =	sne.s32 s0, $0x0;
	s0 =	rddreg [dreg:$0x4]  }
0x122: {  	s0 =	sadd.s32 @!p0 $0x100000, s0  }
0x123: {  	[sflag:s0] =	ssyncadd.tile.s32 @!p0 $0x1;
	_ =	shalt  }
.Lfunc_end2:
_tile_overlayer_lowered:
.L_overlay_start_2:
0x124: {  	(tag) =	ssettag $0x2  }
0x125: {  	s0 =	rddreg [dreg:$0x0];
	s2 =	stileid.u32  }
0x126: {  	s1 =	rddreg [dreg:$0x1];
	p0 =	sne.s32 s2, $0x0  }
0x127: {  	s3 =	rddreg [dreg:$0x2];
	[bflag:$0x3] =	sbarrier.arrive $0xFFFF;
	s2 =	simm.s32 @!p0 $0x1C02  }
0x128: {  	[timem:s3], [sflag:s2] =	dma.local @!p0 [hbm:s0], s1  }
0x129: {  	s0 =	simm.s32 @!p0 $0x2  }
0x12a: {  	_ =	swait.ge @!p0 [sflag:s0], s1  }
0x12b: {  	s1 =	ssub.s32 @!p0 $0x0, s1;
	[sflag:s0] =	ssyncset.done @!p0 $0x0  }
0x12c: {  	[sflag:s0] =	ssyncadd.s32 @!p0 s1  }
0x12d: {  	[bflag:$0x3] =	sbarrier.arrive $0xFFFF  }
0x12e: {  	_ =	shalt  }

// kernel: kernel.22.cloned.1.call-start
scs
__scs_entry_jumppad:
0x0: {  	(pc) =	sbr.rel $0x88, $3  }
0x1: {  	(tag) =	ssettag $0x0;
	lr =	simm.s32 $0x1  }
0x2: {  	[smem:$0x3F91] =	sst lr;
	_ =	strace $0xD0000000  }
0x3: {  	_ = 	snop  }
0x4: {  	_ = 	snop  }
0x5: {  	_ = 	snop  }
0x6: {  	_ = 	snop  }
0x7: {  	_ = 	snop  }
__scs_overlays_trampoline_lowered:
0x8: {  	[smem:$0x3FA0] =	sst s0  }
0x9: {  	[smem:$0x3FA1] =	sst s1  }
0xa: {  	[smem:$0x3FA2] =	sst s2  }
0xb: {  	[smem:$0x3FA3] =	sst s3  }
0xc: {  	[smem:$0x3FA4] =	sst s4  }
0xd: {  	[smem:$0x3FA5] =	sst s5  }
0xe: {  	[smem:$0x3FA6] =	sst s6  }
0xf: {  	[smem:$0x3FA7] =	sst s7  }
0x10: {  	[smem:$0x3FA8] =	sst s8  }
0x11: {  	[smem:$0x3FA9] =	sst s9;
	s0 =	simm.s32 @!p0 $0x0  }
0x12: {  	s1 =	sld [smem:$0x3F8F];
	s0 =	simm.s32 @p0 $0x1  }
0x13: {  	[smem:$0x3FAA] =	sst s0;
	s0 =	simm.s32 @!p1 $0x0  }
0x14: {  	s2 =	sld [smem:$0x3F8E];
	s0 =	simm.s32 @p1 $0x1  }
0x15: {  	[smem:$0x3FAB] =	sst s0;
	s0 =	simm.s32 @!p2 $0x0  }
0x16: {  	s3 =	sld [smem:$0x3FDB];
	s0 =	simm.s32 @p2 $0x1  }
0x17: {  	s4 =	simm.s32 $0x1BF5;
	[smem:$0x3FAD] =	sst s0  }
0x18: {  	s0 =	sld [smem:$0x3F90];
	_ =	swait.ge [sflag:s4], $0x0  }
0x19: {  	s7 =	sld [smem:$0x3F91]  }
0x1a: {  	s8 =	sadd.s32 $0xFFFFE003, lr  }
0x1b: {  	s9 =	sadd.s32 $0xFFFFFEF7, lr;
	s5 =	simm.s32 $0xFFFFFFFF;
	p2 =	slt.u32 s8, $0xFFFFF086  }
0x1c: {  	p1 =	slt.u32 s9, $0xF7A;
	s5 =	simm.s32 @!p2 $0x0  }
0x1d: {  	s5 =	simm.s32 @p1 $0x1;
	p0 =	seq.s32 s7, s2  }
0x1e: {  	s7 =	smul.u32 @!p0 $0xF7A, s2;
	p2 =	seq.s32 @!p0 s5, $0x0  }
0x1f: {  	s9 =	smul.u32 $0xF7A, s1;
	s8 =	simm.s32 @!p0 $0x1BF5;
	p2 =	por !p2, p0  }
0x20: {  	[sflag:s8] =	ssyncset.s32 @!p0 $0xFFFFF086;
	s6 =	sadd.s32 @!p0 s3, s7;
	s7 =	simm.s32 @!p0 $0x108  }
0x21: {  	s3 =	sadd.s32 s3, s9;
	s6 =	sadd.s32 @!p0 $0x88, s6;
	s7 =	simm.s32 @p2 $0x1082  }
0x22: {  	[simem:s7], [sflag:s8] =	dma.local @!p0 [hbm:s6], $0xF7A  }
0x23: {  	s9 =	sor.u32 $0xD0000000, s2;
	s6 =	simm.s32 $0x108;
	_ =	swait.ge @!p0 [sflag:s8], $0x0  }
0x24: {  	s3 =	sadd.s32 $0x88, s3;
	s6 =	simm.s32 @!p1 $0x1082;
	[sflag:s4] =	ssyncset.s32 $0xFFFFF086  }
0x25: {  	[simem:s6], [sflag:s4] =	dma.local [hbm:s3], $0xF7A  }
0x26: {  	[smem:$0x3F91] =	sst s1;
	(tag) =	ssettag s2;
	_ =	strace s9  }
0x27: {  	s1 =	sld [smem:$0x3FA1]  }
0x28: {  	s2 =	sld [smem:$0x3FA2]  }
0x29: {  	s4 =	sld [smem:$0x3FA4]  }
0x2a: {  	p0 =	seq.s32 s5, $0x0;
	s5 =	sld [smem:$0x3FA5]  }
0x2b: {  	s6 =	sld [smem:$0x3FA6]  }
0x2c: {  	s7 =	sld [smem:$0x3FA7]  }
0x2d: {  	s3 =	simm.s32 $0x108;
	s8 =	sld [smem:$0x3FA8]  }
0x2e: {  	s3 =	simm.s32 @!p0 $0x1082;
	s9 =	sld [smem:$0x3FA9]  }
0x2f: {  	lr =	sadd.s32 s0, s3;
	s0 =	sld [smem:$0x3FA0]  }
0x30: {  	s3 =	sld [smem:$0x3FA3]  }
0x31: {  	[smem:$0x3FAC] =	sst s10  }
0x32: {  	s10 =	sld [smem:$0x3FAA];
	_ =	sdelay $0x3  }
0x33: {  	p0 =	seq.s32 s10, $0x1;
	s10 =	sld [smem:$0x3FAC];
	_ =	sdelay $0x3  }
0x34: {  	[smem:$0x3FAC] =	sst s10  }
0x35: {  	s10 =	sld [smem:$0x3FAB];
	_ =	sdelay $0x3  }
0x36: {  	p1 =	seq.s32 s10, $0x1;
	s10 =	sld [smem:$0x3FAC];
	_ =	sdelay $0x3  }
0x37: {  	[smem:$0x3FAC] =	sst s10  }
0x38: {  	s10 =	sld [smem:$0x3FAD]  }
0x39: {  	_ = 	snop;
	(pc) =	sbr.ind lr, $3  }
0x3a: {  	_ = 	snop  }
0x3b: {  	_ = 	snop  }
0x3c: {  	p2 =	seq.s32 s10, $0x1;
	s10 =	sld [smem:$0x3FAC]  }
0x3d: {  	_ =	shalt  }
0x3e: {  	_ =	shalt  }
0x3f: {  	_ =	shalt  }
0x40: {  	_ =	shalt  }
0x41: {  	_ =	shalt  }
0x42: {  	_ =	shalt  }
0x43: {  	_ =	shalt  }
0x44: {  	_ =	shalt  }
0x45: {  	_ =	shalt  }
0x46: {  	_ =	shalt  }
0x47: {  	_ =	shalt  }
0x48: {  	_ =	shalt  }
0x49: {  	_ =	shalt  }
0x4a: {  	_ =	shalt  }
0x4b: {  	_ =	shalt  }
0x4c: {  	_ =	shalt  }
0x4d: {  	_ =	shalt  }
0x4e: {  	_ =	shalt  }
0x4f: {  	_ =	shalt  }
0x50: {  	_ =	shalt  }
0x51: {  	_ =	shalt  }
0x52: {  	_ =	shalt  }
0x53: {  	_ =	shalt  }
0x54: {  	_ =	shalt  }
0x55: {  	_ =	shalt  }
0x56: {  	_ =	shalt  }
0x57: {  	_ =	shalt  }
0x58: {  	_ =	shalt  }
0x59: {  	_ =	shalt  }
0x5a: {  	_ =	shalt  }
0x5b: {  	_ =	shalt  }
0x5c: {  	_ =	shalt  }
0x5d: {  	_ =	shalt  }
0x5e: {  	_ =	shalt  }
0x5f: {  	_ =	shalt  }
0x60: {  	_ =	shalt  }
0x61: {  	_ =	shalt  }
0x62: {  	_ =	shalt  }
0x63: {  	_ =	shalt  }
0x64: {  	_ =	shalt  }
0x65: {  	_ =	shalt  }
0x66: {  	_ =	shalt  }
0x67: {  	_ =	shalt  }
0x68: {  	_ =	shalt  }
0x69: {  	_ =	shalt  }
0x6a: {  	_ =	shalt  }
0x6b: {  	_ =	shalt  }
0x6c: {  	_ =	shalt  }
0x6d: {  	_ =	shalt  }
0x6e: {  	_ =	shalt  }
0x6f: {  	_ =	shalt  }
0x70: {  	_ =	shalt  }
0x71: {  	_ =	shalt  }
0x72: {  	_ =	shalt  }
0x73: {  	_ =	shalt  }
0x74: {  	_ =	shalt  }
0x75: {  	_ =	shalt  }
0x76: {  	_ =	shalt  }
0x77: {  	_ =	shalt  }
0x78: {  	_ =	shalt  }
0x79: {  	_ =	shalt  }
0x7a: {  	_ =	shalt  }
0x7b: {  	_ =	shalt  }
0x7c: {  	_ =	shalt  }
0x7d: {  	_ =	shalt  }
0x7e: {  	_ =	shalt  }
0x7f: {  	_ =	shalt  }
0x80: {  	_ =	shalt  }
0x81: {  	_ =	shalt  }
0x82: {  	_ =	shalt  }
0x83: {  	_ =	shalt  }
0x84: {  	_ =	shalt  }
0x85: {  	_ =	shalt  }
0x86: {  	_ =	shalt  }
0x87: {  	_ =	shalt  }
.Lfunc_end0:
.L_simem_size_0:
called_computation.3_lowered:
.L_overlay_start_0:
0x88: {  	s2 =	sld [smem:$0x3FD9]  }
0x89: {  	s3 =	sld [smem:$0x3FFE];
	_ =	sdelay $0x1  }
0x8a: {  	s1 =	srdreg.scid  }
0x8b: {  	s0 =	sand.u32 $0x1, s1  }
0x8c: {  	s14 =	sshll.u32 s0, $0xA;
	s2 =	sadd.s32 s3, s2  }
0x8d: {  	s2 =	sadd.s32 s2, s14  }
0x8e: {  	[smem:$0x3FB8] =	sst s2  }
0x8f: {  	_ = 	snop  }
0x90: {  	s2 =	sld [smem:$0x3FD0];
	_ =	sdelay $0x2  }
0x91: {  	s15 =	simm.s32 $0xB;
	s4 =	simm.s32 $0x10  }
0x92: {  	[smem:s4], [sflag:s15] =	dma.local [hbm:s2], $0x1  }
0x93: {  	_ =	swait.eq [sflag:s15], $0x1  }
0x94: {  	[sflag:s15] =	ssyncset.done $0x0  }
0x95: {  	[sflag:s15] =	ssyncadd.s32 $0xFFFFFFFF  }
0x96: {  	s16 =	sld [smem:$0x12];
	(tm) =	ssettm $0x1  }
0x97: {  	s17 =	sld [smem:$0x3FFB];
	_ =	sdelay $0x3  }
0x98: {  	_ =	strace s17  }
0x99: {  	s3 =	sld [smem:$0x3FFC];
	_ =	sdelay $0x3  }
0x9a: {  	_ =	strace s3  }
0x9b: {  	s3 =	sld [smem:$0x3FFD];
	_ =	sdelay $0x3  }
0x9c: {  	_ =	strace s3  }
0x9d: {  	_ =	strace $0x8FFFFFFF  }
0x9e: {  	s18 =	sld [smem:$0x3FDB];
	_ =	sdelay $0x1  }
0x9f: {  	s19 =	simm.s32 $_scs_section_size  }
0xa0: {  	s5 =	simm.s32 $_size__tile_overlayer_lowered;
	s6 =	simm.s32 $_tile_overlayer_lowered  }
0xa1: {  	s22 =	simm.s32 $0x1BFF;
	s21 =	sshll.u32 s6, $0x1;
	s3 =	sadd.s32 s19, s18  }
0xa2: {  	s7 =	simm.s32 $0x0;
	s20 =	sshll.u32 s5, $0x1;
	s5 =	sadd.s32 s21, s3  }
0xa3: {  	[timem:s7], [sflag:s22] =	dma.local [hbm:s5], s20  }
0xa4: {  	_ =	swait.ge [sflag:s22], s20  }
0xa5: {  	s4 =	ssub.s32 $0x0, s20;
	[sflag:s22] =	ssyncset.done $0x0  }
0xa6: {  	[sflag:s22] =	ssyncadd.s32 s4;
	_ =	sdelay $0x1  }
0xa7: {  	s23 =	simm.s32 $0x1B8B  }
0xa8: {  	_ =	swait.ge [sflag:s23], $0x1  }
0xa9: {  	[sflag:s23] =	ssyncset.done $0x0  }
0xaa: {  	s25 =	simm.s32 $0x1B8E;
	s24 =	sld [smem:$0x3FFE];
	[sflag:s23] =	ssyncadd.s32 $0xFFFFFFFF  }
0xab: {  	s26 =	simm.s32 $execute0_lowered;
	[smem:$0x3FD2] =	sst s25  }
0xac: {  	s5 =	sshll.u32 s26, $0x1;
	_ =	strace $0x8000004F;
	[dreg:$0x1] =	wrdreg $0xFFFFFFFF  }
0xad: {  	s28 =	simm.s32 $_size_execute0_lowered;
	s3 =	sadd.s32 s3, s5;
	[dreg:$0x0] =	wrdreg $0x0  }
0xae: {  	s5 =	sshll.u32 s28, $0x1;
	[dreg:$0x2] =	wrdreg s3  }
0xaf: {  	[dreg:$0x3] =	wrdreg s5  }
0xb0: {  	[dreg:$0x4] =	wrdreg $0xC0  }
0xb1: {  	_ =	task [dreg:s7], $0x5FFFF  }
0xb2: {  	[dreg:$0x1] =	wrdreg $0xFFFFFFFF  }
0xb3: {  	[dreg:$0x0] =	wrdreg $0x60  }
0xb4: {  	[dreg:$0x2] =	wrdreg s24  }
0xb5: {  	[dreg:$0x3] =	wrdreg s16  }
0xb6: {  	[dreg:$0x4] =	wrdreg $0xBF800  }
0xb7: {  	[dreg:$0x5] =	wrdreg $0xA1800  }
0xb8: {  	[dreg:$0x6] =	wrdreg $0xB5800  }
0xb9: {  	[dreg:$0x7] =	wrdreg $0xA  }
0xba: {  	_ =	task.clear_ibuf [dreg:s7], $0x8FFFF;
	_ =	strace $0x9000004F  }
0xbb: {  	s29 =	simm.s32 $0xA;
	_ =	strace $0x80000051  }
0xbc: {  	_ =	swait.ge [sflag:s29], $0x1  }
0xbd: {  	[sflag:s29] =	ssyncadd.s32 $0xFFFFFFFF  }
0xbe: {  	_ =	strace $0x90000051  }
0xbf: {  	_ =	sfence  }
0xc0: {  	s30 =	sld [smem:$0x0];
	_ =	sdelay $0x2  }
0xc1: {  	s31 =	sshll.u32 s1, $0xD;
	s1 =	sshrl.u32 s1, $0x2  }
0xc2: {  	s3 =	sand.u32 $0x4000, s31;
	s1 =	sadd.s32 s1, s30  }
0xc3: {  	s0 =	sor.u32 s3, s0;
	s1 =	sshll.u32 s1, $0x11  }
0xc4: {  	s0 =	sor.u32 s1, s0  }
0xc5: {  	s0 =	sadd.s32 $0x8F2B, s0  }
0xc6: {  	[sflag:s0] =	ssyncadd.remote.s32 $0x1  }
0xc7: {  	_ =	sfence.sel $0xFFFF  }
0xc8: {  	[dreg:$0x0] =	wrdreg $0xFFFFFFFF;
	(pc) =	sbr.abs _section_cstart, $3  }
0xc9: {  	[dreg:$0x1] =	wrdreg $0xFFFFFFFF  }
0xca: {  	_ =	task.clear_ibuf [dreg:s7], $0x2FFFF;
	_ =	strace $0x9FFFFFFF  }
0xcb: {  	(tm) =	ssettm $0x7FFFFFFF  }
tec
execute0_lowered:
.L_overlay_start_1:
0x0: {  	(tag) =	ssettag $0x1  }
0x1: {  	s0 =	rddreg [dreg:$0x0]  }
0x2: {  	s4 =	rddreg [dreg:$0x1]  }
0x3: {  	s1 =	rddreg [dreg:$0x2];
	s3 =	srdreg.scid  }
0x4: {  	s2 =	rddreg [dreg:$0x3];
	s17 =	stileid.u32  }
0x5: {  	s18 =	simm.s32 $0x0;
	s31 =	simm.s32 $0x0;
	s7 =	smul.u32 $0xA00, s17  }
0x6: {  	s5 =	sand.u32 $0x1, s3;
	s3 =	rddreg [dreg:$0x4];
	s9 =	smul.u32 $0x280, s17  }
0x7: {  	s10 =	sadd.s32 $0x72E00, s0;
	s23 =	sadd.s32 $0x72E10, s0;
	s16 =	smul.u32 $0x14000, s17  }
0x8: {  	[smem:$0x7FF] =	sst s18;
	s18 =	sshll.u32 s17, $0x1;
	s20 =	sadd.s32 $0x72800, s0  }
0x9: {  	s21 =	sadd.s32 $0x72200, s0;
	s22 =	sadd.s32 $0x71C00, s0;
	s6 =	ssub.s32 $0x2, s5  }
0xa: {  	s28 =	sadd.s32 $0x15400, s0;
	s8 =	sshrl.u32 s6, $0x1;
	s11 =	sadd.s32 s10, s9  }
0xb: {  	s9 =	sadd.s32 s9, s23;
	s13 =	sadd.s32 $0x600, s7;
	s6 =	ssub.s32 s6, s8  }
0xc: {  	s8 =	sadd.s32 $0x200, s7;
	[dreg:$0x6] =	wrdreg s11;
	s26 =	sshrl.u32 s13, $0x2  }
0xd: {  	[dreg:$0x7] =	wrdreg s9;
	s12 =	sshrl.u32 s8, $0x2;
	s29 =	sadd.s32 s10, s26  }
0xe: {  	s9 =	sadd.s32 $0x400, s7;
	s24 =	sadd.s32 s10, s12;
	[dreg:$0xc] =	wrdreg s29  }
0xf: {  	s25 =	sshrl.u32 s9, $0x2;
	s12 =	sadd.s32 s12, s23;
	[dreg:$0x8] =	wrdreg s24  }
0x10: {  	s15 =	smul.u32 $0x140000, s5;
	s14 =	sadd.s32 s10, s25;
	[dreg:$0x9] =	wrdreg s12  }
0x11: {  	[dreg:$0xa] =	wrdreg s14;
	s12 =	sadd.s32 s25, s23;
	s14 =	sadd.s32 $0x800, s7  }
0x12: {  	[dreg:$0xb] =	wrdreg s12;
	s12 =	sadd.s32 s26, s23;
	s30 =	sshrl.u32 s14, $0x2  }
0x13: {  	s15 =	sadd.s32 s16, s15;
	[dreg:$0xd] =	wrdreg s12;
	s10 =	sadd.s32 s10, s30  }
0x14: {  	s12 =	sadd.s32 s30, s23;
	[dreg:$0xe] =	wrdreg s10;
	s10 =	sshrl.u32 s15, $0x3  }
0x15: {  	p0 =	sgt.s32 s17, $0x3;
	[dreg:$0xf] =	wrdreg s12;
	s4 =	sadd.s32 s4, s10  }
0x16: {  	p1 =	sgt.s32 s17, $0x1;
	p2 =	seq.s32 s17, $0x0;
	[dreg:$0x10] =	wrdreg s4  }
0x17: {  	p4 =	seq.s32 s17, $0x2;
	_ =	strace $0x80000050;
	[dreg:$0x11] =	wrdreg s20  }
0x18: {  	p6 =	sgt.s32 s17, $0x5;
	p3 =	seq.s32 s17, $0x4;
	[dreg:$0x12] =	wrdreg s21  }
0x19: {  	p5 =	seq.s32 s17, $0x6;
	s23 =	sadd.s32 $0x71600, s0;
	[dreg:$0x13] =	wrdreg s22  }
0x1a: {  	s5 =	sor.u32 s5, s18;
	s24 =	sadd.s32 $0x71000, s0;
	[dreg:$0x14] =	wrdreg s23  }
0x1b: {  	s18 =	sadd.s32 $0x5000, s2;
	s25 =	sadd.s32 $0x70A00, s0;
	[dreg:$0x15] =	wrdreg s24  }
0x1c: {  	s16 =	smul.u32 $0x50000, s17;
	s26 =	sadd.s32 $0x70400, s0;
	[dreg:$0x16] =	wrdreg s25  }
0x1d: {  	s11 =	sadd.s32 s8, s3;
	s29 =	sadd.s32 $0x6FE00, s0;
	[dreg:$0x17] =	wrdreg s26  }
0x1e: {  	s19 =	sshrl.u32 s16, $0x2;
	s30 =	sadd.s32 $0x6FC00, s0;
	[dreg:$0x18] =	wrdreg s29  }
0x1f: {  	s8 =	simm.s32 $0x800;
	s4 =	sadd.s32 s19, s1;
	[dreg:$0x19] =	wrdreg s30  }
0x20: {  	s16 =	sadd.s32 s14, s3;
	s10 =	sadd.s32 s7, s3;
	[dreg:$0x1b] =	wrdreg s4  }
0x21: {  	s14 =	simm.s32 $0x6180;
	s12 =	sadd.s32 s9, s3;
	[dreg:$0x1c] =	wrdreg s10  }
0x22: {  	s15 =	sadd.s32 s13, s3;
	s9 =	simm.s32 $0x180;
	[dreg:$0x1d] =	wrdreg s11  }
0x23: {  	s13 =	simm.s32 $0x1580;
	s7 =	simm.s32 $0x1;
	[dreg:$0x1e] =	wrdreg s12  }
0x24: {  	s19 =	sadd.s32 $0x2800, s2;
	s25 =	sadd.s32 $0x1FC00, s0;
	[dreg:$0x1f] =	wrdreg s15  }
0x25: {  	s26 =	sadd.s32 $0x1A800, s0;
	s0 =	sadd.s32 $0x12C00, s0;
	[smem:$0x7F1] =	sst s16  }
0x26: {  	s21 =	smul.u32 $0x2A, s5;
	s22 =	smax.u32 s6, $0x1;
	s4 =	sshrl.u32 s19, $0x3  }
0x27: {  	s20 =	sadd.s32 $0xA000, s2;
	s23 =	sadd.s32 $0x7800, s2;
	s24 =	sadd.s32 $0x11800, s2  }
0x28: {  	s29 =	sadd.s32 $0xF000, s2;
	s30 =	sadd.s32 $0xC800, s2;
	s6 =	simm.s32 $0x2180  }
0x29: {  	s10 =	simm.s32 $0x980;
	[dreg:$0x1a] =	wrdreg s0;
	s0 =	simm.s32 @!p2 $0x0  }
0x2a: {  	[smem:$0x7F4] =	sst s4;
	s0 =	simm.s32 @p2 $0x1;
	p2 =	seq.s32 s17, $0x1  }
0x2b: {  	s4 =	sshrl.u32 s23, $0x3;
	[smem:$0x7F2] =	sst s0;
	s0 =	simm.s32 @!p2 $0x0  }
0x2c: {  	s11 =	simm.s32 $0x400;
	[smem:$0x7F7] =	sst s4;
	s0 =	simm.s32 @p2 $0x1  }
0x2d: {  	p2 =	seq.s32 s17, $0x3;
	[smem:$0x7F3] =	sst s0;
	s0 =	sshrl.u32 s18, $0x3  }
0x2e: {  	s5 =	sshrl.u32 s30, $0x3;
	[smem:$0x7F5] =	sst s0;
	s0 =	simm.s32 @!p2 $0x0  }
0x2f: {  	s12 =	simm.s32 $0x1180;
	[smem:$0x7F9] =	sst s5;
	s0 =	simm.s32 @p2 $0x1  }
0x30: {  	s16 =	simm.s32 $0x0;
	[smem:$0x7F6] =	sst s0;
	s0 =	sshrl.u32 s20, $0x3  }
0x31: {  	p2 =	seq.s32 s17, $0x5;
	[smem:$0x7F8] =	sst s0;
	s0 =	sshrl.u32 s24, $0x3  }
0x32: {  	s23 =	simm.s32 $0x80;
	[smem:$0x7FB] =	sst s0;
	s0 =	simm.s32 @!p2 $0x0  }
0x33: {  	s4 =	sshrl.u32 s29, $0x3;
	s0 =	simm.s32 @p2 $0x1;
	p2 =	seq.s32 s17, $0x7  }
0x34: {  	s5 =	simm.s32 $0x1B80;
	[smem:$0x7FC] =	sst s0;
	s0 =	simm.s32 @!p2 $0x0  }
0x35: {  	[smem:$0x7FA] =	sst s4;
	s4 =	simm.s32 $0x100;
	s0 =	simm.s32 @p2 $0x1  }
0x36: {  	v0 =	vimm.f32 $0.0e+00;
	s24 =	simm.s32 $0x2;
	[smem:$0x7FD] =	sst s0;
	s0 =	simm.s32 $0x1980  }
.LBB2_1:
.Ltmp0:
0x37: {  	s15 =	simm.s32 $0x0;
	s17 =	rddreg [dreg:$0x19];
	(pc) =	sbr.rel @p0 .LBB2_9-.Ltmp0, $4  }
0x38: {  	[tilespmem:s15], [sflag:$0x2] =	stream.linear.gather [hbm4b:s17+s15], $0x80, $0x38;
	[tilespmem:$0x1FF80] =	vst v63  }
0x39: {  	_ =	swait.ge [sflag:s24], $0x80  }
0x3a: {  	[sflag:s24] =	ssyncset.done $0x0  }
0x3b: {  	[sflag:s24] =	ssyncadd.s32 $0xFFFFFF80  }
.Ltmp1:
0x3c: {  	(pc) =	sbr.rel @p1 .LBB2_6-.Ltmp1, $1  }
0x3d: {  	_ =	sdelay $0x3  }
0x3e: {  	s15 =	sld [smem:$0x7F2];
	_ =	sdelay $0x2  }
0x3f: {  	p2 =	seq.s32 s15, $0x1  }
.Ltmp2:
0x40: {  	_ = 	snop;
	(pc) =	sbr.rel @p2 .LBB2_16-.Ltmp2, $1  }
0x41: {  	_ =	sdelay $0x3  }
0x42: {  	s15 =	sld [smem:$0x7F3];
	_ =	sdelay $0x2  }
0x43: {  	p2 =	seq.s32 s15, $0x1  }
.Ltmp3:
0x44: {  	_ = 	snop;
	(pc) =	sbr.rel @!p2 .LBB2_21-.Ltmp3, $1  }
0x45: {  	_ =	sdelay $0x3  }
.Ltmp4:
0x46: {  	(pc) =	sbr.rel .LBB2_20-.Ltmp4, $3  }
0x47: {  	s17 =	sld [smem:$0x7F4];
	_ =	sdelay $0x1  }
0x48: {  	s15 =	rddreg [dreg:$0x12];
	s18 =	simm.s32 $0x1C42  }
0x49: {  	[spmem:s17], [sflag:s18] =	dma.local [hbm:s15], $0x500  }
.LBB2_9:
.Ltmp5:
0x4a: {  	(pc) =	sbr.rel @p6 .LBB2_13-.Ltmp5, $1  }
0x4b: {  	_ =	sdelay $0x3  }
.Ltmp6:
0x4c: {  	(pc) =	sbr.rel @p3 .LBB2_18-.Ltmp6, $1  }
0x4d: {  	_ =	sdelay $0x3  }
0x4e: {  	s15 =	sld [smem:$0x7FC];
	_ =	sdelay $0x2  }
0x4f: {  	p2 =	seq.s32 s15, $0x1  }
.Ltmp7:
0x50: {  	_ = 	snop;
	(pc) =	sbr.rel @!p2 .LBB2_21-.Ltmp7, $1  }
0x51: {  	_ =	sdelay $0x3  }
.Ltmp8:
0x52: {  	(pc) =	sbr.rel .LBB2_20-.Ltmp8, $3  }
0x53: {  	s17 =	sld [smem:$0x7F9];
	_ =	sdelay $0x1  }
0x54: {  	s15 =	rddreg [dreg:$0x16];
	s18 =	simm.s32 $0x1D42  }
0x55: {  	[spmem:s17], [sflag:s18] =	dma.local [hbm:s15], $0x500  }
.LBB2_6:
.Ltmp9:
0x56: {  	(pc) =	sbr.rel @p4 .LBB2_17-.Ltmp9, $1  }
0x57: {  	_ =	sdelay $0x3  }
0x58: {  	s15 =	sld [smem:$0x7F6];
	_ =	sdelay $0x2  }
0x59: {  	p2 =	seq.s32 s15, $0x1  }
.Ltmp10:
0x5a: {  	_ = 	snop;
	(pc) =	sbr.rel @!p2 .LBB2_21-.Ltmp10, $1  }
0x5b: {  	_ =	sdelay $0x3  }
.Ltmp11:
0x5c: {  	(pc) =	sbr.rel .LBB2_20-.Ltmp11, $3  }
0x5d: {  	s17 =	sld [smem:$0x7F7];
	_ =	sdelay $0x1  }
0x5e: {  	s15 =	rddreg [dreg:$0x14];
	s18 =	simm.s32 $0x1CC2  }
0x5f: {  	[spmem:s17], [sflag:s18] =	dma.local [hbm:s15], $0x500  }
.LBB2_13:
.Ltmp12:
0x60: {  	(pc) =	sbr.rel @p5 .LBB2_19-.Ltmp12, $1  }
0x61: {  	_ =	sdelay $0x3  }
0x62: {  	s15 =	sld [smem:$0x7FD];
	_ =	sdelay $0x2  }
0x63: {  	p2 =	seq.s32 s15, $0x1  }
.Ltmp13:
0x64: {  	_ = 	snop;
	(pc) =	sbr.rel @!p2 .LBB2_21-.Ltmp13, $1  }
0x65: {  	_ =	sdelay $0x3  }
.Ltmp14:
0x66: {  	(pc) =	sbr.rel .LBB2_20-.Ltmp14, $3  }
0x67: {  	s17 =	sld [smem:$0x7FB];
	_ =	sdelay $0x1  }
0x68: {  	s15 =	rddreg [dreg:$0x18];
	s18 =	simm.s32 $0x1DC2  }
0x69: {  	[spmem:s17], [sflag:s18] =	dma.local [hbm:s15], $0x500  }
.LBB2_16:
.Ltmp15:
0x6a: {  	(pc) =	sbr.rel .LBB2_20-.Ltmp15, $3  }
0x6b: {  	_ =	sdelay $0x1  }
0x6c: {  	s15 =	sshrl.u32 s2, $0x3;
	s17 =	rddreg [dreg:$0x11];
	s18 =	simm.s32 $0x1C02  }
0x6d: {  	[spmem:s15], [sflag:s18] =	dma.local [hbm:s17], $0x500  }
.LBB2_18:
.Ltmp16:
0x6e: {  	(pc) =	sbr.rel .LBB2_20-.Ltmp16, $3  }
0x6f: {  	s17 =	sld [smem:$0x7F8];
	_ =	sdelay $0x1  }
0x70: {  	s15 =	rddreg [dreg:$0x15];
	s18 =	simm.s32 $0x1D02  }
0x71: {  	[spmem:s17], [sflag:s18] =	dma.local [hbm:s15], $0x500  }
.LBB2_17:
.Ltmp17:
0x72: {  	(pc) =	sbr.rel .LBB2_20-.Ltmp17, $3  }
0x73: {  	s17 =	sld [smem:$0x7F5];
	_ =	sdelay $0x1  }
0x74: {  	s15 =	rddreg [dreg:$0x13];
	s18 =	simm.s32 $0x1C82  }
0x75: {  	[spmem:s17], [sflag:s18] =	dma.local [hbm:s15], $0x500  }
.LBB2_19:
0x76: {  	s17 =	sld [smem:$0x7FA];
	_ =	sdelay $0x1  }
0x77: {  	s15 =	rddreg [dreg:$0x17];
	s18 =	simm.s32 $0x1D82  }
0x78: {  	[spmem:s17], [sflag:s18] =	dma.local [hbm:s15], $0x500  }
.LBB2_20:
0x79: {  	_ =	swait.ge [sflag:s24], $0x500  }
0x7a: {  	[sflag:s24] =	ssyncset.done $0x0  }
0x7b: {  	[sflag:s24] =	ssyncadd.s32 $0xFFFFFB00  }
.LBB2_21:
0x7c: {  	s15 =	stileid.u32  }
0x7d: {  	s17 =	rddreg [dreg:$0x1b];
	s15 =	sshll.u32 s15, $0x6  }
0x7e: {  	s18 =	rddreg [dreg:$0x1a];
	s30 =	sshrl.u32 s17, $0x3;
	s29 =	sor.u32 $0x1C02, s15  }
0x7f: {  	[spmem:s30], [sflag:s29] =	dma.local [hbm:s18], $0x2800  }
0x80: {  	_ =	swait.ge [sflag:s24], $0x2800  }
0x81: {  	[sflag:s24] =	ssyncset.done $0x0  }
0x82: {  	s19 =	rddreg [dreg:$0x6];
	[sflag:s24] =	ssyncadd.s32 $0xFFFFD800  }
0x83: {  	[tilespmem:s0], [sflag:$0x2] =	stream.strided.gather [hbm4b:s19+s23], $0x200, s4, s23, $0x38;
	[tilespmem:$0x1FF80] =	vst v63  }
0x84: {  	_ =	swait.ge [sflag:s24], $0x200  }
0x85: {  	[sflag:s24] =	ssyncset.done $0x0  }
0x86: {  	s20 =	rddreg [dreg:$0x7];
	[sflag:s24] =	ssyncadd.s32 $0xFFFFFE00  }
0x87: {  	[tilespmem:s5], [sflag:$0x2] =	stream.strided.gather [hbm4b:s20+s23], $0x200, s4, s23, $0x38;
	[tilespmem:$0x1FF80] =	vst v63  }
0x88: {  	_ =	swait.ge [sflag:s24], $0x200  }
0x89: {  	[sflag:s24] =	ssyncset.done $0x0  }
0x8a: {  	s15 =	simm.s32 $0x0;
	[sflag:s24] =	ssyncadd.s32 $0xFFFFFE00  }
0x8b: {  	s17 =	simm.s32 $0x40;
	v1 =	vld [tilespmem:s15+$0x1B80]  }
.LBB2_22:
0x8c: {  	p2 =	sne.s32 s17, $0x7C0;
	v2 =	vld [tilespmem:s15+$0x1980];
	_ =	sdelay $0x2  }
.Ltmp18:
0x8d: {  	(pc) =	sbr.rel @p2 .LBB2_22-.Ltmp18, $4  }
0x8e: {  	_ = 	snop  }
0x8f: {  	v2 =	vadd.f32 v1, v2  }
0x90: {  	s18 =	sshra.s32 s17, $0x2  }
0x91: {  	s17 =	sadd.s32 $0x40, s17;
	v1 =	vld [tilespmem:s18+$0x1B80];
	[tilespmem:s15+$0x1980] =	vst v2;
	s15 =	smov.u32 s18  }
0x92: {  	v2 =	vld [tilespmem:s15+$0x1980];
	_ =	sdelay $0x4  }
0x93: {  	v1 =	vadd.f32 v1, v2;
	_ =	sdelay $0x1  }
0x94: {  	s18 =	rddreg [dreg:$0x1c];
	[tilespmem:s15+$0x1980] =	vst v1  }
0x95: {  	[spmem:s18] =	stream.linear.scatter [tilespmem:s0], [sflag:$0x2], $0x200, $0x38;
	[tilespmem:$0x1FF80] =	vst v63  }
0x96: {  	_ =	swait.ge [sflag:s24], $0x200  }
0x97: {  	[sflag:s24] =	ssyncset.done $0x0  }
0x98: {  	s19 =	rddreg [dreg:$0x8];
	[sflag:s24] =	ssyncadd.s32 $0xFFFFFE00  }
0x99: {  	[tilespmem:s0], [sflag:$0x2] =	stream.strided.gather [hbm4b:s19+s23], $0x200, s4, s23, $0x38;
	[tilespmem:$0x1FF80] =	vst v63  }
0x9a: {  	_ =	swait.ge [sflag:s24], $0x200  }
0x9b: {  	[sflag:s24] =	ssyncset.done $0x0  }
0x9c: {  	s20 =	rddreg [dreg:$0x9];
	[sflag:s24] =	ssyncadd.s32 $0xFFFFFE00  }
0x9d: {  	[tilespmem:s5], [sflag:$0x2] =	stream.strided.gather [hbm4b:s20+s23], $0x200, s4, s23, $0x38;
	[tilespmem:$0x1FF80] =	vst v63  }
0x9e: {  	_ =	swait.ge [sflag:s24], $0x200  }
0x9f: {  	[sflag:s24] =	ssyncset.done $0x0  }
0xa0: {  	s15 =	simm.s32 $0x0;
	[sflag:s24] =	ssyncadd.s32 $0xFFFFFE00  }
0xa1: {  	s17 =	simm.s32 $0x40;
	v1 =	vld [tilespmem:s15+$0x1B80]  }
.LBB2_24:
0xa2: {  	p2 =	sne.s32 s17, $0x7C0;
	v2 =	vld [tilespmem:s15+$0x1980];
	_ =	sdelay $0x2  }
.Ltmp19:
0xa3: {  	(pc) =	sbr.rel @p2 .LBB2_24-.Ltmp19, $4  }
0xa4: {  	_ = 	snop  }
0xa5: {  	v2 =	vadd.f32 v1, v2  }
0xa6: {  	s18 =	sshra.s32 s17, $0x2  }
0xa7: {  	s17 =	sadd.s32 $0x40, s17;
	v1 =	vld [tilespmem:s18+$0x1B80];
	[tilespmem:s15+$0x1980] =	vst v2;
	s15 =	smov.u32 s18  }
0xa8: {  	v2 =	vld [tilespmem:s15+$0x1980];
	_ =	sdelay $0x4  }
0xa9: {  	v1 =	vadd.f32 v1, v2;
	_ =	sdelay $0x1  }
0xaa: {  	s18 =	rddreg [dreg:$0x1d];
	[tilespmem:s15+$0x1980] =	vst v1  }
0xab: {  	[spmem:s18] =	stream.linear.scatter [tilespmem:s0], [sflag:$0x2], $0x200, $0x38;
	[tilespmem:$0x1FF80] =	vst v63  }
0xac: {  	_ =	swait.ge [sflag:s24], $0x200  }
0xad: {  	[sflag:s24] =	ssyncset.done $0x0  }
0xae: {  	s19 =	rddreg [dreg:$0xa];
	[sflag:s24] =	ssyncadd.s32 $0xFFFFFE00  }
0xaf: {  	[tilespmem:s0], [sflag:$0x2] =	stream.strided.gather [hbm4b:s19+s23], $0x200, s4, s23, $0x38;
	[tilespmem:$0x1FF80] =	vst v63  }
0xb0: {  	_ =	swait.ge [sflag:s24], $0x200  }
0xb1: {  	[sflag:s24] =	ssyncset.done $0x0  }
0xb2: {  	s20 =	rddreg [dreg:$0xb];
	[sflag:s24] =	ssyncadd.s32 $0xFFFFFE00  }
0xb3: {  	[tilespmem:s5], [sflag:$0x2] =	stream.strided.gather [hbm4b:s20+s23], $0x200, s4, s23, $0x38;
	[tilespmem:$0x1FF80] =	vst v63  }
0xb4: {  	_ =	swait.ge [sflag:s24], $0x200  }
0xb5: {  	[sflag:s24] =	ssyncset.done $0x0  }
0xb6: {  	s15 =	simm.s32 $0x0;
	[sflag:s24] =	ssyncadd.s32 $0xFFFFFE00  }
0xb7: {  	s17 =	simm.s32 $0x40;
	v1 =	vld [tilespmem:s15+$0x1B80]  }
.LBB2_26:
0xb8: {  	p2 =	sne.s32 s17, $0x7C0;
	v2 =	vld [tilespmem:s15+$0x1980];
	_ =	sdelay $0x2  }
.Ltmp20:
0xb9: {  	(pc) =	sbr.rel @p2 .LBB2_26-.Ltmp20, $4  }
0xba: {  	_ = 	snop  }
0xbb: {  	v2 =	vadd.f32 v1, v2  }
0xbc: {  	s18 =	sshra.s32 s17, $0x2  }
0xbd: {  	s17 =	sadd.s32 $0x40, s17;
	v1 =	vld [tilespmem:s18+$0x1B80];
	[tilespmem:s15+$0x1980] =	vst v2;
	s15 =	smov.u32 s18  }
0xbe: {  	v2 =	vld [tilespmem:s15+$0x1980];
	_ =	sdelay $0x4  }
0xbf: {  	v1 =	vadd.f32 v1, v2;
	_ =	sdelay $0x1  }
0xc0: {  	s18 =	rddreg [dreg:$0x1e];
	[tilespmem:s15+$0x1980] =	vst v1  }
0xc1: {  	[spmem:s18] =	stream.linear.scatter [tilespmem:s0], [sflag:$0x2], $0x200, $0x38;
	[tilespmem:$0x1FF80] =	vst v63  }
0xc2: {  	_ =	swait.ge [sflag:s24], $0x200  }
0xc3: {  	[sflag:s24] =	ssyncset.done $0x0  }
0xc4: {  	s19 =	rddreg [dreg:$0xc];
	[sflag:s24] =	ssyncadd.s32 $0xFFFFFE00  }
0xc5: {  	[tilespmem:s0], [sflag:$0x2] =	stream.strided.gather [hbm4b:s19+s23], $0x200, s4, s23, $0x38;
	[tilespmem:$0x1FF80] =	vst v63  }
0xc6: {  	_ =	swait.ge [sflag:s24], $0x200  }
0xc7: {  	[sflag:s24] =	ssyncset.done $0x0  }
0xc8: {  	s20 =	rddreg [dreg:$0xd];
	[sflag:s24] =	ssyncadd.s32 $0xFFFFFE00  }
0xc9: {  	[tilespmem:s5], [sflag:$0x2] =	stream.strided.gather [hbm4b:s20+s23], $0x200, s4, s23, $0x38;
	[tilespmem:$0x1FF80] =	vst v63  }
0xca: {  	_ =	swait.ge [sflag:s24], $0x200  }
0xcb: {  	[sflag:s24] =	ssyncset.done $0x0  }
0xcc: {  	s15 =	simm.s32 $0x0;
	[sflag:s24] =	ssyncadd.s32 $0xFFFFFE00  }
0xcd: {  	s17 =	simm.s32 $0x40;
	v1 =	vld [tilespmem:s15+$0x1B80]  }
.LBB2_28:
0xce: {  	p2 =	sne.s32 s17, $0x7C0;
	v2 =	vld [tilespmem:s15+$0x1980];
	_ =	sdelay $0x2  }
.Ltmp21:
0xcf: {  	(pc) =	sbr.rel @p2 .LBB2_28-.Ltmp21, $4  }
0xd0: {  	_ = 	snop  }
0xd1: {  	v2 =	vadd.f32 v1, v2  }
0xd2: {  	s18 =	sshra.s32 s17, $0x2  }
0xd3: {  	s17 =	sadd.s32 $0x40, s17;
	v1 =	vld [tilespmem:s18+$0x1B80];
	[tilespmem:s15+$0x1980] =	vst v2;
	s15 =	smov.u32 s18  }
0xd4: {  	v2 =	vld [tilespmem:s15+$0x1980];
	_ =	sdelay $0x4  }
0xd5: {  	v1 =	vadd.f32 v1, v2;
	_ =	sdelay $0x1  }
0xd6: {  	s18 =	rddreg [dreg:$0x1f];
	[tilespmem:s15+$0x1980] =	vst v1  }
0xd7: {  	[spmem:s18] =	stream.linear.scatter [tilespmem:s0], [sflag:$0x2], $0x200, $0x38;
	[tilespmem:$0x1FF80] =	vst v63  }
0xd8: {  	_ =	swait.ge [sflag:s24], $0x200  }
0xd9: {  	[sflag:s24] =	ssyncset.done $0x0  }
0xda: {  	s19 =	rddreg [dreg:$0xe];
	[sflag:s24] =	ssyncadd.s32 $0xFFFFFE00  }
0xdb: {  	[tilespmem:s0], [sflag:$0x2] =	stream.strided.gather [hbm4b:s19+s23], $0x200, s4, s23, $0x38;
	[tilespmem:$0x1FF80] =	vst v63  }
0xdc: {  	_ =	swait.ge [sflag:s24], $0x200  }
0xdd: {  	[sflag:s24] =	ssyncset.done $0x0  }
0xde: {  	s20 =	rddreg [dreg:$0xf];
	[sflag:s24] =	ssyncadd.s32 $0xFFFFFE00  }
0xdf: {  	[tilespmem:s5], [sflag:$0x2] =	stream.strided.gather [hbm4b:s20+s23], $0x200, s4, s23, $0x38;
	[tilespmem:$0x1FF80] =	vst v63  }
0xe0: {  	_ =	swait.ge [sflag:s24], $0x200  }
0xe1: {  	[sflag:s24] =	ssyncset.done $0x0  }
0xe2: {  	s15 =	simm.s32 $0x0;
	[sflag:s24] =	ssyncadd.s32 $0xFFFFFE00  }
0xe3: {  	s17 =	simm.s32 $0x40;
	v1 =	vld [tilespmem:s15+$0x1B80]  }
.LBB2_30:
0xe4: {  	p2 =	sne.s32 s17, $0x7C0;
	v2 =	vld [tilespmem:s15+$0x1980];
	_ =	sdelay $0x2  }
.Ltmp22:
0xe5: {  	(pc) =	sbr.rel @p2 .LBB2_30-.Ltmp22, $4  }
0xe6: {  	_ = 	snop  }
0xe7: {  	v2 =	vadd.f32 v1, v2  }
0xe8: {  	s18 =	sshra.s32 s17, $0x2  }
0xe9: {  	s17 =	sadd.s32 $0x40, s17;
	v1 =	vld [tilespmem:s18+$0x1B80];
	[tilespmem:s15+$0x1980] =	vst v2;
	s15 =	smov.u32 s18  }
0xea: {  	v2 =	vld [tilespmem:s15+$0x1980];
	_ =	sdelay $0x4  }
0xeb: {  	s20 =	sld [smem:$0x7F1];
	v1 =	vadd.f32 v1, v2;
	_ =	sdelay $0x1  }
0xec: {  	[tilespmem:s15+$0x1980] =	vst v1  }
0xed: {  	[spmem:s20] =	stream.linear.scatter [tilespmem:s0], [sflag:$0x2], $0x200, $0x38;
	[tilespmem:$0x1FF80] =	vst v63  }
0xee: {  	_ =	swait.ge [sflag:s24], $0x200  }
0xef: {  	[sflag:s24] =	ssyncset.done $0x0  }
0xf0: {  	s17 =	simm.s32 $0xFFFF0200;
	s15 =	simm.s32 $0xFFFFC000;
	[sflag:s24] =	ssyncadd.s32 $0xFFFFFE00  }
.LBB2_32:
0xf1: {  	p2 =	sne.s32 s17, $0xFFFFFE00;
	[tilespmem:s15+$0xA1F0] =	vst v0;
	s18 =	smov.u32 s17;
	s17 =	sadd.s32 $0x200, s17  }
.Ltmp23:
0xf2: {  	[tilespmem:s15+$0xA1E0] =	vst v0;
	(pc) =	sbr.rel @p2 .LBB2_32-.Ltmp23, $3  }
0xf3: {  	[tilespmem:s15+$0xA1C0] =	vst v0  }
0xf4: {  	[tilespmem:s15+$0xA1D0] =	vst v0;
	_ =	sdelay $0x1  }
0xf5: {  	s15 =	sshra.s32 s18, $0x2  }
0xf6: {  	[tilespmem:s15+$0xA1F0] =	vst v0  }
0xf7: {  	[tilespmem:s15+$0xA1E0] =	vst v0  }
0xf8: {  	[tilespmem:s15+$0xA1C0] =	vst v0  }
0xf9: {  	[tilespmem:s15+$0xA1D0] =	vst v0  }
0xfa: {  	s15 =	simm.s32 $0x0;
	[bflag:$0x0] =	sbarrier.arrive $0xFFFF  }
.LBB2_34:
0xfb: {  	s17 =	sadd.s32 s21, s15  }
0xfc: {  	s17 =	sshll.u32 s17, $0x4  }
0xfd: {  	s18 =	sadd.s32 s26, s17  }
0xfe: {  	[tilespmem:s23], [sflag:$0x2] =	stream.linear.gather [hbm4b:s18+s31], $0x80, $0x38;
	[tilespmem:$0x1FF80] =	vst v63  }
0xff: {  	_ =	swait.ge [sflag:s24], $0x80  }
0x100: {  	[sflag:s24] =	ssyncset.done $0x0  }
0x101: {  	s17 =	sadd.s32 s28, s17;
	[sflag:s24] =	ssyncadd.s32 $0xFFFFFF80  }
0x102: {  	[tilespmem:s4], [sflag:$0x2] =	stream.linear.gather [hbm4b:s17+s31], $0x80, $0x38;
	[tilespmem:$0x1FF80] =	vst v63  }
0x103: {  	_ =	swait.ge [sflag:s24], $0x80  }
0x104: {  	[sflag:s24] =	ssyncset.done $0x0  }
0x105: {  	[sflag:s24] =	ssyncadd.s32 $0xFFFFFF80  }
0x106: {  	[tilespmem:s6], [sflag:$0x1] =	stream.indirect.gather [hbm4b:s25+s23], $0x80, s23, s23, $0xb8;
	[tilespmem:$0x1FF80] =	vst v63  }
0x107: {  	_ =	swait.ge [sflag:s7], $0x4000  }
0x108: {  	[sflag:s7] =	ssyncset.done $0x0  }
0x109: {  	[sflag:s7] =	ssyncadd.s32 $0xFFFFC000  }
0x10a: {  	v1 =	vld [tilespmem:$0x80]  }
0x10b: {  	v2 =	vld [tilespmem:$0x100];
	_ =	sdelay $0x3  }
0x10c: {  	[tilespmem:$0x180] =	vst v1  }
0x10d: {  	v3 =	vadd.s32 $0xA000, v2;
	[tilespmem:$0x1180] =	vst v2  }
0x10e: {  	[tilespmem:$0x380] =	vst v3;
	v3 =	vadd.s32 $0x2800, v1  }
0x10f: {  	[tilespmem:$0x200] =	vst v3;
	v3 =	vadd.s32 $0xC800, v2  }
0x110: {  	v4 =	vld [tilespmem:$0x90];
	[tilespmem:$0x400] =	vst v3;
	v3 =	vadd.s32 $0x2800, v2  }
0x111: {  	v52 =	vld [tilespmem:$0xB0];
	[tilespmem:$0x1200] =	vst v3;
	v3 =	vadd.s32 $0x5000, v1  }
0x112: {  	[tilespmem:$0x280] =	vst v3;
	v3 =	vadd.s32 $0xF000, v2  }
0x113: {  	[tilespmem:$0x480] =	vst v3;
	v3 =	vadd.s32 $0x5000, v2  }
0x114: {  	[tilespmem:$0x1280] =	vst v3;
	v3 =	vld [tilespmem:$0x110]  }
0x115: {  	[tilespmem:$0x190] =	vst v4  }
0x116: {  	[tilespmem:$0x1B0] =	vst v52;
	v1 =	vadd.s32 $0x7800, v1  }
0x117: {  	[tilespmem:$0x300] =	vst v1;
	v1 =	vadd.s32 $0x11800, v2  }
0x118: {  	[tilespmem:$0x500] =	vst v1;
	v1 =	vadd.s32 $0x7800, v2  }
0x119: {  	[tilespmem:$0x1300] =	vst v1;
	v1 =	vadd.s32 $0xA000, v3  }
0x11a: {  	[tilespmem:$0x390] =	vst v1;
	v1 =	vadd.s32 $0x2800, v4  }
0x11b: {  	[tilespmem:$0x210] =	vst v1;
	v1 =	vadd.s32 $0xC800, v3  }
0x11c: {  	v54 =	vld [tilespmem:$0xD0];
	[tilespmem:$0x410] =	vst v1;
	v1 =	vadd.s32 $0x2800, v3  }
0x11d: {  	v56 =	vld [tilespmem:$0xF0];
	[tilespmem:$0x1210] =	vst v1;
	v1 =	vadd.s32 $0x5000, v4  }
0x11e: {  	v2 =	vld [tilespmem:$0xA0];
	[tilespmem:$0x290] =	vst v1;
	v1 =	vadd.s32 $0xF000, v3  }
0x11f: {  	[tilespmem:$0x490] =	vst v1;
	v1 =	vadd.s32 $0x5000, v3  }
0x120: {  	[tilespmem:$0x1290] =	vst v1;
	v1 =	vld [tilespmem:$0x120]  }
0x121: {  	[tilespmem:$0x1D0] =	vst v54  }
0x122: {  	[tilespmem:$0x1F0] =	vst v56  }
0x123: {  	[tilespmem:$0x1A0] =	vst v2  }
0x124: {  	[tilespmem:$0x1190] =	vst v3;
	v51 =	vadd.s32 $0x11800, v3;
	v3 =	vadd.s32 $0x7800, v3  }
0x125: {  	[tilespmem:$0x1310] =	vst v3;
	v3 =	vadd.s32 $0xA000, v1  }
0x126: {  	[tilespmem:$0x3A0] =	vst v3;
	v3 =	vadd.s32 $0x2800, v2  }
0x127: {  	[tilespmem:$0x220] =	vst v3;
	v3 =	vadd.s32 $0xC800, v1  }
0x128: {  	[tilespmem:$0x420] =	vst v3;
	v3 =	vadd.s32 $0x2800, v1  }
0x129: {  	[tilespmem:$0x1220] =	vst v3;
	v3 =	vadd.s32 $0x5000, v2  }
0x12a: {  	[tilespmem:$0x2A0] =	vst v3;
	v3 =	vadd.s32 $0xF000, v1  }
0x12b: {  	[tilespmem:$0x4A0] =	vst v3;
	v3 =	vadd.s32 $0x5000, v1  }
0x12c: {  	[tilespmem:$0x12A0] =	vst v3;
	v3 =	vld [tilespmem:$0x130]  }
0x12d: {  	[tilespmem:$0x510] =	vst v51;
	v4 =	vadd.s32 $0x7800, v4  }
0x12e: {  	[tilespmem:$0x310] =	vst v4  }
0x12f: {  	[tilespmem:$0x11A0] =	vst v1;
	v2 =	vadd.s32 $0x7800, v2  }
0x130: {  	[tilespmem:$0x320] =	vst v2;
	v2 =	vadd.s32 $0x11800, v1;
	v1 =	vadd.s32 $0x7800, v1  }
0x131: {  	[tilespmem:$0x1320] =	vst v1;
	v1 =	vadd.s32 $0xA000, v3  }
0x132: {  	[tilespmem:$0x3B0] =	vst v1;
	v1 =	vadd.s32 $0x2800, v52  }
0x133: {  	[tilespmem:$0x230] =	vst v1;
	v1 =	vadd.s32 $0xC800, v3  }
0x134: {  	[tilespmem:$0x430] =	vst v1;
	v1 =	vadd.s32 $0x2800, v3  }
0x135: {  	[tilespmem:$0x1230] =	vst v1;
	v1 =	vadd.s32 $0x5000, v52  }
0x136: {  	[tilespmem:$0x2B0] =	vst v1;
	v1 =	vadd.s32 $0xF000, v3  }
0x137: {  	[tilespmem:$0x4B0] =	vst v1;
	v1 =	vadd.s32 $0x5000, v3  }
0x138: {  	[tilespmem:$0x12B0] =	vst v1;
	v1 =	vld [tilespmem:$0x140]  }
0x139: {  	v4 =	vadd.s32 $0x7800, v52;
	[tilespmem:$0x520] =	vst v2;
	v2 =	vld [tilespmem:$0xC0]  }
0x13a: {  	[tilespmem:$0x330] =	vst v4;
	v4 =	vadd.s32 $0x7800, v54  }
0x13b: {  	[tilespmem:$0x350] =	vst v4  }
0x13c: {  	[tilespmem:$0x11B0] =	vst v3;
	v53 =	vadd.s32 $0x11800, v3;
	v3 =	vadd.s32 $0x7800, v3  }
0x13d: {  	[tilespmem:$0x1330] =	vst v3;
	v3 =	vadd.s32 $0xA000, v1  }
0x13e: {  	[tilespmem:$0x3C0] =	vst v3;
	v3 =	vadd.s32 $0x2800, v2  }
0x13f: {  	[tilespmem:$0x240] =	vst v3;
	v3 =	vadd.s32 $0xC800, v1  }
0x140: {  	[tilespmem:$0x440] =	vst v3;
	v3 =	vadd.s32 $0x2800, v1  }
0x141: {  	[tilespmem:$0x1240] =	vst v3;
	v3 =	vadd.s32 $0x5000, v2  }
0x142: {  	[tilespmem:$0x2C0] =	vst v3;
	v3 =	vadd.s32 $0xF000, v1  }
0x143: {  	[tilespmem:$0x4C0] =	vst v3;
	v3 =	vadd.s32 $0x5000, v1  }
0x144: {  	[tilespmem:$0x12C0] =	vst v3;
	v3 =	vld [tilespmem:$0x150]  }
0x145: {  	[tilespmem:$0x1C0] =	vst v2  }
0x146: {  	[tilespmem:$0x11C0] =	vst v1;
	v2 =	vadd.s32 $0x7800, v2  }
0x147: {  	[tilespmem:$0x340] =	vst v2;
	v2 =	vadd.s32 $0x11800, v1  }
0x148: {  	[tilespmem:$0x540] =	vst v2;
	v1 =	vadd.s32 $0x7800, v1  }
0x149: {  	[tilespmem:$0x1340] =	vst v1;
	v1 =	vadd.s32 $0xA000, v3  }
0x14a: {  	[tilespmem:$0x3D0] =	vst v1;
	v1 =	vadd.s32 $0x2800, v54  }
0x14b: {  	[tilespmem:$0x250] =	vst v1;
	v1 =	vadd.s32 $0xC800, v3  }
0x14c: {  	[tilespmem:$0x450] =	vst v1;
	v1 =	vadd.s32 $0x2800, v3  }
0x14d: {  	v2 =	vld [tilespmem:$0xE0];
	[tilespmem:$0x1250] =	vst v1;
	v1 =	vadd.s32 $0x5000, v54  }
0x14e: {  	[tilespmem:$0x2D0] =	vst v1;
	v1 =	vadd.s32 $0xF000, v3  }
0x14f: {  	[tilespmem:$0x4D0] =	vst v1;
	v1 =	vadd.s32 $0x5000, v3  }
0x150: {  	[tilespmem:$0x12D0] =	vst v1;
	v1 =	vld [tilespmem:$0x160]  }
0x151: {  	[tilespmem:$0x530] =	vst v53  }
0x152: {  	[tilespmem:$0x1E0] =	vst v2  }
0x153: {  	[tilespmem:$0x11D0] =	vst v3;
	v55 =	vadd.s32 $0x11800, v3  }
0x154: {  	[tilespmem:$0x550] =	vst v55;
	v3 =	vadd.s32 $0x7800, v3  }
0x155: {  	[tilespmem:$0x1350] =	vst v3;
	v3 =	vadd.s32 $0xA000, v1  }
0x156: {  	[tilespmem:$0x3E0] =	vst v3;
	v3 =	vadd.s32 $0x2800, v2  }
0x157: {  	[tilespmem:$0x260] =	vst v3;
	v3 =	vadd.s32 $0xC800, v1  }
0x158: {  	[tilespmem:$0x460] =	vst v3;
	v3 =	vadd.s32 $0x2800, v1  }
0x159: {  	[tilespmem:$0x1260] =	vst v3;
	v3 =	vadd.s32 $0x5000, v2  }
0x15a: {  	[tilespmem:$0x2E0] =	vst v3;
	v3 =	vadd.s32 $0xF000, v1  }
0x15b: {  	[tilespmem:$0x4E0] =	vst v3;
	v3 =	vadd.s32 $0x5000, v1  }
0x15c: {  	[tilespmem:$0x12E0] =	vst v3;
	v3 =	vld [tilespmem:$0x170]  }
0x15d: {  	[tilespmem:$0x11E0] =	vst v1;
	v2 =	vadd.s32 $0x7800, v2  }
0x15e: {  	[tilespmem:$0x360] =	vst v2;
	v2 =	vadd.s32 $0x11800, v1  }
0x15f: {  	[tilespmem:$0x560] =	vst v2;
	v1 =	vadd.s32 $0x7800, v1  }
0x160: {  	[tilespmem:$0x1360] =	vst v1  }
0x161: {  	v1 =	vadd.s32 $0xA000, v3;
	[tilespmem:$0x11F0] =	vst v3  }
0x162: {  	[tilespmem:$0x3F0] =	vst v1;
	v1 =	vadd.s32 $0x2800, v56  }
0x163: {  	[tilespmem:$0x270] =	vst v1;
	v1 =	vadd.s32 $0xC800, v3  }
0x164: {  	[tilespmem:$0x470] =	vst v1;
	v1 =	vadd.s32 $0x2800, v3  }
0x165: {  	[tilespmem:$0x1270] =	vst v1;
	v1 =	vadd.s32 $0x5000, v56  }
0x166: {  	[tilespmem:$0x2F0] =	vst v1;
	v1 =	vadd.s32 $0xF000, v3  }
0x167: {  	[tilespmem:$0x4F0] =	vst v1;
	v1 =	vadd.s32 $0x5000, v3  }
0x168: {  	[tilespmem:$0x12F0] =	vst v1;
	v1 =	vadd.s32 $0x7800, v56  }
0x169: {  	[tilespmem:$0x370] =	vst v1;
	v1 =	vadd.s32 $0x11800, v3  }
0x16a: {  	[tilespmem:$0x570] =	vst v1;
	v1 =	vadd.s32 $0x7800, v3  }
0x16b: {  	[tilespmem:$0x1370] =	vst v1  }
0x16c: {  	[tilespmem:s10], [sflag:$0x1] =	stream.indirect.gather [spmem:s2], $0x1, s9, s8, $0xb8;
	[tilespmem:$0x1FF80] =	vst v63  }
0x16d: {  	_ =	swait.ge [sflag:s7], $0x800  }
0x16e: {  	[sflag:s7] =	ssyncset.done $0x0  }
0x16f: {  	[sflag:s7] =	ssyncadd.s32 $0xFFFFF800  }
0x170: {  	[tilespmem:s13], [sflag:$0x1] =	stream.indirect.gather [spmem:s3], $0x1, s12, s11, $0xb8;
	[tilespmem:$0x1FF80] =	vst v63  }
0x171: {  	_ =	swait.ge [sflag:s7], $0x400  }
0x172: {  	[sflag:s7] =	ssyncset.done $0x0  }
0x173: {  	s17 =	simm.s32 $0x0;
	[sflag:s7] =	ssyncadd.s32 $0xFFFFFC00  }
0x174: {  	v1 =	vld [tilespmem:s17+$0x980]  }
0x175: {  	v2 =	vld [tilespmem:s17+$0xB80];
	_ =	sdelay $0x4  }
0x176: {  	v1 =	vadd.f32 v2, v1;
	v2 =	vld [tilespmem:$0x0]  }
0x177: {  	v3 =	vld [tilespmem:s17+$0x1580]  }
0x178: {  	v57 =	vmul.f32 $2.000000030e-01, v1  }
0x179: {  	vm0 =	vge.f32 v1, $0.0e+00  }
0x17a: {  	v1 =	vsel vm0, v1, v57  }
0x17b: {  	v1 =	vsub.f32 v1, v2  }
0x17c: {  	v2 =	vadd.f32 $1.000000020e-16, v3  }
0x17d: {  	v1 =	vmul.f32 $1.442695020e+00, v1  }
0x17e: {  	(erf) = vrcp.f32 v2  }
0x17f: {  	(erf) = vpow2.f32 v1;
	_ =	sdelay $0x6  }
0x180: {  	v2 =	vld [tilespmem:s17+$0xC00]  }
0x181: {  	v1 =	vld [tilespmem:s17+$0xA00];
	v3 =	vpop (erf)  }
0x182: {  	v58 =	vpop (erf)  }
0x183: {  	v3 =	vmul.f32 v58, v3;
	_ =	sdelay $0x1  }
0x184: {  	[tilespmem:s17+$0x1D80] =	vst v3  }
0x185: {  	v1 =	vadd.f32 v2, v1;
	v2 =	vld [tilespmem:$0x10]  }
0x186: {  	v3 =	vld [tilespmem:s17+$0x1600]  }
0x187: {  	v59 =	vmul.f32 $2.000000030e-01, v1  }
0x188: {  	vm13 =	vge.f32 v1, $0.0e+00  }
0x189: {  	v1 =	vsel vm13, v1, v59  }
0x18a: {  	v1 =	vsub.f32 v1, v2  }
0x18b: {  	v2 =	vadd.f32 $1.000000020e-16, v3  }
0x18c: {  	v1 =	vmul.f32 $1.442695020e+00, v1  }
0x18d: {  	(erf) = vrcp.f32 v2  }
0x18e: {  	(erf) = vpow2.f32 v1;
	_ =	sdelay $0x6  }
0x18f: {  	v2 =	vld [tilespmem:s17+$0xC80]  }
0x190: {  	v1 =	vld [tilespmem:s17+$0xA80];
	v3 =	vpop (erf)  }
0x191: {  	v60 =	vpop (erf)  }
0x192: {  	v3 =	vmul.f32 v60, v3;
	_ =	sdelay $0x1  }
0x193: {  	[tilespmem:s17+$0x1E80] =	vst v3  }
0x194: {  	v1 =	vadd.f32 v2, v1;
	v2 =	vld [tilespmem:$0x20]  }
0x195: {  	v3 =	vld [tilespmem:s17+$0x1680]  }
0x196: {  	v61 =	vmul.f32 $2.000000030e-01, v1  }
0x197: {  	vm14 =	vge.f32 v1, $0.0e+00  }
0x198: {  	v1 =	vsel vm14, v1, v61  }
0x199: {  	v1 =	vsub.f32 v1, v2  }
0x19a: {  	v2 =	vadd.f32 $1.000000020e-16, v3  }
0x19b: {  	v1 =	vmul.f32 $1.442695020e+00, v1  }
0x19c: {  	(erf) = vrcp.f32 v2  }
0x19d: {  	(erf) = vpow2.f32 v1;
	_ =	sdelay $0x6  }
0x19e: {  	v2 =	vld [tilespmem:s17+$0xD00]  }
0x19f: {  	v1 =	vld [tilespmem:s17+$0xB00];
	v3 =	vpop (erf)  }
0x1a0: {  	v62 =	vpop (erf)  }
0x1a1: {  	v3 =	vmul.f32 v62, v3;
	_ =	sdelay $0x1  }
0x1a2: {  	[tilespmem:s17+$0x1F80] =	vst v3  }
0x1a3: {  	v1 =	vadd.f32 v2, v1;
	v2 =	vld [tilespmem:$0x30]  }
0x1a4: {  	v3 =	vld [tilespmem:s17+$0x1700]  }
0x1a5: {  	v63 =	vmul.f32 $2.000000030e-01, v1  }
0x1a6: {  	vm15 =	vge.f32 v1, $0.0e+00  }
0x1a7: {  	v1 =	vsel vm15, v1, v63  }
0x1a8: {  	v1 =	vsub.f32 v1, v2  }
0x1a9: {  	v2 =	vadd.f32 $1.000000020e-16, v3  }
0x1aa: {  	v1 =	vmul.f32 $1.442695020e+00, v1  }
0x1ab: {  	(erf) = vrcp.f32 v2  }
0x1ac: {  	(erf) = vpow2.f32 v1;
	_ =	sdelay $0x5  }
0x1ad: {  	s19 =	simm.s32 $0x10  }
0x1ae: {  	s18 =	simm.s32 $0x80;
	v1 =	vld [tilespmem:s19+$0x980]  }
.LBB2_35:
0x1af: {  	p2 =	sne.s32 s18, $0x1C0;
	v2 =	vld [tilespmem:s19+$0xB80];
	v3 =	vpop (erf)  }
0x1b0: {  	v4 =	vpop (erf)  }
0x1b1: {  	v3 =	vmul.f32 v4, v3;
	_ =	sdelay $0x1  }
0x1b2: {  	[tilespmem:s17+$0x2080] =	vst v3;
	s17 =	smov.u32 s19  }
0x1b3: {  	v1 =	vadd.f32 v2, v1;
	v2 =	vld [tilespmem:$0x0]  }
0x1b4: {  	v3 =	vld [tilespmem:s17+$0x1580]  }
0x1b5: {  	v4 =	vmul.f32 $2.000000030e-01, v1  }
0x1b6: {  	vm0 =	vge.f32 v1, $0.0e+00  }
0x1b7: {  	v1 =	vsel vm0, v1, v4  }
0x1b8: {  	v1 =	vsub.f32 v1, v2  }
0x1b9: {  	v2 =	vadd.f32 $1.000000020e-16, v3  }
0x1ba: {  	v1 =	vmul.f32 $1.442695020e+00, v1  }
0x1bb: {  	(erf) = vrcp.f32 v2  }
0x1bc: {  	(erf) = vpow2.f32 v1;
	_ =	sdelay $0x6  }
0x1bd: {  	v1 =	vld [tilespmem:s17+$0xA00]  }
0x1be: {  	v2 =	vld [tilespmem:s17+$0xC00];
	v3 =	vpop (erf)  }
0x1bf: {  	v4 =	vpop (erf)  }
0x1c0: {  	v3 =	vmul.f32 v4, v3;
	_ =	sdelay $0x1  }
0x1c1: {  	[tilespmem:s17+$0x1D80] =	vst v3  }
0x1c2: {  	v1 =	vadd.f32 v2, v1;
	v2 =	vld [tilespmem:$0x10]  }
0x1c3: {  	v3 =	vld [tilespmem:s17+$0x1600]  }
0x1c4: {  	v4 =	vmul.f32 $2.000000030e-01, v1  }
0x1c5: {  	vm0 =	vge.f32 v1, $0.0e+00  }
0x1c6: {  	v1 =	vsel vm0, v1, v4  }
0x1c7: {  	v1 =	vsub.f32 v1, v2  }
0x1c8: {  	v2 =	vadd.f32 $1.000000020e-16, v3  }
0x1c9: {  	v1 =	vmul.f32 $1.442695020e+00, v1  }
0x1ca: {  	(erf) = vrcp.f32 v2  }
0x1cb: {  	(erf) = vpow2.f32 v1;
	_ =	sdelay $0x6  }
0x1cc: {  	v1 =	vld [tilespmem:s17+$0xA80]  }
0x1cd: {  	v2 =	vld [tilespmem:s17+$0xC80];
	v3 =	vpop (erf)  }
0x1ce: {  	v4 =	vpop (erf)  }
0x1cf: {  	v3 =	vmul.f32 v4, v3;
	_ =	sdelay $0x1  }
0x1d0: {  	[tilespmem:s17+$0x1E80] =	vst v3  }
0x1d1: {  	v1 =	vadd.f32 v2, v1;
	v2 =	vld [tilespmem:$0x20]  }
0x1d2: {  	v3 =	vld [tilespmem:s17+$0x1680]  }
0x1d3: {  	v4 =	vmul.f32 $2.000000030e-01, v1  }
0x1d4: {  	vm0 =	vge.f32 v1, $0.0e+00  }
0x1d5: {  	v1 =	vsel vm0, v1, v4  }
0x1d6: {  	v1 =	vsub.f32 v1, v2  }
0x1d7: {  	v2 =	vadd.f32 $1.000000020e-16, v3  }
0x1d8: {  	v1 =	vmul.f32 $1.442695020e+00, v1  }
0x1d9: {  	(erf) = vrcp.f32 v2  }
0x1da: {  	(erf) = vpow2.f32 v1;
	_ =	sdelay $0x6  }
0x1db: {  	v1 =	vld [tilespmem:s17+$0xB00]  }
0x1dc: {  	v2 =	vld [tilespmem:s17+$0xD00];
	v3 =	vpop (erf)  }
0x1dd: {  	v4 =	vpop (erf)  }
0x1de: {  	v3 =	vmul.f32 v4, v3;
	_ =	sdelay $0x1  }
0x1df: {  	[tilespmem:s17+$0x1F80] =	vst v3  }
0x1e0: {  	v1 =	vadd.f32 v2, v1;
	v2 =	vld [tilespmem:$0x30]  }
0x1e1: {  	v3 =	vld [tilespmem:s17+$0x1700]  }
0x1e2: {  	v4 =	vmul.f32 $2.000000030e-01, v1  }
0x1e3: {  	vm0 =	vge.f32 v1, $0.0e+00  }
0x1e4: {  	v1 =	vsel vm0, v1, v4  }
0x1e5: {  	v1 =	vsub.f32 v1, v2  }
0x1e6: {  	v2 =	vadd.f32 $1.000000020e-16, v3  }
0x1e7: {  	v1 =	vmul.f32 $1.442695020e+00, v1  }
0x1e8: {  	(erf) = vrcp.f32 v2  }
0x1e9: {  	(erf) = vpow2.f32 v1;
	_ =	sdelay $0x2  }
.Ltmp24:
0x1ea: {  	(pc) =	sbr.rel @p2 .LBB2_35-.Ltmp24, $3  }
0x1eb: {  	_ =	sdelay $0x1  }
0x1ec: {  	s19 =	sshra.s32 s18, $0x2  }
0x1ed: {  	s18 =	sadd.s32 $0x40, s18;
	v1 =	vld [tilespmem:s19+$0x980]  }
0x1ee: {  	v2 =	vld [tilespmem:s19+$0xB80];
	v3 =	vpop (erf)  }
0x1ef: {  	v4 =	vpop (erf)  }
0x1f0: {  	v3 =	vmul.f32 v4, v3;
	_ =	sdelay $0x1  }
0x1f1: {  	[tilespmem:s17+$0x2080] =	vst v3  }
0x1f2: {  	v1 =	vadd.f32 v2, v1;
	v2 =	vld [tilespmem:$0x0]  }
0x1f3: {  	v3 =	vld [tilespmem:s19+$0x1580]  }
0x1f4: {  	v57 =	vmul.f32 $2.000000030e-01, v1  }
0x1f5: {  	vm0 =	vge.f32 v1, $0.0e+00  }
0x1f6: {  	v1 =	vsel vm0, v1, v57  }
0x1f7: {  	v1 =	vsub.f32 v1, v2  }
0x1f8: {  	v2 =	vadd.f32 $1.000000020e-16, v3  }
0x1f9: {  	v1 =	vmul.f32 $1.442695020e+00, v1  }
0x1fa: {  	(erf) = vrcp.f32 v2  }
0x1fb: {  	(erf) = vpow2.f32 v1;
	_ =	sdelay $0x6  }
0x1fc: {  	v2 =	vld [tilespmem:s19+$0xC00]  }
0x1fd: {  	v1 =	vld [tilespmem:s19+$0xA00];
	v3 =	vpop (erf)  }
0x1fe: {  	v58 =	vpop (erf)  }
0x1ff: {  	v3 =	vmul.f32 v58, v3;
	_ =	sdelay $0x1  }
0x200: {  	[tilespmem:s19+$0x1D80] =	vst v3  }
0x201: {  	v1 =	vadd.f32 v2, v1;
	v2 =	vld [tilespmem:$0x10]  }
0x202: {  	v3 =	vld [tilespmem:s19+$0x1600]  }
0x203: {  	v59 =	vmul.f32 $2.000000030e-01, v1  }
0x204: {  	vm13 =	vge.f32 v1, $0.0e+00  }
0x205: {  	v1 =	vsel vm13, v1, v59  }
0x206: {  	v1 =	vsub.f32 v1, v2  }
0x207: {  	v2 =	vadd.f32 $1.000000020e-16, v3  }
0x208: {  	v1 =	vmul.f32 $1.442695020e+00, v1  }
0x209: {  	(erf) = vrcp.f32 v2  }
0x20a: {  	(erf) = vpow2.f32 v1;
	_ =	sdelay $0x6  }
0x20b: {  	v2 =	vld [tilespmem:s19+$0xC80]  }
0x20c: {  	v1 =	vld [tilespmem:s19+$0xA80];
	v3 =	vpop (erf)  }
0x20d: {  	v60 =	vpop (erf)  }
0x20e: {  	v3 =	vmul.f32 v60, v3;
	_ =	sdelay $0x1  }
0x20f: {  	[tilespmem:s19+$0x1E80] =	vst v3  }
0x210: {  	v1 =	vadd.f32 v2, v1;
	v2 =	vld [tilespmem:$0x20]  }
0x211: {  	v3 =	vld [tilespmem:s19+$0x1680]  }
0x212: {  	v61 =	vmul.f32 $2.000000030e-01, v1  }
0x213: {  	vm14 =	vge.f32 v1, $0.0e+00  }
0x214: {  	v1 =	vsel vm14, v1, v61  }
0x215: {  	v1 =	vsub.f32 v1, v2  }
0x216: {  	v2 =	vadd.f32 $1.000000020e-16, v3  }
0x217: {  	v1 =	vmul.f32 $1.442695020e+00, v1  }
0x218: {  	(erf) = vrcp.f32 v2  }
0x219: {  	(erf) = vpow2.f32 v1;
	_ =	sdelay $0x6  }
0x21a: {  	v2 =	vld [tilespmem:s19+$0xD00]  }
0x21b: {  	v1 =	vld [tilespmem:s19+$0xB00];
	v3 =	vpop (erf)  }
0x21c: {  	v62 =	vpop (erf)  }
0x21d: {  	v3 =	vmul.f32 v62, v3;
	_ =	sdelay $0x1  }
0x21e: {  	[tilespmem:s19+$0x1F80] =	vst v3  }
0x21f: {  	v1 =	vadd.f32 v2, v1;
	v2 =	vld [tilespmem:$0x30]  }
0x220: {  	v3 =	vld [tilespmem:s19+$0x1700]  }
0x221: {  	v63 =	vmul.f32 $2.000000030e-01, v1  }
0x222: {  	vm15 =	vge.f32 v1, $0.0e+00  }
0x223: {  	v1 =	vsel vm15, v1, v63  }
0x224: {  	v1 =	vsub.f32 v1, v2  }
0x225: {  	v2 =	vadd.f32 $1.000000020e-16, v3  }
0x226: {  	v1 =	vmul.f32 $1.442695020e+00, v1  }
0x227: {  	(erf) = vrcp.f32 v2  }
0x228: {  	(erf) = vpow2.f32 v1;
	_ =	sdelay $0x7  }
0x229: {  	v1 =	vpop (erf)  }
0x22a: {  	v2 =	vpop (erf)  }
0x22b: {  	v1 =	vmul.f32 v2, v1;
	_ =	sdelay $0x1  }
0x22c: {  	s20 =	simm.s32 $0x0;
	[tilespmem:s19+$0x2080] =	vst v1  }
0x22d: {  	s17 =	simm.s32 $0x21A0;
	v1 =	vld.msk [tilespmem:s20+$0x1D80 ss:$0x0], $0xffff  }
0x22e: {  	v2 =	vld [tilespmem:s17+$0xFFFFFFE0];
	_ =	sdelay $0x4  }
0x22f: {  	v1 =	vmul.f32 v1, v2  }
0x230: {  	s18 =	simm.s32 $0x61A0  }
0x231: {  	[tilespmem:s18+$0xFFFFFFE0] =	vst v1  }
0x232: {  	v1 =	vld.msk [tilespmem:s20+$0x1E80 ss:$0x0], $0xffff  }
0x233: {  	v2 =	vld [tilespmem:s17+$0xFFFFFFF0];
	_ =	sdelay $0x4  }
0x234: {  	v1 =	vmul.f32 v1, v2;
	_ =	sdelay $0x1  }
0x235: {  	[tilespmem:s18+$0xFFFFFFF0] =	vst v1  }
0x236: {  	v1 =	vld.msk [tilespmem:s20+$0x1F80 ss:$0x0], $0xffff  }
0x237: {  	v2 =	vld [tilespmem:s17+$0x0];
	_ =	sdelay $0x4  }
0x238: {  	v1 =	vmul.f32 v1, v2;
	_ =	sdelay $0x1  }
0x239: {  	[tilespmem:s18+$0x0] =	vst v1  }
0x23a: {  	v1 =	vld.msk [tilespmem:s20+$0x2080 ss:$0x0], $0xffff  }
0x23b: {  	v2 =	vld [tilespmem:s17+$0x10];
	_ =	sdelay $0x4  }
0x23c: {  	v1 =	vmul.f32 v1, v2;
	_ =	sdelay $0x1  }
0x23d: {  	s19 =	simm.s32 $0x1;
	s20 =	simm.s32 $0x8;
	[tilespmem:s18+$0x10] =	vst v1  }
.LBB2_37:
0x23e: {  	p2 =	sne.s32 s20, $0x1FC;
	v1 =	vld.msk [tilespmem:s19+$0x1D80 ss:$0x0], $0xffff;
	s17 =	sadd.s32 $0x80, s17  }
0x23f: {  	v2 =	vld [tilespmem:s17+$0xFFFFFFE0];
	_ =	sdelay $0x4  }
0x240: {  	v1 =	vmul.f32 v1, v2  }
0x241: {  	s18 =	sadd.s32 $0x80, s18  }
0x242: {  	[tilespmem:s18+$0xFFFFFFE0] =	vst v1  }
0x243: {  	v1 =	vld.msk [tilespmem:s19+$0x1E80 ss:$0x0], $0xffff  }
0x244: {  	v2 =	vld [tilespmem:s17+$0xFFFFFFF0];
	_ =	sdelay $0x4  }
0x245: {  	v1 =	vmul.f32 v1, v2;
	_ =	sdelay $0x1  }
0x246: {  	[tilespmem:s18+$0xFFFFFFF0] =	vst v1  }
0x247: {  	v1 =	vld.msk [tilespmem:s19+$0x1F80 ss:$0x0], $0xffff  }
0x248: {  	v2 =	vld [tilespmem:s17+$0x0];
	_ =	sdelay $0x4  }
0x249: {  	v1 =	vmul.f32 v1, v2;
	_ =	sdelay $0x1  }
0x24a: {  	[tilespmem:s18+$0x0] =	vst v1  }
0x24b: {  	v1 =	vld.msk [tilespmem:s19+$0x2080 ss:$0x0], $0xffff  }
0x24c: {  	v2 =	vld [tilespmem:s17+$0x10];
	_ =	sdelay $0x2  }
.Ltmp25:
0x24d: {  	(pc) =	sbr.rel @p2 .LBB2_37-.Ltmp25, $3  }
0x24e: {  	_ = 	snop  }
0x24f: {  	v1 =	vmul.f32 v1, v2;
	_ =	sdelay $0x1  }
0x250: {  	s19 =	sshra.s32 s20, $0x2;
	s20 =	sadd.s32 $0x4, s20;
	[tilespmem:s18+$0x10] =	vst v1  }
0x251: {  	v1 =	vld.msk [tilespmem:s19+$0x1D80 ss:$0x0], $0xffff;
	s17 =	sadd.s32 $0x80, s17  }
0x252: {  	v2 =	vld [tilespmem:s17+$0xFFFFFFE0];
	_ =	sdelay $0x4  }
0x253: {  	v1 =	vmul.f32 v1, v2  }
0x254: {  	s18 =	sadd.s32 $0x80, s18  }
0x255: {  	[tilespmem:s18+$0xFFFFFFE0] =	vst v1  }
0x256: {  	v1 =	vld.msk [tilespmem:s19+$0x1E80 ss:$0x0], $0xffff  }
0x257: {  	v2 =	vld [tilespmem:s17+$0xFFFFFFF0];
	_ =	sdelay $0x4  }
0x258: {  	v1 =	vmul.f32 v1, v2;
	_ =	sdelay $0x1  }
0x259: {  	[tilespmem:s18+$0xFFFFFFF0] =	vst v1  }
0x25a: {  	v1 =	vld.msk [tilespmem:s19+$0x1F80 ss:$0x0], $0xffff  }
0x25b: {  	v2 =	vld [tilespmem:s17+$0x0];
	_ =	sdelay $0x4  }
0x25c: {  	v1 =	vmul.f32 v1, v2;
	_ =	sdelay $0x1  }
0x25d: {  	[tilespmem:s18+$0x0] =	vst v1  }
0x25e: {  	v1 =	vld.msk [tilespmem:s19+$0x2080 ss:$0x0], $0xffff  }
0x25f: {  	v2 =	vld [tilespmem:s17+$0x10];
	_ =	sdelay $0x4  }
0x260: {  	s15 =	sadd.s32 $0x1, s15;
	v1 =	vmul.f32 v1, v2  }
0x261: {  	p2 =	sne.s32 s15, $0x2A  }
.Ltmp26:
0x262: {  	[tilespmem:s18+$0x10] =	vst v1;
	(pc) =	sbr.rel @p2 .LBB2_34-.Ltmp26, $4  }
0x263: {  	[spmem:s1] =	stream.indirect.scatter.add.f32 [tilespmem:s14], [sflag:$0x2], $0x80, s4, s23, $0xb8;
	[tilespmem:$0x1FF80] =	vst v63  }
0x264: {  	_ =	swait.ge [sflag:s24], $0x4000  }
0x265: {  	[sflag:s24] =	ssyncset.done $0x0  }
0x266: {  	[sflag:s24] =	ssyncadd.s32 $0xFFFFC000  }
0x267: {  	s16 =	sadd.s32 $0x1, s16  }
0x268: {  	[bflag:$0x0] =	sbarrier.arrive $0xFFFF;
	p2 =	sne.s32 s16, s22  }
.Ltmp27:
0x269: {  	s15 =	rddreg [dreg:$0x10];
	(pc) =	sbr.rel @p2 .LBB2_1-.Ltmp27, $4  }
0x26a: {  	[hbm:s15], [sflag:s29] =	dma.local [spmem:s30], $0x2800  }
0x26b: {  	_ =	swait.ge [sflag:s24], $0x2800  }
0x26c: {  	[sflag:s24] =	ssyncset.done $0x0  }
0x26d: {  	[sflag:s24] =	ssyncadd.s32 $0xFFFFD800  }
0x26e: {  	_ =	sfence.sel $0x180000  }
0x26f: {  	[bflag:$0x0] =	sbarrier.arrive $0xFFFF  }
0x270: {  	_ =	strace $0x90000050  }
0x271: {  	s0 =	stileid.u32;
	[bflag:$0x2] =	sbarrier.arrive $0xFFFF  }
0x272: {  	p0 =	sne.s32 s0, $0x0;
	s0 =	rddreg [dreg:$0x5]  }
0x273: {  	s0 =	sadd.s32 @!p0 $0x100000, s0  }
0x274: {  	[sflag:s0] =	ssyncadd.tile.s32 @!p0 $0x1;
	_ =	shalt  }
.Lfunc_end2:
_tile_overlayer_lowered:
.L_overlay_start_2:
0x275: {  	(tag) =	ssettag $0x2  }
0x276: {  	s0 =	rddreg [dreg:$0x0];
	s2 =	stileid.u32  }
0x277: {  	s1 =	rddreg [dreg:$0x1];
	p0 =	sne.s32 s2, $0x0  }
0x278: {  	s3 =	rddreg [dreg:$0x2];
	[bflag:$0x3] =	sbarrier.arrive $0xFFFF;
	s2 =	simm.s32 @!p0 $0x1C02  }
0x279: {  	[timem:s3], [sflag:s2] =	dma.local @!p0 [hbm:s0], s1  }
0x27a: {  	s0 =	simm.s32 @!p0 $0x2  }
0x27b: {  	_ =	swait.ge @!p0 [sflag:s0], s1  }
0x27c: {  	s1 =	ssub.s32 @!p0 $0x0, s1;
	[sflag:s0] =	ssyncset.done @!p0 $0x0  }
0x27d: {  	[sflag:s0] =	ssyncadd.s32 @!p0 s1  }
0x27e: {  	[bflag:$0x3] =	sbarrier.arrive $0xFFFF  }
0x27f: {  	_ =	shalt  }

// kernel: kernel.25.cloned.1.call-start
scs
__scs_entry_jumppad:
0x0: {  	(pc) =	sbr.rel $0x88, $3  }
0x1: {  	(tag) =	ssettag $0x0;
	lr =	simm.s32 $0x1  }
0x2: {  	[smem:$0x3F91] =	sst lr;
	_ =	strace $0xD0000000  }
0x3: {  	_ = 	snop  }
0x4: {  	_ = 	snop  }
0x5: {  	_ = 	snop  }
0x6: {  	_ = 	snop  }
0x7: {  	_ = 	snop  }
__scs_overlays_trampoline_lowered:
0x8: {  	[smem:$0x3FA0] =	sst s0  }
0x9: {  	[smem:$0x3FA1] =	sst s1  }
0xa: {  	[smem:$0x3FA2] =	sst s2  }
0xb: {  	[smem:$0x3FA3] =	sst s3  }
0xc: {  	[smem:$0x3FA4] =	sst s4  }
0xd: {  	[smem:$0x3FA5] =	sst s5  }
0xe: {  	[smem:$0x3FA6] =	sst s6  }
0xf: {  	[smem:$0x3FA7] =	sst s7  }
0x10: {  	[smem:$0x3FA8] =	sst s8  }
0x11: {  	[smem:$0x3FA9] =	sst s9;
	s0 =	simm.s32 @!p0 $0x0  }
0x12: {  	s1 =	sld [smem:$0x3F8F];
	s0 =	simm.s32 @p0 $0x1  }
0x13: {  	[smem:$0x3FAA] =	sst s0;
	s0 =	simm.s32 @!p1 $0x0  }
0x14: {  	s2 =	sld [smem:$0x3F8E];
	s0 =	simm.s32 @p1 $0x1  }
0x15: {  	[smem:$0x3FAB] =	sst s0;
	s0 =	simm.s32 @!p2 $0x0  }
0x16: {  	s3 =	sld [smem:$0x3FDB];
	s0 =	simm.s32 @p2 $0x1  }
0x17: {  	s4 =	simm.s32 $0x1BF5;
	[smem:$0x3FAD] =	sst s0  }
0x18: {  	s0 =	sld [smem:$0x3F90];
	_ =	swait.ge [sflag:s4], $0x0  }
0x19: {  	s7 =	sld [smem:$0x3F91]  }
0x1a: {  	s8 =	sadd.s32 $0xFFFFE003, lr  }
0x1b: {  	s9 =	sadd.s32 $0xFFFFFEF7, lr;
	s5 =	simm.s32 $0xFFFFFFFF;
	p2 =	slt.u32 s8, $0xFFFFF086  }
0x1c: {  	p1 =	slt.u32 s9, $0xF7A;
	s5 =	simm.s32 @!p2 $0x0  }
0x1d: {  	s5 =	simm.s32 @p1 $0x1;
	p0 =	seq.s32 s7, s2  }
0x1e: {  	s7 =	smul.u32 @!p0 $0xF7A, s2;
	p2 =	seq.s32 @!p0 s5, $0x0  }
0x1f: {  	s9 =	smul.u32 $0xF7A, s1;
	s8 =	simm.s32 @!p0 $0x1BF5;
	p2 =	por !p2, p0  }
0x20: {  	[sflag:s8] =	ssyncset.s32 @!p0 $0xFFFFF086;
	s6 =	sadd.s32 @!p0 s3, s7;
	s7 =	simm.s32 @!p0 $0x108  }
0x21: {  	s3 =	sadd.s32 s3, s9;
	s6 =	sadd.s32 @!p0 $0x88, s6;
	s7 =	simm.s32 @p2 $0x1082  }
0x22: {  	[simem:s7], [sflag:s8] =	dma.local @!p0 [hbm:s6], $0xF7A  }
0x23: {  	s9 =	sor.u32 $0xD0000000, s2;
	s6 =	simm.s32 $0x108;
	_ =	swait.ge @!p0 [sflag:s8], $0x0  }
0x24: {  	s3 =	sadd.s32 $0x88, s3;
	s6 =	simm.s32 @!p1 $0x1082;
	[sflag:s4] =	ssyncset.s32 $0xFFFFF086  }
0x25: {  	[simem:s6], [sflag:s4] =	dma.local [hbm:s3], $0xF7A  }
0x26: {  	[smem:$0x3F91] =	sst s1;
	(tag) =	ssettag s2;
	_ =	strace s9  }
0x27: {  	s1 =	sld [smem:$0x3FA1]  }
0x28: {  	s2 =	sld [smem:$0x3FA2]  }
0x29: {  	s4 =	sld [smem:$0x3FA4]  }
0x2a: {  	p0 =	seq.s32 s5, $0x0;
	s5 =	sld [smem:$0x3FA5]  }
0x2b: {  	s6 =	sld [smem:$0x3FA6]  }
0x2c: {  	s7 =	sld [smem:$0x3FA7]  }
0x2d: {  	s3 =	simm.s32 $0x108;
	s8 =	sld [smem:$0x3FA8]  }
0x2e: {  	s3 =	simm.s32 @!p0 $0x1082;
	s9 =	sld [smem:$0x3FA9]  }
0x2f: {  	lr =	sadd.s32 s0, s3;
	s0 =	sld [smem:$0x3FA0]  }
0x30: {  	s3 =	sld [smem:$0x3FA3]  }
0x31: {  	[smem:$0x3FAC] =	sst s10  }
0x32: {  	s10 =	sld [smem:$0x3FAA];
	_ =	sdelay $0x3  }
0x33: {  	p0 =	seq.s32 s10, $0x1;
	s10 =	sld [smem:$0x3FAC];
	_ =	sdelay $0x3  }
0x34: {  	[smem:$0x3FAC] =	sst s10  }
0x35: {  	s10 =	sld [smem:$0x3FAB];
	_ =	sdelay $0x3  }
0x36: {  	p1 =	seq.s32 s10, $0x1;
	s10 =	sld [smem:$0x3FAC];
	_ =	sdelay $0x3  }
0x37: {  	[smem:$0x3FAC] =	sst s10  }
0x38: {  	s10 =	sld [smem:$0x3FAD]  }
0x39: {  	_ = 	snop;
	(pc) =	sbr.ind lr, $3  }
0x3a: {  	_ = 	snop  }
0x3b: {  	_ = 	snop  }
0x3c: {  	p2 =	seq.s32 s10, $0x1;
	s10 =	sld [smem:$0x3FAC]  }
0x3d: {  	_ =	shalt  }
0x3e: {  	_ =	shalt  }
0x3f: {  	_ =	shalt  }
0x40: {  	_ =	shalt  }
0x41: {  	_ =	shalt  }
0x42: {  	_ =	shalt  }
0x43: {  	_ =	shalt  }
0x44: {  	_ =	shalt  }
0x45: {  	_ =	shalt  }
0x46: {  	_ =	shalt  }
0x47: {  	_ =	shalt  }
0x48: {  	_ =	shalt  }
0x49: {  	_ =	shalt  }
0x4a: {  	_ =	shalt  }
0x4b: {  	_ =	shalt  }
0x4c: {  	_ =	shalt  }
0x4d: {  	_ =	shalt  }
0x4e: {  	_ =	shalt  }
0x4f: {  	_ =	shalt  }
0x50: {  	_ =	shalt  }
0x51: {  	_ =	shalt  }
0x52: {  	_ =	shalt  }
0x53: {  	_ =	shalt  }
0x54: {  	_ =	shalt  }
0x55: {  	_ =	shalt  }
0x56: {  	_ =	shalt  }
0x57: {  	_ =	shalt  }
0x58: {  	_ =	shalt  }
0x59: {  	_ =	shalt  }
0x5a: {  	_ =	shalt  }
0x5b: {  	_ =	shalt  }
0x5c: {  	_ =	shalt  }
0x5d: {  	_ =	shalt  }
0x5e: {  	_ =	shalt  }
0x5f: {  	_ =	shalt  }
0x60: {  	_ =	shalt  }
0x61: {  	_ =	shalt  }
0x62: {  	_ =	shalt  }
0x63: {  	_ =	shalt  }
0x64: {  	_ =	shalt  }
0x65: {  	_ =	shalt  }
0x66: {  	_ =	shalt  }
0x67: {  	_ =	shalt  }
0x68: {  	_ =	shalt  }
0x69: {  	_ =	shalt  }
0x6a: {  	_ =	shalt  }
0x6b: {  	_ =	shalt  }
0x6c: {  	_ =	shalt  }
0x6d: {  	_ =	shalt  }
0x6e: {  	_ =	shalt  }
0x6f: {  	_ =	shalt  }
0x70: {  	_ =	shalt  }
0x71: {  	_ =	shalt  }
0x72: {  	_ =	shalt  }
0x73: {  	_ =	shalt  }
0x74: {  	_ =	shalt  }
0x75: {  	_ =	shalt  }
0x76: {  	_ =	shalt  }
0x77: {  	_ =	shalt  }
0x78: {  	_ =	shalt  }
0x79: {  	_ =	shalt  }
0x7a: {  	_ =	shalt  }
0x7b: {  	_ =	shalt  }
0x7c: {  	_ =	shalt  }
0x7d: {  	_ =	shalt  }
0x7e: {  	_ =	shalt  }
0x7f: {  	_ =	shalt  }
0x80: {  	_ =	shalt  }
0x81: {  	_ =	shalt  }
0x82: {  	_ =	shalt  }
0x83: {  	_ =	shalt  }
0x84: {  	_ =	shalt  }
0x85: {  	_ =	shalt  }
0x86: {  	_ =	shalt  }
0x87: {  	_ =	shalt  }
.Lfunc_end0:
.L_simem_size_0:
called_computation.4_lowered:
.L_overlay_start_0:
0x88: {  	s2 =	sld [smem:$0x3FD9]  }
0x89: {  	s3 =	sld [smem:$0x3FFE];
	_ =	sdelay $0x1  }
0x8a: {  	s1 =	srdreg.scid  }
0x8b: {  	s0 =	sand.u32 $0x1, s1  }
0x8c: {  	s15 =	sshll.u32 s0, $0xA;
	s2 =	sadd.s32 s3, s2  }
0x8d: {  	s2 =	sadd.s32 s2, s15  }
0x8e: {  	[smem:$0x3FB8] =	sst s2  }
0x8f: {  	_ = 	snop  }
0x90: {  	s2 =	sld [smem:$0x3FD0];
	_ =	sdelay $0x2  }
0x91: {  	s16 =	simm.s32 $0xB;
	s4 =	simm.s32 $0x10  }
0x92: {  	[smem:s4], [sflag:s16] =	dma.local [hbm:s2], $0x1  }
0x93: {  	_ =	swait.eq [sflag:s16], $0x1  }
0x94: {  	[sflag:s16] =	ssyncset.done $0x0  }
0x95: {  	[sflag:s16] =	ssyncadd.s32 $0xFFFFFFFF  }
0x96: {  	s17 =	sld [smem:$0x11];
	(tm) =	ssettm $0x1  }
0x97: {  	s18 =	sld [smem:$0x3FFB];
	_ =	sdelay $0x3  }
0x98: {  	_ =	strace s18  }
0x99: {  	s2 =	sld [smem:$0x3FFC];
	_ =	sdelay $0x3  }
0x9a: {  	_ =	strace s2  }
0x9b: {  	s2 =	sld [smem:$0x3FFD];
	_ =	sdelay $0x3  }
0x9c: {  	_ =	strace s2  }
0x9d: {  	_ =	strace $0x8FFFFFFF  }
0x9e: {  	s19 =	sld [smem:$0x3FDB];
	_ =	sdelay $0x1  }
0x9f: {  	s20 =	simm.s32 $_scs_section_size  }
0xa0: {  	s5 =	simm.s32 $_size__tile_overlayer_lowered;
	s6 =	simm.s32 $_tile_overlayer_lowered  }
0xa1: {  	s7 =	simm.s32 $0x1BFF;
	s21 =	sshll.u32 s6, $0x1;
	s4 =	sadd.s32 s20, s19  }
0xa2: {  	s22 =	simm.s32 $0x0;
	s5 =	sshll.u32 s5, $0x1;
	s6 =	sadd.s32 s21, s4  }
0xa3: {  	[timem:s22], [sflag:s7] =	dma.local [hbm:s6], s5  }
0xa4: {  	_ =	swait.ge [sflag:s7], s5  }
0xa5: {  	s5 =	ssub.s32 $0x0, s5;
	[sflag:s7] =	ssyncset.done $0x0  }
0xa6: {  	[sflag:s7] =	ssyncadd.s32 s5;
	_ =	sdelay $0x1  }
0xa7: {  	s23 =	simm.s32 $0x1B8B  }
0xa8: {  	_ =	swait.ge [sflag:s23], $0x1  }
0xa9: {  	[sflag:s23] =	ssyncset.done $0x0  }
0xaa: {  	[sflag:s23] =	ssyncadd.s32 $0xFFFFFFFF  }
0xab: {  	s5 =	sld [smem:$0x0]  }
0xac: {  	s6 =	sand.u32 $0xFFFFFFFE, s1  }
0xad: {  	p0 =	sne.s32 s1, s6  }
0xae: {  	s6 =	sshll.u32 @p0 s6, $0xE  }
0xaf: {  	s6 =	sadd.s32 @p0 $0x11B8D, s6;
	s7 =	sshll.u32 @p0 s5, $0x11  }
0xb0: {  	s6 =	sor.u32 @p0 s7, s6  }
0xb1: {  	[sflag:s6] =	ssyncadd.remote.s32 @p0 $0x1;
	_ =	sdelay $0x1  }
0xb2: {  	s6 =	simm.s32 @p0 $0x1B8D  }
0xb3: {  	_ =	swait.eq @p0 [sflag:s6], $0x1  }
0xb4: {  	[sflag:s6] =	ssyncadd.s32 @p0 $0xFFFFFFFF  }
0xb5: {  	s7 =	sshll.u32 @!p0 s1, $0xE  }
0xb6: {  	s7 =	sor.u32 @!p0 $0x4000, s7;
	s6 =	simm.s32 @!p0 $0x1B8D  }
0xb7: {  	s5 =	sshll.u32 @!p0 s5, $0x11;
	s7 =	sadd.s32 @!p0 $0x11B8D, s7;
	_ =	swait.eq @!p0 [sflag:s6], $0x1  }
0xb8: {  	s5 =	sor.u32 @!p0 s5, s7;
	[sflag:s6] =	ssyncadd.s32 @!p0 $0xFFFFFFFF  }
0xb9: {  	s25 =	simm.s32 $0x1B8E;
	s24 =	sld [smem:$0x3FFE];
	[sflag:s5] =	ssyncadd.remote.s32 @!p0 $0x1  }
0xba: {  	s26 =	simm.s32 $execute0_lowered;
	[smem:$0x3FD2] =	sst s25  }
0xbb: {  	s6 =	sshll.u32 s26, $0x1;
	_ =	strace $0x80000055;
	[dreg:$0x1] =	wrdreg $0xFFFFFFFF  }
0xbc: {  	s28 =	simm.s32 $_size_execute0_lowered;
	s4 =	sadd.s32 s4, s6;
	[dreg:$0x0] =	wrdreg $0x0  }
0xbd: {  	s6 =	sshll.u32 s28, $0x1;
	[dreg:$0x2] =	wrdreg s4  }
0xbe: {  	[dreg:$0x3] =	wrdreg s6  }
0xbf: {  	[dreg:$0x4] =	wrdreg $0xC0  }
0xc0: {  	_ =	task [dreg:s22], $0x5FFFF  }
0xc1: {  	[dreg:$0x1] =	wrdreg $0xFFFFFFFF  }
0xc2: {  	[dreg:$0x0] =	wrdreg $0x60  }
0xc3: {  	[dreg:$0x2] =	wrdreg s24  }
0xc4: {  	[dreg:$0x3] =	wrdreg s17  }
0xc5: {  	[dreg:$0x4] =	wrdreg $0x9800  }
0xc6: {  	[dreg:$0x5] =	wrdreg $0xE800  }
0xc7: {  	[dreg:$0x6] =	wrdreg $0x11000  }
0xc8: {  	[dreg:$0x7] =	wrdreg $0x13800  }
0xc9: {  	[dreg:$0x8] =	wrdreg $0xA  }
0xca: {  	_ =	task.clear_ibuf [dreg:s22], $0x9FFFF;
	_ =	strace $0x90000055  }
0xcb: {  	s29 =	simm.s32 $0xA;
	_ =	strace $0x80000057  }
0xcc: {  	_ =	swait.ge [sflag:s29], $0x1  }
0xcd: {  	[sflag:s29] =	ssyncadd.s32 $0xFFFFFFFF  }
0xce: {  	_ =	strace $0x90000057  }
0xcf: {  	_ =	sfence  }
0xd0: {  	s30 =	sld [smem:$0x0];
	_ =	sdelay $0x2  }
0xd1: {  	s31 =	sshll.u32 s1, $0xD;
	s1 =	sshrl.u32 s1, $0x2  }
0xd2: {  	s4 =	sand.u32 $0x4000, s31;
	s1 =	sadd.s32 s1, s30  }
0xd3: {  	s0 =	sor.u32 s4, s0;
	s1 =	sshll.u32 s1, $0x11  }
0xd4: {  	s0 =	sor.u32 s1, s0  }
0xd5: {  	s0 =	sadd.s32 $0x8F2B, s0  }
0xd6: {  	[sflag:s0] =	ssyncadd.remote.s32 $0x1  }
0xd7: {  	_ =	sfence.sel $0xFFFF  }
0xd8: {  	[dreg:$0x0] =	wrdreg $0xFFFFFFFF;
	(pc) =	sbr.abs _section_cstart, $3  }
0xd9: {  	[dreg:$0x1] =	wrdreg $0xFFFFFFFF  }
0xda: {  	_ =	task.clear_ibuf [dreg:s22], $0x2FFFF;
	_ =	strace $0x9FFFFFFF  }
0xdb: {  	(tm) =	ssettm $0x7FFFFFFF  }
tec
execute0_lowered:
.L_overlay_start_1:
0x0: {  	(tag) =	ssettag $0x1  }
0x1: {  	s0 =	rddreg [dreg:$0x0]  }
0x2: {  	s2 =	rddreg [dreg:$0x2]  }
0x3: {  	s3 =	rddreg [dreg:$0x3]  }
0x4: {  	s4 =	rddreg [dreg:$0x4]  }
0x5: {  	s5 =	rddreg [dreg:$0x5]  }
0x6: {  	s7 =	simm.s32 $0x0;
	s1 =	srdreg.scid;
	s6 =	stileid.u32  }
0x7: {  	s28 =	simm.s32 $0x100;
	s29 =	simm.s32 $0x180;
	s30 =	simm.s32 $0x680  }
0x8: {  	s31 =	simm.s32 $0x80;
	[smem:$0x7FF] =	sst s7;
	s1 =	sand.u32 $0x1, s1  }
0x9: {  	s17 =	smul.u32 $0x280, s6;
	s8 =	sadd.s32 $0x13800, s0;
	s9 =	sadd.s32 $0x13200, s0  }
0xa: {  	s19 =	sadd.s32 $0x12C00, s0;
	s10 =	sadd.s32 $0x1A800, s0;
	s11 =	sadd.s32 $0x15400, s0  }
0xb: {  	s12 =	sadd.s32 $0x13E00, s0;
	s22 =	sshll.u32 s6, $0x1;
	p0 =	seq.s32 s6, $0x2  }
0xc: {  	s24 =	sshrl.u32 s3, $0x3;
	_ =	strace $0x80000056;
	[dreg:$0x7] =	wrdreg s8  }
0xd: {  	s25 =	sshll.u32 s6, $0x6;
	p2 =	seq.s32 s6, $0x1;
	[dreg:$0x8] =	wrdreg s9  }
0xe: {  	p1 =	sne.s32 s6, $0x0;
	s18 =	smul.u32 $0x2800, s1;
	[dreg:$0x9] =	wrdreg s19  }
0xf: {  	s20 =	ssub.s32 $0x2, s1;
	[dreg:$0xa] =	wrdreg s12;
	s1 =	sor.u32 s1, s22  }
0x10: {  	[dreg:$0xb] =	wrdreg s24;
	s24 =	simm.s32 $0x280;
	s19 =	simm.s32 $0x0  }
0x11: {  	s13 =	sshrl.u32 s20, $0x1;
	s23 =	sadd.s32 s17, s4;
	s7 =	sadd.s32 s17, s5  }
0x12: {  	s14 =	smul.u32 $0x1500, s1;
	s8 =	sadd.s32 s17, s18;
	s21 =	ssub.s32 s20, s13  }
0x13: {  	s18 =	sadd.s32 $0x2800, s2;
	s13 =	smul.u32 $0x2A00, s6;
	s17 =	simm.s32 $0x2  }
0x14: {  	s20 =	sor.u32 $0x1C02, s25;
	s22 =	sshrl.u32 s7, $0x3;
	s8 =	sshrl.u32 s8, $0x3  }
0x15: {  	s16 =	smax.u32 s21, $0x1;
	s21 =	sshrl.u32 s23, $0x3;
	s26 =	sshrl.u32 s18, $0x3  }
0x16: {  	s23 =	simm.s32 $0x200;
	s0 =	sadd.s32 s8, s0;
	[dreg:$0xc] =	wrdreg s26  }
0x17: {  	s26 =	simm.s32 $0x1;
	s15 =	sadd.s32 $0x14000, s0;
	s0 =	simm.s32 $0x880  }
.LBB2_1:
.Ltmp0:
0x18: {  	s1 =	simm.s32 $0x0;
	s6 =	rddreg [dreg:$0xa];
	(pc) =	sbr.rel @p0 .LBB2_6-.Ltmp0, $4  }
0x19: {  	[tilespmem:s1], [sflag:$0x2] =	stream.linear.gather [hbm4b:s6+s1], $0x80, $0x38;
	[tilespmem:$0x1600] =	vst v63  }
0x1a: {  	_ =	swait.ge [sflag:s17], $0x80  }
0x1b: {  	[sflag:s17] =	ssyncset.done $0x0  }
0x1c: {  	[sflag:s17] =	ssyncadd.s32 $0xFFFFFF80  }
.Ltmp1:
0x1d: {  	(pc) =	sbr.rel @p2 .LBB2_5-.Ltmp1, $1  }
0x1e: {  	_ =	sdelay $0x3  }
.Ltmp2:
0x1f: {  	(pc) =	sbr.rel @p1 .LBB2_8-.Ltmp2, $1  }
0x20: {  	_ =	sdelay $0x3  }
.Ltmp3:
0x21: {  	(pc) =	sbr.rel .LBB2_7-.Ltmp3, $3  }
0x22: {  	_ =	sdelay $0x1  }
0x23: {  	s1 =	sshrl.u32 s2, $0x3;
	s6 =	rddreg [dreg:$0x7];
	s7 =	simm.s32 $0x1C02  }
0x24: {  	[spmem:s1], [sflag:s7] =	dma.local [hbm:s6], $0x500  }
.LBB2_5:
.Ltmp4:
0x25: {  	(pc) =	sbr.rel .LBB2_7-.Ltmp4, $4  }
0x26: {  	_ = 	snop  }
0x27: {  	s1 =	rddreg [dreg:$0x8]  }
0x28: {  	s6 =	rddreg [dreg:$0xc];
	s7 =	simm.s32 $0x1C42  }
0x29: {  	[spmem:s6], [sflag:s7] =	dma.local [hbm:s1], $0x500  }
.LBB2_6:
0x2a: {  	s1 =	rddreg [dreg:$0x9]  }
0x2b: {  	s6 =	rddreg [dreg:$0xb];
	s7 =	simm.s32 $0x1C82  }
0x2c: {  	[spmem:s6], [sflag:s7] =	dma.local [hbm:s1], $0x500  }
.LBB2_7:
0x2d: {  	_ =	swait.ge [sflag:s17], $0x500  }
0x2e: {  	[sflag:s17] =	ssyncset.done $0x0  }
0x2f: {  	[sflag:s17] =	ssyncadd.s32 $0xFFFFFB00  }
.LBB2_8:
0x30: {  	s1 =	rddreg [dreg:$0x1]  }
0x31: {  	[spmem:s21], [sflag:s20] =	dma.local [hbm:s1], $0x50  }
0x32: {  	_ =	swait.ge [sflag:s17], $0x50  }
0x33: {  	[sflag:s17] =	ssyncset.done $0x0  }
0x34: {  	[sflag:s17] =	ssyncadd.s32 $0xFFFFFFB0  }
0x35: {  	[spmem:s22], [sflag:s20] =	dma.local [hbm:s1], $0x50  }
0x36: {  	_ =	swait.ge [sflag:s17], $0x50  }
0x37: {  	[sflag:s17] =	ssyncset.done $0x0  }
0x38: {  	[sflag:s17] =	ssyncadd.s32 $0xFFFFFFB0  }
0x39: {  	s7 =	simm.s32 $0x0;
	s8 =	simm.s32 $0x0;
	[bflag:$0x0] =	sbarrier.arrive $0xFFFF  }
.LBB2_9:
0x3a: {  	s1 =	sshll.u32 s8, $0x8  }
0x3b: {  	s1 =	sadd.s32 s13, s1  }
0x3c: {  	s1 =	sshrl.u32 s1, $0x3  }
0x3d: {  	s9 =	simm.s32 $0x80;
	s6 =	sadd.s32 s10, s1  }
0x3e: {  	[tilespmem:s9], [sflag:$0x2] =	stream.linear.gather [hbm4b:s6+s7], $0x100, $0x38;
	[tilespmem:$0x1600] =	vst v63  }
0x3f: {  	_ =	swait.ge [sflag:s17], $0x100  }
0x40: {  	[sflag:s17] =	ssyncset.done $0x0  }
0x41: {  	s1 =	sadd.s32 s11, s1;
	s6 =	simm.s32 $0x180;
	[sflag:s17] =	ssyncadd.s32 $0xFFFFFF00  }
0x42: {  	[tilespmem:s6], [sflag:$0x2] =	stream.linear.gather [hbm4b:s1+s7], $0x100, $0x38;
	[tilespmem:$0x1600] =	vst v63  }
0x43: {  	_ =	swait.ge [sflag:s17], $0x100  }
0x44: {  	[sflag:s17] =	ssyncset.done $0x0  }
0x45: {  	[sflag:s17] =	ssyncadd.s32 $0xFFFFFF00  }
0x46: {  	v0 =	vld [tilespmem:s9+$0x0];
	_ =	sdelay $0x3  }
0x47: {  	s9 =	simm.s32 $0x280  }
0x48: {  	[tilespmem:s9+$0x0] =	vst v0  }
0x49: {  	v0 =	vld [tilespmem:s6+$0x0];
	_ =	sdelay $0x4  }
0x4a: {  	s25 =	sand.u32 $0xF0, s7;
	v0 =	vadd.s32 $0x2800, v0  }
0x4b: {  	[tilespmem:s25+$0x380] =	vst v0;
	s25 =	simm.s32 $0x90  }
0x4c: {  	s18 =	simm.s32 $0x10;
	s1 =	simm.s32 $0x20;
	v0 =	vld [tilespmem:s25+$0x0]  }
.LBB2_10:
0x4d: {  	p3 =	sne.s32 s1, $0xF0;
	_ =	sdelay $0x2  }
0x4e: {  	s9 =	sadd.s32 $0x10, s9  }
0x4f: {  	s6 =	sadd.s32 $0x10, s6;
	[tilespmem:s9+$0x0] =	vst v0  }
0x50: {  	v0 =	vld [tilespmem:s6+$0x0];
	_ =	sdelay $0x2  }
.Ltmp5:
0x51: {  	(pc) =	sbr.rel @p3 .LBB2_10-.Ltmp5, $4  }
0x52: {  	_ = 	snop  }
0x53: {  	s12 =	sand.u32 $0xF0, s18;
	s18 =	smov.u32 s1;
	v0 =	vadd.s32 $0x2800, v0  }
0x54: {  	s25 =	sadd.s32 $0x10, s25;
	[tilespmem:s12+$0x380] =	vst v0  }
0x55: {  	s1 =	sadd.s32 $0x10, s1;
	v0 =	vld [tilespmem:s25+$0x0]  }
0x56: {  	_ =	sdelay $0x2  }
0x57: {  	s1 =	sadd.s32 $0x10, s9  }
0x58: {  	s6 =	sadd.s32 $0x10, s6;
	[tilespmem:s1+$0x0] =	vst v0  }
0x59: {  	v0 =	vld [tilespmem:s6+$0x0];
	_ =	sdelay $0x4  }
0x5a: {  	s9 =	sand.u32 $0xF0, s18;
	v0 =	vadd.s32 $0x2800, v0  }
0x5b: {  	s12 =	simm.s32 $0x480;
	[tilespmem:s9+$0x380] =	vst v0  }
0x5c: {  	[tilespmem:s12], [sflag:$0x1] =	stream.indirect.gather [spmem:s2], $0x1, s24, s23, $0xb8;
	[tilespmem:$0x1600] =	vst v63  }
0x5d: {  	_ =	swait.ge [sflag:s26], $0x200  }
0x5e: {  	s18 =	simm.s32 $0x0;
	[sflag:s26] =	ssyncset.done $0x0  }
0x5f: {  	s6 =	sand.u32 $0xF0, s18;
	[sflag:s26] =	ssyncadd.s32 $0xFFFFFE00  }
0x60: {  	v0 =	vld [tilespmem:s6+$0x580]  }
0x61: {  	v1 =	vld [tilespmem:s12+$0x0];
	_ =	sdelay $0x4  }
0x62: {  	v0 =	vadd.f32 v0, v1;
	v1 =	vld [tilespmem:$0x0];
	_ =	sdelay $0x1  }
0x63: {  	v2 =	vmul.f32 $2.000000030e-01, v0  }
0x64: {  	vm0 =	vge.f32 v0, $0.0e+00  }
0x65: {  	v0 =	vsel vm0, v0, v2  }
0x66: {  	v0 =	vsub.f32 v0, v1;
	_ =	sdelay $0x1  }
0x67: {  	v0 =	vmul.f32 $1.442695020e+00, v0;
	_ =	sdelay $0x1  }
0x68: {  	(erf) = vpow2.f32 v0;
	_ =	sdelay $0x8  }
0x69: {  	s25 =	simm.s32 $0x10;
	s9 =	simm.s32 $0x680;
	v0 =	vpop (erf)  }
0x6a: {  	s1 =	sand.u32 $0xF0, s25;
	[tilespmem:s9+$0x0] =	vst v0  }
0x6b: {  	s18 =	simm.s32 $0x20;
	s6 =	simm.s32 $0x490;
	v0 =	vld [tilespmem:s1+$0x580]  }
.LBB2_12:
0x6c: {  	p3 =	sne.s32 s18, $0xF0;
	v1 =	vld [tilespmem:s6+$0x0];
	_ =	sdelay $0x4  }
0x6d: {  	v0 =	vadd.f32 v0, v1;
	v1 =	vld [tilespmem:$0x0];
	_ =	sdelay $0x1  }
0x6e: {  	v2 =	vmul.f32 $2.000000030e-01, v0  }
0x6f: {  	vm0 =	vge.f32 v0, $0.0e+00  }
0x70: {  	v0 =	vsel vm0, v0, v2  }
0x71: {  	v0 =	vsub.f32 v0, v1;
	_ =	sdelay $0x1  }
0x72: {  	v0 =	vmul.f32 $1.442695020e+00, v0;
	_ =	sdelay $0x1  }
0x73: {  	(erf) = vpow2.f32 v0;
	_ =	sdelay $0x6  }
.Ltmp6:
0x74: {  	(pc) =	sbr.rel @p3 .LBB2_12-.Ltmp6, $4  }
0x75: {  	_ = 	snop  }
0x76: {  	s9 =	sadd.s32 $0x10, s9;
	v0 =	vpop (erf)  }
0x77: {  	s1 =	sand.u32 $0xF0, s18;
	[tilespmem:s9+$0x0] =	vst v0  }
0x78: {  	s18 =	sadd.s32 $0x10, s18;
	s6 =	sadd.s32 $0x10, s6;
	v0 =	vld [tilespmem:s1+$0x580]  }
0x79: {  	v1 =	vld [tilespmem:s6+$0x0];
	_ =	sdelay $0x4  }
0x7a: {  	v63 =	vld [tilespmem:$0x0];
	v0 =	vadd.f32 v0, v1;
	_ =	sdelay $0x1  }
0x7b: {  	v2 =	vmul.f32 $2.000000030e-01, v0  }
0x7c: {  	vm0 =	vge.f32 v0, $0.0e+00  }
0x7d: {  	v0 =	vsel vm0, v0, v2  }
0x7e: {  	v0 =	vsub.f32 v0, v63;
	_ =	sdelay $0x1  }
0x7f: {  	v0 =	vmul.f32 $1.442695020e+00, v0;
	_ =	sdelay $0x1  }
0x80: {  	(erf) = vpow2.f32 v0;
	_ =	sdelay $0x7  }
0x81: {  	s8 =	sadd.s32 $0x1, s8  }
0x82: {  	s1 =	sadd.s32 $0x10, s9;
	p3 =	sne.s32 s8, $0x2A;
	v0 =	vpop (erf)  }
.Ltmp7:
0x83: {  	[tilespmem:s1+$0x0] =	vst v0;
	(pc) =	sbr.rel @p3 .LBB2_9-.Ltmp7, $4  }
0x84: {  	[spmem:s4] =	stream.indirect.scatter.add.f32 [tilespmem:s30], [sflag:$0x2], $0x1, s29, s28, $0xb8;
	[tilespmem:$0x1600] =	vst v63  }
0x85: {  	_ =	swait.ge [sflag:s17], $0x100  }
0x86: {  	[sflag:s17] =	ssyncset.done $0x0  }
0x87: {  	[sflag:s17] =	ssyncadd.s32 $0xFFFFFF00  }
0x88: {  	[bflag:$0x0] =	sbarrier.arrive $0xFFFF;
	s7 =	simm.s32 $0x0;
	s8 =	simm.s32 $0x0  }
.LBB2_15:
0x89: {  	s1 =	sshll.u32 s8, $0x8  }
0x8a: {  	s1 =	sadd.s32 s14, s1  }
0x8b: {  	s1 =	sshrl.u32 s1, $0x3  }
0x8c: {  	s9 =	simm.s32 $0x80;
	s6 =	sadd.s32 s10, s1  }
0x8d: {  	[tilespmem:s9], [sflag:$0x2] =	stream.linear.gather [hbm4b:s6+s7], $0x100, $0x38;
	[tilespmem:$0x1600] =	vst v63  }
0x8e: {  	_ =	swait.ge [sflag:s17], $0x100  }
0x8f: {  	[sflag:s17] =	ssyncset.done $0x0  }
0x90: {  	s1 =	sadd.s32 s11, s1;
	s6 =	simm.s32 $0x180;
	[sflag:s17] =	ssyncadd.s32 $0xFFFFFF00  }
0x91: {  	[tilespmem:s6], [sflag:$0x2] =	stream.linear.gather [hbm4b:s1+s7], $0x100, $0x38;
	[tilespmem:$0x1600] =	vst v63  }
0x92: {  	_ =	swait.ge [sflag:s17], $0x100  }
0x93: {  	[sflag:s17] =	ssyncset.done $0x0  }
0x94: {  	[sflag:s17] =	ssyncadd.s32 $0xFFFFFF00  }
0x95: {  	v0 =	vld [tilespmem:s9+$0x0];
	_ =	sdelay $0x3  }
0x96: {  	s9 =	simm.s32 $0x280  }
0x97: {  	[tilespmem:s9+$0x0] =	vst v0  }
0x98: {  	v0 =	vld [tilespmem:s6+$0x0];
	_ =	sdelay $0x4  }
0x99: {  	s25 =	sand.u32 $0xF0, s7;
	v0 =	vadd.s32 $0x2800, v0  }
0x9a: {  	[tilespmem:s25+$0x380] =	vst v0;
	s25 =	simm.s32 $0x90  }
0x9b: {  	s18 =	simm.s32 $0x10;
	s1 =	simm.s32 $0x20;
	v0 =	vld [tilespmem:s25+$0x0]  }
.LBB2_16:
0x9c: {  	p3 =	sne.s32 s1, $0xF0;
	_ =	sdelay $0x2  }
0x9d: {  	s9 =	sadd.s32 $0x10, s9  }
0x9e: {  	s6 =	sadd.s32 $0x10, s6;
	[tilespmem:s9+$0x0] =	vst v0  }
0x9f: {  	v0 =	vld [tilespmem:s6+$0x0];
	_ =	sdelay $0x2  }
.Ltmp8:
0xa0: {  	(pc) =	sbr.rel @p3 .LBB2_16-.Ltmp8, $4  }
0xa1: {  	_ = 	snop  }
0xa2: {  	s12 =	sand.u32 $0xF0, s18;
	s18 =	smov.u32 s1;
	v0 =	vadd.s32 $0x2800, v0  }
0xa3: {  	s25 =	sadd.s32 $0x10, s25;
	[tilespmem:s12+$0x380] =	vst v0  }
0xa4: {  	s1 =	sadd.s32 $0x10, s1;
	v0 =	vld [tilespmem:s25+$0x0]  }
0xa5: {  	_ =	sdelay $0x2  }
0xa6: {  	s1 =	sadd.s32 $0x10, s9  }
0xa7: {  	s12 =	sadd.s32 $0x10, s6;
	[tilespmem:s1+$0x0] =	vst v0  }
0xa8: {  	v0 =	vld [tilespmem:s12+$0x0];
	_ =	sdelay $0x4  }
0xa9: {  	s18 =	sand.u32 $0xF0, s18;
	v0 =	vadd.s32 $0x2800, v0  }
0xaa: {  	s25 =	simm.s32 $0x480;
	[tilespmem:s18+$0x380] =	vst v0  }
0xab: {  	[tilespmem:s25], [sflag:$0x1] =	stream.indirect.gather [spmem:s2], $0x1, s24, s23, $0xb8;
	[tilespmem:$0x1600] =	vst v63  }
0xac: {  	_ =	swait.ge [sflag:s26], $0x200  }
0xad: {  	[sflag:s26] =	ssyncset.done $0x0  }
0xae: {  	s18 =	simm.s32 $0x780;
	[sflag:s26] =	ssyncadd.s32 $0xFFFFFE00  }
0xaf: {  	[tilespmem:s18], [sflag:$0x1] =	stream.indirect.gather [spmem:s4], $0x1, s29, s28, $0xb8;
	[tilespmem:$0x1600] =	vst v63  }
0xb0: {  	_ =	swait.ge [sflag:s26], $0x100  }
0xb1: {  	[sflag:s26] =	ssyncset.done $0x0  }
0xb2: {  	s9 =	simm.s32 $0x880;
	[sflag:s26] =	ssyncadd.s32 $0xFFFFFF00  }
0xb3: {  	[tilespmem:s9], [sflag:$0x1] =	stream.indirect.gather [spmem:s3], $0x1, s31, s28, $0xb8;
	[tilespmem:$0x1600] =	vst v63  }
0xb4: {  	_ =	swait.ge [sflag:s26], $0x100  }
0xb5: {  	s12 =	simm.s32 $0x0;
	[sflag:s26] =	ssyncset.done $0x0  }
0xb6: {  	s6 =	sand.u32 $0xF0, s12;
	[sflag:s26] =	ssyncadd.s32 $0xFFFFFF00  }
0xb7: {  	v0 =	vld [tilespmem:s6+$0x580]  }
0xb8: {  	v1 =	vld [tilespmem:s25+$0x0];
	_ =	sdelay $0x4  }
0xb9: {  	v0 =	vadd.f32 v0, v1;
	v1 =	vld [tilespmem:$0x0];
	_ =	sdelay $0x1  }
0xba: {  	v2 =	vmul.f32 $2.000000030e-01, v0  }
0xbb: {  	vm0 =	vge.f32 v0, $0.0e+00  }
0xbc: {  	v0 =	vsel vm0, v0, v2;
	v2 =	vld [tilespmem:s18+$0x0]  }
0xbd: {  	v0 =	vsub.f32 v0, v1;
	_ =	sdelay $0x1  }
0xbe: {  	v0 =	vmul.f32 $1.442695020e+00, v0;
	_ =	sdelay $0x1  }
0xbf: {  	v1 =	vadd.f32 $1.000000020e-16, v2;
	(erf) = vpow2.f32 v0;
	_ =	sdelay $0x1  }
0xc0: {  	(erf) = vrcp.f32 v1;
	_ =	sdelay $0x2  }
0xc1: {  	v0 =	vld [tilespmem:s9+$0x0];
	_ =	sdelay $0x3  }
0xc2: {  	v1 =	vpop (erf)  }
0xc3: {  	v0 =	vmul.f32 v1, v0  }
0xc4: {  	v1 =	vpop (erf)  }
0xc5: {  	v0 =	vmul.f32 v0, v1  }
0xc6: {  	s25 =	simm.s32 $0x10  }
0xc7: {  	s1 =	sand.u32 $0xF0, s25;
	[tilespmem:s9+$0x0] =	vst v0  }
0xc8: {  	s6 =	simm.s32 $0x20;
	s25 =	simm.s32 $0x490;
	v0 =	vld [tilespmem:s1+$0x580]  }
.LBB2_18:
0xc9: {  	p3 =	sne.s32 s6, $0xF0;
	v1 =	vld [tilespmem:s25+$0x0];
	_ =	sdelay $0x4  }
0xca: {  	v0 =	vadd.f32 v0, v1;
	v1 =	vld [tilespmem:$0x0];
	_ =	sdelay $0x1  }
0xcb: {  	v2 =	vmul.f32 $2.000000030e-01, v0  }
0xcc: {  	s18 =	sadd.s32 $0x10, s18;
	vm0 =	vge.f32 v0, $0.0e+00  }
0xcd: {  	v0 =	vsel vm0, v0, v2;
	v2 =	vld [tilespmem:s18+$0x0]  }
0xce: {  	v0 =	vsub.f32 v0, v1;
	_ =	sdelay $0x1  }
0xcf: {  	v0 =	vmul.f32 $1.442695020e+00, v0;
	_ =	sdelay $0x1  }
0xd0: {  	v1 =	vadd.f32 $1.000000020e-16, v2;
	(erf) = vpow2.f32 v0;
	_ =	sdelay $0x1  }
0xd1: {  	(erf) = vrcp.f32 v1;
	_ =	sdelay $0x1  }
0xd2: {  	s9 =	sadd.s32 $0x10, s9  }
0xd3: {  	v0 =	vld [tilespmem:s9+$0x0];
	_ =	sdelay $0x3  }
0xd4: {  	v1 =	vpop (erf)  }
0xd5: {  	v0 =	vmul.f32 v1, v0  }
.Ltmp9:
0xd6: {  	v1 =	vpop (erf);
	(pc) =	sbr.rel @p3 .LBB2_18-.Ltmp9, $3  }
0xd7: {  	v0 =	vmul.f32 v0, v1;
	_ =	sdelay $0x1  }
0xd8: {  	s1 =	sand.u32 $0xF0, s6;
	[tilespmem:s9+$0x0] =	vst v0  }
0xd9: {  	s6 =	sadd.s32 $0x10, s6;
	s25 =	sadd.s32 $0x10, s25;
	v0 =	vld [tilespmem:s1+$0x580]  }
0xda: {  	v1 =	vld [tilespmem:s25+$0x0];
	_ =	sdelay $0x4  }
0xdb: {  	v58 =	vld [tilespmem:$0x0];
	v0 =	vadd.f32 v0, v1;
	_ =	sdelay $0x1  }
0xdc: {  	v2 =	vmul.f32 $2.000000030e-01, v0  }
0xdd: {  	s1 =	sadd.s32 $0x10, s18;
	vm0 =	vge.f32 v0, $0.0e+00  }
0xde: {  	v59 =	vld [tilespmem:s1+$0x0];
	v0 =	vsel vm0, v0, v2  }
0xdf: {  	v0 =	vsub.f32 v0, v58;
	_ =	sdelay $0x1  }
0xe0: {  	v0 =	vmul.f32 $1.442695020e+00, v0;
	_ =	sdelay $0x1  }
0xe1: {  	v60 =	vadd.f32 $1.000000020e-16, v59;
	(erf) = vpow2.f32 v0;
	_ =	sdelay $0x1  }
0xe2: {  	(erf) = vrcp.f32 v60;
	_ =	sdelay $0x1  }
0xe3: {  	s25 =	sadd.s32 $0x10, s9  }
0xe4: {  	v61 =	vld [tilespmem:s25+$0x0];
	_ =	sdelay $0x3  }
0xe5: {  	v62 =	vpop (erf)  }
0xe6: {  	v0 =	vmul.f32 v62, v61  }
0xe7: {  	v63 =	vpop (erf)  }
0xe8: {  	s8 =	sadd.s32 $0x1, s8;
	v0 =	vmul.f32 v0, v63  }
0xe9: {  	p3 =	sne.s32 s8, $0x15  }
.Ltmp10:
0xea: {  	[tilespmem:s25+$0x0] =	vst v0;
	(pc) =	sbr.rel @p3 .LBB2_15-.Ltmp10, $4  }
0xeb: {  	[spmem:s5] =	stream.indirect.scatter.add.f32 [tilespmem:s0], [sflag:$0x2], $0x1, s29, s28, $0xb8;
	[tilespmem:$0x1600] =	vst v63  }
0xec: {  	_ =	swait.ge [sflag:s17], $0x100  }
0xed: {  	[sflag:s17] =	ssyncset.done $0x0  }
0xee: {  	[sflag:s17] =	ssyncadd.s32 $0xFFFFFF00  }
0xef: {  	s19 =	sadd.s32 $0x1, s19  }
0xf0: {  	p3 =	sne.s32 s19, s16  }
.Ltmp11:
0xf1: {  	[bflag:$0x0] =	sbarrier.arrive $0xFFFF;
	(pc) =	sbr.rel @p3 .LBB2_1-.Ltmp11, $4  }
0xf2: {  	[hbm:s15], [sflag:s20] =	dma.local [spmem:s22], $0x50  }
0xf3: {  	_ =	swait.ge [sflag:s17], $0x50  }
0xf4: {  	[sflag:s17] =	ssyncset.done $0x0  }
0xf5: {  	[sflag:s17] =	ssyncadd.s32 $0xFFFFFFB0  }
0xf6: {  	_ =	sfence.sel $0x180000  }
0xf7: {  	[bflag:$0x0] =	sbarrier.arrive $0xFFFF  }
0xf8: {  	_ =	strace $0x90000056  }
0xf9: {  	[bflag:$0x2] =	sbarrier.arrive $0xFFFF  }
0xfa: {  	s0 =	rddreg [dreg:$0x6]  }
0xfb: {  	s0 =	sadd.s32 @!p1 $0x100000, s0  }
0xfc: {  	[sflag:s0] =	ssyncadd.tile.s32 @!p1 $0x1;
	_ =	shalt  }
.Lfunc_end2:
_tile_overlayer_lowered:
.L_overlay_start_2:
0xfd: {  	(tag) =	ssettag $0x2  }
0xfe: {  	s0 =	rddreg [dreg:$0x0];
	s2 =	stileid.u32  }
0xff: {  	s1 =	rddreg [dreg:$0x1];
	p0 =	sne.s32 s2, $0x0  }
0x100: {  	s3 =	rddreg [dreg:$0x2];
	[bflag:$0x3] =	sbarrier.arrive $0xFFFF;
	s2 =	simm.s32 @!p0 $0x1C02  }
0x101: {  	[timem:s3], [sflag:s2] =	dma.local @!p0 [hbm:s0], s1  }
0x102: {  	s0 =	simm.s32 @!p0 $0x2  }
0x103: {  	_ =	swait.ge @!p0 [sflag:s0], s1  }
0x104: {  	s1 =	ssub.s32 @!p0 $0x0, s1;
	[sflag:s0] =	ssyncset.done @!p0 $0x0  }
0x105: {  	[sflag:s0] =	ssyncadd.s32 @!p0 s1  }
0x106: {  	[bflag:$0x3] =	sbarrier.arrive $0xFFFF  }
0x107: {  	_ =	shalt  }

// kernel: kernel.28.cloned.1.call-start
scs
__scs_entry_jumppad:
0x0: {  	(pc) =	sbr.rel $0x88, $3  }
0x1: {  	(tag) =	ssettag $0x0;
	lr =	simm.s32 $0x1  }
0x2: {  	[smem:$0x3F91] =	sst lr;
	_ =	strace $0xD0000000  }
0x3: {  	_ = 	snop  }
0x4: {  	_ = 	snop  }
0x5: {  	_ = 	snop  }
0x6: {  	_ = 	snop  }
0x7: {  	_ = 	snop  }
__scs_overlays_trampoline_lowered:
0x8: {  	[smem:$0x3FA0] =	sst s0  }
0x9: {  	[smem:$0x3FA1] =	sst s1  }
0xa: {  	[smem:$0x3FA2] =	sst s2  }
0xb: {  	[smem:$0x3FA3] =	sst s3  }
0xc: {  	[smem:$0x3FA4] =	sst s4  }
0xd: {  	[smem:$0x3FA5] =	sst s5  }
0xe: {  	[smem:$0x3FA6] =	sst s6  }
0xf: {  	[smem:$0x3FA7] =	sst s7  }
0x10: {  	[smem:$0x3FA8] =	sst s8  }
0x11: {  	[smem:$0x3FA9] =	sst s9;
	s0 =	simm.s32 @!p0 $0x0  }
0x12: {  	s1 =	sld [smem:$0x3F8F];
	s0 =	simm.s32 @p0 $0x1  }
0x13: {  	[smem:$0x3FAA] =	sst s0;
	s0 =	simm.s32 @!p1 $0x0  }
0x14: {  	s2 =	sld [smem:$0x3F8E];
	s0 =	simm.s32 @p1 $0x1  }
0x15: {  	[smem:$0x3FAB] =	sst s0;
	s0 =	simm.s32 @!p2 $0x0  }
0x16: {  	s3 =	sld [smem:$0x3FDB];
	s0 =	simm.s32 @p2 $0x1  }
0x17: {  	s4 =	simm.s32 $0x1BF5;
	[smem:$0x3FAD] =	sst s0  }
0x18: {  	s0 =	sld [smem:$0x3F90];
	_ =	swait.ge [sflag:s4], $0x0  }
0x19: {  	s7 =	sld [smem:$0x3F91]  }
0x1a: {  	s8 =	sadd.s32 $0xFFFFE003, lr  }
0x1b: {  	s9 =	sadd.s32 $0xFFFFFEF7, lr;
	s5 =	simm.s32 $0xFFFFFFFF;
	p2 =	slt.u32 s8, $0xFFFFF086  }
0x1c: {  	p1 =	slt.u32 s9, $0xF7A;
	s5 =	simm.s32 @!p2 $0x0  }
0x1d: {  	s5 =	simm.s32 @p1 $0x1;
	p0 =	seq.s32 s7, s2  }
0x1e: {  	s7 =	smul.u32 @!p0 $0xF7A, s2;
	p2 =	seq.s32 @!p0 s5, $0x0  }
0x1f: {  	s9 =	smul.u32 $0xF7A, s1;
	s8 =	simm.s32 @!p0 $0x1BF5;
	p2 =	por !p2, p0  }
0x20: {  	[sflag:s8] =	ssyncset.s32 @!p0 $0xFFFFF086;
	s6 =	sadd.s32 @!p0 s3, s7;
	s7 =	simm.s32 @!p0 $0x108  }
0x21: {  	s3 =	sadd.s32 s3, s9;
	s6 =	sadd.s32 @!p0 $0x88, s6;
	s7 =	simm.s32 @p2 $0x1082  }
0x22: {  	[simem:s7], [sflag:s8] =	dma.local @!p0 [hbm:s6], $0xF7A  }
0x23: {  	s9 =	sor.u32 $0xD0000000, s2;
	s6 =	simm.s32 $0x108;
	_ =	swait.ge @!p0 [sflag:s8], $0x0  }
0x24: {  	s3 =	sadd.s32 $0x88, s3;
	s6 =	simm.s32 @!p1 $0x1082;
	[sflag:s4] =	ssyncset.s32 $0xFFFFF086  }
0x25: {  	[simem:s6], [sflag:s4] =	dma.local [hbm:s3], $0xF7A  }
0x26: {  	[smem:$0x3F91] =	sst s1;
	(tag) =	ssettag s2;
	_ =	strace s9  }
0x27: {  	s1 =	sld [smem:$0x3FA1]  }
0x28: {  	s2 =	sld [smem:$0x3FA2]  }
0x29: {  	s4 =	sld [smem:$0x3FA4]  }
0x2a: {  	p0 =	seq.s32 s5, $0x0;
	s5 =	sld [smem:$0x3FA5]  }
0x2b: {  	s6 =	sld [smem:$0x3FA6]  }
0x2c: {  	s7 =	sld [smem:$0x3FA7]  }
0x2d: {  	s3 =	simm.s32 $0x108;
	s8 =	sld [smem:$0x3FA8]  }
0x2e: {  	s3 =	simm.s32 @!p0 $0x1082;
	s9 =	sld [smem:$0x3FA9]  }
0x2f: {  	lr =	sadd.s32 s0, s3;
	s0 =	sld [smem:$0x3FA0]  }
0x30: {  	s3 =	sld [smem:$0x3FA3]  }
0x31: {  	[smem:$0x3FAC] =	sst s10  }
0x32: {  	s10 =	sld [smem:$0x3FAA];
	_ =	sdelay $0x3  }
0x33: {  	p0 =	seq.s32 s10, $0x1;
	s10 =	sld [smem:$0x3FAC];
	_ =	sdelay $0x3  }
0x34: {  	[smem:$0x3FAC] =	sst s10  }
0x35: {  	s10 =	sld [smem:$0x3FAB];
	_ =	sdelay $0x3  }
0x36: {  	p1 =	seq.s32 s10, $0x1;
	s10 =	sld [smem:$0x3FAC];
	_ =	sdelay $0x3  }
0x37: {  	[smem:$0x3FAC] =	sst s10  }
0x38: {  	s10 =	sld [smem:$0x3FAD]  }
0x39: {  	_ = 	snop;
	(pc) =	sbr.ind lr, $3  }
0x3a: {  	_ = 	snop  }
0x3b: {  	_ = 	snop  }
0x3c: {  	p2 =	seq.s32 s10, $0x1;
	s10 =	sld [smem:$0x3FAC]  }
0x3d: {  	_ =	shalt  }
0x3e: {  	_ =	shalt  }
0x3f: {  	_ =	shalt  }
0x40: {  	_ =	shalt  }
0x41: {  	_ =	shalt  }
0x42: {  	_ =	shalt  }
0x43: {  	_ =	shalt  }
0x44: {  	_ =	shalt  }
0x45: {  	_ =	shalt  }
0x46: {  	_ =	shalt  }
0x47: {  	_ =	shalt  }
0x48: {  	_ =	shalt  }
0x49: {  	_ =	shalt  }
0x4a: {  	_ =	shalt  }
0x4b: {  	_ =	shalt  }
0x4c: {  	_ =	shalt  }
0x4d: {  	_ =	shalt  }
0x4e: {  	_ =	shalt  }
0x4f: {  	_ =	shalt  }
0x50: {  	_ =	shalt  }
0x51: {  	_ =	shalt  }
0x52: {  	_ =	shalt  }
0x53: {  	_ =	shalt  }
0x54: {  	_ =	shalt  }
0x55: {  	_ =	shalt  }
0x56: {  	_ =	shalt  }
0x57: {  	_ =	shalt  }
0x58: {  	_ =	shalt  }
0x59: {  	_ =	shalt  }
0x5a: {  	_ =	shalt  }
0x5b: {  	_ =	shalt  }
0x5c: {  	_ =	shalt  }
0x5d: {  	_ =	shalt  }
0x5e: {  	_ =	shalt  }
0x5f: {  	_ =	shalt  }
0x60: {  	_ =	shalt  }
0x61: {  	_ =	shalt  }
0x62: {  	_ =	shalt  }
0x63: {  	_ =	shalt  }
0x64: {  	_ =	shalt  }
0x65: {  	_ =	shalt  }
0x66: {  	_ =	shalt  }
0x67: {  	_ =	shalt  }
0x68: {  	_ =	shalt  }
0x69: {  	_ =	shalt  }
0x6a: {  	_ =	shalt  }
0x6b: {  	_ =	shalt  }
0x6c: {  	_ =	shalt  }
0x6d: {  	_ =	shalt  }
0x6e: {  	_ =	shalt  }
0x6f: {  	_ =	shalt  }
0x70: {  	_ =	shalt  }
0x71: {  	_ =	shalt  }
0x72: {  	_ =	shalt  }
0x73: {  	_ =	shalt  }
0x74: {  	_ =	shalt  }
0x75: {  	_ =	shalt  }
0x76: {  	_ =	shalt  }
0x77: {  	_ =	shalt  }
0x78: {  	_ =	shalt  }
0x79: {  	_ =	shalt  }
0x7a: {  	_ =	shalt  }
0x7b: {  	_ =	shalt  }
0x7c: {  	_ =	shalt  }
0x7d: {  	_ =	shalt  }
0x7e: {  	_ =	shalt  }
0x7f: {  	_ =	shalt  }
0x80: {  	_ =	shalt  }
0x81: {  	_ =	shalt  }
0x82: {  	_ =	shalt  }
0x83: {  	_ =	shalt  }
0x84: {  	_ =	shalt  }
0x85: {  	_ =	shalt  }
0x86: {  	_ =	shalt  }
0x87: {  	_ =	shalt  }
.Lfunc_end0:
.L_simem_size_0:
called_computation.5_lowered:
.L_overlay_start_0:
0x88: {  	s2 =	sld [smem:$0x3FD9]  }
0x89: {  	s3 =	sld [smem:$0x3FFE];
	_ =	sdelay $0x1  }
0x8a: {  	s1 =	srdreg.scid  }
0x8b: {  	s0 =	sand.u32 $0x1, s1  }
0x8c: {  	s15 =	sshll.u32 s0, $0xA;
	s2 =	sadd.s32 s3, s2  }
0x8d: {  	s2 =	sadd.s32 s2, s15  }
0x8e: {  	[smem:$0x3FB8] =	sst s2  }
0x8f: {  	_ = 	snop  }
0x90: {  	s2 =	sld [smem:$0x3FD0];
	_ =	sdelay $0x2  }
0x91: {  	s16 =	simm.s32 $0xB;
	s4 =	simm.s32 $0x10  }
0x92: {  	[smem:s4], [sflag:s16] =	dma.local [hbm:s2], $0x1  }
0x93: {  	_ =	swait.eq [sflag:s16], $0x1  }
0x94: {  	[sflag:s16] =	ssyncset.done $0x0  }
0x95: {  	[sflag:s16] =	ssyncadd.s32 $0xFFFFFFFF  }
0x96: {  	s17 =	sld [smem:$0x10];
	(tm) =	ssettm $0x1  }
0x97: {  	s18 =	sld [smem:$0x3FFB];
	_ =	sdelay $0x3  }
0x98: {  	_ =	strace s18  }
0x99: {  	s2 =	sld [smem:$0x3FFC];
	_ =	sdelay $0x3  }
0x9a: {  	_ =	strace s2  }
0x9b: {  	s2 =	sld [smem:$0x3FFD];
	_ =	sdelay $0x3  }
0x9c: {  	_ =	strace s2  }
0x9d: {  	_ =	strace $0x8FFFFFFF  }
0x9e: {  	s19 =	sld [smem:$0x3FDB];
	_ =	sdelay $0x1  }
0x9f: {  	s20 =	simm.s32 $_scs_section_size  }
0xa0: {  	s5 =	simm.s32 $_size__tile_overlayer_lowered;
	s6 =	simm.s32 $_tile_overlayer_lowered  }
0xa1: {  	s7 =	simm.s32 $0x1BFF;
	s21 =	sshll.u32 s6, $0x1;
	s4 =	sadd.s32 s20, s19  }
0xa2: {  	s22 =	simm.s32 $0x0;
	s5 =	sshll.u32 s5, $0x1;
	s6 =	sadd.s32 s21, s4  }
0xa3: {  	[timem:s22], [sflag:s7] =	dma.local [hbm:s6], s5  }
0xa4: {  	_ =	swait.ge [sflag:s7], s5  }
0xa5: {  	s5 =	ssub.s32 $0x0, s5;
	[sflag:s7] =	ssyncset.done $0x0  }
0xa6: {  	[sflag:s7] =	ssyncadd.s32 s5;
	_ =	sdelay $0x1  }
0xa7: {  	s23 =	simm.s32 $0x1B8B  }
0xa8: {  	_ =	swait.ge [sflag:s23], $0x1  }
0xa9: {  	[sflag:s23] =	ssyncset.done $0x0  }
0xaa: {  	[sflag:s23] =	ssyncadd.s32 $0xFFFFFFFF  }
0xab: {  	s5 =	sld [smem:$0x0]  }
0xac: {  	s6 =	sand.u32 $0xFFFFFFFE, s1  }
0xad: {  	p0 =	sne.s32 s1, s6  }
0xae: {  	s6 =	sshll.u32 @p0 s6, $0xE  }
0xaf: {  	s6 =	sadd.s32 @p0 $0x11B8D, s6;
	s7 =	sshll.u32 @p0 s5, $0x11  }
0xb0: {  	s6 =	sor.u32 @p0 s7, s6  }
0xb1: {  	[sflag:s6] =	ssyncadd.remote.s32 @p0 $0x1;
	_ =	sdelay $0x1  }
0xb2: {  	s6 =	simm.s32 @p0 $0x1B8D  }
0xb3: {  	_ =	swait.eq @p0 [sflag:s6], $0x1  }
0xb4: {  	[sflag:s6] =	ssyncadd.s32 @p0 $0xFFFFFFFF  }
0xb5: {  	s7 =	sshll.u32 @!p0 s1, $0xE  }
0xb6: {  	s7 =	sor.u32 @!p0 $0x4000, s7;
	s6 =	simm.s32 @!p0 $0x1B8D  }
0xb7: {  	s5 =	sshll.u32 @!p0 s5, $0x11;
	s7 =	sadd.s32 @!p0 $0x11B8D, s7;
	_ =	swait.eq @!p0 [sflag:s6], $0x1  }
0xb8: {  	s5 =	sor.u32 @!p0 s5, s7;
	[sflag:s6] =	ssyncadd.s32 @!p0 $0xFFFFFFFF  }
0xb9: {  	s25 =	simm.s32 $0x1B8E;
	s24 =	sld [smem:$0x3FFE];
	[sflag:s5] =	ssyncadd.remote.s32 @!p0 $0x1  }
0xba: {  	s26 =	simm.s32 $execute0_lowered;
	[smem:$0x3FD2] =	sst s25  }
0xbb: {  	s6 =	sshll.u32 s26, $0x1;
	_ =	strace $0x80000052;
	[dreg:$0x1] =	wrdreg $0xFFFFFFFF  }
0xbc: {  	s28 =	simm.s32 $_size_execute0_lowered;
	s4 =	sadd.s32 s4, s6;
	[dreg:$0x0] =	wrdreg $0x0  }
0xbd: {  	s6 =	sshll.u32 s28, $0x1;
	[dreg:$0x2] =	wrdreg s4  }
0xbe: {  	[dreg:$0x3] =	wrdreg s6  }
0xbf: {  	[dreg:$0x4] =	wrdreg $0xC0  }
0xc0: {  	_ =	task [dreg:s22], $0x5FFFF  }
0xc1: {  	[dreg:$0x1] =	wrdreg $0xFFFFFFFF  }
0xc2: {  	[dreg:$0x0] =	wrdreg $0x60  }
0xc3: {  	[dreg:$0x2] =	wrdreg s24  }
0xc4: {  	[dreg:$0x3] =	wrdreg s17  }
0xc5: {  	[dreg:$0x4] =	wrdreg $0xA0000  }
0xc6: {  	[dreg:$0x5] =	wrdreg $0x9  }
0xc7: {  	_ =	task.clear_ibuf [dreg:s22], $0x6FFFF;
	_ =	strace $0x90000052  }
0xc8: {  	s29 =	simm.s32 $0x9;
	_ =	strace $0x80000054  }
0xc9: {  	_ =	swait.ge [sflag:s29], $0x1  }
0xca: {  	[sflag:s29] =	ssyncadd.s32 $0xFFFFFFFF  }
0xcb: {  	_ =	strace $0x90000054  }
0xcc: {  	_ =	sfence  }
0xcd: {  	s30 =	sld [smem:$0x0];
	_ =	sdelay $0x2  }
0xce: {  	s31 =	sshll.u32 s1, $0xD;
	s1 =	sshrl.u32 s1, $0x2  }
0xcf: {  	s4 =	sand.u32 $0x4000, s31;
	s1 =	sadd.s32 s1, s30  }
0xd0: {  	s0 =	sor.u32 s4, s0;
	s1 =	sshll.u32 s1, $0x11  }
0xd1: {  	s0 =	sor.u32 s1, s0  }
0xd2: {  	s0 =	sadd.s32 $0x8F2B, s0  }
0xd3: {  	[sflag:s0] =	ssyncadd.remote.s32 $0x1  }
0xd4: {  	_ =	sfence.sel $0xFFFF  }
0xd5: {  	[dreg:$0x0] =	wrdreg $0xFFFFFFFF;
	(pc) =	sbr.abs _section_cstart, $3  }
0xd6: {  	[dreg:$0x1] =	wrdreg $0xFFFFFFFF  }
0xd7: {  	_ =	task.clear_ibuf [dreg:s22], $0x2FFFF;
	_ =	strace $0x9FFFFFFF  }
0xd8: {  	(tm) =	ssettm $0x7FFFFFFF  }
0xd9: {  	_ =	shalt  }
tec
execute0_lowered:
.L_overlay_start_1:
0x0: {  	(tag) =	ssettag $0x1  }
0x1: {  	s6 =	rddreg [dreg:$0x0]  }
0x2: {  	s2 =	rddreg [dreg:$0x1]  }
0x3: {  	s3 =	rddreg [dreg:$0x2]  }
0x4: {  	s0 =	rddreg [dreg:$0x3];
	s1 =	stileid.u32;
	s4 =	simm.s32 $0x0  }
0x5: {  	s5 =	srdreg.scid;
	s14 =	simm.s32 $0x1;
	s15 =	simm.s32 $0x2800  }
0x6: {  	s19 =	simm.s32 $0x0;
	s9 =	smul.u32 $0x13880, s1;
	[smem:$0x7FF] =	sst s4  }
0x7: {  	s7 =	smul.u32 $0x500, s1;
	s5 =	sand.u32 $0x1, s5;
	s16 =	sshll.u32 s1, $0x6  }
0x8: {  	_ =	strace $0x80000053;
	s10 =	ssub.s32 $0x2, s5;
	s17 =	smul.u32 $0x138800, s5  }
0x9: {  	s16 =	sor.u32 $0x1C01, s16;
	s8 =	sshrl.u32 s9, $0x3;
	s11 =	sadd.s32 s7, s6  }
.Ltmp0:
0xa: {  	s31 =	sshrl.u32 s10, $0x1;
	s9 =	sadd.s32 s9, s3;
	(pc) =	sbr.rel .LBB2_1-.Ltmp0, $4  }
0xb: {  	s12 =	sadd.s32 s8, s6;
	s13 =	ssub.s32 s10, s31;
	s6 =	sadd.s32 $0xDC00, s11  }
0xc: {  	s7 =	sadd.s32 $0x8C00, s11;
	s8 =	sadd.s32 $0x3C00, s11;
	s18 =	sadd.s32 $0x138800, s17  }
0xd: {  	s11 =	sshll.u32 s1, $0x3;
	v0 =	vmov s17;
	s17 =	sshrl.u32 s9, $0x3;
	s10 =	sadd.s32 $0x75600, s12  }
0xe: {  	v2 =	vlaneseq.u32;
	s12 =	smax.u32 s13, $0x1;
	s13 =	simm.s32 $0x5000;
	v1 =	vmov s18;
	s18 =	simm.s32 $0x7800  }
.LBB2_13:
0xf: {  	s19 =	sadd.s32 $0x1, s19  }
0x10: {  	p0 =	sne.s32 s19, s12  }
.Ltmp1:
0x11: {  	_ = 	snop;
	(pc) =	sbr.rel @!p0 .LBB2_14-.Ltmp1, $1  }
0x12: {  	_ =	sdelay $0x3  }
.LBB2_1:
0x13: {  	[tilespmem:s13], [sflag:$0x1] =	stream.linear.gather [hbm4b:s6+s4], $0x2800, $0x38;
	[tilespmem:$0x1D890] =	vst v63  }
0x14: {  	_ =	swait.ge [sflag:s14], $0x2800  }
0x15: {  	[sflag:s14] =	ssyncset.done $0x0  }
0x16: {  	[sflag:s14] =	ssyncadd.s32 $0xFFFFD800  }
0x17: {  	[tilespmem:s4], [sflag:$0x1] =	stream.linear.gather [hbm4b:s7+s4], $0x2800, $0x38;
	[tilespmem:$0x1D890] =	vst v63  }
0x18: {  	_ =	swait.ge [sflag:s14], $0x2800  }
0x19: {  	[sflag:s14] =	ssyncset.done $0x0  }
0x1a: {  	[sflag:s14] =	ssyncadd.s32 $0xFFFFD800  }
0x1b: {  	[tilespmem:s15], [sflag:$0x1] =	stream.linear.gather [hbm4b:s8+s4], $0x2800, $0x38;
	[tilespmem:$0x1D890] =	vst v63  }
0x1c: {  	_ =	swait.ge [sflag:s14], $0x2800  }
0x1d: {  	[sflag:s14] =	ssyncset.done $0x0  }
0x1e: {  	[sflag:s14] =	ssyncadd.s32 $0xFFFFD800  }
0x1f: {  	[spmem:s17], [sflag:s16] =	dma.local [hbm:s10], $0x2710  }
0x20: {  	_ =	swait.ge [sflag:s14], $0x2710  }
0x21: {  	[sflag:s14] =	ssyncset.done $0x0  }
0x22: {  	s20 =	simm.s32 $0x0;
	[sflag:s14] =	ssyncadd.s32 $0xFFFFD8F0  }
0x23: {  	v4 =	vld [tilespmem:s20+$0x5000];
	_ =	sdelay $0x1  }
0x24: {  	v3 =	vld [tilespmem:s20+$0x0];
	_ =	sdelay $0x2  }
0x25: {  	v4 =	vmul.u32 $0x2710, v4  }
0x26: {  	s21 =	simm.s32 $0x10;
	s22 =	simm.s32 $0x80  }
.LBB2_2:
0x27: {  	p0 =	sne.s32 s22, $0x9FC0;
	v5 =	vld [tilespmem:s21+$0x5000];
	v3 =	vadd.s32 v3, v4  }
0x28: {  	[tilespmem:s20+$0x0] =	vst v3;
	s20 =	smov.u32 s21  }
.Ltmp2:
0x29: {  	v3 =	vld [tilespmem:s20+$0x0];
	(pc) =	sbr.rel @p0 .LBB2_2-.Ltmp2, $3  }
0x2a: {  	_ =	sdelay $0x1  }
0x2b: {  	v4 =	vmul.u32 $0x2710, v5  }
0x2c: {  	s21 =	sshra.s32 s22, $0x2;
	s22 =	sadd.s32 $0x40, s22  }
0x2d: {  	v5 =	vld [tilespmem:s21+$0x5000];
	v3 =	vadd.s32 v3, v4  }
0x2e: {  	[tilespmem:s20+$0x0] =	vst v3  }
0x2f: {  	v3 =	vld [tilespmem:s21+$0x0];
	_ =	sdelay $0x2  }
0x30: {  	v4 =	vmul.u32 $0x2710, v5;
	_ =	sdelay $0x1  }
0x31: {  	v3 =	vadd.s32 v3, v4  }
0x32: {  	[tilespmem:s21+$0x0] =	vst v3  }
0x33: {  	s20 =	simm.s32 $0x0;
	[bflag:$0x0] =	sbarrier.arrive $0xFFFF  }
0x34: {  	v3 =	vld [tilespmem:s20+$0x0];
	_ =	sdelay $0x3  }
0x35: {  	v4 =	vor.u32 s20, v2  }
0x36: {  	v4 =	vand.u32 $0xFF, v4;
	vm0 =	vge.s32 v3, v0;
	vm1 =	vlt.s32 v3, v1  }
0x37: {  	v4 =	vor.u32 $0x138800, v4;
	v3 =	vsub.s32 v3, v0;
	vm0 =	vmand vm0, vm1  }
0x38: {  	s21 =	simm.s32 $0x5000;
	v3 =	vsel vm0, v3, v4  }
0x39: {  	s22 =	simm.s32 $0x2800;
	[tilespmem:s21+$0x0] =	vst v3  }
0x3a: {  	v3 =	vld [tilespmem:s22+$0x0];
	_ =	sdelay $0x4  }
0x3b: {  	s25 =	simm.s32 $0x7800;
	s23 =	simm.s32 $0x10;
	s24 =	simm.s32 $0x7810;
	v3 =	vnsel vm0, $0x0, v3  }
.LBB2_4:
0x3c: {  	[tilespmem:s25+$0x0] =	vst v3;
	s20 =	sadd.s32 $0x10, s20;
	s21 =	sadd.s32 $0x10, s21;
	s22 =	sadd.s32 $0x10, s22  }
0x3d: {  	p0 =	sne.s32 s23, $0x27F0;
	s26 =	smov.u32 s23;
	s23 =	sadd.s32 $0x10, s23;
	v3 =	vld [tilespmem:s20+$0x0]  }
0x3e: {  	s25 =	smov.u32 s24;
	_ =	sdelay $0x2  }
0x3f: {  	v4 =	vor.u32 s26, v2  }
0x40: {  	v4 =	vand.u32 $0xFF, v4;
	vm0 =	vge.s32 v3, v0;
	vm1 =	vlt.s32 v3, v1  }
0x41: {  	v4 =	vor.u32 $0x138800, v4;
	v3 =	vsub.s32 v3, v0;
	vm0 =	vmand vm0, vm1  }
0x42: {  	v3 =	vsel vm0, v3, v4  }
0x43: {  	[tilespmem:s21+$0x0] =	vst v3  }
0x44: {  	v3 =	vld [tilespmem:s22+$0x0]  }
.Ltmp3:
0x45: {  	(pc) =	sbr.rel @p0 .LBB2_4-.Ltmp3, $2  }
0x46: {  	_ =	sdelay $0x2  }
0x47: {  	s24 =	sadd.s32 $0x10, s24;
	v3 =	vnsel vm0, $0x0, v3  }
.Ltmp4:
0x48: {  	[tilespmem:s25+$0x0] =	vst v3;
	(pc) =	sbr.rel .LBB2_6-.Ltmp4, $4  }
0x49: {  	[spmem:s3] =	stream.indirect.scatter.add.f32 [tilespmem:s18], [sflag:$0x1], $0x1, s13, s15, $0xb8;
	[tilespmem:$0x1D890] =	vst v63  }
0x4a: {  	_ =	swait.ge [sflag:s14], $0x2800  }
0x4b: {  	[sflag:s14] =	ssyncset.done $0x0  }
0x4c: {  	s20 =	simm.s32 $0x0;
	[sflag:s14] =	ssyncadd.s32 $0xFFFFD800  }
.LBB2_7:
0x4d: {  	[bflag:$0x0] =	sbarrier.arrive $0xFFFF  }
.LBB2_12:
0x4e: {  	s20 =	sadd.s32 $0x1, s20  }
0x4f: {  	p0 =	sne.s32 s20, $0x28  }
.Ltmp5:
0x50: {  	_ = 	snop;
	(pc) =	sbr.rel @!p0 .LBB2_13-.Ltmp5, $1  }
0x51: {  	_ =	sdelay $0x3  }
.LBB2_6:
0x52: {  	s21 =	sshll.u32 s20, $0x1  }
0x53: {  	s22 =	sor.u32 s5, s21  }
0x54: {  	p0 =	slt.u32 s22, $0x4F  }
.Ltmp6:
0x55: {  	_ = 	snop;
	(pc) =	sbr.rel @!p0 .LBB2_7-.Ltmp6, $2  }
0x56: {  	_ =	sdelay $0x1  }
0x57: {  	[bflag:$0x0] =	sbarrier.arrive $0xFFFF;
	_ =	sdelay $0x1  }
0x58: {  	s21 =	sshll.u32 s22, $0x7  }
0x59: {  	s21 =	sor.u32 s11, s21  }
0x5a: {  	p0 =	sgt.u32 s21, $0x2708  }
0x5b: {  	s21 =	smul.u32 @!p0 $0x4E2, s21  }
0x5c: {  	s23 =	sshll.u32 @!p0 s1, $0x6  }
0x5d: {  	s24 =	sshrl.u32 @!p0 s9, $0x3;
	s23 =	sor.u32 @!p0 $0x1C02, s23;
	s21 =	sadd.s32 @!p0 s2, s21  }
0x5e: {  	[hbm:s21], [sflag:s23] =	dma.local @!p0 [spmem:s24], $0x2710  }
0x5f: {  	s21 =	simm.s32 @!p0 $0x2  }
0x60: {  	_ =	swait.ge @!p0 [sflag:s21], $0x2710  }
0x61: {  	[sflag:s21] =	ssyncset.done @!p0 $0x0  }
0x62: {  	[sflag:s21] =	ssyncadd.s32 @!p0 $0xFFFFD8F0;
	p0 =	sgt.u32 s22, $0x4C  }
.Ltmp7:
0x63: {  	_ = 	snop;
	(pc) =	sbr.rel @p0 .LBB2_12-.Ltmp7, $2  }
0x64: {  	_ =	sdelay $0x1  }
0x65: {  	[bflag:$0x0] =	sbarrier.arrive $0xFFFF;
	_ =	sdelay $0x1  }
0x66: {  	s21 =	simm.s32 $0x0  }
0x67: {  	s22 =	smul.u32 $0x138800, s22;
	v7 =	vld [tilespmem:s21+$0x0];
	_ =	sdelay $0x1  }
0x68: {  	v5 =	vor.u32 s21, v2;
	s23 =	sadd.s32 $0x138800, s22  }
0x69: {  	v3 =	vmov s22;
	s31 =	sadd.s32 $0x271000, s22;
	s22 =	sadd.s32 $0x3A9800, s22;
	v8 =	vand.u32 $0xFF, v5;
	v4 =	vmov s23  }
0x6a: {  	v5 =	vmov s31;
	v6 =	vmov s22;
	v8 =	vor.u32 $0x138800, v8  }
0x6b: {  	vm0 =	vge.s32 v7, v3;
	vm1 =	vlt.s32 v7, v4;
	vm2 =	vge.s32 v7, v5  }
0x6c: {  	v9 =	vsub.s32 v7, v3;
	vm0 =	vmand vm0, vm1;
	vm1 =	vlt.s32 v7, v6  }
0x6d: {  	v7 =	vsub.s32 v7, v5;
	vm1 =	vmand vm2, vm1;
	v8 =	vsel vm0, v9, v8  }
0x6e: {  	s22 =	simm.s32 $0x5000;
	v7 =	vsel vm1, v7, v8  }
0x6f: {  	s24 =	simm.s32 $0x2800;
	[tilespmem:s22+$0x0] =	vst v7  }
0x70: {  	v7 =	vld [tilespmem:s24+$0x0];
	_ =	sdelay $0x3  }
0x71: {  	s25 =	simm.s32 $0x10;
	s26 =	simm.s32 $0x7810;
	s23 =	simm.s32 $0x7800  }
.LBB2_10:
0x72: {  	v8 =	vsub.f32 $0.0e+00, v7;
	s21 =	sadd.s32 $0x10, s21;
	s22 =	sadd.s32 $0x10, s22;
	s24 =	sadd.s32 $0x10, s24  }
0x73: {  	p0 =	sne.s32 s25, $0x27F0;
	s28 =	smov.u32 s25;
	s25 =	sadd.s32 $0x10, s25  }
0x74: {  	v8 =	vnsel vm0, $0x0, v8  }
0x75: {  	v7 =	vsel vm1, v7, v8  }
0x76: {  	[tilespmem:s23+$0x0] =	vst v7;
	s23 =	smov.u32 s26  }
0x77: {  	v8 =	vor.u32 s28, v2;
	v7 =	vld [tilespmem:s21+$0x0];
	_ =	sdelay $0x1  }
0x78: {  	v8 =	vand.u32 $0xFF, v8;
	_ =	sdelay $0x1  }
0x79: {  	v8 =	vor.u32 $0x138800, v8  }
0x7a: {  	vm0 =	vge.s32 v7, v3;
	vm1 =	vlt.s32 v7, v4;
	vm2 =	vge.s32 v7, v5  }
0x7b: {  	v9 =	vsub.s32 v7, v3;
	vm0 =	vmand vm0, vm1;
	vm1 =	vlt.s32 v7, v6  }
0x7c: {  	v7 =	vsub.s32 v7, v5;
	vm1 =	vmand vm2, vm1;
	v8 =	vsel vm0, v9, v8  }
0x7d: {  	v7 =	vsel vm1, v7, v8  }
0x7e: {  	[tilespmem:s22+$0x0] =	vst v7  }
.Ltmp8:
0x7f: {  	v7 =	vld [tilespmem:s24+$0x0];
	(pc) =	sbr.rel @p0 .LBB2_10-.Ltmp8, $2  }
0x80: {  	_ =	sdelay $0x2  }
0x81: {  	s26 =	sadd.s32 $0x10, s26  }
0x82: {  	v3 =	vsub.f32 $0.0e+00, v7;
	_ =	sdelay $0x1  }
0x83: {  	v3 =	vnsel vm0, $0x0, v3  }
0x84: {  	v3 =	vsel vm1, v7, v3  }
.Ltmp9:
0x85: {  	[tilespmem:s23+$0x0] =	vst v3;
	(pc) =	sbr.rel .LBB2_12-.Ltmp9, $4  }
0x86: {  	[spmem:s3] =	stream.indirect.scatter.add.f32 [tilespmem:s18], [sflag:$0x1], $0x1, s13, s15, $0xb8;
	[tilespmem:$0x1D890] =	vst v63  }
0x87: {  	_ =	swait.ge [sflag:s14], $0x2800  }
0x88: {  	[sflag:s14] =	ssyncset.done $0x0  }
0x89: {  	[sflag:s14] =	ssyncadd.s32 $0xFFFFD800  }
.LBB2_14:
0x8a: {  	_ =	sfence.sel $0x180000  }
0x8b: {  	[bflag:$0x0] =	sbarrier.arrive $0xFFFF  }
0x8c: {  	p0 =	sne.s32 s1, $0x0;
	_ =	strace $0x90000053  }
0x8d: {  	s0 =	sadd.s32 @!p0 $0x100000, s0;
	[bflag:$0x2] =	sbarrier.arrive $0xFFFF  }
0x8e: {  	[sflag:s0] =	ssyncadd.tile.s32 @!p0 $0x1;
	_ =	shalt  }
.Lfunc_end2:
_tile_overlayer_lowered:
.L_overlay_start_2:
0x8f: {  	(tag) =	ssettag $0x2  }
0x90: {  	s0 =	rddreg [dreg:$0x0];
	s2 =	stileid.u32  }
0x91: {  	s1 =	rddreg [dreg:$0x1];
	p0 =	sne.s32 s2, $0x0  }
0x92: {  	s3 =	rddreg [dreg:$0x2];
	[bflag:$0x3] =	sbarrier.arrive $0xFFFF;
	s2 =	simm.s32 @!p0 $0x1C01  }
0x93: {  	[timem:s3], [sflag:s2] =	dma.local @!p0 [hbm:s0], s1  }
0x94: {  	s0 =	simm.s32 @!p0 $0x1  }
0x95: {  	_ =	swait.ge @!p0 [sflag:s0], s1  }
0x96: {  	s1 =	ssub.s32 @!p0 $0x0, s1;
	[sflag:s0] =	ssyncset.done @!p0 $0x0  }
0x97: {  	[sflag:s0] =	ssyncadd.s32 @!p0 s1  }
0x98: {  	[bflag:$0x3] =	sbarrier.arrive $0xFFFF  }
0x99: {  	_ =	shalt  }

</sc_bundles>
